<compile_context>
chip_gen: v7x
topology: tpu7x:2x2x1
jax: 0.10.2.dev20260603
libtpu: 0.0.44.dev20260713+nightly
codegen_flags: <defaults>
</compile_context>

<pallas_src>
import functools

import jax
import jax.numpy as jnp
from jax import lax
from jax.experimental import pallas as pl
from jax.experimental.pallas import tpu as pltpu
from jax.experimental.pallas import tpu_sc as plsc

CHUNK = 64
DCHUNK = 128


def _make_deg_kernel(N1, NC, NS, CPW):
  NW = NC * NS
  stripe = N1 // NS
  mesh = plsc.VectorSubcoreMesh(core_axis_name="c", subcore_axis_name="s")

  @functools.partial(
      pl.kernel,
      out_type=jax.ShapeDtypeStruct((NC, N1), jnp.float32),
      mesh=mesh,
      scratch_types=[
          pltpu.VMEM((CPW, DCHUNK), jnp.int32),
          pltpu.VMEM((DCHUNK,), jnp.float32),
          pltpu.VMEM_SHARED((N1,), jnp.float32),
      ],
  )
  def deg_kernel(dst_hbm, zvec_hbm, deg_out, idx_v, ones_v, deg_sh):
    cid = lax.axis_index("c")
    sid = lax.axis_index("s")
    wid = sid * NC + cid
    for i in range(DCHUNK // 16):
      ones_v[pl.ds(i * 16, 16)] = jnp.ones((16,), jnp.float32)
    pltpu.sync_copy(zvec_hbm.at[pl.ds(sid * stripe, stripe)],
                    deg_sh.at[pl.ds(sid * stripe, stripe)])
    pltpu.sync_copy(dst_hbm.at[wid], idx_v)
    plsc.subcore_barrier()

    def body(j, carry):
      pltpu.sync_copy(ones_v, deg_sh.at[idx_v.at[j]], add=True)
      return carry

    lax.fori_loop(0, CPW, body, 0)
    plsc.subcore_barrier()
    pltpu.sync_copy(deg_sh.at[pl.ds(sid * stripe, stripe)],
                    deg_out.at[cid, pl.ds(sid * stripe, stripe)])

  return deg_kernel


def _make_prop_kernel(N1, N1a, H, NC, NS, CPW):
  NW = NC * NS
  stripe = N1 // NS
  stripe_a = N1a // NS
  assert CPW % 16 == 0
  HCPW = CPW // 4
  mesh = plsc.VectorSubcoreMesh(core_axis_name="c", subcore_axis_name="s")

  @functools.partial(
      pl.kernel,
      out_type=(
          jax.ShapeDtypeStruct((NC, N1a, H), jnp.float32),
          jax.ShapeDtypeStruct((NC, N1), jnp.float32),
      ),
      mesh=mesh,
      scratch_types=[
          pltpu.VMEM((HCPW, CHUNK), jnp.int32),
          pltpu.VMEM((HCPW, CHUNK), jnp.int32),
          pltpu.VMEM((CHUNK, H), jnp.float32),
          pltpu.VMEM((CHUNK, H), jnp.float32),
          pltpu.VMEM((CHUNK, H), jnp.float32),
          pltpu.VMEM((CHUNK, H), jnp.float32),
          pltpu.VMEM((HCPW, CHUNK), jnp.float32),
          pltpu.VMEM_SHARED((N1a, H), jnp.float32),
          pltpu.VMEM_SHARED((N1,), jnp.float32),
          [pltpu.SemaphoreType.DMA] * 4,
          [pltpu.SemaphoreType.DMA] * 4,
          [pltpu.SemaphoreType.DMA] * 2,
          pltpu.SemaphoreType.DMA,
      ],
  )
  def prop_kernel(src_hbm, dst_hbm, g_hbm, dinv_hbm, zrows_hbm, zvec_hbm,
                  acc_out, t_out, src_v, dst_v, rows0, rows1, rows2, rows3,
                  dvals_v, acc_sh, t_sh, gsems, ssems, dsems, tsem):
    cid = lax.axis_index("c")
    sid = lax.axis_index("s")
    wid = sid * NC + cid
    pltpu.sync_copy(zrows_hbm.at[pl.ds(sid * stripe_a, stripe_a)],
                    acc_sh.at[pl.ds(sid * stripe_a, stripe_a)])
    pltpu.sync_copy(zvec_hbm.at[pl.ds(sid * stripe, stripe)],
                    t_sh.at[pl.ds(sid * stripe, stripe)])
    plsc.subcore_barrier()

    rows = (rows0, rows1, rows2, rows3)

    for h in range(4):
      pltpu.sync_copy(src_hbm.at[wid, pl.ds(h * HCPW, HCPW)], src_v)
      pltpu.sync_copy(dst_hbm.at[wid, pl.ds(h * HCPW, HCPW)], dst_v)
      for p in range(2):
        pltpu.async_copy(dinv_hbm.at[dst_v.at[p]], dvals_v.at[p], dsems[p])
        pltpu.async_copy(g_hbm.at[src_v.at[p]], rows[p], gsems[p])

      def body(i, carry):
        for p in range(4):
          j = 4 * i + p
          q = (p + 2) % 4
          pltpu.make_async_copy(dinv_hbm.at[dst_v.at[j]], dvals_v.at[j],
                                dsems[p % 2]).wait()
          pltpu.async_copy(dvals_v.at[j], t_sh.at[src_v.at[j]], tsem,
                           add=True)

          @pl.when(j + 2 < HCPW)
          def _():
            pltpu.async_copy(dinv_hbm.at[dst_v.at[j + 2]], dvals_v.at[j + 2],
                             dsems[p % 2])

          pltpu.make_async_copy(g_hbm.at[src_v.at[j]], rows[p],
                                gsems[p]).wait()
          pltpu.async_copy(rows[p], acc_sh.at[dst_v.at[j]], ssems[p],
                           add=True)

          @pl.when(j + 2 < HCPW)
          def _():
            @pl.when(j >= 2)
            def _():
              pltpu.make_async_copy(rows[q], acc_sh.at[dst_v.at[j]],
                                    ssems[q]).wait()

            pltpu.async_copy(g_hbm.at[src_v.at[j + 2]], rows[q], gsems[q])

        return carry

      lax.fori_loop(0, HCPW // 4, body, 0)

      for p in range(4):
        pltpu.make_async_copy(rows[p], acc_sh.at[dst_v.at[0]],
                              ssems[p]).wait()

      def drain(jj, carry):
        pltpu.make_async_copy(zvec_hbm.at[pl.ds(0, CHUNK)], dvals_v.at[0],
                              tsem).wait()
        return carry

      lax.fori_loop(0, HCPW, drain, 0)

    plsc.subcore_barrier()
    pltpu.sync_copy(acc_sh.at[pl.ds(sid * stripe_a, stripe_a)],
                    acc_out.at[cid, pl.ds(sid * stripe_a, stripe_a)])
    pltpu.sync_copy(t_sh.at[pl.ds(sid * stripe, stripe)],
                    t_out.at[cid, pl.ds(sid * stripe, stripe)])

  return prop_kernel


def _mm_scale_body(x_ref, w_ref, degp_ref, g_ref, dinv_ref):
  deg = degp_ref[0] + degp_ref[1] + 1.0
  dinv = lax.rsqrt(deg)
  h = jnp.dot(x_ref[...], w_ref[...], preferred_element_type=jnp.float32,
              precision=lax.Precision.HIGHEST)
  g_ref[...] = h * dinv
  dinv_ref[...] = dinv


def _combine_body(N, NB, accp_ref, g_ref, dinv_ref, tp_ref, b1_ref, w2_ref,
                  b2_ref, v_ref, out_ref):
  i = pl.program_id(0)
  R = g_ref.shape[0]
  dinv = dinv_ref[...]
  accsum = accp_ref[0] + accp_ref[1]
  out1 = dinv * (accsum + g_ref[...]) + b1_ref[...]
  h1r = jnp.maximum(out1, 0.0)
  t = tp_ref[0] + tp_ref[1]
  c = dinv * t + dinv * dinv
  rowid = i * R + lax.broadcasted_iota(jnp.int32, (R, 1), 0)
  c = jnp.where(rowid < N, c, 0.0)
  contrib = jnp.sum(c * h1r, axis=0, keepdims=True)

  @pl.when(i == 0)
  def _():
    v_ref[...] = jnp.zeros_like(v_ref)

  v_ref[...] += contrib

  @pl.when(i == NB - 1)
  def _():
    out_ref[...] = jnp.dot(v_ref[...] * (1.0 / N), w2_ref[...],
                           preferred_element_type=jnp.float32,
                           precision=lax.Precision.HIGHEST) + b2_ref[...]


def kernel(x, edge_index, W1, b1, W2, b2):
  N, D = x.shape
  H = W1.shape[1]
  E = edge_index.shape[1]

  info = plsc.get_sparse_core_info()
  NC, NS = info.num_cores, info.num_subcores
  NW = NC * NS
  CPW = -(-E // (NW * CHUNK))
  CPW = -(-CPW // 16) * 16
  E_pad = NW * CHUNK * CPW
  CPWD = E_pad // (NW * DCHUNK)
  assert CPWD * NW * DCHUNK == E_pad

  R = 1280
  N1 = -(-(N + 1) // R) * R
  assert N1 % (NS * CHUNK) == 0
  Ra = 1264
  N1a = -(-(N + 1) // Ra) * Ra
  assert N1a % (NS * 8) == 0 and N1a <= N1

  src = edge_index[0].astype(jnp.int32)
  dst = edge_index[1].astype(jnp.int32)
  npad = E_pad - E
  pad_dst = N + jnp.arange(npad, dtype=jnp.int32) % (N1a - N)
  pad_src = N + jnp.arange(npad, dtype=jnp.int32) % (N1 - N)
  src3 = jnp.concatenate([src, pad_src]).reshape(NW, CPW, CHUNK)
  dst3 = jnp.concatenate([dst, pad_dst]).reshape(NW, CPW, CHUNK)
  zvec = jnp.zeros((N1,), jnp.float32)
  zrows = jnp.zeros((N1a, H), jnp.float32)
  xp = jnp.concatenate([x, jnp.zeros((N1 - N, D), x.dtype)], axis=0)

  dst3d = jnp.concatenate([dst, pad_dst]).reshape(NW, CPWD, DCHUNK)
  deg_part = _make_deg_kernel(N1, NC, NS, CPWD)(dst3d, zvec)

  NB = N1 // R
  g, dinv = pl.pallas_call(
      _mm_scale_body,
      grid=(NB,),
      in_specs=[
          pl.BlockSpec((R, D), lambda i: (i, 0)),
          pl.BlockSpec((D, H), lambda i: (0, 0)),
          pl.BlockSpec((NC, R, 1), lambda i: (0, i, 0)),
      ],
      out_specs=[
          pl.BlockSpec((R, H), lambda i: (i, 0)),
          pl.BlockSpec((R, 1), lambda i: (i, 0)),
      ],
      out_shape=[
          jax.ShapeDtypeStruct((N1, H), jnp.float32),
          jax.ShapeDtypeStruct((N1, 1), jnp.float32),
      ],
  )(xp, W1, deg_part.reshape(NC, N1, 1))

  acc_part, t_part = _make_prop_kernel(N1, N1a, H, NC, NS, CPW)(
      src3, dst3, g, dinv.reshape(N1), zrows, zvec)

  NBa = N1a // Ra
  v, out = pl.pallas_call(
      functools.partial(_combine_body, N, NBa),
      grid=(NBa,),
      in_specs=[
          pl.BlockSpec((NC, Ra, H), lambda i: (0, i, 0)),
          pl.BlockSpec((Ra, H), lambda i: (i, 0)),
          pl.BlockSpec((Ra, 1), lambda i: (i, 0)),
          pl.BlockSpec((NC, Ra, 1), lambda i: (0, i, 0)),
          pl.BlockSpec((1, H), lambda i: (0, 0)),
          pl.BlockSpec((H, H), lambda i: (0, 0)),
          pl.BlockSpec((1, H), lambda i: (0, 0)),
      ],
      out_specs=[
          pl.BlockSpec((1, H), lambda i: (0, 0)),
          pl.BlockSpec((1, H), lambda i: (0, 0)),
      ],
      out_shape=[
          jax.ShapeDtypeStruct((1, H), jnp.float32),
          jax.ShapeDtypeStruct((1, H), jnp.float32),
      ],
  )(acc_part, g, dinv, t_part.reshape(NC, N1, 1),
    b1.reshape(1, H), W2, b2.reshape(1, H))

  return out.reshape(H)

# --- scband reference (transcript-rebuilt; emitter-appended) ---
"""Pipeline reference for scband-gnn-15968688407024 (READ-ONLY COPY).

The authoritative reference and input builder live on the scoring server;
editing this copy changes nothing except your own understanding.
"""

import jax, jax.numpy as jnp
import numpy as np

N, E, D, H = 10000, 320000, 128, 128


def setup_inputs(seed: int = 0) -> dict:
    key = jax.random.key(seed)
    k1, k2, k3, k4, k5, k6 = jax.random.split(key, 6)
    x = jax.random.normal(k1, (N, D), dtype=jnp.float32)
    edge_index = jax.random.randint(k2, (2, E), 0, N).astype(jnp.int64)
    W1 = jax.random.normal(k3, (D, H), dtype=jnp.float32) * (1.0 / np.sqrt(D))
    b1 = jnp.zeros((H,), dtype=jnp.float32)
    W2 = jax.random.normal(k4, (H, H), dtype=jnp.float32) * (1.0 / np.sqrt(H))
    b2 = jnp.zeros((H,), dtype=jnp.float32)
    return {"x": x, "edge_index": edge_index, "W1": W1, "b1": b1, "W2": W2, "b2": b2}


def gcn_conv(x, edge_index, W, b):
    num_nodes = x.shape[0]
    src = edge_index[0]
    dst = edge_index[1]
    # add self loops (PyG GCNConv default add_self_loops=True)
    loop = jnp.arange(num_nodes, dtype=src.dtype)
    src = jnp.concatenate([src, loop])
    dst = jnp.concatenate([dst, loop])
    # symmetric normalization: deg computed on destination with unit edge weights
    deg = jnp.zeros((num_nodes,), dtype=x.dtype).at[dst].add(1.0)
    deg_inv_sqrt = jnp.where(deg > 0, 1.0 / jnp.sqrt(deg), 0.0)
    norm = deg_inv_sqrt[src] * deg_inv_sqrt[dst]
    # linear transform first, then propagate (gather -> scale -> scatter-add)
    h = x @ W
    msgs = h[src] * norm[:, None]
    out = jnp.zeros_like(h).at[dst].add(msgs)
    return out + b


def reference(x, edge_index, W1, b1, W2, b2):
    h = gcn_conv(x, edge_index, W1, b1)
    h = jax.nn.relu(h)
    h = gcn_conv(h, edge_index, W2, b2)
    return h.mean(axis=0)

if __name__ == "__main__":
    import jax
    _d = setup_inputs()
    print(jax.jit(kernel)(*tuple(_d.values())))

</pallas_src>

<mosaic_0001>
#map = affine_map<(d0, d1) -> (0, 0, 0)>
#map1 = affine_map<(d0, d1) -> (0)>
#map2 = affine_map<(d0, d1) -> (0, 0)>
module attributes {stable_mosaic.version = 14 : i64} {
  func.func @deg_kernel(%arg0: i32, %arg1: i32, %arg2: memref<32x80x128xi32, #tpu.memory_space<hbm>>, %arg3: memref<10240xf32, #tpu.memory_space<hbm>>, %arg4: memref<2x10240xf32, #tpu.memory_space<hbm>>, %arg5: memref<80x128xi32, #tpu.memory_space<vmem>>, %arg6: memref<128xf32, #tpu.memory_space<vmem>>, %arg7: memref<10240xf32, #tpu.memory_space<vmem_shared>>) attributes {dimension_semantics = [#tpu.dimension_semantics<core_parallel>, #tpu.dimension_semantics<subcore_parallel>], iteration_bounds = array<i64: 2, 16>, scalar_prefetch = 0 : i64, scratch_operands = 3 : i64, tpu.core_type = #tpu.core_type<sc_vector_subcore>, window_params = [{transform_indices = #map}, {transform_indices = #map1}, {transform_indices = #map2}]} {
    %mul3A = arith.constant 2 : i32
    %mul3A_0 = arith.muli %arg1, %mul3A : i32
    %add3A = arith.addi %mul3A_0, %arg0 : i32
    %broadcast_in_dim3A = arith.constant 1.000000e+00 : f32
    %broadcast_in_dim3A_1 = vector.broadcast %broadcast_in_dim3A : f32 to vector<16xf32>
    %swap3A = arith.constant 0 : index
    %swap3A_2 = tpu.vector_load %arg6[%swap3A] {strides = array<i32>} : memref<128xf32, #tpu.memory_space<vmem>>, vector<16xf32>,
    %swap3A_3 = vector.shape_cast %swap3A_2 : vector<16xf32> to vector<16xf32>
    %swap3A_4 = vector.shape_cast %broadcast_in_dim3A_1 : vector<16xf32> to vector<16xf32>
    tpu.vector_store %arg6[%swap3A], %swap3A_4 {strides = array<i32>} : memref<128xf32, #tpu.memory_space<vmem>>, vector<16xf32>,
    %broadcast_in_dim3A_5 = arith.constant 1.000000e+00 : f32
    %broadcast_in_dim3A_6 = vector.broadcast %broadcast_in_dim3A_5 : f32 to vector<16xf32>
    %swap3A_7 = arith.constant 16 : index
    %swap3A_8 = tpu.vector_load %arg6[%swap3A_7] {strides = array<i32>} : memref<128xf32, #tpu.memory_space<vmem>>, vector<16xf32>,
    %swap3A_9 = vector.shape_cast %swap3A_8 : vector<16xf32> to vector<16xf32>
    %swap3A_10 = vector.shape_cast %broadcast_in_dim3A_6 : vector<16xf32> to vector<16xf32>
    tpu.vector_store %arg6[%swap3A_7], %swap3A_10 {strides = array<i32>} : memref<128xf32, #tpu.memory_space<vmem>>, vector<16xf32>,
    %broadcast_in_dim3A_11 = arith.constant 1.000000e+00 : f32
    %broadcast_in_dim3A_12 = vector.broadcast %broadcast_in_dim3A_11 : f32 to vector<16xf32>
    %swap3A_13 = arith.constant 32 : index
    %swap3A_14 = tpu.vector_load %arg6[%swap3A_13] {strides = array<i32>} : memref<128xf32, #tpu.memory_space<vmem>>, vector<16xf32>,
    %swap3A_15 = vector.shape_cast %swap3A_14 : vector<16xf32> to vector<16xf32>
    %swap3A_16 = vector.shape_cast %broadcast_in_dim3A_12 : vector<16xf32> to vector<16xf32>
    tpu.vector_store %arg6[%swap3A_13], %swap3A_16 {strides = array<i32>} : memref<128xf32, #tpu.memory_space<vmem>>, vector<16xf32>,
    %broadcast_in_dim3A_17 = arith.constant 1.000000e+00 : f32
    %broadcast_in_dim3A_18 = vector.broadcast %broadcast_in_dim3A_17 : f32 to vector<16xf32>
    %swap3A_19 = arith.constant 48 : index
    %swap3A_20 = tpu.vector_load %arg6[%swap3A_19] {strides = array<i32>} : memref<128xf32, #tpu.memory_space<vmem>>, vector<16xf32>,
    %swap3A_21 = vector.shape_cast %swap3A_20 : vector<16xf32> to vector<16xf32>
    %swap3A_22 = vector.shape_cast %broadcast_in_dim3A_18 : vector<16xf32> to vector<16xf32>
    tpu.vector_store %arg6[%swap3A_19], %swap3A_22 {strides = array<i32>} : memref<128xf32, #tpu.memory_space<vmem>>, vector<16xf32>,
    %broadcast_in_dim3A_23 = arith.constant 1.000000e+00 : f32
    %broadcast_in_dim3A_24 = vector.broadcast %broadcast_in_dim3A_23 : f32 to vector<16xf32>
    %swap3A_25 = arith.constant 64 : index
    %swap3A_26 = tpu.vector_load %arg6[%swap3A_25] {strides = array<i32>} : memref<128xf32, #tpu.memory_space<vmem>>, vector<16xf32>,
    %swap3A_27 = vector.shape_cast %swap3A_26 : vector<16xf32> to vector<16xf32>
    %swap3A_28 = vector.shape_cast %broadcast_in_dim3A_24 : vector<16xf32> to vector<16xf32>
    tpu.vector_store %arg6[%swap3A_25], %swap3A_28 {strides = array<i32>} : memref<128xf32, #tpu.memory_space<vmem>>, vector<16xf32>,
    %broadcast_in_dim3A_29 = arith.constant 1.000000e+00 : f32
    %broadcast_in_dim3A_30 = vector.broadcast %broadcast_in_dim3A_29 : f32 to vector<16xf32>
    %swap3A_31 = arith.constant 80 : index
    %swap3A_32 = tpu.vector_load %arg6[%swap3A_31] {strides = array<i32>} : memref<128xf32, #tpu.memory_space<vmem>>, vector<16xf32>,
    %swap3A_33 = vector.shape_cast %swap3A_32 : vector<16xf32> to vector<16xf32>
    %swap3A_34 = vector.shape_cast %broadcast_in_dim3A_30 : vector<16xf32> to vector<16xf32>
    tpu.vector_store %arg6[%swap3A_31], %swap3A_34 {strides = array<i32>} : memref<128xf32, #tpu.memory_space<vmem>>, vector<16xf32>,
    %broadcast_in_dim3A_35 = arith.constant 1.000000e+00 : f32
    %broadcast_in_dim3A_36 = vector.broadcast %broadcast_in_dim3A_35 : f32 to vector<16xf32>
    %swap3A_37 = arith.constant 96 : index
    %swap3A_38 = tpu.vector_load %arg6[%swap3A_37] {strides = array<i32>} : memref<128xf32, #tpu.memory_space<vmem>>, vector<16xf32>,
    %swap3A_39 = vector.shape_cast %swap3A_38 : vector<16xf32> to vector<16xf32>
    %swap3A_40 = vector.shape_cast %broadcast_in_dim3A_36 : vector<16xf32> to vector<16xf32>
    tpu.vector_store %arg6[%swap3A_37], %swap3A_40 {strides = array<i32>} : memref<128xf32, #tpu.memory_space<vmem>>, vector<16xf32>,
    %broadcast_in_dim3A_41 = arith.constant 1.000000e+00 : f32
    %broadcast_in_dim3A_42 = vector.broadcast %broadcast_in_dim3A_41 : f32 to vector<16xf32>
    %swap3A_43 = arith.constant 112 : index
    %swap3A_44 = tpu.vector_load %arg6[%swap3A_43] {strides = array<i32>} : memref<128xf32, #tpu.memory_space<vmem>>, vector<16xf32>,
    %swap3A_45 = vector.shape_cast %swap3A_44 : vector<16xf32> to vector<16xf32>
    %swap3A_46 = vector.shape_cast %broadcast_in_dim3A_42 : vector<16xf32> to vector<16xf32>
    tpu.vector_store %arg6[%swap3A_43], %swap3A_46 {strides = array<i32>} : memref<128xf32, #tpu.memory_space<vmem>>, vector<16xf32>,
    %mul3A_47 = arith.constant 640 : i32
    %mul3A_48 = arith.muli %arg1, %mul3A_47 : i32
    %mul3A_49 = arith.constant 640 : i32
    %mul3A_50 = arith.muli %arg1, %mul3A_49 : i32
    "tpu.region"() ({
      %run_scoped3A = tpu.sem_alloc : memref<!tpu.dma_semaphore, #tpu.memory_space<semaphore_mem>>
      %dma_start3A = tpu.memref_slice %arg7[%mul3A_50] : memref<10240xf32, #tpu.memory_space<vmem_shared>> -> memref<640xf32, #tpu.memory_space<vmem_shared>>
      %dma_start3A_61 = tpu.memref_slice %arg3[%mul3A_48] : memref<10240xf32, #tpu.memory_space<hbm>> -> memref<640xf32, #tpu.memory_space<hbm>>
      tpu.enqueue_dma source(%dma_start3A_61 : memref<640xf32, #tpu.memory_space<hbm>>) target(%dma_start3A : memref<640xf32, #tpu.memory_space<vmem_shared>>) target_semaphore(%run_scoped3A : memref<!tpu.dma_semaphore, #tpu.memory_space<semaphore_mem>>)
      %dma_wait3A = tpu.memref_slice %arg7[%mul3A_50] : memref<10240xf32, #tpu.memory_space<vmem_shared>> -> memref<640xf32, #tpu.memory_space<vmem_shared>>
      %dma_wait3A_62 = tpu.memref_slice %arg3[%mul3A_48] : memref<10240xf32, #tpu.memory_space<hbm>> -> memref<640xf32, #tpu.memory_space<hbm>>
      tpu.wait_dma2 semaphore(%run_scoped3A : memref<!tpu.dma_semaphore, #tpu.memory_space<semaphore_mem>>) src(%dma_wait3A_62 : memref<640xf32, #tpu.memory_space<hbm>>) dst(%dma_wait3A : memref<640xf32, #tpu.memory_space<vmem_shared>>)
      tpu.yield
    }) : () -> ()
    "tpu.region"() ({
      %run_scoped3A = tpu.sem_alloc : memref<!tpu.dma_semaphore, #tpu.memory_space<semaphore_mem>>
      %dma_start3A = arith.constant 0 : i32
      %dma_start3A_61 = arith.constant 0 : i32
      %dma_start3A_62 = tpu.memref_slice %arg2[%add3A, %dma_start3A, %dma_start3A_61] : memref<32x80x128xi32, #tpu.memory_space<hbm>> -> memref<1x80x128xi32, #tpu.memory_space<hbm>>
      %dma_start3A_63 = tpu.memref_squeeze %dma_start3A_62 : memref<1x80x128xi32, #tpu.memory_space<hbm>> -> memref<80x128xi32, #tpu.memory_space<hbm>>
      %dma_start3A_64 = arith.constant 0 : i32
      %dma_start3A_65 = arith.constant 0 : i32
      %dma_start3A_66 = tpu.memref_slice %arg2[%add3A, %dma_start3A_64, %dma_start3A_65] : memref<32x80x128xi32, #tpu.memory_space<hbm>> -> memref<1x80x128xi32, #tpu.memory_space<hbm>>
      %dma_start3A_67 = tpu.memref_squeeze %dma_start3A_66 : memref<1x80x128xi32, #tpu.memory_space<hbm>> -> memref<80x128xi32, #tpu.memory_space<hbm>>
      tpu.enqueue_dma source(%dma_start3A_67 : memref<80x128xi32, #tpu.memory_space<hbm>>) target(%arg5 : memref<80x128xi32, #tpu.memory_space<vmem>>) target_semaphore(%run_scoped3A : memref<!tpu.dma_semaphore, #tpu.memory_space<semaphore_mem>>)
      %dma_wait3A = arith.constant 0 : i32
      %dma_wait3A_68 = arith.constant 0 : i32
      %dma_wait3A_69 = tpu.memref_slice %arg2[%add3A, %dma_wait3A, %dma_wait3A_68] : memref<32x80x128xi32, #tpu.memory_space<hbm>> -> memref<1x80x128xi32, #tpu.memory_space<hbm>>
      %dma_wait3A_70 = tpu.memref_squeeze %dma_wait3A_69 : memref<1x80x128xi32, #tpu.memory_space<hbm>> -> memref<80x128xi32, #tpu.memory_space<hbm>>
      %dma_wait3A_71 = arith.constant 0 : i32
      %dma_wait3A_72 = arith.constant 0 : i32
      %dma_wait3A_73 = tpu.memref_slice %arg2[%add3A, %dma_wait3A_71, %dma_wait3A_72] : memref<32x80x128xi32, #tpu.memory_space<hbm>> -> memref<1x80x128xi32, #tpu.memory_space<hbm>>
      %dma_wait3A_74 = tpu.memref_squeeze %dma_wait3A_73 : memref<1x80x128xi32, #tpu.memory_space<hbm>> -> memref<80x128xi32, #tpu.memory_space<hbm>>
      tpu.wait_dma2 semaphore(%run_scoped3A : memref<!tpu.dma_semaphore, #tpu.memory_space<semaphore_mem>>) src(%dma_wait3A_74 : memref<80x128xi32, #tpu.memory_space<hbm>>) dst(%arg5 : memref<80x128xi32, #tpu.memory_space<vmem>>)
      tpu.yield
    }) : () -> ()
    %barrier3A = arith.constant 0 : index
    tpu.barrier barrier_id(%barrier3A)
    %scan3A = arith.constant 0 : i32
    %scan3A_51 = arith.constant 0 : i32
    %scan3A_52 = arith.constant 80 : i32
    %scan3A_53 = arith.addi %scan3A_51, %scan3A_52 : i32
    %scan3A_54 = arith.constant 1 : i32
    scf.for %scan3A_61 = %scan3A_51 to %scan3A_53 step %scan3A_54  : i32 {
      "tpu.region"() ({
        %run_scoped3A = tpu.sem_alloc : memref<!tpu.dma_semaphore, #tpu.memory_space<semaphore_mem>>
        %dma_start3A = arith.constant 0 : i32
        %dma_start3A_62 = tpu.memref_slice %arg5[%scan3A_61, %dma_start3A] : memref<80x128xi32, #tpu.memory_space<vmem>> -> memref<1x128xi32, #tpu.memory_space<vmem>>
        %dma_start3A_63 = tpu.memref_squeeze %dma_start3A_62 : memref<1x128xi32, #tpu.memory_space<vmem>> -> memref<128xi32, #tpu.memory_space<vmem>>
        %dma_start3A_64 = arith.constant 0 : i32
        %dma_start3A_65 = tpu.memref_slice %arg7[%dma_start3A_64] : memref<10240xf32, #tpu.memory_space<vmem_shared>> -> memref<10240xf32, #tpu.memory_space<vmem_shared>>
        tpu.enqueue_indirect_dma source(%arg6 : memref<128xf32, #tpu.memory_space<vmem>>) target(%dma_start3A_65 : memref<10240xf32, #tpu.memory_space<vmem_shared>>) offsets(%dma_start3A_63 : memref<128xi32, #tpu.memory_space<vmem>>) semaphore(%run_scoped3A : memref<!tpu.dma_semaphore, #tpu.memory_space<semaphore_mem>>) {add = true}
        %dma_wait3A = arith.constant 0 : i32
        %dma_wait3A_66 = tpu.memref_slice %arg5[%scan3A_61, %dma_wait3A] : memref<80x128xi32, #tpu.memory_space<vmem>> -> memref<1x128xi32, #tpu.memory_space<vmem>>
        %dma_wait3A_67 = tpu.memref_squeeze %dma_wait3A_66 : memref<1x128xi32, #tpu.memory_space<vmem>> -> memref<128xi32, #tpu.memory_space<vmem>>
        %dma_wait3A_68 = arith.constant 0 : i32
        %dma_wait3A_69 = tpu.memref_slice %arg7[%dma_wait3A_68] : memref<10240xf32, #tpu.memory_space<vmem_shared>> -> memref<10240xf32, #tpu.memory_space<vmem_shared>>
        tpu.wait_indirect_dma semaphore(%run_scoped3A : memref<!tpu.dma_semaphore, #tpu.memory_space<semaphore_mem>>) src(%arg6 : memref<128xf32, #tpu.memory_space<vmem>>) dst(%dma_wait3A_69 : memref<10240xf32, #tpu.memory_space<vmem_shared>>)
        tpu.yield
      }) : () -> ()
    }
    %scan3A_55 = arith.constant 80 : i32
    %barrier3A_56 = arith.constant 0 : index
    tpu.barrier barrier_id(%barrier3A_56)
    %mul3A_57 = arith.constant 640 : i32
    %mul3A_58 = arith.muli %arg1, %mul3A_57 : i32
    %mul3A_59 = arith.constant 640 : i32
    %mul3A_60 = arith.muli %arg1, %mul3A_59 : i32
    "tpu.region"() ({
      %run_scoped3A = tpu.sem_alloc : memref<!tpu.dma_semaphore, #tpu.memory_space<semaphore_mem>>
      %dma_start3A = tpu.memref_slice %arg4[%arg0, %mul3A_60] : memref<2x10240xf32, #tpu.memory_space<hbm>> -> memref<1x640xf32, #tpu.memory_space<hbm>>
      %dma_start3A_61 = tpu.memref_squeeze %dma_start3A : memref<1x640xf32, #tpu.memory_space<hbm>> -> memref<640xf32, #tpu.memory_space<hbm>>
      %dma_start3A_62 = tpu.memref_slice %arg7[%mul3A_58] : memref<10240xf32, #tpu.memory_space<vmem_shared>> -> memref<640xf32, #tpu.memory_space<vmem_shared>>
      tpu.enqueue_dma source(%dma_start3A_62 : memref<640xf32, #tpu.memory_space<vmem_shared>>) target(%dma_start3A_61 : memref<640xf32, #tpu.memory_space<hbm>>) target_semaphore(%run_scoped3A : memref<!tpu.dma_semaphore, #tpu.memory_space<semaphore_mem>>)
      %dma_wait3A = tpu.memref_slice %arg4[%arg0, %mul3A_60] : memref<2x10240xf32, #tpu.memory_space<hbm>> -> memref<1x640xf32, #tpu.memory_space<hbm>>
      %dma_wait3A_63 = tpu.memref_squeeze %dma_wait3A : memref<1x640xf32, #tpu.memory_space<hbm>> -> memref<640xf32, #tpu.memory_space<hbm>>
      %dma_wait3A_64 = tpu.memref_slice %arg7[%mul3A_58] : memref<10240xf32, #tpu.memory_space<vmem_shared>> -> memref<640xf32, #tpu.memory_space<vmem_shared>>
      tpu.wait_dma2 semaphore(%run_scoped3A : memref<!tpu.dma_semaphore, #tpu.memory_space<semaphore_mem>>) src(%dma_wait3A_64 : memref<640xf32, #tpu.memory_space<vmem_shared>>) dst(%dma_wait3A_63 : memref<640xf32, #tpu.memory_space<hbm>>)
      tpu.yield
    }) : () -> ()
    return
  }
}

#map = affine_map<(d0, d1) -> (0, 0, 0)>
#map1 = affine_map<(d0, d1) -> (0, 0)>
#map2 = affine_map<(d0, d1) -> (0)>
module attributes {stable_mosaic.version = 14 : i64} {
  func.func @prop_kernel(%arg0: i32, %arg1: i32, %arg2: memref<32x160x64xi32, #tpu.memory_space<hbm>>, %arg3: memref<32x160x64xi32, #tpu.memory_space<hbm>>, %arg4: memref<10240x128xf32, #tpu.memory_space<hbm>>, %arg5: memref<10240xf32, #tpu.memory_space<hbm>>, %arg6: memref<10112x128xf32, #tpu.memory_space<hbm>>, %arg7: memref<10240xf32, #tpu.memory_space<hbm>>, %arg8: memref<2x10112x128xf32, #tpu.memory_space<hbm>>, %arg9: memref<2x10240xf32, #tpu.memory_space<hbm>>, %arg10: memref<40x64xi32, #tpu.memory_space<vmem>>, %arg11: memref<40x64xi32, #tpu.memory_space<vmem>>, %arg12: memref<64x128xf32, #tpu.memory_space<vmem>>, %arg13: memref<64x128xf32, #tpu.memory_space<vmem>>, %arg14: memref<64x128xf32, #tpu.memory_space<vmem>>, %arg15: memref<64x128xf32, #tpu.memory_space<vmem>>, %arg16: memref<40x64xf32, #tpu.memory_space<vmem>>, %arg17: memref<10112x128xf32, #tpu.memory_space<vmem_shared>>, %arg18: memref<10240xf32, #tpu.memory_space<vmem_shared>>, %arg19: memref<!tpu.dma_semaphore, #tpu.memory_space<semaphore_mem>>, %arg20: memref<!tpu.dma_semaphore, #tpu.memory_space<semaphore_mem>>, %arg21: memref<!tpu.dma_semaphore, #tpu.memory_space<semaphore_mem>>, %arg22: memref<!tpu.dma_semaphore, #tpu.memory_space<semaphore_mem>>, %arg23: memref<!tpu.dma_semaphore, #tpu.memory_space<semaphore_mem>>, %arg24: memref<!tpu.dma_semaphore, #tpu.memory_space<semaphore_mem>>, %arg25: memref<!tpu.dma_semaphore, #tpu.memory_space<semaphore_mem>>, %arg26: memref<!tpu.dma_semaphore, #tpu.memory_space<semaphore_mem>>, %arg27: memref<!tpu.dma_semaphore, #tpu.memory_space<semaphore_mem>>, %arg28: memref<!tpu.dma_semaphore, #tpu.memory_space<semaphore_mem>>, %arg29: memref<!tpu.dma_semaphore, #tpu.memory_space<semaphore_mem>>) attributes {dimension_semantics = [#tpu.dimension_semantics<core_parallel>, #tpu.dimension_semantics<subcore_parallel>], iteration_bounds = array<i64: 2, 16>, scalar_prefetch = 0 : i64, scratch_operands = 20 : i64, tpu.core_type = #tpu.core_type<sc_vector_subcore>, window_params = [{transform_indices = #map}, {transform_indices = #map}, {transform_indices = #map1}, {transform_indices = #map2}, {transform_indices = #map1}, {transform_indices = #map2}, {transform_indices = #map}, {transform_indices = #map1}]} {
    %mul3A = arith.constant 2 : i32
    %mul3A_0 = arith.muli %arg1, %mul3A : i32
    %add3A = arith.addi %mul3A_0, %arg0 : i32
    %mul3A_1 = arith.constant 632 : i32
    %mul3A_2 = arith.muli %arg1, %mul3A_1 : i32
    %mul3A_3 = arith.constant 632 : i32
    %mul3A_4 = arith.muli %arg1, %mul3A_3 : i32
    "tpu.region"() ({
      %run_scoped3A = tpu.sem_alloc : memref<!tpu.dma_semaphore, #tpu.memory_space<semaphore_mem>>
      %dma_start3A_311 = arith.constant 0 : i32
      %dma_start3A_312 = tpu.memref_slice %arg17[%mul3A_4, %dma_start3A_311] : memref<10112x128xf32, #tpu.memory_space<vmem_shared>> -> memref<632x128xf32, #tpu.memory_space<vmem_shared>>
      %dma_start3A_313 = arith.constant 0 : i32
      %dma_start3A_314 = tpu.memref_slice %arg6[%mul3A_2, %dma_start3A_313] : memref<10112x128xf32, #tpu.memory_space<hbm>> -> memref<632x128xf32, #tpu.memory_space<hbm>>
      tpu.enqueue_dma source(%dma_start3A_314 : memref<632x128xf32, #tpu.memory_space<hbm>>) target(%dma_start3A_312 : memref<632x128xf32, #tpu.memory_space<vmem_shared>>) target_semaphore(%run_scoped3A : memref<!tpu.dma_semaphore, #tpu.memory_space<semaphore_mem>>)
      %dma_wait3A_315 = arith.constant 0 : i32
      %dma_wait3A_316 = tpu.memref_slice %arg17[%mul3A_4, %dma_wait3A_315] : memref<10112x128xf32, #tpu.memory_space<vmem_shared>> -> memref<632x128xf32, #tpu.memory_space<vmem_shared>>
      %dma_wait3A_317 = arith.constant 0 : i32
      %dma_wait3A_318 = tpu.memref_slice %arg6[%mul3A_2, %dma_wait3A_317] : memref<10112x128xf32, #tpu.memory_space<hbm>> -> memref<632x128xf32, #tpu.memory_space<hbm>>
      tpu.wait_dma2 semaphore(%run_scoped3A : memref<!tpu.dma_semaphore, #tpu.memory_space<semaphore_mem>>) src(%dma_wait3A_318 : memref<632x128xf32, #tpu.memory_space<hbm>>) dst(%dma_wait3A_316 : memref<632x128xf32, #tpu.memory_space<vmem_shared>>)
      tpu.yield
    }) : () -> ()
    %mul3A_5 = arith.constant 640 : i32
    %mul3A_6 = arith.muli %arg1, %mul3A_5 : i32
    %mul3A_7 = arith.constant 640 : i32
    %mul3A_8 = arith.muli %arg1, %mul3A_7 : i32
    "tpu.region"() ({
      %run_scoped3A = tpu.sem_alloc : memref<!tpu.dma_semaphore, #tpu.memory_space<semaphore_mem>>
      %dma_start3A_311 = tpu.memref_slice %arg18[%mul3A_8] : memref<10240xf32, #tpu.memory_space<vmem_shared>> -> memref<640xf32, #tpu.memory_space<vmem_shared>>
      %dma_start3A_312 = tpu.memref_slice %arg7[%mul3A_6] : memref<10240xf32, #tpu.memory_space<hbm>> -> memref<640xf32, #tpu.memory_space<hbm>>
      tpu.enqueue_dma source(%dma_start3A_312 : memref<640xf32, #tpu.memory_space<hbm>>) target(%dma_start3A_311 : memref<640xf32, #tpu.memory_space<vmem_shared>>) target_semaphore(%run_scoped3A : memref<!tpu.dma_semaphore, #tpu.memory_space<semaphore_mem>>)
      %dma_wait3A_313 = tpu.memref_slice %arg18[%mul3A_8] : memref<10240xf32, #tpu.memory_space<vmem_shared>> -> memref<640xf32, #tpu.memory_space<vmem_shared>>
      %dma_wait3A_314 = tpu.memref_slice %arg7[%mul3A_6] : memref<10240xf32, #tpu.memory_space<hbm>> -> memref<640xf32, #tpu.memory_space<hbm>>
      tpu.wait_dma2 semaphore(%run_scoped3A : memref<!tpu.dma_semaphore, #tpu.memory_space<semaphore_mem>>) src(%dma_wait3A_314 : memref<640xf32, #tpu.memory_space<hbm>>) dst(%dma_wait3A_313 : memref<640xf32, #tpu.memory_space<vmem_shared>>)
      tpu.yield
    }) : () -> ()
    %barrier3A = arith.constant 0 : index
    tpu.barrier barrier_id(%barrier3A)
    "tpu.region"() ({
      %run_scoped3A = tpu.sem_alloc : memref<!tpu.dma_semaphore, #tpu.memory_space<semaphore_mem>>
      %dma_start3A_311 = arith.constant 0 : i32
      %dma_start3A_312 = arith.constant 0 : i32
      %dma_start3A_313 = tpu.memref_slice %arg2[%add3A, %dma_start3A_311, %dma_start3A_312] : memref<32x160x64xi32, #tpu.memory_space<hbm>> -> memref<1x40x64xi32, #tpu.memory_space<hbm>>
      %dma_start3A_314 = tpu.memref_squeeze %dma_start3A_313 : memref<1x40x64xi32, #tpu.memory_space<hbm>> -> memref<40x64xi32, #tpu.memory_space<hbm>>
      %dma_start3A_315 = arith.constant 0 : i32
      %dma_start3A_316 = arith.constant 0 : i32
      %dma_start3A_317 = tpu.memref_slice %arg2[%add3A, %dma_start3A_315, %dma_start3A_316] : memref<32x160x64xi32, #tpu.memory_space<hbm>> -> memref<1x40x64xi32, #tpu.memory_space<hbm>>
      %dma_start3A_318 = tpu.memref_squeeze %dma_start3A_317 : memref<1x40x64xi32, #tpu.memory_space<hbm>> -> memref<40x64xi32, #tpu.memory_space<hbm>>
      tpu.enqueue_dma source(%dma_start3A_318 : memref<40x64xi32, #tpu.memory_space<hbm>>) target(%arg10 : memref<40x64xi32, #tpu.memory_space<vmem>>) target_semaphore(%run_scoped3A : memref<!tpu.dma_semaphore, #tpu.memory_space<semaphore_mem>>)
      %dma_wait3A_319 = arith.constant 0 : i32
      %dma_wait3A_320 = arith.constant 0 : i32
      %dma_wait3A_321 = tpu.memref_slice %arg2[%add3A, %dma_wait3A_319, %dma_wait3A_320] : memref<32x160x64xi32, #tpu.memory_space<hbm>> -> memref<1x40x64xi32, #tpu.memory_space<hbm>>
      %dma_wait3A_322 = tpu.memref_squeeze %dma_wait3A_321 : memref<1x40x64xi32, #tpu.memory_space<hbm>> -> memref<40x64xi32, #tpu.memory_space<hbm>>
      %dma_wait3A_323 = arith.constant 0 : i32
      %dma_wait3A_324 = arith.constant 0 : i32
      %dma_wait3A_325 = tpu.memref_slice %arg2[%add3A, %dma_wait3A_323, %dma_wait3A_324] : memref<32x160x64xi32, #tpu.memory_space<hbm>> -> memref<1x40x64xi32, #tpu.memory_space<hbm>>
      %dma_wait3A_326 = tpu.memref_squeeze %dma_wait3A_325 : memref<1x40x64xi32, #tpu.memory_space<hbm>> -> memref<40x64xi32, #tpu.memory_space<hbm>>
      tpu.wait_dma2 semaphore(%run_scoped3A : memref<!tpu.dma_semaphore, #tpu.memory_space<semaphore_mem>>) src(%dma_wait3A_326 : memref<40x64xi32, #tpu.memory_space<hbm>>) dst(%arg10 : memref<40x64xi32, #tpu.memory_space<vmem>>)
      tpu.yield
    }) : () -> ()
    "tpu.region"() ({
      %run_scoped3A = tpu.sem_alloc : memref<!tpu.dma_semaphore, #tpu.memory_space<semaphore_mem>>
      %dma_start3A_311 = arith.constant 0 : i32
      %dma_start3A_312 = arith.constant 0 : i32
      %dma_start3A_313 = tpu.memref_slice %arg3[%add3A, %dma_start3A_311, %dma_start3A_312] : memref<32x160x64xi32, #tpu.memory_space<hbm>> -> memref<1x40x64xi32, #tpu.memory_space<hbm>>
      %dma_start3A_314 = tpu.memref_squeeze %dma_start3A_313 : memref<1x40x64xi32, #tpu.memory_space<hbm>> -> memref<40x64xi32, #tpu.memory_space<hbm>>
      %dma_start3A_315 = arith.constant 0 : i32
      %dma_start3A_316 = arith.constant 0 : i32
      %dma_start3A_317 = tpu.memref_slice %arg3[%add3A, %dma_start3A_315, %dma_start3A_316] : memref<32x160x64xi32, #tpu.memory_space<hbm>> -> memref<1x40x64xi32, #tpu.memory_space<hbm>>
      %dma_start3A_318 = tpu.memref_squeeze %dma_start3A_317 : memref<1x40x64xi32, #tpu.memory_space<hbm>> -> memref<40x64xi32, #tpu.memory_space<hbm>>
      tpu.enqueue_dma source(%dma_start3A_318 : memref<40x64xi32, #tpu.memory_space<hbm>>) target(%arg11 : memref<40x64xi32, #tpu.memory_space<vmem>>) target_semaphore(%run_scoped3A : memref<!tpu.dma_semaphore, #tpu.memory_space<semaphore_mem>>)
      %dma_wait3A_319 = arith.constant 0 : i32
      %dma_wait3A_320 = arith.constant 0 : i32
      %dma_wait3A_321 = tpu.memref_slice %arg3[%add3A, %dma_wait3A_319, %dma_wait3A_320] : memref<32x160x64xi32, #tpu.memory_space<hbm>> -> memref<1x40x64xi32, #tpu.memory_space<hbm>>
      %dma_wait3A_322 = tpu.memref_squeeze %dma_wait3A_321 : memref<1x40x64xi32, #tpu.memory_space<hbm>> -> memref<40x64xi32, #tpu.memory_space<hbm>>
      %dma_wait3A_323 = arith.constant 0 : i32
      %dma_wait3A_324 = arith.constant 0 : i32
      %dma_wait3A_325 = tpu.memref_slice %arg3[%add3A, %dma_wait3A_323, %dma_wait3A_324] : memref<32x160x64xi32, #tpu.memory_space<hbm>> -> memref<1x40x64xi32, #tpu.memory_space<hbm>>
      %dma_wait3A_326 = tpu.memref_squeeze %dma_wait3A_325 : memref<1x40x64xi32, #tpu.memory_space<hbm>> -> memref<40x64xi32, #tpu.memory_space<hbm>>
      tpu.wait_dma2 semaphore(%run_scoped3A : memref<!tpu.dma_semaphore, #tpu.memory_space<semaphore_mem>>) src(%dma_wait3A_326 : memref<40x64xi32, #tpu.memory_space<hbm>>) dst(%arg11 : memref<40x64xi32, #tpu.memory_space<vmem>>)
      tpu.yield
    }) : () -> ()
    %dma_start3A = arith.constant 0 : i32
    %dma_start3A_9 = arith.constant 0 : i32
    %dma_start3A_10 = arith.constant 0 : i32
    %dma_start3A_11 = tpu.memref_slice %arg16[%dma_start3A_9, %dma_start3A_10] : memref<40x64xf32, #tpu.memory_space<vmem>> -> memref<1x64xf32, #tpu.memory_space<vmem>>
    %dma_start3A_12 = tpu.memref_squeeze %dma_start3A_11 : memref<1x64xf32, #tpu.memory_space<vmem>> -> memref<64xf32, #tpu.memory_space<vmem>>
    %dma_start3A_13 = arith.constant 0 : i32
    %dma_start3A_14 = tpu.memref_slice %arg11[%dma_start3A, %dma_start3A_13] : memref<40x64xi32, #tpu.memory_space<vmem>> -> memref<1x64xi32, #tpu.memory_space<vmem>>
    %dma_start3A_15 = tpu.memref_squeeze %dma_start3A_14 : memref<1x64xi32, #tpu.memory_space<vmem>> -> memref<64xi32, #tpu.memory_space<vmem>>
    %dma_start3A_16 = arith.constant 0 : i32
    %dma_start3A_17 = tpu.memref_slice %arg5[%dma_start3A_16] : memref<10240xf32, #tpu.memory_space<hbm>> -> memref<10240xf32, #tpu.memory_space<hbm>>
    tpu.enqueue_indirect_dma source(%dma_start3A_17 : memref<10240xf32, #tpu.memory_space<hbm>>) target(%dma_start3A_12 : memref<64xf32, #tpu.memory_space<vmem>>) offsets(%dma_start3A_15 : memref<64xi32, #tpu.memory_space<vmem>>) semaphore(%arg27 : memref<!tpu.dma_semaphore, #tpu.memory_space<semaphore_mem>>)
    %dma_start3A_18 = arith.constant 0 : i32
    %dma_start3A_19 = arith.constant 0 : i32
    %dma_start3A_20 = tpu.memref_slice %arg10[%dma_start3A_18, %dma_start3A_19] : memref<40x64xi32, #tpu.memory_space<vmem>> -> memref<1x64xi32, #tpu.memory_space<vmem>>
    %dma_start3A_21 = tpu.memref_squeeze %dma_start3A_20 : memref<1x64xi32, #tpu.memory_space<vmem>> -> memref<64xi32, #tpu.memory_space<vmem>>
    %dma_start3A_22 = arith.constant 0 : i32
    %dma_start3A_23 = arith.constant 0 : i32
    %dma_start3A_24 = tpu.memref_slice %arg4[%dma_start3A_22, %dma_start3A_23] : memref<10240x128xf32, #tpu.memory_space<hbm>> -> memref<10240x128xf32, #tpu.memory_space<hbm>>
    tpu.enqueue_indirect_dma source(%dma_start3A_24 : memref<10240x128xf32, #tpu.memory_space<hbm>>) target(%arg12 : memref<64x128xf32, #tpu.memory_space<vmem>>) offsets(%dma_start3A_21 : memref<64xi32, #tpu.memory_space<vmem>>) semaphore(%arg19 : memref<!tpu.dma_semaphore, #tpu.memory_space<semaphore_mem>>)
    %dma_start3A_25 = arith.constant 1 : i32
    %dma_start3A_26 = arith.constant 1 : i32
    %dma_start3A_27 = arith.constant 0 : i32
    %dma_start3A_28 = tpu.memref_slice %arg16[%dma_start3A_26, %dma_start3A_27] : memref<40x64xf32, #tpu.memory_space<vmem>> -> memref<1x64xf32, #tpu.memory_space<vmem>>
    %dma_start3A_29 = tpu.memref_squeeze %dma_start3A_28 : memref<1x64xf32, #tpu.memory_space<vmem>> -> memref<64xf32, #tpu.memory_space<vmem>>
    %dma_start3A_30 = arith.constant 0 : i32
    %dma_start3A_31 = tpu.memref_slice %arg11[%dma_start3A_25, %dma_start3A_30] : memref<40x64xi32, #tpu.memory_space<vmem>> -> memref<1x64xi32, #tpu.memory_space<vmem>>
    %dma_start3A_32 = tpu.memref_squeeze %dma_start3A_31 : memref<1x64xi32, #tpu.memory_space<vmem>> -> memref<64xi32, #tpu.memory_space<vmem>>
    %dma_start3A_33 = arith.constant 0 : i32
    %dma_start3A_34 = tpu.memref_slice %arg5[%dma_start3A_33] : memref<10240xf32, #tpu.memory_space<hbm>> -> memref<10240xf32, #tpu.memory_space<hbm>>
    tpu.enqueue_indirect_dma source(%dma_start3A_34 : memref<10240xf32, #tpu.memory_space<hbm>>) target(%dma_start3A_29 : memref<64xf32, #tpu.memory_space<vmem>>) offsets(%dma_start3A_32 : memref<64xi32, #tpu.memory_space<vmem>>) semaphore(%arg28 : memref<!tpu.dma_semaphore, #tpu.memory_space<semaphore_mem>>)
    %dma_start3A_35 = arith.constant 1 : i32
    %dma_start3A_36 = arith.constant 0 : i32
    %dma_start3A_37 = tpu.memref_slice %arg10[%dma_start3A_35, %dma_start3A_36] : memref<40x64xi32, #tpu.memory_space<vmem>> -> memref<1x64xi32, #tpu.memory_space<vmem>>
    %dma_start3A_38 = tpu.memref_squeeze %dma_start3A_37 : memref<1x64xi32, #tpu.memory_space<vmem>> -> memref<64xi32, #tpu.memory_space<vmem>>
    %dma_start3A_39 = arith.constant 0 : i32
    %dma_start3A_40 = arith.constant 0 : i32
    %dma_start3A_41 = tpu.memref_slice %arg4[%dma_start3A_39, %dma_start3A_40] : memref<10240x128xf32, #tpu.memory_space<hbm>> -> memref<10240x128xf32, #tpu.memory_space<hbm>>
    tpu.enqueue_indirect_dma source(%dma_start3A_41 : memref<10240x128xf32, #tpu.memory_space<hbm>>) target(%arg13 : memref<64x128xf32, #tpu.memory_space<vmem>>) offsets(%dma_start3A_38 : memref<64xi32, #tpu.memory_space<vmem>>) semaphore(%arg20 : memref<!tpu.dma_semaphore, #tpu.memory_space<semaphore_mem>>)
    %scan3A = arith.constant 0 : i32
    %scan3A_42 = arith.constant 0 : i32
    %scan3A_43 = arith.constant 10 : i32
    %scan3A_44 = arith.addi %scan3A_42, %scan3A_43 : i32
    %scan3A_45 = arith.constant 1 : i32
    scf.for %scan3A_311 = %scan3A_42 to %scan3A_44 step %scan3A_45  : i32 {
      %mul3A_312 = arith.constant 4 : i32
      %mul3A_313 = arith.muli %mul3A_312, %scan3A_311 : i32
      %add3A_314 = arith.constant 0 : i32
      %add3A_315 = arith.addi %mul3A_313, %add3A_314 : i32
      %dma_wait3A_316 = arith.constant 0 : i32
      %dma_wait3A_317 = tpu.memref_slice %arg16[%add3A_315, %dma_wait3A_316] : memref<40x64xf32, #tpu.memory_space<vmem>> -> memref<1x64xf32, #tpu.memory_space<vmem>>
      %dma_wait3A_318 = tpu.memref_squeeze %dma_wait3A_317 : memref<1x64xf32, #tpu.memory_space<vmem>> -> memref<64xf32, #tpu.memory_space<vmem>>
      %dma_wait3A_319 = arith.constant 0 : i32
      %dma_wait3A_320 = tpu.memref_slice %arg11[%add3A_315, %dma_wait3A_319] : memref<40x64xi32, #tpu.memory_space<vmem>> -> memref<1x64xi32, #tpu.memory_space<vmem>>
      %dma_wait3A_321 = tpu.memref_squeeze %dma_wait3A_320 : memref<1x64xi32, #tpu.memory_space<vmem>> -> memref<64xi32, #tpu.memory_space<vmem>>
      %dma_wait3A_322 = arith.constant 0 : i32
      %dma_wait3A_323 = tpu.memref_slice %arg5[%dma_wait3A_322] : memref<10240xf32, #tpu.memory_space<hbm>> -> memref<10240xf32, #tpu.memory_space<hbm>>
      tpu.wait_indirect_dma semaphore(%arg27 : memref<!tpu.dma_semaphore, #tpu.memory_space<semaphore_mem>>) src(%dma_wait3A_323 : memref<10240xf32, #tpu.memory_space<hbm>>) dst(%dma_wait3A_318 : memref<64xf32, #tpu.memory_space<vmem>>)
      %dma_start3A_324 = arith.constant 0 : i32
      %dma_start3A_325 = tpu.memref_slice %arg16[%add3A_315, %dma_start3A_324] : memref<40x64xf32, #tpu.memory_space<vmem>> -> memref<1x64xf32, #tpu.memory_space<vmem>>
      %dma_start3A_326 = tpu.memref_squeeze %dma_start3A_325 : memref<1x64xf32, #tpu.memory_space<vmem>> -> memref<64xf32, #tpu.memory_space<vmem>>
      %dma_start3A_327 = arith.constant 0 : i32
      %dma_start3A_328 = tpu.memref_slice %arg10[%add3A_315, %dma_start3A_327] : memref<40x64xi32, #tpu.memory_space<vmem>> -> memref<1x64xi32, #tpu.memory_space<vmem>>
      %dma_start3A_329 = tpu.memref_squeeze %dma_start3A_328 : memref<1x64xi32, #tpu.memory_space<vmem>> -> memref<64xi32, #tpu.memory_space<vmem>>
      %dma_start3A_330 = arith.constant 0 : i32
      %dma_start3A_331 = tpu.memref_slice %arg18[%dma_start3A_330] : memref<10240xf32, #tpu.memory_space<vmem_shared>> -> memref<10240xf32, #tpu.memory_space<vmem_shared>>
      tpu.enqueue_indirect_dma source(%dma_start3A_326 : memref<64xf32, #tpu.memory_space<vmem>>) target(%dma_start3A_331 : memref<10240xf32, #tpu.memory_space<vmem_shared>>) offsets(%dma_start3A_329 : memref<64xi32, #tpu.memory_space<vmem>>) semaphore(%arg29 : memref<!tpu.dma_semaphore, #tpu.memory_space<semaphore_mem>>) {add = true}
      %add3A_332 = arith.constant 2 : i32
      %add3A_333 = arith.addi %add3A_315, %add3A_332 : i32
      %lt3A = arith.constant 40 : i32
      %lt3A_334 = arith.cmpi slt, %add3A_333, %lt3A : i32
      %convert_element_type3A = arith.extui %lt3A_334 : i1 to i32
      %cond3A = arith.constant 0 : i32
      %cond3A_335 = arith.cmpi ne, %convert_element_type3A, %cond3A : i32
      scf.if %cond3A_335 {
        %add3A_493 = arith.constant 2 : i32
        %add3A_494 = arith.addi %add3A_315, %add3A_493 : i32
        %add3A_495 = arith.constant 2 : i32
        %add3A_496 = arith.addi %add3A_315, %add3A_495 : i32
        %dma_start3A_497 = arith.constant 0 : i32
        %dma_start3A_498 = tpu.memref_slice %arg16[%add3A_496, %dma_start3A_497] : memref<40x64xf32, #tpu.memory_space<vmem>> -> memref<1x64xf32, #tpu.memory_space<vmem>>
        %dma_start3A_499 = tpu.memref_squeeze %dma_start3A_498 : memref<1x64xf32, #tpu.memory_space<vmem>> -> memref<64xf32, #tpu.memory_space<vmem>>
        %dma_start3A_500 = arith.constant 0 : i32
        %dma_start3A_501 = tpu.memref_slice %arg11[%add3A_494, %dma_start3A_500] : memref<40x64xi32, #tpu.memory_space<vmem>> -> memref<1x64xi32, #tpu.memory_space<vmem>>
        %dma_start3A_502 = tpu.memref_squeeze %dma_start3A_501 : memref<1x64xi32, #tpu.memory_space<vmem>> -> memref<64xi32, #tpu.memory_space<vmem>>
        %dma_start3A_503 = arith.constant 0 : i32
        %dma_start3A_504 = tpu.memref_slice %arg5[%dma_start3A_503] : memref<10240xf32, #tpu.memory_space<hbm>> -> memref<10240xf32, #tpu.memory_space<hbm>>
        tpu.enqueue_indirect_dma source(%dma_start3A_504 : memref<10240xf32, #tpu.memory_space<hbm>>) target(%dma_start3A_499 : memref<64xf32, #tpu.memory_space<vmem>>) offsets(%dma_start3A_502 : memref<64xi32, #tpu.memory_space<vmem>>) semaphore(%arg27 : memref<!tpu.dma_semaphore, #tpu.memory_space<semaphore_mem>>)
      } else {
      }
      %dma_wait3A_336 = arith.constant 0 : i32
      %dma_wait3A_337 = tpu.memref_slice %arg10[%add3A_315, %dma_wait3A_336] : memref<40x64xi32, #tpu.memory_space<vmem>> -> memref<1x64xi32, #tpu.memory_space<vmem>>
      %dma_wait3A_338 = tpu.memref_squeeze %dma_wait3A_337 : memref<1x64xi32, #tpu.memory_space<vmem>> -> memref<64xi32, #tpu.memory_space<vmem>>
      %dma_wait3A_339 = arith.constant 0 : i32
      %dma_wait3A_340 = arith.constant 0 : i32
      %dma_wait3A_341 = tpu.memref_slice %arg4[%dma_wait3A_339, %dma_wait3A_340] : memref<10240x128xf32, #tpu.memory_space<hbm>> -> memref<10240x128xf32, #tpu.memory_space<hbm>>
      tpu.wait_indirect_dma semaphore(%arg19 : memref<!tpu.dma_semaphore, #tpu.memory_space<semaphore_mem>>) src(%dma_wait3A_341 : memref<10240x128xf32, #tpu.memory_space<hbm>>) dst(%arg12 : memref<64x128xf32, #tpu.memory_space<vmem>>)
      %dma_start3A_342 = arith.constant 0 : i32
      %dma_start3A_343 = tpu.memref_slice %arg11[%add3A_315, %dma_start3A_342] : memref<40x64xi32, #tpu.memory_space<vmem>> -> memref<1x64xi32, #tpu.memory_space<vmem>>
      %dma_start3A_344 = tpu.memref_squeeze %dma_start3A_343 : memref<1x64xi32, #tpu.memory_space<vmem>> -> memref<64xi32, #tpu.memory_space<vmem>>
      %dma_start3A_345 = arith.constant 0 : i32
      %dma_start3A_346 = arith.constant 0 : i32
      %dma_start3A_347 = tpu.memref_slice %arg17[%dma_start3A_345, %dma_start3A_346] : memref<10112x128xf32, #tpu.memory_space<vmem_shared>> -> memref<10112x128xf32, #tpu.memory_space<vmem_shared>>
      tpu.enqueue_indirect_dma source(%arg12 : memref<64x128xf32, #tpu.memory_space<vmem>>) target(%dma_start3A_347 : memref<10112x128xf32, #tpu.memory_space<vmem_shared>>) offsets(%dma_start3A_344 : memref<64xi32, #tpu.memory_space<vmem>>) semaphore(%arg23 : memref<!tpu.dma_semaphore, #tpu.memory_space<semaphore_mem>>) {add = true}
      %add3A_348 = arith.constant 2 : i32
      %add3A_349 = arith.addi %add3A_315, %add3A_348 : i32
      %lt3A_350 = arith.constant 40 : i32
      %lt3A_351 = arith.cmpi slt, %add3A_349, %lt3A_350 : i32
      %convert_element_type3A_352 = arith.extui %lt3A_351 : i1 to i32
      %cond3A_353 = arith.constant 0 : i32
      %cond3A_354 = arith.cmpi ne, %convert_element_type3A_352, %cond3A_353 : i32
      scf.if %cond3A_354 {
        %ge3A = arith.constant 2 : i32
        %ge3A_493 = arith.cmpi sge, %add3A_315, %ge3A : i32
        %convert_element_type3A_494 = arith.extui %ge3A_493 : i1 to i32
        %cond3A_495 = arith.constant 0 : i32
        %cond3A_496 = arith.cmpi ne, %convert_element_type3A_494, %cond3A_495 : i32
        scf.if %cond3A_496 {
          %dma_wait3A_505 = arith.constant 0 : i32
          %dma_wait3A_506 = tpu.memref_slice %arg11[%add3A_315, %dma_wait3A_505] : memref<40x64xi32, #tpu.memory_space<vmem>> -> memref<1x64xi32, #tpu.memory_space<vmem>>
          %dma_wait3A_507 = tpu.memref_squeeze %dma_wait3A_506 : memref<1x64xi32, #tpu.memory_space<vmem>> -> memref<64xi32, #tpu.memory_space<vmem>>
          %dma_wait3A_508 = arith.constant 0 : i32
          %dma_wait3A_509 = arith.constant 0 : i32
          %dma_wait3A_510 = tpu.memref_slice %arg17[%dma_wait3A_508, %dma_wait3A_509] : memref<10112x128xf32, #tpu.memory_space<vmem_shared>> -> memref<10112x128xf32, #tpu.memory_space<vmem_shared>>
          tpu.wait_indirect_dma semaphore(%arg25 : memref<!tpu.dma_semaphore, #tpu.memory_space<semaphore_mem>>) src(%arg14 : memref<64x128xf32, #tpu.memory_space<vmem>>) dst(%dma_wait3A_510 : memref<10112x128xf32, #tpu.memory_space<vmem_shared>>)
        } else {
        }
        %add3A_497 = arith.constant 2 : i32
        %add3A_498 = arith.addi %add3A_315, %add3A_497 : i32
        %dma_start3A_499 = arith.constant 0 : i32
        %dma_start3A_500 = tpu.memref_slice %arg10[%add3A_498, %dma_start3A_499] : memref<40x64xi32, #tpu.memory_space<vmem>> -> memref<1x64xi32, #tpu.memory_space<vmem>>
        %dma_start3A_501 = tpu.memref_squeeze %dma_start3A_500 : memref<1x64xi32, #tpu.memory_space<vmem>> -> memref<64xi32, #tpu.memory_space<vmem>>
        %dma_start3A_502 = arith.constant 0 : i32
        %dma_start3A_503 = arith.constant 0 : i32
        %dma_start3A_504 = tpu.memref_slice %arg4[%dma_start3A_502, %dma_start3A_503] : memref<10240x128xf32, #tpu.memory_space<hbm>> -> memref<10240x128xf32, #tpu.memory_space<hbm>>
        tpu.enqueue_indirect_dma source(%dma_start3A_504 : memref<10240x128xf32, #tpu.memory_space<hbm>>) target(%arg14 : memref<64x128xf32, #tpu.memory_space<vmem>>) offsets(%dma_start3A_501 : memref<64xi32, #tpu.memory_space<vmem>>) semaphore(%arg21 : memref<!tpu.dma_semaphore, #tpu.memory_space<semaphore_mem>>)
      } else {
      }
      %mul3A_355 = arith.constant 4 : i32
      %mul3A_356 = arith.muli %mul3A_355, %scan3A_311 : i32
      %add3A_357 = arith.constant 1 : i32
      %add3A_358 = arith.addi %mul3A_356, %add3A_357 : i32
      %dma_wait3A_359 = arith.constant 0 : i32
      %dma_wait3A_360 = tpu.memref_slice %arg16[%add3A_358, %dma_wait3A_359] : memref<40x64xf32, #tpu.memory_space<vmem>> -> memref<1x64xf32, #tpu.memory_space<vmem>>
      %dma_wait3A_361 = tpu.memref_squeeze %dma_wait3A_360 : memref<1x64xf32, #tpu.memory_space<vmem>> -> memref<64xf32, #tpu.memory_space<vmem>>
      %dma_wait3A_362 = arith.constant 0 : i32
      %dma_wait3A_363 = tpu.memref_slice %arg11[%add3A_358, %dma_wait3A_362] : memref<40x64xi32, #tpu.memory_space<vmem>> -> memref<1x64xi32, #tpu.memory_space<vmem>>
      %dma_wait3A_364 = tpu.memref_squeeze %dma_wait3A_363 : memref<1x64xi32, #tpu.memory_space<vmem>> -> memref<64xi32, #tpu.memory_space<vmem>>
      %dma_wait3A_365 = arith.constant 0 : i32
      %dma_wait3A_366 = tpu.memref_slice %arg5[%dma_wait3A_365] : memref<10240xf32, #tpu.memory_space<hbm>> -> memref<10240xf32, #tpu.memory_space<hbm>>
      tpu.wait_indirect_dma semaphore(%arg28 : memref<!tpu.dma_semaphore, #tpu.memory_space<semaphore_mem>>) src(%dma_wait3A_366 : memref<10240xf32, #tpu.memory_space<hbm>>) dst(%dma_wait3A_361 : memref<64xf32, #tpu.memory_space<vmem>>)
      %dma_start3A_367 = arith.constant 0 : i32
      %dma_start3A_368 = tpu.memref_slice %arg16[%add3A_358, %dma_start3A_367] : memref<40x64xf32, #tpu.memory_space<vmem>> -> memref<1x64xf32, #tpu.memory_space<vmem>>
      %dma_start3A_369 = tpu.memref_squeeze %dma_start3A_368 : memref<1x64xf32, #tpu.memory_space<vmem>> -> memref<64xf32, #tpu.memory_space<vmem>>
      %dma_start3A_370 = arith.constant 0 : i32
      %dma_start3A_371 = tpu.memref_slice %arg10[%add3A_358, %dma_start3A_370] : memref<40x64xi32, #tpu.memory_space<vmem>> -> memref<1x64xi32, #tpu.memory_space<vmem>>
      %dma_start3A_372 = tpu.memref_squeeze %dma_start3A_371 : memref<1x64xi32, #tpu.memory_space<vmem>> -> memref<64xi32, #tpu.memory_space<vmem>>
      %dma_start3A_373 = arith.constant 0 : i32
      %dma_start3A_374 = tpu.memref_slice %arg18[%dma_start3A_373] : memref<10240xf32, #tpu.memory_space<vmem_shared>> -> memref<10240xf32, #tpu.memory_space<vmem_shared>>
      tpu.enqueue_indirect_dma source(%dma_start3A_369 : memref<64xf32, #tpu.memory_space<vmem>>) target(%dma_start3A_374 : memref<10240xf32, #tpu.memory_space<vmem_shared>>) offsets(%dma_start3A_372 : memref<64xi32, #tpu.memory_space<vmem>>) semaphore(%arg29 : memref<!tpu.dma_semaphore, #tpu.memory_space<semaphore_mem>>) {add = true}
      %add3A_375 = arith.constant 2 : i32
      %add3A_376 = arith.addi %add3A_358, %add3A_375 : i32
      %lt3A_377 = arith.constant 40 : i32
      %lt3A_378 = arith.cmpi slt, %add3A_376, %lt3A_377 : i32
      %convert_element_type3A_379 = arith.extui %lt3A_378 : i1 to i32
      %cond3A_380 = arith.constant 0 : i32
      %cond3A_381 = arith.cmpi ne, %convert_element_type3A_379, %cond3A_380 : i32
      scf.if %cond3A_381 {
        %add3A_493 = arith.constant 2 : i32
        %add3A_494 = arith.addi %add3A_358, %add3A_493 : i32
        %add3A_495 = arith.constant 2 : i32
        %add3A_496 = arith.addi %add3A_358, %add3A_495 : i32
        %dma_start3A_497 = arith.constant 0 : i32
        %dma_start3A_498 = tpu.memref_slice %arg16[%add3A_496, %dma_start3A_497] : memref<40x64xf32, #tpu.memory_space<vmem>> -> memref<1x64xf32, #tpu.memory_space<vmem>>
        %dma_start3A_499 = tpu.memref_squeeze %dma_start3A_498 : memref<1x64xf32, #tpu.memory_space<vmem>> -> memref<64xf32, #tpu.memory_space<vmem>>
        %dma_start3A_500 = arith.constant 0 : i32
        %dma_start3A_501 = tpu.memref_slice %arg11[%add3A_494, %dma_start3A_500] : memref<40x64xi32, #tpu.memory_space<vmem>> -> memref<1x64xi32, #tpu.memory_space<vmem>>
        %dma_start3A_502 = tpu.memref_squeeze %dma_start3A_501 : memref<1x64xi32, #tpu.memory_space<vmem>> -> memref<64xi32, #tpu.memory_space<vmem>>
        %dma_start3A_503 = arith.constant 0 : i32
        %dma_start3A_504 = tpu.memref_slice %arg5[%dma_start3A_503] : memref<10240xf32, #tpu.memory_space<hbm>> -> memref<10240xf32, #tpu.memory_space<hbm>>
        tpu.enqueue_indirect_dma source(%dma_start3A_504 : memref<10240xf32, #tpu.memory_space<hbm>>) target(%dma_start3A_499 : memref<64xf32, #tpu.memory_space<vmem>>) offsets(%dma_start3A_502 : memref<64xi32, #tpu.memory_space<vmem>>) semaphore(%arg28 : memref<!tpu.dma_semaphore, #tpu.memory_space<semaphore_mem>>)
      } else {
      }
      %dma_wait3A_382 = arith.constant 0 : i32
      %dma_wait3A_383 = tpu.memref_slice %arg10[%add3A_358, %dma_wait3A_382] : memref<40x64xi32, #tpu.memory_space<vmem>> -> memref<1x64xi32, #tpu.memory_space<vmem>>
      %dma_wait3A_384 = tpu.memref_squeeze %dma_wait3A_383 : memref<1x64xi32, #tpu.memory_space<vmem>> -> memref<64xi32, #tpu.memory_space<vmem>>
      %dma_wait3A_385 = arith.constant 0 : i32
      %dma_wait3A_386 = arith.constant 0 : i32
      %dma_wait3A_387 = tpu.memref_slice %arg4[%dma_wait3A_385, %dma_wait3A_386] : memref<10240x128xf32, #tpu.memory_space<hbm>> -> memref<10240x128xf32, #tpu.memory_space<hbm>>
      tpu.wait_indirect_dma semaphore(%arg20 : memref<!tpu.dma_semaphore, #tpu.memory_space<semaphore_mem>>) src(%dma_wait3A_387 : memref<10240x128xf32, #tpu.memory_space<hbm>>) dst(%arg13 : memref<64x128xf32, #tpu.memory_space<vmem>>)
      %dma_start3A_388 = arith.constant 0 : i32
      %dma_start3A_389 = tpu.memref_slice %arg11[%add3A_358, %dma_start3A_388] : memref<40x64xi32, #tpu.memory_space<vmem>> -> memref<1x64xi32, #tpu.memory_space<vmem>>
      %dma_start3A_390 = tpu.memref_squeeze %dma_start3A_389 : memref<1x64xi32, #tpu.memory_space<vmem>> -> memref<64xi32, #tpu.memory_space<vmem>>
      %dma_start3A_391 = arith.constant 0 : i32
      %dma_start3A_392 = arith.constant 0 : i32
      %dma_start3A_393 = tpu.memref_slice %arg17[%dma_start3A_391, %dma_start3A_392] : memref<10112x128xf32, #tpu.memory_space<vmem_shared>> -> memref<10112x128xf32, #tpu.memory_space<vmem_shared>>
      tpu.enqueue_indirect_dma source(%arg13 : memref<64x128xf32, #tpu.memory_space<vmem>>) target(%dma_start3A_393 : memref<10112x128xf32, #tpu.memory_space<vmem_shared>>) offsets(%dma_start3A_390 : memref<64xi32, #tpu.memory_space<vmem>>) semaphore(%arg24 : memref<!tpu.dma_semaphore, #tpu.memory_space<semaphore_mem>>) {add = true}
      %add3A_394 = arith.constant 2 : i32
      %add3A_395 = arith.addi %add3A_358, %add3A_394 : i32
      %lt3A_396 = arith.constant 40 : i32
      %lt3A_397 = arith.cmpi slt, %add3A_395, %lt3A_396 : i32
      %convert_element_type3A_398 = arith.extui %lt3A_397 : i1 to i32
      %cond3A_399 = arith.constant 0 : i32
      %cond3A_400 = arith.cmpi ne, %convert_element_type3A_398, %cond3A_399 : i32
      scf.if %cond3A_400 {
        %ge3A = arith.constant 2 : i32
        %ge3A_493 = arith.cmpi sge, %add3A_358, %ge3A : i32
        %convert_element_type3A_494 = arith.extui %ge3A_493 : i1 to i32
        %cond3A_495 = arith.constant 0 : i32
        %cond3A_496 = arith.cmpi ne, %convert_element_type3A_494, %cond3A_495 : i32
        scf.if %cond3A_496 {
          %dma_wait3A_505 = arith.constant 0 : i32
          %dma_wait3A_506 = tpu.memref_slice %arg11[%add3A_358, %dma_wait3A_505] : memref<40x64xi32, #tpu.memory_space<vmem>> -> memref<1x64xi32, #tpu.memory_space<vmem>>
          %dma_wait3A_507 = tpu.memref_squeeze %dma_wait3A_506 : memref<1x64xi32, #tpu.memory_space<vmem>> -> memref<64xi32, #tpu.memory_space<vmem>>
          %dma_wait3A_508 = arith.constant 0 : i32
          %dma_wait3A_509 = arith.constant 0 : i32
          %dma_wait3A_510 = tpu.memref_slice %arg17[%dma_wait3A_508, %dma_wait3A_509] : memref<10112x128xf32, #tpu.memory_space<vmem_shared>> -> memref<10112x128xf32, #tpu.memory_space<vmem_shared>>
          tpu.wait_indirect_dma semaphore(%arg26 : memref<!tpu.dma_semaphore, #tpu.memory_space<semaphore_mem>>) src(%arg15 : memref<64x128xf32, #tpu.memory_space<vmem>>) dst(%dma_wait3A_510 : memref<10112x128xf32, #tpu.memory_space<vmem_shared>>)
        } else {
        }
        %add3A_497 = arith.constant 2 : i32
        %add3A_498 = arith.addi %add3A_358, %add3A_497 : i32
        %dma_start3A_499 = arith.constant 0 : i32
        %dma_start3A_500 = tpu.memref_slice %arg10[%add3A_498, %dma_start3A_499] : memref<40x64xi32, #tpu.memory_space<vmem>> -> memref<1x64xi32, #tpu.memory_space<vmem>>
        %dma_start3A_501 = tpu.memref_squeeze %dma_start3A_500 : memref<1x64xi32, #tpu.memory_space<vmem>> -> memref<64xi32, #tpu.memory_space<vmem>>
        %dma_start3A_502 = arith.constant 0 : i32
        %dma_start3A_503 = arith.constant 0 : i32
        %dma_start3A_504 = tpu.memref_slice %arg4[%dma_start3A_502, %dma_start3A_503] : memref<10240x128xf32, #tpu.memory_space<hbm>> -> memref<10240x128xf32, #tpu.memory_space<hbm>>
        tpu.enqueue_indirect_dma source(%dma_start3A_504 : memref<10240x128xf32, #tpu.memory_space<hbm>>) target(%arg15 : memref<64x128xf32, #tpu.memory_space<vmem>>) offsets(%dma_start3A_501 : memref<64xi32, #tpu.memory_space<vmem>>) semaphore(%arg22 : memref<!tpu.dma_semaphore, #tpu.memory_space<semaphore_mem>>)
      } else {
      }
      %mul3A_401 = arith.constant 4 : i32
      %mul3A_402 = arith.muli %mul3A_401, %scan3A_311 : i32
      %add3A_403 = arith.constant 2 : i32
      %add3A_404 = arith.addi %mul3A_402, %add3A_403 : i32
      %dma_wait3A_405 = arith.constant 0 : i32
      %dma_wait3A_406 = tpu.memref_slice %arg16[%add3A_404, %dma_wait3A_405] : memref<40x64xf32, #tpu.memory_space<vmem>> -> memref<1x64xf32, #tpu.memory_space<vmem>>
      %dma_wait3A_407 = tpu.memref_squeeze %dma_wait3A_406 : memref<1x64xf32, #tpu.memory_space<vmem>> -> memref<64xf32, #tpu.memory_space<vmem>>
      %dma_wait3A_408 = arith.constant 0 : i32
      %dma_wait3A_409 = tpu.memref_slice %arg11[%add3A_404, %dma_wait3A_408] : memref<40x64xi32, #tpu.memory_space<vmem>> -> memref<1x64xi32, #tpu.memory_space<vmem>>
      %dma_wait3A_410 = tpu.memref_squeeze %dma_wait3A_409 : memref<1x64xi32, #tpu.memory_space<vmem>> -> memref<64xi32, #tpu.memory_space<vmem>>
      %dma_wait3A_411 = arith.constant 0 : i32
      %dma_wait3A_412 = tpu.memref_slice %arg5[%dma_wait3A_411] : memref<10240xf32, #tpu.memory_space<hbm>> -> memref<10240xf32, #tpu.memory_space<hbm>>
      tpu.wait_indirect_dma semaphore(%arg27 : memref<!tpu.dma_semaphore, #tpu.memory_space<semaphore_mem>>) src(%dma_wait3A_412 : memref<10240xf32, #tpu.memory_space<hbm>>) dst(%dma_wait3A_407 : memref<64xf32, #tpu.memory_space<vmem>>)
      %dma_start3A_413 = arith.constant 0 : i32
      %dma_start3A_414 = tpu.memref_slice %arg16[%add3A_404, %dma_start3A_413] : memref<40x64xf32, #tpu.memory_space<vmem>> -> memref<1x64xf32, #tpu.memory_space<vmem>>
      %dma_start3A_415 = tpu.memref_squeeze %dma_start3A_414 : memref<1x64xf32, #tpu.memory_space<vmem>> -> memref<64xf32, #tpu.memory_space<vmem>>
      %dma_start3A_416 = arith.constant 0 : i32
      %dma_start3A_417 = tpu.memref_slice %arg10[%add3A_404, %dma_start3A_416] : memref<40x64xi32, #tpu.memory_space<vmem>> -> memref<1x64xi32, #tpu.memory_space<vmem>>
      %dma_start3A_418 = tpu.memref_squeeze %dma_start3A_417 : memref<1x64xi32, #tpu.memory_space<vmem>> -> memref<64xi32, #tpu.memory_space<vmem>>
      %dma_start3A_419 = arith.constant 0 : i32
      %dma_start3A_420 = tpu.memref_slice %arg18[%dma_start3A_419] : memref<10240xf32, #tpu.memory_space<vmem_shared>> -> memref<10240xf32, #tpu.memory_space<vmem_shared>>
      tpu.enqueue_indirect_dma source(%dma_start3A_415 : memref<64xf32, #tpu.memory_space<vmem>>) target(%dma_start3A_420 : memref<10240xf32, #tpu.memory_space<vmem_shared>>) offsets(%dma_start3A_418 : memref<64xi32, #tpu.memory_space<vmem>>) semaphore(%arg29 : memref<!tpu.dma_semaphore, #tpu.memory_space<semaphore_mem>>) {add = true}
      %add3A_421 = arith.constant 2 : i32
      %add3A_422 = arith.addi %add3A_404, %add3A_421 : i32
      %lt3A_423 = arith.constant 40 : i32
      %lt3A_424 = arith.cmpi slt, %add3A_422, %lt3A_423 : i32
      %convert_element_type3A_425 = arith.extui %lt3A_424 : i1 to i32
      %cond3A_426 = arith.constant 0 : i32
      %cond3A_427 = arith.cmpi ne, %convert_element_type3A_425, %cond3A_426 : i32
      scf.if %cond3A_427 {
        %add3A_493 = arith.constant 2 : i32
        %add3A_494 = arith.addi %add3A_404, %add3A_493 : i32
        %add3A_495 = arith.constant 2 : i32
        %add3A_496 = arith.addi %add3A_404, %add3A_495 : i32
        %dma_start3A_497 = arith.constant 0 : i32
        %dma_start3A_498 = tpu.memref_slice %arg16[%add3A_496, %dma_start3A_497] : memref<40x64xf32, #tpu.memory_space<vmem>> -> memref<1x64xf32, #tpu.memory_space<vmem>>
        %dma_start3A_499 = tpu.memref_squeeze %dma_start3A_498 : memref<1x64xf32, #tpu.memory_space<vmem>> -> memref<64xf32, #tpu.memory_space<vmem>>
        %dma_start3A_500 = arith.constant 0 : i32
        %dma_start3A_501 = tpu.memref_slice %arg11[%add3A_494, %dma_start3A_500] : memref<40x64xi32, #tpu.memory_space<vmem>> -> memref<1x64xi32, #tpu.memory_space<vmem>>
        %dma_start3A_502 = tpu.memref_squeeze %dma_start3A_501 : memref<1x64xi32, #tpu.memory_space<vmem>> -> memref<64xi32, #tpu.memory_space<vmem>>
        %dma_start3A_503 = arith.constant 0 : i32
        %dma_start3A_504 = tpu.memref_slice %arg5[%dma_start3A_503] : memref<10240xf32, #tpu.memory_space<hbm>> -> memref<10240xf32, #tpu.memory_space<hbm>>
        tpu.enqueue_indirect_dma source(%dma_start3A_504 : memref<10240xf32, #tpu.memory_space<hbm>>) target(%dma_start3A_499 : memref<64xf32, #tpu.memory_space<vmem>>) offsets(%dma_start3A_502 : memref<64xi32, #tpu.memory_space<vmem>>) semaphore(%arg27 : memref<!tpu.dma_semaphore, #tpu.memory_space<semaphore_mem>>)
      } else {
      }
      %dma_wait3A_428 = arith.constant 0 : i32
      %dma_wait3A_429 = tpu.memref_slice %arg10[%add3A_404, %dma_wait3A_428] : memref<40x64xi32, #tpu.memory_space<vmem>> -> memref<1x64xi32, #tpu.memory_space<vmem>>
      %dma_wait3A_430 = tpu.memref_squeeze %dma_wait3A_429 : memref<1x64xi32, #tpu.memory_space<vmem>> -> memref<64xi32, #tpu.memory_space<vmem>>
      %dma_wait3A_431 = arith.constant 0 : i32
      %dma_wait3A_432 = arith.constant 0 : i32
      %dma_wait3A_433 = tpu.memref_slice %arg4[%dma_wait3A_431, %dma_wait3A_432] : memref<10240x128xf32, #tpu.memory_space<hbm>> -> memref<10240x128xf32, #tpu.memory_space<hbm>>
      tpu.wait_indirect_dma semaphore(%arg21 : memref<!tpu.dma_semaphore, #tpu.memory_space<semaphore_mem>>) src(%dma_wait3A_433 : memref<10240x128xf32, #tpu.memory_space<hbm>>) dst(%arg14 : memref<64x128xf32, #tpu.memory_space<vmem>>)
      %dma_start3A_434 = arith.constant 0 : i32
      %dma_start3A_435 = tpu.memref_slice %arg11[%add3A_404, %dma_start3A_434] : memref<40x64xi32, #tpu.memory_space<vmem>> -> memref<1x64xi32, #tpu.memory_space<vmem>>
      %dma_start3A_436 = tpu.memref_squeeze %dma_start3A_435 : memref<1x64xi32, #tpu.memory_space<vmem>> -> memref<64xi32, #tpu.memory_space<vmem>>
      %dma_start3A_437 = arith.constant 0 : i32
      %dma_start3A_438 = arith.constant 0 : i32
      %dma_start3A_439 = tpu.memref_slice %arg17[%dma_start3A_437, %dma_start3A_438] : memref<10112x128xf32, #tpu.memory_space<vmem_shared>> -> memref<10112x128xf32, #tpu.memory_space<vmem_shared>>
      tpu.enqueue_indirect_dma source(%arg14 : memref<64x128xf32, #tpu.memory_space<vmem>>) target(%dma_start3A_439 : memref<10112x128xf32, #tpu.memory_space<vmem_shared>>) offsets(%dma_start3A_436 : memref<64xi32, #tpu.memory_space<vmem>>) semaphore(%arg25 : memref<!tpu.dma_semaphore, #tpu.memory_space<semaphore_mem>>) {add = true}
      %add3A_440 = arith.constant 2 : i32
      %add3A_441 = arith.addi %add3A_404, %add3A_440 : i32
      %lt3A_442 = arith.constant 40 : i32
      %lt3A_443 = arith.cmpi slt, %add3A_441, %lt3A_442 : i32
      %convert_element_type3A_444 = arith.extui %lt3A_443 : i1 to i32
      %cond3A_445 = arith.constant 0 : i32
      %cond3A_446 = arith.cmpi ne, %convert_element_type3A_444, %cond3A_445 : i32
      scf.if %cond3A_446 {
        %ge3A = arith.constant 2 : i32
        %ge3A_493 = arith.cmpi sge, %add3A_404, %ge3A : i32
        %convert_element_type3A_494 = arith.extui %ge3A_493 : i1 to i32
        %cond3A_495 = arith.constant 0 : i32
        %cond3A_496 = arith.cmpi ne, %convert_element_type3A_494, %cond3A_495 : i32
        scf.if %cond3A_496 {
          %dma_wait3A_505 = arith.constant 0 : i32
          %dma_wait3A_506 = tpu.memref_slice %arg11[%add3A_404, %dma_wait3A_505] : memref<40x64xi32, #tpu.memory_space<vmem>> -> memref<1x64xi32, #tpu.memory_space<vmem>>
          %dma_wait3A_507 = tpu.memref_squeeze %dma_wait3A_506 : memref<1x64xi32, #tpu.memory_space<vmem>> -> memref<64xi32, #tpu.memory_space<vmem>>
          %dma_wait3A_508 = arith.constant 0 : i32
          %dma_wait3A_509 = arith.constant 0 : i32
          %dma_wait3A_510 = tpu.memref_slice %arg17[%dma_wait3A_508, %dma_wait3A_509] : memref<10112x128xf32, #tpu.memory_space<vmem_shared>> -> memref<10112x128xf32, #tpu.memory_space<vmem_shared>>
          tpu.wait_indirect_dma semaphore(%arg23 : memref<!tpu.dma_semaphore, #tpu.memory_space<semaphore_mem>>) src(%arg12 : memref<64x128xf32, #tpu.memory_space<vmem>>) dst(%dma_wait3A_510 : memref<10112x128xf32, #tpu.memory_space<vmem_shared>>)
        } else {
        }
        %add3A_497 = arith.constant 2 : i32
        %add3A_498 = arith.addi %add3A_404, %add3A_497 : i32
        %dma_start3A_499 = arith.constant 0 : i32
        %dma_start3A_500 = tpu.memref_slice %arg10[%add3A_498, %dma_start3A_499] : memref<40x64xi32, #tpu.memory_space<vmem>> -> memref<1x64xi32, #tpu.memory_space<vmem>>
        %dma_start3A_501 = tpu.memref_squeeze %dma_start3A_500 : memref<1x64xi32, #tpu.memory_space<vmem>> -> memref<64xi32, #tpu.memory_space<vmem>>
        %dma_start3A_502 = arith.constant 0 : i32
        %dma_start3A_503 = arith.constant 0 : i32
        %dma_start3A_504 = tpu.memref_slice %arg4[%dma_start3A_502, %dma_start3A_503] : memref<10240x128xf32, #tpu.memory_space<hbm>> -> memref<10240x128xf32, #tpu.memory_space<hbm>>
        tpu.enqueue_indirect_dma source(%dma_start3A_504 : memref<10240x128xf32, #tpu.memory_space<hbm>>) target(%arg12 : memref<64x128xf32, #tpu.memory_space<vmem>>) offsets(%dma_start3A_501 : memref<64xi32, #tpu.memory_space<vmem>>) semaphore(%arg19 : memref<!tpu.dma_semaphore, #tpu.memory_space<semaphore_mem>>)
      } else {
      }
      %mul3A_447 = arith.constant 4 : i32
      %mul3A_448 = arith.muli %mul3A_447, %scan3A_311 : i32
      %add3A_449 = arith.constant 3 : i32
      %add3A_450 = arith.addi %mul3A_448, %add3A_449 : i32
      %dma_wait3A_451 = arith.constant 0 : i32
      %dma_wait3A_452 = tpu.memref_slice %arg16[%add3A_450, %dma_wait3A_451] : memref<40x64xf32, #tpu.memory_space<vmem>> -> memref<1x64xf32, #tpu.memory_space<vmem>>
      %dma_wait3A_453 = tpu.memref_squeeze %dma_wait3A_452 : memref<1x64xf32, #tpu.memory_space<vmem>> -> memref<64xf32, #tpu.memory_space<vmem>>
      %dma_wait3A_454 = arith.constant 0 : i32
      %dma_wait3A_455 = tpu.memref_slice %arg11[%add3A_450, %dma_wait3A_454] : memref<40x64xi32, #tpu.memory_space<vmem>> -> memref<1x64xi32, #tpu.memory_space<vmem>>
      %dma_wait3A_456 = tpu.memref_squeeze %dma_wait3A_455 : memref<1x64xi32, #tpu.memory_space<vmem>> -> memref<64xi32, #tpu.memory_space<vmem>>
      %dma_wait3A_457 = arith.constant 0 : i32
      %dma_wait3A_458 = tpu.memref_slice %arg5[%dma_wait3A_457] : memref<10240xf32, #tpu.memory_space<hbm>> -> memref<10240xf32, #tpu.memory_space<hbm>>
      tpu.wait_indirect_dma semaphore(%arg28 : memref<!tpu.dma_semaphore, #tpu.memory_space<semaphore_mem>>) src(%dma_wait3A_458 : memref<10240xf32, #tpu.memory_space<hbm>>) dst(%dma_wait3A_453 : memref<64xf32, #tpu.memory_space<vmem>>)
      %dma_start3A_459 = arith.constant 0 : i32
      %dma_start3A_460 = tpu.memref_slice %arg16[%add3A_450, %dma_start3A_459] : memref<40x64xf32, #tpu.memory_space<vmem>> -> memref<1x64xf32, #tpu.memory_space<vmem>>
      %dma_start3A_461 = tpu.memref_squeeze %dma_start3A_460 : memref<1x64xf32, #tpu.memory_space<vmem>> -> memref<64xf32, #tpu.memory_space<vmem>>
      %dma_start3A_462 = arith.constant 0 : i32
      %dma_start3A_463 = tpu.memref_slice %arg10[%add3A_450, %dma_start3A_462] : memref<40x64xi32, #tpu.memory_space<vmem>> -> memref<1x64xi32, #tpu.memory_space<vmem>>
      %dma_start3A_464 = tpu.memref_squeeze %dma_start3A_463 : memref<1x64xi32, #tpu.memory_space<vmem>> -> memref<64xi32, #tpu.memory_space<vmem>>
      %dma_start3A_465 = arith.constant 0 : i32
      %dma_start3A_466 = tpu.memref_slice %arg18[%dma_start3A_465] : memref<10240xf32, #tpu.memory_space<vmem_shared>> -> memref<10240xf32, #tpu.memory_space<vmem_shared>>
      tpu.enqueue_indirect_dma source(%dma_start3A_461 : memref<64xf32, #tpu.memory_space<vmem>>) target(%dma_start3A_466 : memref<10240xf32, #tpu.memory_space<vmem_shared>>) offsets(%dma_start3A_464 : memref<64xi32, #tpu.memory_space<vmem>>) semaphore(%arg29 : memref<!tpu.dma_semaphore, #tpu.memory_space<semaphore_mem>>) {add = true}
      %add3A_467 = arith.constant 2 : i32
      %add3A_468 = arith.addi %add3A_450, %add3A_467 : i32
      %lt3A_469 = arith.constant 40 : i32
      %lt3A_470 = arith.cmpi slt, %add3A_468, %lt3A_469 : i32
      %convert_element_type3A_471 = arith.extui %lt3A_470 : i1 to i32
      %cond3A_472 = arith.constant 0 : i32
      %cond3A_473 = arith.cmpi ne, %convert_element_type3A_471, %cond3A_472 : i32
      scf.if %cond3A_473 {
        %add3A_493 = arith.constant 2 : i32
        %add3A_494 = arith.addi %add3A_450, %add3A_493 : i32
        %add3A_495 = arith.constant 2 : i32
        %add3A_496 = arith.addi %add3A_450, %add3A_495 : i32
        %dma_start3A_497 = arith.constant 0 : i32
        %dma_start3A_498 = tpu.memref_slice %arg16[%add3A_496, %dma_start3A_497] : memref<40x64xf32, #tpu.memory_space<vmem>> -> memref<1x64xf32, #tpu.memory_space<vmem>>
        %dma_start3A_499 = tpu.memref_squeeze %dma_start3A_498 : memref<1x64xf32, #tpu.memory_space<vmem>> -> memref<64xf32, #tpu.memory_space<vmem>>
        %dma_start3A_500 = arith.constant 0 : i32
        %dma_start3A_501 = tpu.memref_slice %arg11[%add3A_494, %dma_start3A_500] : memref<40x64xi32, #tpu.memory_space<vmem>> -> memref<1x64xi32, #tpu.memory_space<vmem>>
        %dma_start3A_502 = tpu.memref_squeeze %dma_start3A_501 : memref<1x64xi32, #tpu.memory_space<vmem>> -> memref<64xi32, #tpu.memory_space<vmem>>
        %dma_start3A_503 = arith.constant 0 : i32
        %dma_start3A_504 = tpu.memref_slice %arg5[%dma_start3A_503] : memref<10240xf32, #tpu.memory_space<hbm>> -> memref<10240xf32, #tpu.memory_space<hbm>>
        tpu.enqueue_indirect_dma source(%dma_start3A_504 : memref<10240xf32, #tpu.memory_space<hbm>>) target(%dma_start3A_499 : memref<64xf32, #tpu.memory_space<vmem>>) offsets(%dma_start3A_502 : memref<64xi32, #tpu.memory_space<vmem>>) semaphore(%arg28 : memref<!tpu.dma_semaphore, #tpu.memory_space<semaphore_mem>>)
      } else {
      }
      %dma_wait3A_474 = arith.constant 0 : i32
      %dma_wait3A_475 = tpu.memref_slice %arg10[%add3A_450, %dma_wait3A_474] : memref<40x64xi32, #tpu.memory_space<vmem>> -> memref<1x64xi32, #tpu.memory_space<vmem>>
      %dma_wait3A_476 = tpu.memref_squeeze %dma_wait3A_475 : memref<1x64xi32, #tpu.memory_space<vmem>> -> memref<64xi32, #tpu.memory_space<vmem>>
      %dma_wait3A_477 = arith.constant 0 : i32
      %dma_wait3A_478 = arith.constant 0 : i32
      %dma_wait3A_479 = tpu.memref_slice %arg4[%dma_wait3A_477, %dma_wait3A_478] : memref<10240x128xf32, #tpu.memory_space<hbm>> -> memref<10240x128xf32, #tpu.memory_space<hbm>>
      tpu.wait_indirect_dma semaphore(%arg22 : memref<!tpu.dma_semaphore, #tpu.memory_space<semaphore_mem>>) src(%dma_wait3A_479 : memref<10240x128xf32, #tpu.memory_space<hbm>>) dst(%arg15 : memref<64x128xf32, #tpu.memory_space<vmem>>)
      %dma_start3A_480 = arith.constant 0 : i32
      %dma_start3A_481 = tpu.memref_slice %arg11[%add3A_450, %dma_start3A_480] : memref<40x64xi32, #tpu.memory_space<vmem>> -> memref<1x64xi32, #tpu.memory_space<vmem>>
      %dma_start3A_482 = tpu.memref_squeeze %dma_start3A_481 : memref<1x64xi32, #tpu.memory_space<vmem>> -> memref<64xi32, #tpu.memory_space<vmem>>
      %dma_start3A_483 = arith.constant 0 : i32
      %dma_start3A_484 = arith.constant 0 : i32
      %dma_start3A_485 = tpu.memref_slice %arg17[%dma_start3A_483, %dma_start3A_484] : memref<10112x128xf32, #tpu.memory_space<vmem_shared>> -> memref<10112x128xf32, #tpu.memory_space<vmem_shared>>
      tpu.enqueue_indirect_dma source(%arg15 : memref<64x128xf32, #tpu.memory_space<vmem>>) target(%dma_start3A_485 : memref<10112x128xf32, #tpu.memory_space<vmem_shared>>) offsets(%dma_start3A_482 : memref<64xi32, #tpu.memory_space<vmem>>) semaphore(%arg26 : memref<!tpu.dma_semaphore, #tpu.memory_space<semaphore_mem>>) {add = true}
      %add3A_486 = arith.constant 2 : i32
      %add3A_487 = arith.addi %add3A_450, %add3A_486 : i32
      %lt3A_488 = arith.constant 40 : i32
      %lt3A_489 = arith.cmpi slt, %add3A_487, %lt3A_488 : i32
      %convert_element_type3A_490 = arith.extui %lt3A_489 : i1 to i32
      %cond3A_491 = arith.constant 0 : i32
      %cond3A_492 = arith.cmpi ne, %convert_element_type3A_490, %cond3A_491 : i32
      scf.if %cond3A_492 {
        %ge3A = arith.constant 2 : i32
        %ge3A_493 = arith.cmpi sge, %add3A_450, %ge3A : i32
        %convert_element_type3A_494 = arith.extui %ge3A_493 : i1 to i32
        %cond3A_495 = arith.constant 0 : i32
        %cond3A_496 = arith.cmpi ne, %convert_element_type3A_494, %cond3A_495 : i32
        scf.if %cond3A_496 {
          %dma_wait3A_505 = arith.constant 0 : i32
          %dma_wait3A_506 = tpu.memref_slice %arg11[%add3A_450, %dma_wait3A_505] : memref<40x64xi32, #tpu.memory_space<vmem>> -> memref<1x64xi32, #tpu.memory_space<vmem>>
          %dma_wait3A_507 = tpu.memref_squeeze %dma_wait3A_506 : memref<1x64xi32, #tpu.memory_space<vmem>> -> memref<64xi32, #tpu.memory_space<vmem>>
          %dma_wait3A_508 = arith.constant 0 : i32
          %dma_wait3A_509 = arith.constant 0 : i32
          %dma_wait3A_510 = tpu.memref_slice %arg17[%dma_wait3A_508, %dma_wait3A_509] : memref<10112x128xf32, #tpu.memory_space<vmem_shared>> -> memref<10112x128xf32, #tpu.memory_space<vmem_shared>>
          tpu.wait_indirect_dma semaphore(%arg24 : memref<!tpu.dma_semaphore, #tpu.memory_space<semaphore_mem>>) src(%arg13 : memref<64x128xf32, #tpu.memory_space<vmem>>) dst(%dma_wait3A_510 : memref<10112x128xf32, #tpu.memory_space<vmem_shared>>)
        } else {
        }
        %add3A_497 = arith.constant 2 : i32
        %add3A_498 = arith.addi %add3A_450, %add3A_497 : i32
        %dma_start3A_499 = arith.constant 0 : i32
        %dma_start3A_500 = tpu.memref_slice %arg10[%add3A_498, %dma_start3A_499] : memref<40x64xi32, #tpu.memory_space<vmem>> -> memref<1x64xi32, #tpu.memory_space<vmem>>
        %dma_start3A_501 = tpu.memref_squeeze %dma_start3A_500 : memref<1x64xi32, #tpu.memory_space<vmem>> -> memref<64xi32, #tpu.memory_space<vmem>>
        %dma_start3A_502 = arith.constant 0 : i32
        %dma_start3A_503 = arith.constant 0 : i32
        %dma_start3A_504 = tpu.memref_slice %arg4[%dma_start3A_502, %dma_start3A_503] : memref<10240x128xf32, #tpu.memory_space<hbm>> -> memref<10240x128xf32, #tpu.memory_space<hbm>>
        tpu.enqueue_indirect_dma source(%dma_start3A_504 : memref<10240x128xf32, #tpu.memory_space<hbm>>) target(%arg13 : memref<64x128xf32, #tpu.memory_space<vmem>>) offsets(%dma_start3A_501 : memref<64xi32, #tpu.memory_space<vmem>>) semaphore(%arg20 : memref<!tpu.dma_semaphore, #tpu.memory_space<semaphore_mem>>)
      } else {
      }
    }
    %scan3A_46 = arith.constant 10 : i32
    %dma_wait3A = arith.constant 0 : i32
    %dma_wait3A_47 = arith.constant 0 : i32
    %dma_wait3A_48 = tpu.memref_slice %arg11[%dma_wait3A, %dma_wait3A_47] : memref<40x64xi32, #tpu.memory_space<vmem>> -> memref<1x64xi32, #tpu.memory_space<vmem>>
    %dma_wait3A_49 = tpu.memref_squeeze %dma_wait3A_48 : memref<1x64xi32, #tpu.memory_space<vmem>> -> memref<64xi32, #tpu.memory_space<vmem>>
    %dma_wait3A_50 = arith.constant 0 : i32
    %dma_wait3A_51 = arith.constant 0 : i32
    %dma_wait3A_52 = tpu.memref_slice %arg17[%dma_wait3A_50, %dma_wait3A_51] : memref<10112x128xf32, #tpu.memory_space<vmem_shared>> -> memref<10112x128xf32, #tpu.memory_space<vmem_shared>>
    tpu.wait_indirect_dma semaphore(%arg23 : memref<!tpu.dma_semaphore, #tpu.memory_space<semaphore_mem>>) src(%arg12 : memref<64x128xf32, #tpu.memory_space<vmem>>) dst(%dma_wait3A_52 : memref<10112x128xf32, #tpu.memory_space<vmem_shared>>)
    %dma_wait3A_53 = arith.constant 0 : i32
    %dma_wait3A_54 = arith.constant 0 : i32
    %dma_wait3A_55 = tpu.memref_slice %arg11[%dma_wait3A_53, %dma_wait3A_54] : memref<40x64xi32, #tpu.memory_space<vmem>> -> memref<1x64xi32, #tpu.memory_space<vmem>>
    %dma_wait3A_56 = tpu.memref_squeeze %dma_wait3A_55 : memref<1x64xi32, #tpu.memory_space<vmem>> -> memref<64xi32, #tpu.memory_space<vmem>>
    %dma_wait3A_57 = arith.constant 0 : i32
    %dma_wait3A_58 = arith.constant 0 : i32
    %dma_wait3A_59 = tpu.memref_slice %arg17[%dma_wait3A_57, %dma_wait3A_58] : memref<10112x128xf32, #tpu.memory_space<vmem_shared>> -> memref<10112x128xf32, #tpu.memory_space<vmem_shared>>
    tpu.wait_indirect_dma semaphore(%arg24 : memref<!tpu.dma_semaphore, #tpu.memory_space<semaphore_mem>>) src(%arg13 : memref<64x128xf32, #tpu.memory_space<vmem>>) dst(%dma_wait3A_59 : memref<10112x128xf32, #tpu.memory_space<vmem_shared>>)
    %dma_wait3A_60 = arith.constant 0 : i32
    %dma_wait3A_61 = arith.constant 0 : i32
    %dma_wait3A_62 = tpu.memref_slice %arg11[%dma_wait3A_60, %dma_wait3A_61] : memref<40x64xi32, #tpu.memory_space<vmem>> -> memref<1x64xi32, #tpu.memory_space<vmem>>
    %dma_wait3A_63 = tpu.memref_squeeze %dma_wait3A_62 : memref<1x64xi32, #tpu.memory_space<vmem>> -> memref<64xi32, #tpu.memory_space<vmem>>
    %dma_wait3A_64 = arith.constant 0 : i32
    %dma_wait3A_65 = arith.constant 0 : i32
    %dma_wait3A_66 = tpu.memref_slice %arg17[%dma_wait3A_64, %dma_wait3A_65] : memref<10112x128xf32, #tpu.memory_space<vmem_shared>> -> memref<10112x128xf32, #tpu.memory_space<vmem_shared>>
    tpu.wait_indirect_dma semaphore(%arg25 : memref<!tpu.dma_semaphore, #tpu.memory_space<semaphore_mem>>) src(%arg14 : memref<64x128xf32, #tpu.memory_space<vmem>>) dst(%dma_wait3A_66 : memref<10112x128xf32, #tpu.memory_space<vmem_shared>>)
    %dma_wait3A_67 = arith.constant 0 : i32
    %dma_wait3A_68 = arith.constant 0 : i32
    %dma_wait3A_69 = tpu.memref_slice %arg11[%dma_wait3A_67, %dma_wait3A_68] : memref<40x64xi32, #tpu.memory_space<vmem>> -> memref<1x64xi32, #tpu.memory_space<vmem>>
    %dma_wait3A_70 = tpu.memref_squeeze %dma_wait3A_69 : memref<1x64xi32, #tpu.memory_space<vmem>> -> memref<64xi32, #tpu.memory_space<vmem>>
    %dma_wait3A_71 = arith.constant 0 : i32
    %dma_wait3A_72 = arith.constant 0 : i32
    %dma_wait3A_73 = tpu.memref_slice %arg17[%dma_wait3A_71, %dma_wait3A_72] : memref<10112x128xf32, #tpu.memory_space<vmem_shared>> -> memref<10112x128xf32, #tpu.memory_space<vmem_shared>>
    tpu.wait_indirect_dma semaphore(%arg26 : memref<!tpu.dma_semaphore, #tpu.memory_space<semaphore_mem>>) src(%arg15 : memref<64x128xf32, #tpu.memory_space<vmem>>) dst(%dma_wait3A_73 : memref<10112x128xf32, #tpu.memory_space<vmem_shared>>)
    %scan3A_74 = arith.constant 0 : i32
    %scan3A_75 = arith.constant 0 : i32
    %scan3A_76 = arith.constant 40 : i32
    %scan3A_77 = arith.addi %scan3A_75, %scan3A_76 : i32
    %scan3A_78 = arith.constant 1 : i32
    scf.for %scan3A_311 = %scan3A_75 to %scan3A_77 step %scan3A_78  : i32 {
      %dma_wait3A_312 = arith.constant 0 : i32
      %dma_wait3A_313 = arith.constant 0 : i32
      %dma_wait3A_314 = tpu.memref_slice %arg16[%dma_wait3A_312, %dma_wait3A_313] : memref<40x64xf32, #tpu.memory_space<vmem>> -> memref<1x64xf32, #tpu.memory_space<vmem>>
      %dma_wait3A_315 = tpu.memref_squeeze %dma_wait3A_314 : memref<1x64xf32, #tpu.memory_space<vmem>> -> memref<64xf32, #tpu.memory_space<vmem>>
      %dma_wait3A_316 = arith.constant 0 : i32
      %dma_wait3A_317 = tpu.memref_slice %arg7[%dma_wait3A_316] : memref<10240xf32, #tpu.memory_space<hbm>> -> memref<64xf32, #tpu.memory_space<hbm>>
      %dma_wait3A_318 = arith.constant 0 : i32
      %dma_wait3A_319 = tpu.memref_slice %arg16[%dma_wait3A_312, %dma_wait3A_318] : memref<40x64xf32, #tpu.memory_space<vmem>> -> memref<1x64xf32, #tpu.memory_space<vmem>>
      %dma_wait3A_320 = tpu.memref_squeeze %dma_wait3A_319 : memref<1x64xf32, #tpu.memory_space<vmem>> -> memref<64xf32, #tpu.memory_space<vmem>>
      %dma_wait3A_321 = arith.constant 0 : i32
      %dma_wait3A_322 = tpu.memref_slice %arg7[%dma_wait3A_321] : memref<10240xf32, #tpu.memory_space<hbm>> -> memref<64xf32, #tpu.memory_space<hbm>>
      tpu.wait_dma2 semaphore(%arg29 : memref<!tpu.dma_semaphore, #tpu.memory_space<semaphore_mem>>) src(%dma_wait3A_322 : memref<64xf32, #tpu.memory_space<hbm>>) dst(%dma_wait3A_320 : memref<64xf32, #tpu.memory_space<vmem>>)
    }
    %scan3A_79 = arith.constant 40 : i32
    "tpu.region"() ({
      %run_scoped3A = tpu.sem_alloc : memref<!tpu.dma_semaphore, #tpu.memory_space<semaphore_mem>>
      %dma_start3A_311 = arith.constant 40 : i32
      %dma_start3A_312 = arith.constant 0 : i32
      %dma_start3A_313 = tpu.memref_slice %arg2[%add3A, %dma_start3A_311, %dma_start3A_312] : memref<32x160x64xi32, #tpu.memory_space<hbm>> -> memref<1x40x64xi32, #tpu.memory_space<hbm>>
      %dma_start3A_314 = tpu.memref_squeeze %dma_start3A_313 : memref<1x40x64xi32, #tpu.memory_space<hbm>> -> memref<40x64xi32, #tpu.memory_space<hbm>>
      %dma_start3A_315 = arith.constant 40 : i32
      %dma_start3A_316 = arith.constant 0 : i32
      %dma_start3A_317 = tpu.memref_slice %arg2[%add3A, %dma_start3A_315, %dma_start3A_316] : memref<32x160x64xi32, #tpu.memory_space<hbm>> -> memref<1x40x64xi32, #tpu.memory_space<hbm>>
      %dma_start3A_318 = tpu.memref_squeeze %dma_start3A_317 : memref<1x40x64xi32, #tpu.memory_space<hbm>> -> memref<40x64xi32, #tpu.memory_space<hbm>>
      tpu.enqueue_dma source(%dma_start3A_318 : memref<40x64xi32, #tpu.memory_space<hbm>>) target(%arg10 : memref<40x64xi32, #tpu.memory_space<vmem>>) target_semaphore(%run_scoped3A : memref<!tpu.dma_semaphore, #tpu.memory_space<semaphore_mem>>)
      %dma_wait3A_319 = arith.constant 40 : i32
      %dma_wait3A_320 = arith.constant 0 : i32
      %dma_wait3A_321 = tpu.memref_slice %arg2[%add3A, %dma_wait3A_319, %dma_wait3A_320] : memref<32x160x64xi32, #tpu.memory_space<hbm>> -> memref<1x40x64xi32, #tpu.memory_space<hbm>>
      %dma_wait3A_322 = tpu.memref_squeeze %dma_wait3A_321 : memref<1x40x64xi32, #tpu.memory_space<hbm>> -> memref<40x64xi32, #tpu.memory_space<hbm>>
      %dma_wait3A_323 = arith.constant 40 : i32
      %dma_wait3A_324 = arith.constant 0 : i32
      %dma_wait3A_325 = tpu.memref_slice %arg2[%add3A, %dma_wait3A_323, %dma_wait3A_324] : memref<32x160x64xi32, #tpu.memory_space<hbm>> -> memref<1x40x64xi32, #tpu.memory_space<hbm>>
      %dma_wait3A_326 = tpu.memref_squeeze %dma_wait3A_325 : memref<1x40x64xi32, #tpu.memory_space<hbm>> -> memref<40x64xi32, #tpu.memory_space<hbm>>
      tpu.wait_dma2 semaphore(%run_scoped3A : memref<!tpu.dma_semaphore, #tpu.memory_space<semaphore_mem>>) src(%dma_wait3A_326 : memref<40x64xi32, #tpu.memory_space<hbm>>) dst(%arg10 : memref<40x64xi32, #tpu.memory_space<vmem>>)
      tpu.yield
    }) : () -> ()
    "tpu.region"() ({
      %run_scoped3A = tpu.sem_alloc : memref<!tpu.dma_semaphore, #tpu.memory_space<semaphore_mem>>
      %dma_start3A_311 = arith.constant 40 : i32
      %dma_start3A_312 = arith.constant 0 : i32
      %dma_start3A_313 = tpu.memref_slice %arg3[%add3A, %dma_start3A_311, %dma_start3A_312] : memref<32x160x64xi32, #tpu.memory_space<hbm>> -> memref<1x40x64xi32, #tpu.memory_space<hbm>>
      %dma_start3A_314 = tpu.memref_squeeze %dma_start3A_313 : memref<1x40x64xi32, #tpu.memory_space<hbm>> -> memref<40x64xi32, #tpu.memory_space<hbm>>
      %dma_start3A_315 = arith.constant 40 : i32
      %dma_start3A_316 = arith.constant 0 : i32
      %dma_start3A_317 = tpu.memref_slice %arg3[%add3A, %dma_start3A_315, %dma_start3A_316] : memref<32x160x64xi32, #tpu.memory_space<hbm>> -> memref<1x40x64xi32, #tpu.memory_space<hbm>>
      %dma_start3A_318 = tpu.memref_squeeze %dma_start3A_317 : memref<1x40x64xi32, #tpu.memory_space<hbm>> -> memref<40x64xi32, #tpu.memory_space<hbm>>
      tpu.enqueue_dma source(%dma_start3A_318 : memref<40x64xi32, #tpu.memory_space<hbm>>) target(%arg11 : memref<40x64xi32, #tpu.memory_space<vmem>>) target_semaphore(%run_scoped3A : memref<!tpu.dma_semaphore, #tpu.memory_space<semaphore_mem>>)
      %dma_wait3A_319 = arith.constant 40 : i32
      %dma_wait3A_320 = arith.constant 0 : i32
      %dma_wait3A_321 = tpu.memref_slice %arg3[%add3A, %dma_wait3A_319, %dma_wait3A_320] : memref<32x160x64xi32, #tpu.memory_space<hbm>> -> memref<1x40x64xi32, #tpu.memory_space<hbm>>
      %dma_wait3A_322 = tpu.memref_squeeze %dma_wait3A_321 : memref<1x40x64xi32, #tpu.memory_space<hbm>> -> memref<40x64xi32, #tpu.memory_space<hbm>>
      %dma_wait3A_323 = arith.constant 40 : i32
      %dma_wait3A_324 = arith.constant 0 : i32
      %dma_wait3A_325 = tpu.memref_slice %arg3[%add3A, %dma_wait3A_323, %dma_wait3A_324] : memref<32x160x64xi32, #tpu.memory_space<hbm>> -> memref<1x40x64xi32, #tpu.memory_space<hbm>>
      %dma_wait3A_326 = tpu.memref_squeeze %dma_wait3A_325 : memref<1x40x64xi32, #tpu.memory_space<hbm>> -> memref<40x64xi32, #tpu.memory_space<hbm>>
      tpu.wait_dma2 semaphore(%run_scoped3A : memref<!tpu.dma_semaphore, #tpu.memory_space<semaphore_mem>>) src(%dma_wait3A_326 : memref<40x64xi32, #tpu.memory_space<hbm>>) dst(%arg11 : memref<40x64xi32, #tpu.memory_space<vmem>>)
      tpu.yield
    }) : () -> ()
    %dma_start3A_80 = arith.constant 0 : i32
    %dma_start3A_81 = arith.constant 0 : i32
    %dma_start3A_82 = arith.constant 0 : i32
    %dma_start3A_83 = tpu.memref_slice %arg16[%dma_start3A_81, %dma_start3A_82] : memref<40x64xf32, #tpu.memory_space<vmem>> -> memref<1x64xf32, #tpu.memory_space<vmem>>
    %dma_start3A_84 = tpu.memref_squeeze %dma_start3A_83 : memref<1x64xf32, #tpu.memory_space<vmem>> -> memref<64xf32, #tpu.memory_space<vmem>>
    %dma_start3A_85 = arith.constant 0 : i32
    %dma_start3A_86 = tpu.memref_slice %arg11[%dma_start3A_80, %dma_start3A_85] : memref<40x64xi32, #tpu.memory_space<vmem>> -> memref<1x64xi32, #tpu.memory_space<vmem>>
    %dma_start3A_87 = tpu.memref_squeeze %dma_start3A_86 : memref<1x64xi32, #tpu.memory_space<vmem>> -> memref<64xi32, #tpu.memory_space<vmem>>
    %dma_start3A_88 = arith.constant 0 : i32
    %dma_start3A_89 = tpu.memref_slice %arg5[%dma_start3A_88] : memref<10240xf32, #tpu.memory_space<hbm>> -> memref<10240xf32, #tpu.memory_space<hbm>>
    tpu.enqueue_indirect_dma source(%dma_start3A_89 : memref<10240xf32, #tpu.memory_space<hbm>>) target(%dma_start3A_84 : memref<64xf32, #tpu.memory_space<vmem>>) offsets(%dma_start3A_87 : memref<64xi32, #tpu.memory_space<vmem>>) semaphore(%arg27 : memref<!tpu.dma_semaphore, #tpu.memory_space<semaphore_mem>>)
    %dma_start3A_90 = arith.constant 0 : i32
    %dma_start3A_91 = arith.constant 0 : i32
    %dma_start3A_92 = tpu.memref_slice %arg10[%dma_start3A_90, %dma_start3A_91] : memref<40x64xi32, #tpu.memory_space<vmem>> -> memref<1x64xi32, #tpu.memory_space<vmem>>
    %dma_start3A_93 = tpu.memref_squeeze %dma_start3A_92 : memref<1x64xi32, #tpu.memory_space<vmem>> -> memref<64xi32, #tpu.memory_space<vmem>>
    %dma_start3A_94 = arith.constant 0 : i32
    %dma_start3A_95 = arith.constant 0 : i32
    %dma_start3A_96 = tpu.memref_slice %arg4[%dma_start3A_94, %dma_start3A_95] : memref<10240x128xf32, #tpu.memory_space<hbm>> -> memref<10240x128xf32, #tpu.memory_space<hbm>>
    tpu.enqueue_indirect_dma source(%dma_start3A_96 : memref<10240x128xf32, #tpu.memory_space<hbm>>) target(%arg12 : memref<64x128xf32, #tpu.memory_space<vmem>>) offsets(%dma_start3A_93 : memref<64xi32, #tpu.memory_space<vmem>>) semaphore(%arg19 : memref<!tpu.dma_semaphore, #tpu.memory_space<semaphore_mem>>)
    %dma_start3A_97 = arith.constant 1 : i32
    %dma_start3A_98 = arith.constant 1 : i32
    %dma_start3A_99 = arith.constant 0 : i32
    %dma_start3A_100 = tpu.memref_slice %arg16[%dma_start3A_98, %dma_start3A_99] : memref<40x64xf32, #tpu.memory_space<vmem>> -> memref<1x64xf32, #tpu.memory_space<vmem>>
    %dma_start3A_101 = tpu.memref_squeeze %dma_start3A_100 : memref<1x64xf32, #tpu.memory_space<vmem>> -> memref<64xf32, #tpu.memory_space<vmem>>
    %dma_start3A_102 = arith.constant 0 : i32
    %dma_start3A_103 = tpu.memref_slice %arg11[%dma_start3A_97, %dma_start3A_102] : memref<40x64xi32, #tpu.memory_space<vmem>> -> memref<1x64xi32, #tpu.memory_space<vmem>>
    %dma_start3A_104 = tpu.memref_squeeze %dma_start3A_103 : memref<1x64xi32, #tpu.memory_space<vmem>> -> memref<64xi32, #tpu.memory_space<vmem>>
    %dma_start3A_105 = arith.constant 0 : i32
    %dma_start3A_106 = tpu.memref_slice %arg5[%dma_start3A_105] : memref<10240xf32, #tpu.memory_space<hbm>> -> memref<10240xf32, #tpu.memory_space<hbm>>
    tpu.enqueue_indirect_dma source(%dma_start3A_106 : memref<10240xf32, #tpu.memory_space<hbm>>) target(%dma_start3A_101 : memref<64xf32, #tpu.memory_space<vmem>>) offsets(%dma_start3A_104 : memref<64xi32, #tpu.memory_space<vmem>>) semaphore(%arg28 : memref<!tpu.dma_semaphore, #tpu.memory_space<semaphore_mem>>)
    %dma_start3A_107 = arith.constant 1 : i32
    %dma_start3A_108 = arith.constant 0 : i32
    %dma_start3A_109 = tpu.memref_slice %arg10[%dma_start3A_107, %dma_start3A_108] : memref<40x64xi32, #tpu.memory_space<vmem>> -> memref<1x64xi32, #tpu.memory_space<vmem>>
    %dma_start3A_110 = tpu.memref_squeeze %dma_start3A_109 : memref<1x64xi32, #tpu.memory_space<vmem>> -> memref<64xi32, #tpu.memory_space<vmem>>
    %dma_start3A_111 = arith.constant 0 : i32
    %dma_start3A_112 = arith.constant 0 : i32
    %dma_start3A_113 = tpu.memref_slice %arg4[%dma_start3A_111, %dma_start3A_112] : memref<10240x128xf32, #tpu.memory_space<hbm>> -> memref<10240x128xf32, #tpu.memory_space<hbm>>
    tpu.enqueue_indirect_dma source(%dma_start3A_113 : memref<10240x128xf32, #tpu.memory_space<hbm>>) target(%arg13 : memref<64x128xf32, #tpu.memory_space<vmem>>) offsets(%dma_start3A_110 : memref<64xi32, #tpu.memory_space<vmem>>) semaphore(%arg20 : memref<!tpu.dma_semaphore, #tpu.memory_space<semaphore_mem>>)
    %scan3A_114 = arith.constant 0 : i32
    %scan3A_115 = arith.constant 0 : i32
    %scan3A_116 = arith.constant 10 : i32
    %scan3A_117 = arith.addi %scan3A_115, %scan3A_116 : i32
    %scan3A_118 = arith.constant 1 : i32
    scf.for %scan3A_311 = %scan3A_115 to %scan3A_117 step %scan3A_118  : i32 {
      %mul3A_312 = arith.constant 4 : i32
      %mul3A_313 = arith.muli %mul3A_312, %scan3A_311 : i32
      %add3A_314 = arith.constant 0 : i32
      %add3A_315 = arith.addi %mul3A_313, %add3A_314 : i32
      %dma_wait3A_316 = arith.constant 0 : i32
      %dma_wait3A_317 = tpu.memref_slice %arg16[%add3A_315, %dma_wait3A_316] : memref<40x64xf32, #tpu.memory_space<vmem>> -> memref<1x64xf32, #tpu.memory_space<vmem>>
      %dma_wait3A_318 = tpu.memref_squeeze %dma_wait3A_317 : memref<1x64xf32, #tpu.memory_space<vmem>> -> memref<64xf32, #tpu.memory_space<vmem>>
      %dma_wait3A_319 = arith.constant 0 : i32
      %dma_wait3A_320 = tpu.memref_slice %arg11[%add3A_315, %dma_wait3A_319] : memref<40x64xi32, #tpu.memory_space<vmem>> -> memref<1x64xi32, #tpu.memory_space<vmem>>
      %dma_wait3A_321 = tpu.memref_squeeze %dma_wait3A_320 : memref<1x64xi32, #tpu.memory_space<vmem>> -> memref<64xi32, #tpu.memory_space<vmem>>
      %dma_wait3A_322 = arith.constant 0 : i32
      %dma_wait3A_323 = tpu.memref_slice %arg5[%dma_wait3A_322] : memref<10240xf32, #tpu.memory_space<hbm>> -> memref<10240xf32, #tpu.memory_space<hbm>>
      tpu.wait_indirect_dma semaphore(%arg27 : memref<!tpu.dma_semaphore, #tpu.memory_space<semaphore_mem>>) src(%dma_wait3A_323 : memref<10240xf32, #tpu.memory_space<hbm>>) dst(%dma_wait3A_318 : memref<64xf32, #tpu.memory_space<vmem>>)
      %dma_start3A_324 = arith.constant 0 : i32
      %dma_start3A_325 = tpu.memref_slice %arg16[%add3A_315, %dma_start3A_324] : memref<40x64xf32, #tpu.memory_space<vmem>> -> memref<1x64xf32, #tpu.memory_space<vmem>>
      %dma_start3A_326 = tpu.memref_squeeze %dma_start3A_325 : memref<1x64xf32, #tpu.memory_space<vmem>> -> memref<64xf32, #tpu.memory_space<vmem>>
      %dma_start3A_327 = arith.constant 0 : i32
      %dma_start3A_328 = tpu.memref_slice %arg10[%add3A_315, %dma_start3A_327] : memref<40x64xi32, #tpu.memory_space<vmem>> -> memref<1x64xi32, #tpu.memory_space<vmem>>
      %dma_start3A_329 = tpu.memref_squeeze %dma_start3A_328 : memref<1x64xi32, #tpu.memory_space<vmem>> -> memref<64xi32, #tpu.memory_space<vmem>>
      %dma_start3A_330 = arith.constant 0 : i32
      %dma_start3A_331 = tpu.memref_slice %arg18[%dma_start3A_330] : memref<10240xf32, #tpu.memory_space<vmem_shared>> -> memref<10240xf32, #tpu.memory_space<vmem_shared>>
      tpu.enqueue_indirect_dma source(%dma_start3A_326 : memref<64xf32, #tpu.memory_space<vmem>>) target(%dma_start3A_331 : memref<10240xf32, #tpu.memory_space<vmem_shared>>) offsets(%dma_start3A_329 : memref<64xi32, #tpu.memory_space<vmem>>) semaphore(%arg29 : memref<!tpu.dma_semaphore, #tpu.memory_space<semaphore_mem>>) {add = true}
      %add3A_332 = arith.constant 2 : i32
      %add3A_333 = arith.addi %add3A_315, %add3A_332 : i32
      %lt3A = arith.constant 40 : i32
      %lt3A_334 = arith.cmpi slt, %add3A_333, %lt3A : i32
      %convert_element_type3A = arith.extui %lt3A_334 : i1 to i32
      %cond3A = arith.constant 0 : i32
      %cond3A_335 = arith.cmpi ne, %convert_element_type3A, %cond3A : i32
      scf.if %cond3A_335 {
        %add3A_493 = arith.constant 2 : i32
        %add3A_494 = arith.addi %add3A_315, %add3A_493 : i32
        %add3A_495 = arith.constant 2 : i32
        %add3A_496 = arith.addi %add3A_315, %add3A_495 : i32
        %dma_start3A_497 = arith.constant 0 : i32
        %dma_start3A_498 = tpu.memref_slice %arg16[%add3A_496, %dma_start3A_497] : memref<40x64xf32, #tpu.memory_space<vmem>> -> memref<1x64xf32, #tpu.memory_space<vmem>>
        %dma_start3A_499 = tpu.memref_squeeze %dma_start3A_498 : memref<1x64xf32, #tpu.memory_space<vmem>> -> memref<64xf32, #tpu.memory_space<vmem>>
        %dma_start3A_500 = arith.constant 0 : i32
        %dma_start3A_501 = tpu.memref_slice %arg11[%add3A_494, %dma_start3A_500] : memref<40x64xi32, #tpu.memory_space<vmem>> -> memref<1x64xi32, #tpu.memory_space<vmem>>
        %dma_start3A_502 = tpu.memref_squeeze %dma_start3A_501 : memref<1x64xi32, #tpu.memory_space<vmem>> -> memref<64xi32, #tpu.memory_space<vmem>>
        %dma_start3A_503 = arith.constant 0 : i32
        %dma_start3A_504 = tpu.memref_slice %arg5[%dma_start3A_503] : memref<10240xf32, #tpu.memory_space<hbm>> -> memref<10240xf32, #tpu.memory_space<hbm>>
        tpu.enqueue_indirect_dma source(%dma_start3A_504 : memref<10240xf32, #tpu.memory_space<hbm>>) target(%dma_start3A_499 : memref<64xf32, #tpu.memory_space<vmem>>) offsets(%dma_start3A_502 : memref<64xi32, #tpu.memory_space<vmem>>) semaphore(%arg27 : memref<!tpu.dma_semaphore, #tpu.memory_space<semaphore_mem>>)
      } else {
      }
      %dma_wait3A_336 = arith.constant 0 : i32
      %dma_wait3A_337 = tpu.memref_slice %arg10[%add3A_315, %dma_wait3A_336] : memref<40x64xi32, #tpu.memory_space<vmem>> -> memref<1x64xi32, #tpu.memory_space<vmem>>
      %dma_wait3A_338 = tpu.memref_squeeze %dma_wait3A_337 : memref<1x64xi32, #tpu.memory_space<vmem>> -> memref<64xi32, #tpu.memory_space<vmem>>
      %dma_wait3A_339 = arith.constant 0 : i32
      %dma_wait3A_340 = arith.constant 0 : i32
      %dma_wait3A_341 = tpu.memref_slice %arg4[%dma_wait3A_339, %dma_wait3A_340] : memref<10240x128xf32, #tpu.memory_space<hbm>> -> memref<10240x128xf32, #tpu.memory_space<hbm>>
      tpu.wait_indirect_dma semaphore(%arg19 : memref<!tpu.dma_semaphore, #tpu.memory_space<semaphore_mem>>) src(%dma_wait3A_341 : memref<10240x128xf32, #tpu.memory_space<hbm>>) dst(%arg12 : memref<64x128xf32, #tpu.memory_space<vmem>>)
      %dma_start3A_342 = arith.constant 0 : i32
      %dma_start3A_343 = tpu.memref_slice %arg11[%add3A_315, %dma_start3A_342] : memref<40x64xi32, #tpu.memory_space<vmem>> -> memref<1x64xi32, #tpu.memory_space<vmem>>
      %dma_start3A_344 = tpu.memref_squeeze %dma_start3A_343 : memref<1x64xi32, #tpu.memory_space<vmem>> -> memref<64xi32, #tpu.memory_space<vmem>>
      %dma_start3A_345 = arith.constant 0 : i32
      %dma_start3A_346 = arith.constant 0 : i32
      %dma_start3A_347 = tpu.memref_slice %arg17[%dma_start3A_345, %dma_start3A_346] : memref<10112x128xf32, #tpu.memory_space<vmem_shared>> -> memref<10112x128xf32, #tpu.memory_space<vmem_shared>>
      tpu.enqueue_indirect_dma source(%arg12 : memref<64x128xf32, #tpu.memory_space<vmem>>) target(%dma_start3A_347 : memref<10112x128xf32, #tpu.memory_space<vmem_shared>>) offsets(%dma_start3A_344 : memref<64xi32, #tpu.memory_space<vmem>>) semaphore(%arg23 : memref<!tpu.dma_semaphore, #tpu.memory_space<semaphore_mem>>) {add = true}
      %add3A_348 = arith.constant 2 : i32
      %add3A_349 = arith.addi %add3A_315, %add3A_348 : i32
      %lt3A_350 = arith.constant 40 : i32
      %lt3A_351 = arith.cmpi slt, %add3A_349, %lt3A_350 : i32
      %convert_element_type3A_352 = arith.extui %lt3A_351 : i1 to i32
      %cond3A_353 = arith.constant 0 : i32
      %cond3A_354 = arith.cmpi ne, %convert_element_type3A_352, %cond3A_353 : i32
      scf.if %cond3A_354 {
        %ge3A = arith.constant 2 : i32
        %ge3A_493 = arith.cmpi sge, %add3A_315, %ge3A : i32
        %convert_element_type3A_494 = arith.extui %ge3A_493 : i1 to i32
        %cond3A_495 = arith.constant 0 : i32
        %cond3A_496 = arith.cmpi ne, %convert_element_type3A_494, %cond3A_495 : i32
        scf.if %cond3A_496 {
          %dma_wait3A_505 = arith.constant 0 : i32
          %dma_wait3A_506 = tpu.memref_slice %arg11[%add3A_315, %dma_wait3A_505] : memref<40x64xi32, #tpu.memory_space<vmem>> -> memref<1x64xi32, #tpu.memory_space<vmem>>
          %dma_wait3A_507 = tpu.memref_squeeze %dma_wait3A_506 : memref<1x64xi32, #tpu.memory_space<vmem>> -> memref<64xi32, #tpu.memory_space<vmem>>
          %dma_wait3A_508 = arith.constant 0 : i32
          %dma_wait3A_509 = arith.constant 0 : i32
          %dma_wait3A_510 = tpu.memref_slice %arg17[%dma_wait3A_508, %dma_wait3A_509] : memref<10112x128xf32, #tpu.memory_space<vmem_shared>> -> memref<10112x128xf32, #tpu.memory_space<vmem_shared>>
          tpu.wait_indirect_dma semaphore(%arg25 : memref<!tpu.dma_semaphore, #tpu.memory_space<semaphore_mem>>) src(%arg14 : memref<64x128xf32, #tpu.memory_space<vmem>>) dst(%dma_wait3A_510 : memref<10112x128xf32, #tpu.memory_space<vmem_shared>>)
        } else {
        }
        %add3A_497 = arith.constant 2 : i32
        %add3A_498 = arith.addi %add3A_315, %add3A_497 : i32
        %dma_start3A_499 = arith.constant 0 : i32
        %dma_start3A_500 = tpu.memref_slice %arg10[%add3A_498, %dma_start3A_499] : memref<40x64xi32, #tpu.memory_space<vmem>> -> memref<1x64xi32, #tpu.memory_space<vmem>>
        %dma_start3A_501 = tpu.memref_squeeze %dma_start3A_500 : memref<1x64xi32, #tpu.memory_space<vmem>> -> memref<64xi32, #tpu.memory_space<vmem>>
        %dma_start3A_502 = arith.constant 0 : i32
        %dma_start3A_503 = arith.constant 0 : i32
        %dma_start3A_504 = tpu.memref_slice %arg4[%dma_start3A_502, %dma_start3A_503] : memref<10240x128xf32, #tpu.memory_space<hbm>> -> memref<10240x128xf32, #tpu.memory_space<hbm>>
        tpu.enqueue_indirect_dma source(%dma_start3A_504 : memref<10240x128xf32, #tpu.memory_space<hbm>>) target(%arg14 : memref<64x128xf32, #tpu.memory_space<vmem>>) offsets(%dma_start3A_501 : memref<64xi32, #tpu.memory_space<vmem>>) semaphore(%arg21 : memref<!tpu.dma_semaphore, #tpu.memory_space<semaphore_mem>>)
      } else {
      }
      %mul3A_355 = arith.constant 4 : i32
      %mul3A_356 = arith.muli %mul3A_355, %scan3A_311 : i32
      %add3A_357 = arith.constant 1 : i32
      %add3A_358 = arith.addi %mul3A_356, %add3A_357 : i32
      %dma_wait3A_359 = arith.constant 0 : i32
      %dma_wait3A_360 = tpu.memref_slice %arg16[%add3A_358, %dma_wait3A_359] : memref<40x64xf32, #tpu.memory_space<vmem>> -> memref<1x64xf32, #tpu.memory_space<vmem>>
      %dma_wait3A_361 = tpu.memref_squeeze %dma_wait3A_360 : memref<1x64xf32, #tpu.memory_space<vmem>> -> memref<64xf32, #tpu.memory_space<vmem>>
      %dma_wait3A_362 = arith.constant 0 : i32
      %dma_wait3A_363 = tpu.memref_slice %arg11[%add3A_358, %dma_wait3A_362] : memref<40x64xi32, #tpu.memory_space<vmem>> -> memref<1x64xi32, #tpu.memory_space<vmem>>
      %dma_wait3A_364 = tpu.memref_squeeze %dma_wait3A_363 : memref<1x64xi32, #tpu.memory_space<vmem>> -> memref<64xi32, #tpu.memory_space<vmem>>
      %dma_wait3A_365 = arith.constant 0 : i32
      %dma_wait3A_366 = tpu.memref_slice %arg5[%dma_wait3A_365] : memref<10240xf32, #tpu.memory_space<hbm>> -> memref<10240xf32, #tpu.memory_space<hbm>>
      tpu.wait_indirect_dma semaphore(%arg28 : memref<!tpu.dma_semaphore, #tpu.memory_space<semaphore_mem>>) src(%dma_wait3A_366 : memref<10240xf32, #tpu.memory_space<hbm>>) dst(%dma_wait3A_361 : memref<64xf32, #tpu.memory_space<vmem>>)
      %dma_start3A_367 = arith.constant 0 : i32
      %dma_start3A_368 = tpu.memref_slice %arg16[%add3A_358, %dma_start3A_367] : memref<40x64xf32, #tpu.memory_space<vmem>> -> memref<1x64xf32, #tpu.memory_space<vmem>>
      %dma_start3A_369 = tpu.memref_squeeze %dma_start3A_368 : memref<1x64xf32, #tpu.memory_space<vmem>> -> memref<64xf32, #tpu.memory_space<vmem>>
      %dma_start3A_370 = arith.constant 0 : i32
      %dma_start3A_371 = tpu.memref_slice %arg10[%add3A_358, %dma_start3A_370] : memref<40x64xi32, #tpu.memory_space<vmem>> -> memref<1x64xi32, #tpu.memory_space<vmem>>
      %dma_start3A_372 = tpu.memref_squeeze %dma_start3A_371 : memref<1x64xi32, #tpu.memory_space<vmem>> -> memref<64xi32, #tpu.memory_space<vmem>>
      %dma_start3A_373 = arith.constant 0 : i32
      %dma_start3A_374 = tpu.memref_slice %arg18[%dma_start3A_373] : memref<10240xf32, #tpu.memory_space<vmem_shared>> -> memref<10240xf32, #tpu.memory_space<vmem_shared>>
      tpu.enqueue_indirect_dma source(%dma_start3A_369 : memref<64xf32, #tpu.memory_space<vmem>>) target(%dma_start3A_374 : memref<10240xf32, #tpu.memory_space<vmem_shared>>) offsets(%dma_start3A_372 : memref<64xi32, #tpu.memory_space<vmem>>) semaphore(%arg29 : memref<!tpu.dma_semaphore, #tpu.memory_space<semaphore_mem>>) {add = true}
      %add3A_375 = arith.constant 2 : i32
      %add3A_376 = arith.addi %add3A_358, %add3A_375 : i32
      %lt3A_377 = arith.constant 40 : i32
      %lt3A_378 = arith.cmpi slt, %add3A_376, %lt3A_377 : i32
      %convert_element_type3A_379 = arith.extui %lt3A_378 : i1 to i32
      %cond3A_380 = arith.constant 0 : i32
      %cond3A_381 = arith.cmpi ne, %convert_element_type3A_379, %cond3A_380 : i32
      scf.if %cond3A_381 {
        %add3A_493 = arith.constant 2 : i32
        %add3A_494 = arith.addi %add3A_358, %add3A_493 : i32
        %add3A_495 = arith.constant 2 : i32
        %add3A_496 = arith.addi %add3A_358, %add3A_495 : i32
        %dma_start3A_497 = arith.constant 0 : i32
        %dma_start3A_498 = tpu.memref_slice %arg16[%add3A_496, %dma_start3A_497] : memref<40x64xf32, #tpu.memory_space<vmem>> -> memref<1x64xf32, #tpu.memory_space<vmem>>
        %dma_start3A_499 = tpu.memref_squeeze %dma_start3A_498 : memref<1x64xf32, #tpu.memory_space<vmem>> -> memref<64xf32, #tpu.memory_space<vmem>>
        %dma_start3A_500 = arith.constant 0 : i32
        %dma_start3A_501 = tpu.memref_slice %arg11[%add3A_494, %dma_start3A_500] : memref<40x64xi32, #tpu.memory_space<vmem>> -> memref<1x64xi32, #tpu.memory_space<vmem>>
        %dma_start3A_502 = tpu.memref_squeeze %dma_start3A_501 : memref<1x64xi32, #tpu.memory_space<vmem>> -> memref<64xi32, #tpu.memory_space<vmem>>
        %dma_start3A_503 = arith.constant 0 : i32
        %dma_start3A_504 = tpu.memref_slice %arg5[%dma_start3A_503] : memref<10240xf32, #tpu.memory_space<hbm>> -> memref<10240xf32, #tpu.memory_space<hbm>>
        tpu.enqueue_indirect_dma source(%dma_start3A_504 : memref<10240xf32, #tpu.memory_space<hbm>>) target(%dma_start3A_499 : memref<64xf32, #tpu.memory_space<vmem>>) offsets(%dma_start3A_502 : memref<64xi32, #tpu.memory_space<vmem>>) semaphore(%arg28 : memref<!tpu.dma_semaphore, #tpu.memory_space<semaphore_mem>>)
      } else {
      }
      %dma_wait3A_382 = arith.constant 0 : i32
      %dma_wait3A_383 = tpu.memref_slice %arg10[%add3A_358, %dma_wait3A_382] : memref<40x64xi32, #tpu.memory_space<vmem>> -> memref<1x64xi32, #tpu.memory_space<vmem>>
      %dma_wait3A_384 = tpu.memref_squeeze %dma_wait3A_383 : memref<1x64xi32, #tpu.memory_space<vmem>> -> memref<64xi32, #tpu.memory_space<vmem>>
      %dma_wait3A_385 = arith.constant 0 : i32
      %dma_wait3A_386 = arith.constant 0 : i32
      %dma_wait3A_387 = tpu.memref_slice %arg4[%dma_wait3A_385, %dma_wait3A_386] : memref<10240x128xf32, #tpu.memory_space<hbm>> -> memref<10240x128xf32, #tpu.memory_space<hbm>>
      tpu.wait_indirect_dma semaphore(%arg20 : memref<!tpu.dma_semaphore, #tpu.memory_space<semaphore_mem>>) src(%dma_wait3A_387 : memref<10240x128xf32, #tpu.memory_space<hbm>>) dst(%arg13 : memref<64x128xf32, #tpu.memory_space<vmem>>)
      %dma_start3A_388 = arith.constant 0 : i32
      %dma_start3A_389 = tpu.memref_slice %arg11[%add3A_358, %dma_start3A_388] : memref<40x64xi32, #tpu.memory_space<vmem>> -> memref<1x64xi32, #tpu.memory_space<vmem>>
      %dma_start3A_390 = tpu.memref_squeeze %dma_start3A_389 : memref<1x64xi32, #tpu.memory_space<vmem>> -> memref<64xi32, #tpu.memory_space<vmem>>
      %dma_start3A_391 = arith.constant 0 : i32
      %dma_start3A_392 = arith.constant 0 : i32
      %dma_start3A_393 = tpu.memref_slice %arg17[%dma_start3A_391, %dma_start3A_392] : memref<10112x128xf32, #tpu.memory_space<vmem_shared>> -> memref<10112x128xf32, #tpu.memory_space<vmem_shared>>
      tpu.enqueue_indirect_dma source(%arg13 : memref<64x128xf32, #tpu.memory_space<vmem>>) target(%dma_start3A_393 : memref<10112x128xf32, #tpu.memory_space<vmem_shared>>) offsets(%dma_start3A_390 : memref<64xi32, #tpu.memory_space<vmem>>) semaphore(%arg24 : memref<!tpu.dma_semaphore, #tpu.memory_space<semaphore_mem>>) {add = true}
      %add3A_394 = arith.constant 2 : i32
      %add3A_395 = arith.addi %add3A_358, %add3A_394 : i32
      %lt3A_396 = arith.constant 40 : i32
      %lt3A_397 = arith.cmpi slt, %add3A_395, %lt3A_396 : i32
      %convert_element_type3A_398 = arith.extui %lt3A_397 : i1 to i32
      %cond3A_399 = arith.constant 0 : i32
      %cond3A_400 = arith.cmpi ne, %convert_element_type3A_398, %cond3A_399 : i32
      scf.if %cond3A_400 {
        %ge3A = arith.constant 2 : i32
        %ge3A_493 = arith.cmpi sge, %add3A_358, %ge3A : i32
        %convert_element_type3A_494 = arith.extui %ge3A_493 : i1 to i32
        %cond3A_495 = arith.constant 0 : i32
        %cond3A_496 = arith.cmpi ne, %convert_element_type3A_494, %cond3A_495 : i32
        scf.if %cond3A_496 {
          %dma_wait3A_505 = arith.constant 0 : i32
          %dma_wait3A_506 = tpu.memref_slice %arg11[%add3A_358, %dma_wait3A_505] : memref<40x64xi32, #tpu.memory_space<vmem>> -> memref<1x64xi32, #tpu.memory_space<vmem>>
          %dma_wait3A_507 = tpu.memref_squeeze %dma_wait3A_506 : memref<1x64xi32, #tpu.memory_space<vmem>> -> memref<64xi32, #tpu.memory_space<vmem>>
          %dma_wait3A_508 = arith.constant 0 : i32
          %dma_wait3A_509 = arith.constant 0 : i32
          %dma_wait3A_510 = tpu.memref_slice %arg17[%dma_wait3A_508, %dma_wait3A_509] : memref<10112x128xf32, #tpu.memory_space<vmem_shared>> -> memref<10112x128xf32, #tpu.memory_space<vmem_shared>>
          tpu.wait_indirect_dma semaphore(%arg26 : memref<!tpu.dma_semaphore, #tpu.memory_space<semaphore_mem>>) src(%arg15 : memref<64x128xf32, #tpu.memory_space<vmem>>) dst(%dma_wait3A_510 : memref<10112x128xf32, #tpu.memory_space<vmem_shared>>)
        } else {
        }
        %add3A_497 = arith.constant 2 : i32
        %add3A_498 = arith.addi %add3A_358, %add3A_497 : i32
        %dma_start3A_499 = arith.constant 0 : i32
        %dma_start3A_500 = tpu.memref_slice %arg10[%add3A_498, %dma_start3A_499] : memref<40x64xi32, #tpu.memory_space<vmem>> -> memref<1x64xi32, #tpu.memory_space<vmem>>
        %dma_start3A_501 = tpu.memref_squeeze %dma_start3A_500 : memref<1x64xi32, #tpu.memory_space<vmem>> -> memref<64xi32, #tpu.memory_space<vmem>>
        %dma_start3A_502 = arith.constant 0 : i32
        %dma_start3A_503 = arith.constant 0 : i32
        %dma_start3A_504 = tpu.memref_slice %arg4[%dma_start3A_502, %dma_start3A_503] : memref<10240x128xf32, #tpu.memory_space<hbm>> -> memref<10240x128xf32, #tpu.memory_space<hbm>>
        tpu.enqueue_indirect_dma source(%dma_start3A_504 : memref<10240x128xf32, #tpu.memory_space<hbm>>) target(%arg15 : memref<64x128xf32, #tpu.memory_space<vmem>>) offsets(%dma_start3A_501 : memref<64xi32, #tpu.memory_space<vmem>>) semaphore(%arg22 : memref<!tpu.dma_semaphore, #tpu.memory_space<semaphore_mem>>)
      } else {
      }
      %mul3A_401 = arith.constant 4 : i32
      %mul3A_402 = arith.muli %mul3A_401, %scan3A_311 : i32
      %add3A_403 = arith.constant 2 : i32
      %add3A_404 = arith.addi %mul3A_402, %add3A_403 : i32
      %dma_wait3A_405 = arith.constant 0 : i32
      %dma_wait3A_406 = tpu.memref_slice %arg16[%add3A_404, %dma_wait3A_405] : memref<40x64xf32, #tpu.memory_space<vmem>> -> memref<1x64xf32, #tpu.memory_space<vmem>>
      %dma_wait3A_407 = tpu.memref_squeeze %dma_wait3A_406 : memref<1x64xf32, #tpu.memory_space<vmem>> -> memref<64xf32, #tpu.memory_space<vmem>>
      %dma_wait3A_408 = arith.constant 0 : i32
      %dma_wait3A_409 = tpu.memref_slice %arg11[%add3A_404, %dma_wait3A_408] : memref<40x64xi32, #tpu.memory_space<vmem>> -> memref<1x64xi32, #tpu.memory_space<vmem>>
      %dma_wait3A_410 = tpu.memref_squeeze %dma_wait3A_409 : memref<1x64xi32, #tpu.memory_space<vmem>> -> memref<64xi32, #tpu.memory_space<vmem>>
      %dma_wait3A_411 = arith.constant 0 : i32
      %dma_wait3A_412 = tpu.memref_slice %arg5[%dma_wait3A_411] : memref<10240xf32, #tpu.memory_space<hbm>> -> memref<10240xf32, #tpu.memory_space<hbm>>
      tpu.wait_indirect_dma semaphore(%arg27 : memref<!tpu.dma_semaphore, #tpu.memory_space<semaphore_mem>>) src(%dma_wait3A_412 : memref<10240xf32, #tpu.memory_space<hbm>>) dst(%dma_wait3A_407 : memref<64xf32, #tpu.memory_space<vmem>>)
      %dma_start3A_413 = arith.constant 0 : i32
      %dma_start3A_414 = tpu.memref_slice %arg16[%add3A_404, %dma_start3A_413] : memref<40x64xf32, #tpu.memory_space<vmem>> -> memref<1x64xf32, #tpu.memory_space<vmem>>
      %dma_start3A_415 = tpu.memref_squeeze %dma_start3A_414 : memref<1x64xf32, #tpu.memory_space<vmem>> -> memref<64xf32, #tpu.memory_space<vmem>>
      %dma_start3A_416 = arith.constant 0 : i32
      %dma_start3A_417 = tpu.memref_slice %arg10[%add3A_404, %dma_start3A_416] : memref<40x64xi32, #tpu.memory_space<vmem>> -> memref<1x64xi32, #tpu.memory_space<vmem>>
      %dma_start3A_418 = tpu.memref_squeeze %dma_start3A_417 : memref<1x64xi32, #tpu.memory_space<vmem>> -> memref<64xi32, #tpu.memory_space<vmem>>
      %dma_start3A_419 = arith.constant 0 : i32
      %dma_start3A_420 = tpu.memref_slice %arg18[%dma_start3A_419] : memref<10240xf32, #tpu.memory_space<vmem_shared>> -> memref<10240xf32, #tpu.memory_space<vmem_shared>>
      tpu.enqueue_indirect_dma source(%dma_start3A_415 : memref<64xf32, #tpu.memory_space<vmem>>) target(%dma_start3A_420 : memref<10240xf32, #tpu.memory_space<vmem_shared>>) offsets(%dma_start3A_418 : memref<64xi32, #tpu.memory_space<vmem>>) semaphore(%arg29 : memref<!tpu.dma_semaphore, #tpu.memory_space<semaphore_mem>>) {add = true}
      %add3A_421 = arith.constant 2 : i32
      %add3A_422 = arith.addi %add3A_404, %add3A_421 : i32
      %lt3A_423 = arith.constant 40 : i32
      %lt3A_424 = arith.cmpi slt, %add3A_422, %lt3A_423 : i32
      %convert_element_type3A_425 = arith.extui %lt3A_424 : i1 to i32
      %cond3A_426 = arith.constant 0 : i32
      %cond3A_427 = arith.cmpi ne, %convert_element_type3A_425, %cond3A_426 : i32
      scf.if %cond3A_427 {
        %add3A_493 = arith.constant 2 : i32
        %add3A_494 = arith.addi %add3A_404, %add3A_493 : i32
        %add3A_495 = arith.constant 2 : i32
        %add3A_496 = arith.addi %add3A_404, %add3A_495 : i32
        %dma_start3A_497 = arith.constant 0 : i32
        %dma_start3A_498 = tpu.memref_slice %arg16[%add3A_496, %dma_start3A_497] : memref<40x64xf32, #tpu.memory_space<vmem>> -> memref<1x64xf32, #tpu.memory_space<vmem>>
        %dma_start3A_499 = tpu.memref_squeeze %dma_start3A_498 : memref<1x64xf32, #tpu.memory_space<vmem>> -> memref<64xf32, #tpu.memory_space<vmem>>
        %dma_start3A_500 = arith.constant 0 : i32
        %dma_start3A_501 = tpu.memref_slice %arg11[%add3A_494, %dma_start3A_500] : memref<40x64xi32, #tpu.memory_space<vmem>> -> memref<1x64xi32, #tpu.memory_space<vmem>>
        %dma_start3A_502 = tpu.memref_squeeze %dma_start3A_501 : memref<1x64xi32, #tpu.memory_space<vmem>> -> memref<64xi32, #tpu.memory_space<vmem>>
        %dma_start3A_503 = arith.constant 0 : i32
        %dma_start3A_504 = tpu.memref_slice %arg5[%dma_start3A_503] : memref<10240xf32, #tpu.memory_space<hbm>> -> memref<10240xf32, #tpu.memory_space<hbm>>
        tpu.enqueue_indirect_dma source(%dma_start3A_504 : memref<10240xf32, #tpu.memory_space<hbm>>) target(%dma_start3A_499 : memref<64xf32, #tpu.memory_space<vmem>>) offsets(%dma_start3A_502 : memref<64xi32, #tpu.memory_space<vmem>>) semaphore(%arg27 : memref<!tpu.dma_semaphore, #tpu.memory_space<semaphore_mem>>)
      } else {
      }
      %dma_wait3A_428 = arith.constant 0 : i32
      %dma_wait3A_429 = tpu.memref_slice %arg10[%add3A_404, %dma_wait3A_428] : memref<40x64xi32, #tpu.memory_space<vmem>> -> memref<1x64xi32, #tpu.memory_space<vmem>>
      %dma_wait3A_430 = tpu.memref_squeeze %dma_wait3A_429 : memref<1x64xi32, #tpu.memory_space<vmem>> -> memref<64xi32, #tpu.memory_space<vmem>>
      %dma_wait3A_431 = arith.constant 0 : i32
      %dma_wait3A_432 = arith.constant 0 : i32
      %dma_wait3A_433 = tpu.memref_slice %arg4[%dma_wait3A_431, %dma_wait3A_432] : memref<10240x128xf32, #tpu.memory_space<hbm>> -> memref<10240x128xf32, #tpu.memory_space<hbm>>
      tpu.wait_indirect_dma semaphore(%arg21 : memref<!tpu.dma_semaphore, #tpu.memory_space<semaphore_mem>>) src(%dma_wait3A_433 : memref<10240x128xf32, #tpu.memory_space<hbm>>) dst(%arg14 : memref<64x128xf32, #tpu.memory_space<vmem>>)
      %dma_start3A_434 = arith.constant 0 : i32
      %dma_start3A_435 = tpu.memref_slice %arg11[%add3A_404, %dma_start3A_434] : memref<40x64xi32, #tpu.memory_space<vmem>> -> memref<1x64xi32, #tpu.memory_space<vmem>>
      %dma_start3A_436 = tpu.memref_squeeze %dma_start3A_435 : memref<1x64xi32, #tpu.memory_space<vmem>> -> memref<64xi32, #tpu.memory_space<vmem>>
      %dma_start3A_437 = arith.constant 0 : i32
      %dma_start3A_438 = arith.constant 0 : i32
      %dma_start3A_439 = tpu.memref_slice %arg17[%dma_start3A_437, %dma_start3A_438] : memref<10112x128xf32, #tpu.memory_space<vmem_shared>> -> memref<10112x128xf32, #tpu.memory_space<vmem_shared>>
      tpu.enqueue_indirect_dma source(%arg14 : memref<64x128xf32, #tpu.memory_space<vmem>>) target(%dma_start3A_439 : memref<10112x128xf32, #tpu.memory_space<vmem_shared>>) offsets(%dma_start3A_436 : memref<64xi32, #tpu.memory_space<vmem>>) semaphore(%arg25 : memref<!tpu.dma_semaphore, #tpu.memory_space<semaphore_mem>>) {add = true}
      %add3A_440 = arith.constant 2 : i32
      %add3A_441 = arith.addi %add3A_404, %add3A_440 : i32
      %lt3A_442 = arith.constant 40 : i32
      %lt3A_443 = arith.cmpi slt, %add3A_441, %lt3A_442 : i32
      %convert_element_type3A_444 = arith.extui %lt3A_443 : i1 to i32
      %cond3A_445 = arith.constant 0 : i32
      %cond3A_446 = arith.cmpi ne, %convert_element_type3A_444, %cond3A_445 : i32
      scf.if %cond3A_446 {
        %ge3A = arith.constant 2 : i32
        %ge3A_493 = arith.cmpi sge, %add3A_404, %ge3A : i32
        %convert_element_type3A_494 = arith.extui %ge3A_493 : i1 to i32
        %cond3A_495 = arith.constant 0 : i32
        %cond3A_496 = arith.cmpi ne, %convert_element_type3A_494, %cond3A_495 : i32
        scf.if %cond3A_496 {
          %dma_wait3A_505 = arith.constant 0 : i32
          %dma_wait3A_506 = tpu.memref_slice %arg11[%add3A_404, %dma_wait3A_505] : memref<40x64xi32, #tpu.memory_space<vmem>> -> memref<1x64xi32, #tpu.memory_space<vmem>>
          %dma_wait3A_507 = tpu.memref_squeeze %dma_wait3A_506 : memref<1x64xi32, #tpu.memory_space<vmem>> -> memref<64xi32, #tpu.memory_space<vmem>>
          %dma_wait3A_508 = arith.constant 0 : i32
          %dma_wait3A_509 = arith.constant 0 : i32
          %dma_wait3A_510 = tpu.memref_slice %arg17[%dma_wait3A_508, %dma_wait3A_509] : memref<10112x128xf32, #tpu.memory_space<vmem_shared>> -> memref<10112x128xf32, #tpu.memory_space<vmem_shared>>
          tpu.wait_indirect_dma semaphore(%arg23 : memref<!tpu.dma_semaphore, #tpu.memory_space<semaphore_mem>>) src(%arg12 : memref<64x128xf32, #tpu.memory_space<vmem>>) dst(%dma_wait3A_510 : memref<10112x128xf32, #tpu.memory_space<vmem_shared>>)
        } else {
        }
        %add3A_497 = arith.constant 2 : i32
        %add3A_498 = arith.addi %add3A_404, %add3A_497 : i32
        %dma_start3A_499 = arith.constant 0 : i32
        %dma_start3A_500 = tpu.memref_slice %arg10[%add3A_498, %dma_start3A_499] : memref<40x64xi32, #tpu.memory_space<vmem>> -> memref<1x64xi32, #tpu.memory_space<vmem>>
        %dma_start3A_501 = tpu.memref_squeeze %dma_start3A_500 : memref<1x64xi32, #tpu.memory_space<vmem>> -> memref<64xi32, #tpu.memory_space<vmem>>
        %dma_start3A_502 = arith.constant 0 : i32
        %dma_start3A_503 = arith.constant 0 : i32
        %dma_start3A_504 = tpu.memref_slice %arg4[%dma_start3A_502, %dma_start3A_503] : memref<10240x128xf32, #tpu.memory_space<hbm>> -> memref<10240x128xf32, #tpu.memory_space<hbm>>
        tpu.enqueue_indirect_dma source(%dma_start3A_504 : memref<10240x128xf32, #tpu.memory_space<hbm>>) target(%arg12 : memref<64x128xf32, #tpu.memory_space<vmem>>) offsets(%dma_start3A_501 : memref<64xi32, #tpu.memory_space<vmem>>) semaphore(%arg19 : memref<!tpu.dma_semaphore, #tpu.memory_space<semaphore_mem>>)
      } else {
      }
      %mul3A_447 = arith.constant 4 : i32
      %mul3A_448 = arith.muli %mul3A_447, %scan3A_311 : i32
      %add3A_449 = arith.constant 3 : i32
      %add3A_450 = arith.addi %mul3A_448, %add3A_449 : i32
      %dma_wait3A_451 = arith.constant 0 : i32
      %dma_wait3A_452 = tpu.memref_slice %arg16[%add3A_450, %dma_wait3A_451] : memref<40x64xf32, #tpu.memory_space<vmem>> -> memref<1x64xf32, #tpu.memory_space<vmem>>
      %dma_wait3A_453 = tpu.memref_squeeze %dma_wait3A_452 : memref<1x64xf32, #tpu.memory_space<vmem>> -> memref<64xf32, #tpu.memory_space<vmem>>
      %dma_wait3A_454 = arith.constant 0 : i32
      %dma_wait3A_455 = tpu.memref_slice %arg11[%add3A_450, %dma_wait3A_454] : memref<40x64xi32, #tpu.memory_space<vmem>> -> memref<1x64xi32, #tpu.memory_space<vmem>>
      %dma_wait3A_456 = tpu.memref_squeeze %dma_wait3A_455 : memref<1x64xi32, #tpu.memory_space<vmem>> -> memref<64xi32, #tpu.memory_space<vmem>>
      %dma_wait3A_457 = arith.constant 0 : i32
      %dma_wait3A_458 = tpu.memref_slice %arg5[%dma_wait3A_457] : memref<10240xf32, #tpu.memory_space<hbm>> -> memref<10240xf32, #tpu.memory_space<hbm>>
      tpu.wait_indirect_dma semaphore(%arg28 : memref<!tpu.dma_semaphore, #tpu.memory_space<semaphore_mem>>) src(%dma_wait3A_458 : memref<10240xf32, #tpu.memory_space<hbm>>) dst(%dma_wait3A_453 : memref<64xf32, #tpu.memory_space<vmem>>)
      %dma_start3A_459 = arith.constant 0 : i32
      %dma_start3A_460 = tpu.memref_slice %arg16[%add3A_450, %dma_start3A_459] : memref<40x64xf32, #tpu.memory_space<vmem>> -> memref<1x64xf32, #tpu.memory_space<vmem>>
      %dma_start3A_461 = tpu.memref_squeeze %dma_start3A_460 : memref<1x64xf32, #tpu.memory_space<vmem>> -> memref<64xf32, #tpu.memory_space<vmem>>
      %dma_start3A_462 = arith.constant 0 : i32
      %dma_start3A_463 = tpu.memref_slice %arg10[%add3A_450, %dma_start3A_462] : memref<40x64xi32, #tpu.memory_space<vmem>> -> memref<1x64xi32, #tpu.memory_space<vmem>>
      %dma_start3A_464 = tpu.memref_squeeze %dma_start3A_463 : memref<1x64xi32, #tpu.memory_space<vmem>> -> memref<64xi32, #tpu.memory_space<vmem>>
      %dma_start3A_465 = arith.constant 0 : i32
      %dma_start3A_466 = tpu.memref_slice %arg18[%dma_start3A_465] : memref<10240xf32, #tpu.memory_space<vmem_shared>> -> memref<10240xf32, #tpu.memory_space<vmem_shared>>
      tpu.enqueue_indirect_dma source(%dma_start3A_461 : memref<64xf32, #tpu.memory_space<vmem>>) target(%dma_start3A_466 : memref<10240xf32, #tpu.memory_space<vmem_shared>>) offsets(%dma_start3A_464 : memref<64xi32, #tpu.memory_space<vmem>>) semaphore(%arg29 : memref<!tpu.dma_semaphore, #tpu.memory_space<semaphore_mem>>) {add = true}
      %add3A_467 = arith.constant 2 : i32
      %add3A_468 = arith.addi %add3A_450, %add3A_467 : i32
      %lt3A_469 = arith.constant 40 : i32
      %lt3A_470 = arith.cmpi slt, %add3A_468, %lt3A_469 : i32
      %convert_element_type3A_471 = arith.extui %lt3A_470 : i1 to i32
      %cond3A_472 = arith.constant 0 : i32
      %cond3A_473 = arith.cmpi ne, %convert_element_type3A_471, %cond3A_472 : i32
      scf.if %cond3A_473 {
        %add3A_493 = arith.constant 2 : i32
        %add3A_494 = arith.addi %add3A_450, %add3A_493 : i32
        %add3A_495 = arith.constant 2 : i32
        %add3A_496 = arith.addi %add3A_450, %add3A_495 : i32
        %dma_start3A_497 = arith.constant 0 : i32
        %dma_start3A_498 = tpu.memref_slice %arg16[%add3A_496, %dma_start3A_497] : memref<40x64xf32, #tpu.memory_space<vmem>> -> memref<1x64xf32, #tpu.memory_space<vmem>>
        %dma_start3A_499 = tpu.memref_squeeze %dma_start3A_498 : memref<1x64xf32, #tpu.memory_space<vmem>> -> memref<64xf32, #tpu.memory_space<vmem>>
        %dma_start3A_500 = arith.constant 0 : i32
        %dma_start3A_501 = tpu.memref_slice %arg11[%add3A_494, %dma_start3A_500] : memref<40x64xi32, #tpu.memory_space<vmem>> -> memref<1x64xi32, #tpu.memory_space<vmem>>
        %dma_start3A_502 = tpu.memref_squeeze %dma_start3A_501 : memref<1x64xi32, #tpu.memory_space<vmem>> -> memref<64xi32, #tpu.memory_space<vmem>>
        %dma_start3A_503 = arith.constant 0 : i32
        %dma_start3A_504 = tpu.memref_slice %arg5[%dma_start3A_503] : memref<10240xf32, #tpu.memory_space<hbm>> -> memref<10240xf32, #tpu.memory_space<hbm>>
        tpu.enqueue_indirect_dma source(%dma_start3A_504 : memref<10240xf32, #tpu.memory_space<hbm>>) target(%dma_start3A_499 : memref<64xf32, #tpu.memory_space<vmem>>) offsets(%dma_start3A_502 : memref<64xi32, #tpu.memory_space<vmem>>) semaphore(%arg28 : memref<!tpu.dma_semaphore, #tpu.memory_space<semaphore_mem>>)
      } else {
      }
      %dma_wait3A_474 = arith.constant 0 : i32
      %dma_wait3A_475 = tpu.memref_slice %arg10[%add3A_450, %dma_wait3A_474] : memref<40x64xi32, #tpu.memory_space<vmem>> -> memref<1x64xi32, #tpu.memory_space<vmem>>
      %dma_wait3A_476 = tpu.memref_squeeze %dma_wait3A_475 : memref<1x64xi32, #tpu.memory_space<vmem>> -> memref<64xi32, #tpu.memory_space<vmem>>
      %dma_wait3A_477 = arith.constant 0 : i32
      %dma_wait3A_478 = arith.constant 0 : i32
      %dma_wait3A_479 = tpu.memref_slice %arg4[%dma_wait3A_477, %dma_wait3A_478] : memref<10240x128xf32, #tpu.memory_space<hbm>> -> memref<10240x128xf32, #tpu.memory_space<hbm>>
      tpu.wait_indirect_dma semaphore(%arg22 : memref<!tpu.dma_semaphore, #tpu.memory_space<semaphore_mem>>) src(%dma_wait3A_479 : memref<10240x128xf32, #tpu.memory_space<hbm>>) dst(%arg15 : memref<64x128xf32, #tpu.memory_space<vmem>>)
      %dma_start3A_480 = arith.constant 0 : i32
      %dma_start3A_481 = tpu.memref_slice %arg11[%add3A_450, %dma_start3A_480] : memref<40x64xi32, #tpu.memory_space<vmem>> -> memref<1x64xi32, #tpu.memory_space<vmem>>
      %dma_start3A_482 = tpu.memref_squeeze %dma_start3A_481 : memref<1x64xi32, #tpu.memory_space<vmem>> -> memref<64xi32, #tpu.memory_space<vmem>>
      %dma_start3A_483 = arith.constant 0 : i32
      %dma_start3A_484 = arith.constant 0 : i32
      %dma_start3A_485 = tpu.memref_slice %arg17[%dma_start3A_483, %dma_start3A_484] : memref<10112x128xf32, #tpu.memory_space<vmem_shared>> -> memref<10112x128xf32, #tpu.memory_space<vmem_shared>>
      tpu.enqueue_indirect_dma source(%arg15 : memref<64x128xf32, #tpu.memory_space<vmem>>) target(%dma_start3A_485 : memref<10112x128xf32, #tpu.memory_space<vmem_shared>>) offsets(%dma_start3A_482 : memref<64xi32, #tpu.memory_space<vmem>>) semaphore(%arg26 : memref<!tpu.dma_semaphore, #tpu.memory_space<semaphore_mem>>) {add = true}
      %add3A_486 = arith.constant 2 : i32
      %add3A_487 = arith.addi %add3A_450, %add3A_486 : i32
      %lt3A_488 = arith.constant 40 : i32
      %lt3A_489 = arith.cmpi slt, %add3A_487, %lt3A_488 : i32
      %convert_element_type3A_490 = arith.extui %lt3A_489 : i1 to i32
      %cond3A_491 = arith.constant 0 : i32
      %cond3A_492 = arith.cmpi ne, %convert_element_type3A_490, %cond3A_491 : i32
      scf.if %cond3A_492 {
        %ge3A = arith.constant 2 : i32
        %ge3A_493 = arith.cmpi sge, %add3A_450, %ge3A : i32
        %convert_element_type3A_494 = arith.extui %ge3A_493 : i1 to i32
        %cond3A_495 = arith.constant 0 : i32
        %cond3A_496 = arith.cmpi ne, %convert_element_type3A_494, %cond3A_495 : i32
        scf.if %cond3A_496 {
          %dma_wait3A_505 = arith.constant 0 : i32
          %dma_wait3A_506 = tpu.memref_slice %arg11[%add3A_450, %dma_wait3A_505] : memref<40x64xi32, #tpu.memory_space<vmem>> -> memref<1x64xi32, #tpu.memory_space<vmem>>
          %dma_wait3A_507 = tpu.memref_squeeze %dma_wait3A_506 : memref<1x64xi32, #tpu.memory_space<vmem>> -> memref<64xi32, #tpu.memory_space<vmem>>
          %dma_wait3A_508 = arith.constant 0 : i32
          %dma_wait3A_509 = arith.constant 0 : i32
          %dma_wait3A_510 = tpu.memref_slice %arg17[%dma_wait3A_508, %dma_wait3A_509] : memref<10112x128xf32, #tpu.memory_space<vmem_shared>> -> memref<10112x128xf32, #tpu.memory_space<vmem_shared>>
          tpu.wait_indirect_dma semaphore(%arg24 : memref<!tpu.dma_semaphore, #tpu.memory_space<semaphore_mem>>) src(%arg13 : memref<64x128xf32, #tpu.memory_space<vmem>>) dst(%dma_wait3A_510 : memref<10112x128xf32, #tpu.memory_space<vmem_shared>>)
        } else {
        }
        %add3A_497 = arith.constant 2 : i32
        %add3A_498 = arith.addi %add3A_450, %add3A_497 : i32
        %dma_start3A_499 = arith.constant 0 : i32
        %dma_start3A_500 = tpu.memref_slice %arg10[%add3A_498, %dma_start3A_499] : memref<40x64xi32, #tpu.memory_space<vmem>> -> memref<1x64xi32, #tpu.memory_space<vmem>>
        %dma_start3A_501 = tpu.memref_squeeze %dma_start3A_500 : memref<1x64xi32, #tpu.memory_space<vmem>> -> memref<64xi32, #tpu.memory_space<vmem>>
        %dma_start3A_502 = arith.constant 0 : i32
        %dma_start3A_503 = arith.constant 0 : i32
        %dma_start3A_504 = tpu.memref_slice %arg4[%dma_start3A_502, %dma_start3A_503] : memref<10240x128xf32, #tpu.memory_space<hbm>> -> memref<10240x128xf32, #tpu.memory_space<hbm>>
        tpu.enqueue_indirect_dma source(%dma_start3A_504 : memref<10240x128xf32, #tpu.memory_space<hbm>>) target(%arg13 : memref<64x128xf32, #tpu.memory_space<vmem>>) offsets(%dma_start3A_501 : memref<64xi32, #tpu.memory_space<vmem>>) semaphore(%arg20 : memref<!tpu.dma_semaphore, #tpu.memory_space<semaphore_mem>>)
      } else {
      }
    }
    %scan3A_119 = arith.constant 10 : i32
    %dma_wait3A_120 = arith.constant 0 : i32
    %dma_wait3A_121 = arith.constant 0 : i32
    %dma_wait3A_122 = tpu.memref_slice %arg11[%dma_wait3A_120, %dma_wait3A_121] : memref<40x64xi32, #tpu.memory_space<vmem>> -> memref<1x64xi32, #tpu.memory_space<vmem>>
    %dma_wait3A_123 = tpu.memref_squeeze %dma_wait3A_122 : memref<1x64xi32, #tpu.memory_space<vmem>> -> memref<64xi32, #tpu.memory_space<vmem>>
    %dma_wait3A_124 = arith.constant 0 : i32
    %dma_wait3A_125 = arith.constant 0 : i32
    %dma_wait3A_126 = tpu.memref_slice %arg17[%dma_wait3A_124, %dma_wait3A_125] : memref<10112x128xf32, #tpu.memory_space<vmem_shared>> -> memref<10112x128xf32, #tpu.memory_space<vmem_shared>>
    tpu.wait_indirect_dma semaphore(%arg23 : memref<!tpu.dma_semaphore, #tpu.memory_space<semaphore_mem>>) src(%arg12 : memref<64x128xf32, #tpu.memory_space<vmem>>) dst(%dma_wait3A_126 : memref<10112x128xf32, #tpu.memory_space<vmem_shared>>)
    %dma_wait3A_127 = arith.constant 0 : i32
    %dma_wait3A_128 = arith.constant 0 : i32
    %dma_wait3A_129 = tpu.memref_slice %arg11[%dma_wait3A_127, %dma_wait3A_128] : memref<40x64xi32, #tpu.memory_space<vmem>> -> memref<1x64xi32, #tpu.memory_space<vmem>>
    %dma_wait3A_130 = tpu.memref_squeeze %dma_wait3A_129 : memref<1x64xi32, #tpu.memory_space<vmem>> -> memref<64xi32, #tpu.memory_space<vmem>>
    %dma_wait3A_131 = arith.constant 0 : i32
    %dma_wait3A_132 = arith.constant 0 : i32
    %dma_wait3A_133 = tpu.memref_slice %arg17[%dma_wait3A_131, %dma_wait3A_132] : memref<10112x128xf32, #tpu.memory_space<vmem_shared>> -> memref<10112x128xf32, #tpu.memory_space<vmem_shared>>
    tpu.wait_indirect_dma semaphore(%arg24 : memref<!tpu.dma_semaphore, #tpu.memory_space<semaphore_mem>>) src(%arg13 : memref<64x128xf32, #tpu.memory_space<vmem>>) dst(%dma_wait3A_133 : memref<10112x128xf32, #tpu.memory_space<vmem_shared>>)
    %dma_wait3A_134 = arith.constant 0 : i32
    %dma_wait3A_135 = arith.constant 0 : i32
    %dma_wait3A_136 = tpu.memref_slice %arg11[%dma_wait3A_134, %dma_wait3A_135] : memref<40x64xi32, #tpu.memory_space<vmem>> -> memref<1x64xi32, #tpu.memory_space<vmem>>
    %dma_wait3A_137 = tpu.memref_squeeze %dma_wait3A_136 : memref<1x64xi32, #tpu.memory_space<vmem>> -> memref<64xi32, #tpu.memory_space<vmem>>
    %dma_wait3A_138 = arith.constant 0 : i32
    %dma_wait3A_139 = arith.constant 0 : i32
    %dma_wait3A_140 = tpu.memref_slice %arg17[%dma_wait3A_138, %dma_wait3A_139] : memref<10112x128xf32, #tpu.memory_space<vmem_shared>> -> memref<10112x128xf32, #tpu.memory_space<vmem_shared>>
    tpu.wait_indirect_dma semaphore(%arg25 : memref<!tpu.dma_semaphore, #tpu.memory_space<semaphore_mem>>) src(%arg14 : memref<64x128xf32, #tpu.memory_space<vmem>>) dst(%dma_wait3A_140 : memref<10112x128xf32, #tpu.memory_space<vmem_shared>>)
    %dma_wait3A_141 = arith.constant 0 : i32
    %dma_wait3A_142 = arith.constant 0 : i32
    %dma_wait3A_143 = tpu.memref_slice %arg11[%dma_wait3A_141, %dma_wait3A_142] : memref<40x64xi32, #tpu.memory_space<vmem>> -> memref<1x64xi32, #tpu.memory_space<vmem>>
    %dma_wait3A_144 = tpu.memref_squeeze %dma_wait3A_143 : memref<1x64xi32, #tpu.memory_space<vmem>> -> memref<64xi32, #tpu.memory_space<vmem>>
    %dma_wait3A_145 = arith.constant 0 : i32
    %dma_wait3A_146 = arith.constant 0 : i32
    %dma_wait3A_147 = tpu.memref_slice %arg17[%dma_wait3A_145, %dma_wait3A_146] : memref<10112x128xf32, #tpu.memory_space<vmem_shared>> -> memref<10112x128xf32, #tpu.memory_space<vmem_shared>>
    tpu.wait_indirect_dma semaphore(%arg26 : memref<!tpu.dma_semaphore, #tpu.memory_space<semaphore_mem>>) src(%arg15 : memref<64x128xf32, #tpu.memory_space<vmem>>) dst(%dma_wait3A_147 : memref<10112x128xf32, #tpu.memory_space<vmem_shared>>)
    %scan3A_148 = arith.constant 0 : i32
    %scan3A_149 = arith.constant 0 : i32
    %scan3A_150 = arith.constant 40 : i32
    %scan3A_151 = arith.addi %scan3A_149, %scan3A_150 : i32
    %scan3A_152 = arith.constant 1 : i32
    scf.for %scan3A_311 = %scan3A_149 to %scan3A_151 step %scan3A_152  : i32 {
      %dma_wait3A_312 = arith.constant 0 : i32
      %dma_wait3A_313 = arith.constant 0 : i32
      %dma_wait3A_314 = tpu.memref_slice %arg16[%dma_wait3A_312, %dma_wait3A_313] : memref<40x64xf32, #tpu.memory_space<vmem>> -> memref<1x64xf32, #tpu.memory_space<vmem>>
      %dma_wait3A_315 = tpu.memref_squeeze %dma_wait3A_314 : memref<1x64xf32, #tpu.memory_space<vmem>> -> memref<64xf32, #tpu.memory_space<vmem>>
      %dma_wait3A_316 = arith.constant 0 : i32
      %dma_wait3A_317 = tpu.memref_slice %arg7[%dma_wait3A_316] : memref<10240xf32, #tpu.memory_space<hbm>> -> memref<64xf32, #tpu.memory_space<hbm>>
      %dma_wait3A_318 = arith.constant 0 : i32
      %dma_wait3A_319 = tpu.memref_slice %arg16[%dma_wait3A_312, %dma_wait3A_318] : memref<40x64xf32, #tpu.memory_space<vmem>> -> memref<1x64xf32, #tpu.memory_space<vmem>>
      %dma_wait3A_320 = tpu.memref_squeeze %dma_wait3A_319 : memref<1x64xf32, #tpu.memory_space<vmem>> -> memref<64xf32, #tpu.memory_space<vmem>>
      %dma_wait3A_321 = arith.constant 0 : i32
      %dma_wait3A_322 = tpu.memref_slice %arg7[%dma_wait3A_321] : memref<10240xf32, #tpu.memory_space<hbm>> -> memref<64xf32, #tpu.memory_space<hbm>>
      tpu.wait_dma2 semaphore(%arg29 : memref<!tpu.dma_semaphore, #tpu.memory_space<semaphore_mem>>) src(%dma_wait3A_322 : memref<64xf32, #tpu.memory_space<hbm>>) dst(%dma_wait3A_320 : memref<64xf32, #tpu.memory_space<vmem>>)
    }
    %scan3A_153 = arith.constant 40 : i32
    "tpu.region"() ({
      %run_scoped3A = tpu.sem_alloc : memref<!tpu.dma_semaphore, #tpu.memory_space<semaphore_mem>>
      %dma_start3A_311 = arith.constant 80 : i32
      %dma_start3A_312 = arith.constant 0 : i32
      %dma_start3A_313 = tpu.memref_slice %arg2[%add3A, %dma_start3A_311, %dma_start3A_312] : memref<32x160x64xi32, #tpu.memory_space<hbm>> -> memref<1x40x64xi32, #tpu.memory_space<hbm>>
      %dma_start3A_314 = tpu.memref_squeeze %dma_start3A_313 : memref<1x40x64xi32, #tpu.memory_space<hbm>> -> memref<40x64xi32, #tpu.memory_space<hbm>>
      %dma_start3A_315 = arith.constant 80 : i32
      %dma_start3A_316 = arith.constant 0 : i32
      %dma_start3A_317 = tpu.memref_slice %arg2[%add3A, %dma_start3A_315, %dma_start3A_316] : memref<32x160x64xi32, #tpu.memory_space<hbm>> -> memref<1x40x64xi32, #tpu.memory_space<hbm>>
      %dma_start3A_318 = tpu.memref_squeeze %dma_start3A_317 : memref<1x40x64xi32, #tpu.memory_space<hbm>> -> memref<40x64xi32, #tpu.memory_space<hbm>>
      tpu.enqueue_dma source(%dma_start3A_318 : memref<40x64xi32, #tpu.memory_space<hbm>>) target(%arg10 : memref<40x64xi32, #tpu.memory_space<vmem>>) target_semaphore(%run_scoped3A : memref<!tpu.dma_semaphore, #tpu.memory_space<semaphore_mem>>)
      %dma_wait3A_319 = arith.constant 80 : i32
      %dma_wait3A_320 = arith.constant 0 : i32
      %dma_wait3A_321 = tpu.memref_slice %arg2[%add3A, %dma_wait3A_319, %dma_wait3A_320] : memref<32x160x64xi32, #tpu.memory_space<hbm>> -> memref<1x40x64xi32, #tpu.memory_space<hbm>>
      %dma_wait3A_322 = tpu.memref_squeeze %dma_wait3A_321 : memref<1x40x64xi32, #tpu.memory_space<hbm>> -> memref<40x64xi32, #tpu.memory_space<hbm>>
      %dma_wait3A_323 = arith.constant 80 : i32
      %dma_wait3A_324 = arith.constant 0 : i32
      %dma_wait3A_325 = tpu.memref_slice %arg2[%add3A, %dma_wait3A_323, %dma_wait3A_324] : memref<32x160x64xi32, #tpu.memory_space<hbm>> -> memref<1x40x64xi32, #tpu.memory_space<hbm>>
      %dma_wait3A_326 = tpu.memref_squeeze %dma_wait3A_325 : memref<1x40x64xi32, #tpu.memory_space<hbm>> -> memref<40x64xi32, #tpu.memory_space<hbm>>
      tpu.wait_dma2 semaphore(%run_scoped3A : memref<!tpu.dma_semaphore, #tpu.memory_space<semaphore_mem>>) src(%dma_wait3A_326 : memref<40x64xi32, #tpu.memory_space<hbm>>) dst(%arg10 : memref<40x64xi32, #tpu.memory_space<vmem>>)
      tpu.yield
    }) : () -> ()
    "tpu.region"() ({
      %run_scoped3A = tpu.sem_alloc : memref<!tpu.dma_semaphore, #tpu.memory_space<semaphore_mem>>
      %dma_start3A_311 = arith.constant 80 : i32
      %dma_start3A_312 = arith.constant 0 : i32
      %dma_start3A_313 = tpu.memref_slice %arg3[%add3A, %dma_start3A_311, %dma_start3A_312] : memref<32x160x64xi32, #tpu.memory_space<hbm>> -> memref<1x40x64xi32, #tpu.memory_space<hbm>>
      %dma_start3A_314 = tpu.memref_squeeze %dma_start3A_313 : memref<1x40x64xi32, #tpu.memory_space<hbm>> -> memref<40x64xi32, #tpu.memory_space<hbm>>
      %dma_start3A_315 = arith.constant 80 : i32
      %dma_start3A_316 = arith.constant 0 : i32
      %dma_start3A_317 = tpu.memref_slice %arg3[%add3A, %dma_start3A_315, %dma_start3A_316] : memref<32x160x64xi32, #tpu.memory_space<hbm>> -> memref<1x40x64xi32, #tpu.memory_space<hbm>>
      %dma_start3A_318 = tpu.memref_squeeze %dma_start3A_317 : memref<1x40x64xi32, #tpu.memory_space<hbm>> -> memref<40x64xi32, #tpu.memory_space<hbm>>
      tpu.enqueue_dma source(%dma_start3A_318 : memref<40x64xi32, #tpu.memory_space<hbm>>) target(%arg11 : memref<40x64xi32, #tpu.memory_space<vmem>>) target_semaphore(%run_scoped3A : memref<!tpu.dma_semaphore, #tpu.memory_space<semaphore_mem>>)
      %dma_wait3A_319 = arith.constant 80 : i32
      %dma_wait3A_320 = arith.constant 0 : i32
      %dma_wait3A_321 = tpu.memref_slice %arg3[%add3A, %dma_wait3A_319, %dma_wait3A_320] : memref<32x160x64xi32, #tpu.memory_space<hbm>> -> memref<1x40x64xi32, #tpu.memory_space<hbm>>
      %dma_wait3A_322 = tpu.memref_squeeze %dma_wait3A_321 : memref<1x40x64xi32, #tpu.memory_space<hbm>> -> memref<40x64xi32, #tpu.memory_space<hbm>>
      %dma_wait3A_323 = arith.constant 80 : i32
      %dma_wait3A_324 = arith.constant 0 : i32
      %dma_wait3A_325 = tpu.memref_slice %arg3[%add3A, %dma_wait3A_323, %dma_wait3A_324] : memref<32x160x64xi32, #tpu.memory_space<hbm>> -> memref<1x40x64xi32, #tpu.memory_space<hbm>>
      %dma_wait3A_326 = tpu.memref_squeeze %dma_wait3A_325 : memref<1x40x64xi32, #tpu.memory_space<hbm>> -> memref<40x64xi32, #tpu.memory_space<hbm>>
      tpu.wait_dma2 semaphore(%run_scoped3A : memref<!tpu.dma_semaphore, #tpu.memory_space<semaphore_mem>>) src(%dma_wait3A_326 : memref<40x64xi32, #tpu.memory_space<hbm>>) dst(%arg11 : memref<40x64xi32, #tpu.memory_space<vmem>>)
      tpu.yield
    }) : () -> ()
    %dma_start3A_154 = arith.constant 0 : i32
    %dma_start3A_155 = arith.constant 0 : i32
    %dma_start3A_156 = arith.constant 0 : i32
    %dma_start3A_157 = tpu.memref_slice %arg16[%dma_start3A_155, %dma_start3A_156] : memref<40x64xf32, #tpu.memory_space<vmem>> -> memref<1x64xf32, #tpu.memory_space<vmem>>
    %dma_start3A_158 = tpu.memref_squeeze %dma_start3A_157 : memref<1x64xf32, #tpu.memory_space<vmem>> -> memref<64xf32, #tpu.memory_space<vmem>>
    %dma_start3A_159 = arith.constant 0 : i32
    %dma_start3A_160 = tpu.memref_slice %arg11[%dma_start3A_154, %dma_start3A_159] : memref<40x64xi32, #tpu.memory_space<vmem>> -> memref<1x64xi32, #tpu.memory_space<vmem>>
    %dma_start3A_161 = tpu.memref_squeeze %dma_start3A_160 : memref<1x64xi32, #tpu.memory_space<vmem>> -> memref<64xi32, #tpu.memory_space<vmem>>
    %dma_start3A_162 = arith.constant 0 : i32
    %dma_start3A_163 = tpu.memref_slice %arg5[%dma_start3A_162] : memref<10240xf32, #tpu.memory_space<hbm>> -> memref<10240xf32, #tpu.memory_space<hbm>>
    tpu.enqueue_indirect_dma source(%dma_start3A_163 : memref<10240xf32, #tpu.memory_space<hbm>>) target(%dma_start3A_158 : memref<64xf32, #tpu.memory_space<vmem>>) offsets(%dma_start3A_161 : memref<64xi32, #tpu.memory_space<vmem>>) semaphore(%arg27 : memref<!tpu.dma_semaphore, #tpu.memory_space<semaphore_mem>>)
    %dma_start3A_164 = arith.constant 0 : i32
    %dma_start3A_165 = arith.constant 0 : i32
    %dma_start3A_166 = tpu.memref_slice %arg10[%dma_start3A_164, %dma_start3A_165] : memref<40x64xi32, #tpu.memory_space<vmem>> -> memref<1x64xi32, #tpu.memory_space<vmem>>
    %dma_start3A_167 = tpu.memref_squeeze %dma_start3A_166 : memref<1x64xi32, #tpu.memory_space<vmem>> -> memref<64xi32, #tpu.memory_space<vmem>>
    %dma_start3A_168 = arith.constant 0 : i32
    %dma_start3A_169 = arith.constant 0 : i32
    %dma_start3A_170 = tpu.memref_slice %arg4[%dma_start3A_168, %dma_start3A_169] : memref<10240x128xf32, #tpu.memory_space<hbm>> -> memref<10240x128xf32, #tpu.memory_space<hbm>>
    tpu.enqueue_indirect_dma source(%dma_start3A_170 : memref<10240x128xf32, #tpu.memory_space<hbm>>) target(%arg12 : memref<64x128xf32, #tpu.memory_space<vmem>>) offsets(%dma_start3A_167 : memref<64xi32, #tpu.memory_space<vmem>>) semaphore(%arg19 : memref<!tpu.dma_semaphore, #tpu.memory_space<semaphore_mem>>)
    %dma_start3A_171 = arith.constant 1 : i32
    %dma_start3A_172 = arith.constant 1 : i32
    %dma_start3A_173 = arith.constant 0 : i32
    %dma_start3A_174 = tpu.memref_slice %arg16[%dma_start3A_172, %dma_start3A_173] : memref<40x64xf32, #tpu.memory_space<vmem>> -> memref<1x64xf32, #tpu.memory_space<vmem>>
    %dma_start3A_175 = tpu.memref_squeeze %dma_start3A_174 : memref<1x64xf32, #tpu.memory_space<vmem>> -> memref<64xf32, #tpu.memory_space<vmem>>
    %dma_start3A_176 = arith.constant 0 : i32
    %dma_start3A_177 = tpu.memref_slice %arg11[%dma_start3A_171, %dma_start3A_176] : memref<40x64xi32, #tpu.memory_space<vmem>> -> memref<1x64xi32, #tpu.memory_space<vmem>>
    %dma_start3A_178 = tpu.memref_squeeze %dma_start3A_177 : memref<1x64xi32, #tpu.memory_space<vmem>> -> memref<64xi32, #tpu.memory_space<vmem>>
    %dma_start3A_179 = arith.constant 0 : i32
    %dma_start3A_180 = tpu.memref_slice %arg5[%dma_start3A_179] : memref<10240xf32, #tpu.memory_space<hbm>> -> memref<10240xf32, #tpu.memory_space<hbm>>
    tpu.enqueue_indirect_dma source(%dma_start3A_180 : memref<10240xf32, #tpu.memory_space<hbm>>) target(%dma_start3A_175 : memref<64xf32, #tpu.memory_space<vmem>>) offsets(%dma_start3A_178 : memref<64xi32, #tpu.memory_space<vmem>>) semaphore(%arg28 : memref<!tpu.dma_semaphore, #tpu.memory_space<semaphore_mem>>)
    %dma_start3A_181 = arith.constant 1 : i32
    %dma_start3A_182 = arith.constant 0 : i32
    %dma_start3A_183 = tpu.memref_slice %arg10[%dma_start3A_181, %dma_start3A_182] : memref<40x64xi32, #tpu.memory_space<vmem>> -> memref<1x64xi32, #tpu.memory_space<vmem>>
    %dma_start3A_184 = tpu.memref_squeeze %dma_start3A_183 : memref<1x64xi32, #tpu.memory_space<vmem>> -> memref<64xi32, #tpu.memory_space<vmem>>
    %dma_start3A_185 = arith.constant 0 : i32
    %dma_start3A_186 = arith.constant 0 : i32
    %dma_start3A_187 = tpu.memref_slice %arg4[%dma_start3A_185, %dma_start3A_186] : memref<10240x128xf32, #tpu.memory_space<hbm>> -> memref<10240x128xf32, #tpu.memory_space<hbm>>
    tpu.enqueue_indirect_dma source(%dma_start3A_187 : memref<10240x128xf32, #tpu.memory_space<hbm>>) target(%arg13 : memref<64x128xf32, #tpu.memory_space<vmem>>) offsets(%dma_start3A_184 : memref<64xi32, #tpu.memory_space<vmem>>) semaphore(%arg20 : memref<!tpu.dma_semaphore, #tpu.memory_space<semaphore_mem>>)
    %scan3A_188 = arith.constant 0 : i32
    %scan3A_189 = arith.constant 0 : i32
    %scan3A_190 = arith.constant 10 : i32
    %scan3A_191 = arith.addi %scan3A_189, %scan3A_190 : i32
    %scan3A_192 = arith.constant 1 : i32
    scf.for %scan3A_311 = %scan3A_189 to %scan3A_191 step %scan3A_192  : i32 {
      %mul3A_312 = arith.constant 4 : i32
      %mul3A_313 = arith.muli %mul3A_312, %scan3A_311 : i32
      %add3A_314 = arith.constant 0 : i32
      %add3A_315 = arith.addi %mul3A_313, %add3A_314 : i32
      %dma_wait3A_316 = arith.constant 0 : i32
      %dma_wait3A_317 = tpu.memref_slice %arg16[%add3A_315, %dma_wait3A_316] : memref<40x64xf32, #tpu.memory_space<vmem>> -> memref<1x64xf32, #tpu.memory_space<vmem>>
      %dma_wait3A_318 = tpu.memref_squeeze %dma_wait3A_317 : memref<1x64xf32, #tpu.memory_space<vmem>> -> memref<64xf32, #tpu.memory_space<vmem>>
      %dma_wait3A_319 = arith.constant 0 : i32
      %dma_wait3A_320 = tpu.memref_slice %arg11[%add3A_315, %dma_wait3A_319] : memref<40x64xi32, #tpu.memory_space<vmem>> -> memref<1x64xi32, #tpu.memory_space<vmem>>
      %dma_wait3A_321 = tpu.memref_squeeze %dma_wait3A_320 : memref<1x64xi32, #tpu.memory_space<vmem>> -> memref<64xi32, #tpu.memory_space<vmem>>
      %dma_wait3A_322 = arith.constant 0 : i32
      %dma_wait3A_323 = tpu.memref_slice %arg5[%dma_wait3A_322] : memref<10240xf32, #tpu.memory_space<hbm>> -> memref<10240xf32, #tpu.memory_space<hbm>>
      tpu.wait_indirect_dma semaphore(%arg27 : memref<!tpu.dma_semaphore, #tpu.memory_space<semaphore_mem>>) src(%dma_wait3A_323 : memref<10240xf32, #tpu.memory_space<hbm>>) dst(%dma_wait3A_318 : memref<64xf32, #tpu.memory_space<vmem>>)
      %dma_start3A_324 = arith.constant 0 : i32
      %dma_start3A_325 = tpu.memref_slice %arg16[%add3A_315, %dma_start3A_324] : memref<40x64xf32, #tpu.memory_space<vmem>> -> memref<1x64xf32, #tpu.memory_space<vmem>>
      %dma_start3A_326 = tpu.memref_squeeze %dma_start3A_325 : memref<1x64xf32, #tpu.memory_space<vmem>> -> memref<64xf32, #tpu.memory_space<vmem>>
      %dma_start3A_327 = arith.constant 0 : i32
      %dma_start3A_328 = tpu.memref_slice %arg10[%add3A_315, %dma_start3A_327] : memref<40x64xi32, #tpu.memory_space<vmem>> -> memref<1x64xi32, #tpu.memory_space<vmem>>
      %dma_start3A_329 = tpu.memref_squeeze %dma_start3A_328 : memref<1x64xi32, #tpu.memory_space<vmem>> -> memref<64xi32, #tpu.memory_space<vmem>>
      %dma_start3A_330 = arith.constant 0 : i32
      %dma_start3A_331 = tpu.memref_slice %arg18[%dma_start3A_330] : memref<10240xf32, #tpu.memory_space<vmem_shared>> -> memref<10240xf32, #tpu.memory_space<vmem_shared>>
      tpu.enqueue_indirect_dma source(%dma_start3A_326 : memref<64xf32, #tpu.memory_space<vmem>>) target(%dma_start3A_331 : memref<10240xf32, #tpu.memory_space<vmem_shared>>) offsets(%dma_start3A_329 : memref<64xi32, #tpu.memory_space<vmem>>) semaphore(%arg29 : memref<!tpu.dma_semaphore, #tpu.memory_space<semaphore_mem>>) {add = true}
      %add3A_332 = arith.constant 2 : i32
      %add3A_333 = arith.addi %add3A_315, %add3A_332 : i32
      %lt3A = arith.constant 40 : i32
      %lt3A_334 = arith.cmpi slt, %add3A_333, %lt3A : i32
      %convert_element_type3A = arith.extui %lt3A_334 : i1 to i32
      %cond3A = arith.constant 0 : i32
      %cond3A_335 = arith.cmpi ne, %convert_element_type3A, %cond3A : i32
      scf.if %cond3A_335 {
        %add3A_493 = arith.constant 2 : i32
        %add3A_494 = arith.addi %add3A_315, %add3A_493 : i32
        %add3A_495 = arith.constant 2 : i32
        %add3A_496 = arith.addi %add3A_315, %add3A_495 : i32
        %dma_start3A_497 = arith.constant 0 : i32
        %dma_start3A_498 = tpu.memref_slice %arg16[%add3A_496, %dma_start3A_497] : memref<40x64xf32, #tpu.memory_space<vmem>> -> memref<1x64xf32, #tpu.memory_space<vmem>>
        %dma_start3A_499 = tpu.memref_squeeze %dma_start3A_498 : memref<1x64xf32, #tpu.memory_space<vmem>> -> memref<64xf32, #tpu.memory_space<vmem>>
        %dma_start3A_500 = arith.constant 0 : i32
        %dma_start3A_501 = tpu.memref_slice %arg11[%add3A_494, %dma_start3A_500] : memref<40x64xi32, #tpu.memory_space<vmem>> -> memref<1x64xi32, #tpu.memory_space<vmem>>
        %dma_start3A_502 = tpu.memref_squeeze %dma_start3A_501 : memref<1x64xi32, #tpu.memory_space<vmem>> -> memref<64xi32, #tpu.memory_space<vmem>>
        %dma_start3A_503 = arith.constant 0 : i32
        %dma_start3A_504 = tpu.memref_slice %arg5[%dma_start3A_503] : memref<10240xf32, #tpu.memory_space<hbm>> -> memref<10240xf32, #tpu.memory_space<hbm>>
        tpu.enqueue_indirect_dma source(%dma_start3A_504 : memref<10240xf32, #tpu.memory_space<hbm>>) target(%dma_start3A_499 : memref<64xf32, #tpu.memory_space<vmem>>) offsets(%dma_start3A_502 : memref<64xi32, #tpu.memory_space<vmem>>) semaphore(%arg27 : memref<!tpu.dma_semaphore, #tpu.memory_space<semaphore_mem>>)
      } else {
      }
      %dma_wait3A_336 = arith.constant 0 : i32
      %dma_wait3A_337 = tpu.memref_slice %arg10[%add3A_315, %dma_wait3A_336] : memref<40x64xi32, #tpu.memory_space<vmem>> -> memref<1x64xi32, #tpu.memory_space<vmem>>
      %dma_wait3A_338 = tpu.memref_squeeze %dma_wait3A_337 : memref<1x64xi32, #tpu.memory_space<vmem>> -> memref<64xi32, #tpu.memory_space<vmem>>
      %dma_wait3A_339 = arith.constant 0 : i32
      %dma_wait3A_340 = arith.constant 0 : i32
      %dma_wait3A_341 = tpu.memref_slice %arg4[%dma_wait3A_339, %dma_wait3A_340] : memref<10240x128xf32, #tpu.memory_space<hbm>> -> memref<10240x128xf32, #tpu.memory_space<hbm>>
      tpu.wait_indirect_dma semaphore(%arg19 : memref<!tpu.dma_semaphore, #tpu.memory_space<semaphore_mem>>) src(%dma_wait3A_341 : memref<10240x128xf32, #tpu.memory_space<hbm>>) dst(%arg12 : memref<64x128xf32, #tpu.memory_space<vmem>>)
      %dma_start3A_342 = arith.constant 0 : i32
      %dma_start3A_343 = tpu.memref_slice %arg11[%add3A_315, %dma_start3A_342] : memref<40x64xi32, #tpu.memory_space<vmem>> -> memref<1x64xi32, #tpu.memory_space<vmem>>
      %dma_start3A_344 = tpu.memref_squeeze %dma_start3A_343 : memref<1x64xi32, #tpu.memory_space<vmem>> -> memref<64xi32, #tpu.memory_space<vmem>>
      %dma_start3A_345 = arith.constant 0 : i32
      %dma_start3A_346 = arith.constant 0 : i32
      %dma_start3A_347 = tpu.memref_slice %arg17[%dma_start3A_345, %dma_start3A_346] : memref<10112x128xf32, #tpu.memory_space<vmem_shared>> -> memref<10112x128xf32, #tpu.memory_space<vmem_shared>>
      tpu.enqueue_indirect_dma source(%arg12 : memref<64x128xf32, #tpu.memory_space<vmem>>) target(%dma_start3A_347 : memref<10112x128xf32, #tpu.memory_space<vmem_shared>>) offsets(%dma_start3A_344 : memref<64xi32, #tpu.memory_space<vmem>>) semaphore(%arg23 : memref<!tpu.dma_semaphore, #tpu.memory_space<semaphore_mem>>) {add = true}
      %add3A_348 = arith.constant 2 : i32
      %add3A_349 = arith.addi %add3A_315, %add3A_348 : i32
      %lt3A_350 = arith.constant 40 : i32
      %lt3A_351 = arith.cmpi slt, %add3A_349, %lt3A_350 : i32
      %convert_element_type3A_352 = arith.extui %lt3A_351 : i1 to i32
      %cond3A_353 = arith.constant 0 : i32
      %cond3A_354 = arith.cmpi ne, %convert_element_type3A_352, %cond3A_353 : i32
      scf.if %cond3A_354 {
        %ge3A = arith.constant 2 : i32
        %ge3A_493 = arith.cmpi sge, %add3A_315, %ge3A : i32
        %convert_element_type3A_494 = arith.extui %ge3A_493 : i1 to i32
        %cond3A_495 = arith.constant 0 : i32
        %cond3A_496 = arith.cmpi ne, %convert_element_type3A_494, %cond3A_495 : i32
        scf.if %cond3A_496 {
          %dma_wait3A_505 = arith.constant 0 : i32
          %dma_wait3A_506 = tpu.memref_slice %arg11[%add3A_315, %dma_wait3A_505] : memref<40x64xi32, #tpu.memory_space<vmem>> -> memref<1x64xi32, #tpu.memory_space<vmem>>
          %dma_wait3A_507 = tpu.memref_squeeze %dma_wait3A_506 : memref<1x64xi32, #tpu.memory_space<vmem>> -> memref<64xi32, #tpu.memory_space<vmem>>
          %dma_wait3A_508 = arith.constant 0 : i32
          %dma_wait3A_509 = arith.constant 0 : i32
          %dma_wait3A_510 = tpu.memref_slice %arg17[%dma_wait3A_508, %dma_wait3A_509] : memref<10112x128xf32, #tpu.memory_space<vmem_shared>> -> memref<10112x128xf32, #tpu.memory_space<vmem_shared>>
          tpu.wait_indirect_dma semaphore(%arg25 : memref<!tpu.dma_semaphore, #tpu.memory_space<semaphore_mem>>) src(%arg14 : memref<64x128xf32, #tpu.memory_space<vmem>>) dst(%dma_wait3A_510 : memref<10112x128xf32, #tpu.memory_space<vmem_shared>>)
        } else {
        }
        %add3A_497 = arith.constant 2 : i32
        %add3A_498 = arith.addi %add3A_315, %add3A_497 : i32
        %dma_start3A_499 = arith.constant 0 : i32
        %dma_start3A_500 = tpu.memref_slice %arg10[%add3A_498, %dma_start3A_499] : memref<40x64xi32, #tpu.memory_space<vmem>> -> memref<1x64xi32, #tpu.memory_space<vmem>>
        %dma_start3A_501 = tpu.memref_squeeze %dma_start3A_500 : memref<1x64xi32, #tpu.memory_space<vmem>> -> memref<64xi32, #tpu.memory_space<vmem>>
        %dma_start3A_502 = arith.constant 0 : i32
        %dma_start3A_503 = arith.constant 0 : i32
        %dma_start3A_504 = tpu.memref_slice %arg4[%dma_start3A_502, %dma_start3A_503] : memref<10240x128xf32, #tpu.memory_space<hbm>> -> memref<10240x128xf32, #tpu.memory_space<hbm>>
        tpu.enqueue_indirect_dma source(%dma_start3A_504 : memref<10240x128xf32, #tpu.memory_space<hbm>>) target(%arg14 : memref<64x128xf32, #tpu.memory_space<vmem>>) offsets(%dma_start3A_501 : memref<64xi32, #tpu.memory_space<vmem>>) semaphore(%arg21 : memref<!tpu.dma_semaphore, #tpu.memory_space<semaphore_mem>>)
      } else {
      }
      %mul3A_355 = arith.constant 4 : i32
      %mul3A_356 = arith.muli %mul3A_355, %scan3A_311 : i32
      %add3A_357 = arith.constant 1 : i32
      %add3A_358 = arith.addi %mul3A_356, %add3A_357 : i32
      %dma_wait3A_359 = arith.constant 0 : i32
      %dma_wait3A_360 = tpu.memref_slice %arg16[%add3A_358, %dma_wait3A_359] : memref<40x64xf32, #tpu.memory_space<vmem>> -> memref<1x64xf32, #tpu.memory_space<vmem>>
      %dma_wait3A_361 = tpu.memref_squeeze %dma_wait3A_360 : memref<1x64xf32, #tpu.memory_space<vmem>> -> memref<64xf32, #tpu.memory_space<vmem>>
      %dma_wait3A_362 = arith.constant 0 : i32
      %dma_wait3A_363 = tpu.memref_slice %arg11[%add3A_358, %dma_wait3A_362] : memref<40x64xi32, #tpu.memory_space<vmem>> -> memref<1x64xi32, #tpu.memory_space<vmem>>
      %dma_wait3A_364 = tpu.memref_squeeze %dma_wait3A_363 : memref<1x64xi32, #tpu.memory_space<vmem>> -> memref<64xi32, #tpu.memory_space<vmem>>
      %dma_wait3A_365 = arith.constant 0 : i32
      %dma_wait3A_366 = tpu.memref_slice %arg5[%dma_wait3A_365] : memref<10240xf32, #tpu.memory_space<hbm>> -> memref<10240xf32, #tpu.memory_space<hbm>>
      tpu.wait_indirect_dma semaphore(%arg28 : memref<!tpu.dma_semaphore, #tpu.memory_space<semaphore_mem>>) src(%dma_wait3A_366 : memref<10240xf32, #tpu.memory_space<hbm>>) dst(%dma_wait3A_361 : memref<64xf32, #tpu.memory_space<vmem>>)
      %dma_start3A_367 = arith.constant 0 : i32
      %dma_start3A_368 = tpu.memref_slice %arg16[%add3A_358, %dma_start3A_367] : memref<40x64xf32, #tpu.memory_space<vmem>> -> memref<1x64xf32, #tpu.memory_space<vmem>>
      %dma_start3A_369 = tpu.memref_squeeze %dma_start3A_368 : memref<1x64xf32, #tpu.memory_space<vmem>> -> memref<64xf32, #tpu.memory_space<vmem>>
      %dma_start3A_370 = arith.constant 0 : i32
      %dma_start3A_371 = tpu.memref_slice %arg10[%add3A_358, %dma_start3A_370] : memref<40x64xi32, #tpu.memory_space<vmem>> -> memref<1x64xi32, #tpu.memory_space<vmem>>
      %dma_start3A_372 = tpu.memref_squeeze %dma_start3A_371 : memref<1x64xi32, #tpu.memory_space<vmem>> -> memref<64xi32, #tpu.memory_space<vmem>>
      %dma_start3A_373 = arith.constant 0 : i32
      %dma_start3A_374 = tpu.memref_slice %arg18[%dma_start3A_373] : memref<10240xf32, #tpu.memory_space<vmem_shared>> -> memref<10240xf32, #tpu.memory_space<vmem_shared>>
      tpu.enqueue_indirect_dma source(%dma_start3A_369 : memref<64xf32, #tpu.memory_space<vmem>>) target(%dma_start3A_374 : memref<10240xf32, #tpu.memory_space<vmem_shared>>) offsets(%dma_start3A_372 : memref<64xi32, #tpu.memory_space<vmem>>) semaphore(%arg29 : memref<!tpu.dma_semaphore, #tpu.memory_space<semaphore_mem>>) {add = true}
      %add3A_375 = arith.constant 2 : i32
      %add3A_376 = arith.addi %add3A_358, %add3A_375 : i32
      %lt3A_377 = arith.constant 40 : i32
      %lt3A_378 = arith.cmpi slt, %add3A_376, %lt3A_377 : i32
      %convert_element_type3A_379 = arith.extui %lt3A_378 : i1 to i32
      %cond3A_380 = arith.constant 0 : i32
      %cond3A_381 = arith.cmpi ne, %convert_element_type3A_379, %cond3A_380 : i32
      scf.if %cond3A_381 {
        %add3A_493 = arith.constant 2 : i32
        %add3A_494 = arith.addi %add3A_358, %add3A_493 : i32
        %add3A_495 = arith.constant 2 : i32
        %add3A_496 = arith.addi %add3A_358, %add3A_495 : i32
        %dma_start3A_497 = arith.constant 0 : i32
        %dma_start3A_498 = tpu.memref_slice %arg16[%add3A_496, %dma_start3A_497] : memref<40x64xf32, #tpu.memory_space<vmem>> -> memref<1x64xf32, #tpu.memory_space<vmem>>
        %dma_start3A_499 = tpu.memref_squeeze %dma_start3A_498 : memref<1x64xf32, #tpu.memory_space<vmem>> -> memref<64xf32, #tpu.memory_space<vmem>>
        %dma_start3A_500 = arith.constant 0 : i32
        %dma_start3A_501 = tpu.memref_slice %arg11[%add3A_494, %dma_start3A_500] : memref<40x64xi32, #tpu.memory_space<vmem>> -> memref<1x64xi32, #tpu.memory_space<vmem>>
        %dma_start3A_502 = tpu.memref_squeeze %dma_start3A_501 : memref<1x64xi32, #tpu.memory_space<vmem>> -> memref<64xi32, #tpu.memory_space<vmem>>
        %dma_start3A_503 = arith.constant 0 : i32
        %dma_start3A_504 = tpu.memref_slice %arg5[%dma_start3A_503] : memref<10240xf32, #tpu.memory_space<hbm>> -> memref<10240xf32, #tpu.memory_space<hbm>>
        tpu.enqueue_indirect_dma source(%dma_start3A_504 : memref<10240xf32, #tpu.memory_space<hbm>>) target(%dma_start3A_499 : memref<64xf32, #tpu.memory_space<vmem>>) offsets(%dma_start3A_502 : memref<64xi32, #tpu.memory_space<vmem>>) semaphore(%arg28 : memref<!tpu.dma_semaphore, #tpu.memory_space<semaphore_mem>>)
      } else {
      }
      %dma_wait3A_382 = arith.constant 0 : i32
      %dma_wait3A_383 = tpu.memref_slice %arg10[%add3A_358, %dma_wait3A_382] : memref<40x64xi32, #tpu.memory_space<vmem>> -> memref<1x64xi32, #tpu.memory_space<vmem>>
      %dma_wait3A_384 = tpu.memref_squeeze %dma_wait3A_383 : memref<1x64xi32, #tpu.memory_space<vmem>> -> memref<64xi32, #tpu.memory_space<vmem>>
      %dma_wait3A_385 = arith.constant 0 : i32
      %dma_wait3A_386 = arith.constant 0 : i32
      %dma_wait3A_387 = tpu.memref_slice %arg4[%dma_wait3A_385, %dma_wait3A_386] : memref<10240x128xf32, #tpu.memory_space<hbm>> -> memref<10240x128xf32, #tpu.memory_space<hbm>>
      tpu.wait_indirect_dma semaphore(%arg20 : memref<!tpu.dma_semaphore, #tpu.memory_space<semaphore_mem>>) src(%dma_wait3A_387 : memref<10240x128xf32, #tpu.memory_space<hbm>>) dst(%arg13 : memref<64x128xf32, #tpu.memory_space<vmem>>)
      %dma_start3A_388 = arith.constant 0 : i32
      %dma_start3A_389 = tpu.memref_slice %arg11[%add3A_358, %dma_start3A_388] : memref<40x64xi32, #tpu.memory_space<vmem>> -> memref<1x64xi32, #tpu.memory_space<vmem>>
      %dma_start3A_390 = tpu.memref_squeeze %dma_start3A_389 : memref<1x64xi32, #tpu.memory_space<vmem>> -> memref<64xi32, #tpu.memory_space<vmem>>
      %dma_start3A_391 = arith.constant 0 : i32
      %dma_start3A_392 = arith.constant 0 : i32
      %dma_start3A_393 = tpu.memref_slice %arg17[%dma_start3A_391, %dma_start3A_392] : memref<10112x128xf32, #tpu.memory_space<vmem_shared>> -> memref<10112x128xf32, #tpu.memory_space<vmem_shared>>
      tpu.enqueue_indirect_dma source(%arg13 : memref<64x128xf32, #tpu.memory_space<vmem>>) target(%dma_start3A_393 : memref<10112x128xf32, #tpu.memory_space<vmem_shared>>) offsets(%dma_start3A_390 : memref<64xi32, #tpu.memory_space<vmem>>) semaphore(%arg24 : memref<!tpu.dma_semaphore, #tpu.memory_space<semaphore_mem>>) {add = true}
      %add3A_394 = arith.constant 2 : i32
      %add3A_395 = arith.addi %add3A_358, %add3A_394 : i32
      %lt3A_396 = arith.constant 40 : i32
      %lt3A_397 = arith.cmpi slt, %add3A_395, %lt3A_396 : i32
      %convert_element_type3A_398 = arith.extui %lt3A_397 : i1 to i32
      %cond3A_399 = arith.constant 0 : i32
      %cond3A_400 = arith.cmpi ne, %convert_element_type3A_398, %cond3A_399 : i32
      scf.if %cond3A_400 {
        %ge3A = arith.constant 2 : i32
        %ge3A_493 = arith.cmpi sge, %add3A_358, %ge3A : i32
        %convert_element_type3A_494 = arith.extui %ge3A_493 : i1 to i32
        %cond3A_495 = arith.constant 0 : i32
        %cond3A_496 = arith.cmpi ne, %convert_element_type3A_494, %cond3A_495 : i32
        scf.if %cond3A_496 {
          %dma_wait3A_505 = arith.constant 0 : i32
          %dma_wait3A_506 = tpu.memref_slice %arg11[%add3A_358, %dma_wait3A_505] : memref<40x64xi32, #tpu.memory_space<vmem>> -> memref<1x64xi32, #tpu.memory_space<vmem>>
          %dma_wait3A_507 = tpu.memref_squeeze %dma_wait3A_506 : memref<1x64xi32, #tpu.memory_space<vmem>> -> memref<64xi32, #tpu.memory_space<vmem>>
          %dma_wait3A_508 = arith.constant 0 : i32
          %dma_wait3A_509 = arith.constant 0 : i32
          %dma_wait3A_510 = tpu.memref_slice %arg17[%dma_wait3A_508, %dma_wait3A_509] : memref<10112x128xf32, #tpu.memory_space<vmem_shared>> -> memref<10112x128xf32, #tpu.memory_space<vmem_shared>>
          tpu.wait_indirect_dma semaphore(%arg26 : memref<!tpu.dma_semaphore, #tpu.memory_space<semaphore_mem>>) src(%arg15 : memref<64x128xf32, #tpu.memory_space<vmem>>) dst(%dma_wait3A_510 : memref<10112x128xf32, #tpu.memory_space<vmem_shared>>)
        } else {
        }
        %add3A_497 = arith.constant 2 : i32
        %add3A_498 = arith.addi %add3A_358, %add3A_497 : i32
        %dma_start3A_499 = arith.constant 0 : i32
        %dma_start3A_500 = tpu.memref_slice %arg10[%add3A_498, %dma_start3A_499] : memref<40x64xi32, #tpu.memory_space<vmem>> -> memref<1x64xi32, #tpu.memory_space<vmem>>
        %dma_start3A_501 = tpu.memref_squeeze %dma_start3A_500 : memref<1x64xi32, #tpu.memory_space<vmem>> -> memref<64xi32, #tpu.memory_space<vmem>>
        %dma_start3A_502 = arith.constant 0 : i32
        %dma_start3A_503 = arith.constant 0 : i32
        %dma_start3A_504 = tpu.memref_slice %arg4[%dma_start3A_502, %dma_start3A_503] : memref<10240x128xf32, #tpu.memory_space<hbm>> -> memref<10240x128xf32, #tpu.memory_space<hbm>>
        tpu.enqueue_indirect_dma source(%dma_start3A_504 : memref<10240x128xf32, #tpu.memory_space<hbm>>) target(%arg15 : memref<64x128xf32, #tpu.memory_space<vmem>>) offsets(%dma_start3A_501 : memref<64xi32, #tpu.memory_space<vmem>>) semaphore(%arg22 : memref<!tpu.dma_semaphore, #tpu.memory_space<semaphore_mem>>)
      } else {
      }
      %mul3A_401 = arith.constant 4 : i32
      %mul3A_402 = arith.muli %mul3A_401, %scan3A_311 : i32
      %add3A_403 = arith.constant 2 : i32
      %add3A_404 = arith.addi %mul3A_402, %add3A_403 : i32
      %dma_wait3A_405 = arith.constant 0 : i32
      %dma_wait3A_406 = tpu.memref_slice %arg16[%add3A_404, %dma_wait3A_405] : memref<40x64xf32, #tpu.memory_space<vmem>> -> memref<1x64xf32, #tpu.memory_space<vmem>>
      %dma_wait3A_407 = tpu.memref_squeeze %dma_wait3A_406 : memref<1x64xf32, #tpu.memory_space<vmem>> -> memref<64xf32, #tpu.memory_space<vmem>>
      %dma_wait3A_408 = arith.constant 0 : i32
      %dma_wait3A_409 = tpu.memref_slice %arg11[%add3A_404, %dma_wait3A_408] : memref<40x64xi32, #tpu.memory_space<vmem>> -> memref<1x64xi32, #tpu.memory_space<vmem>>
      %dma_wait3A_410 = tpu.memref_squeeze %dma_wait3A_409 : memref<1x64xi32, #tpu.memory_space<vmem>> -> memref<64xi32, #tpu.memory_space<vmem>>
      %dma_wait3A_411 = arith.constant 0 : i32
      %dma_wait3A_412 = tpu.memref_slice %arg5[%dma_wait3A_411] : memref<10240xf32, #tpu.memory_space<hbm>> -> memref<10240xf32, #tpu.memory_space<hbm>>
      tpu.wait_indirect_dma semaphore(%arg27 : memref<!tpu.dma_semaphore, #tpu.memory_space<semaphore_mem>>) src(%dma_wait3A_412 : memref<10240xf32, #tpu.memory_space<hbm>>) dst(%dma_wait3A_407 : memref<64xf32, #tpu.memory_space<vmem>>)
      %dma_start3A_413 = arith.constant 0 : i32
      %dma_start3A_414 = tpu.memref_slice %arg16[%add3A_404, %dma_start3A_413] : memref<40x64xf32, #tpu.memory_space<vmem>> -> memref<1x64xf32, #tpu.memory_space<vmem>>
      %dma_start3A_415 = tpu.memref_squeeze %dma_start3A_414 : memref<1x64xf32, #tpu.memory_space<vmem>> -> memref<64xf32, #tpu.memory_space<vmem>>
      %dma_start3A_416 = arith.constant 0 : i32
      %dma_start3A_417 = tpu.memref_slice %arg10[%add3A_404, %dma_start3A_416] : memref<40x64xi32, #tpu.memory_space<vmem>> -> memref<1x64xi32, #tpu.memory_space<vmem>>
      %dma_start3A_418 = tpu.memref_squeeze %dma_start3A_417 : memref<1x64xi32, #tpu.memory_space<vmem>> -> memref<64xi32, #tpu.memory_space<vmem>>
      %dma_start3A_419 = arith.constant 0 : i32
      %dma_start3A_420 = tpu.memref_slice %arg18[%dma_start3A_419] : memref<10240xf32, #tpu.memory_space<vmem_shared>> -> memref<10240xf32, #tpu.memory_space<vmem_shared>>
      tpu.enqueue_indirect_dma source(%dma_start3A_415 : memref<64xf32, #tpu.memory_space<vmem>>) target(%dma_start3A_420 : memref<10240xf32, #tpu.memory_space<vmem_shared>>) offsets(%dma_start3A_418 : memref<64xi32, #tpu.memory_space<vmem>>) semaphore(%arg29 : memref<!tpu.dma_semaphore, #tpu.memory_space<semaphore_mem>>) {add = true}
      %add3A_421 = arith.constant 2 : i32
      %add3A_422 = arith.addi %add3A_404, %add3A_421 : i32
      %lt3A_423 = arith.constant 40 : i32
      %lt3A_424 = arith.cmpi slt, %add3A_422, %lt3A_423 : i32
      %convert_element_type3A_425 = arith.extui %lt3A_424 : i1 to i32
      %cond3A_426 = arith.constant 0 : i32
      %cond3A_427 = arith.cmpi ne, %convert_element_type3A_425, %cond3A_426 : i32
      scf.if %cond3A_427 {
        %add3A_493 = arith.constant 2 : i32
        %add3A_494 = arith.addi %add3A_404, %add3A_493 : i32
        %add3A_495 = arith.constant 2 : i32
        %add3A_496 = arith.addi %add3A_404, %add3A_495 : i32
        %dma_start3A_497 = arith.constant 0 : i32
        %dma_start3A_498 = tpu.memref_slice %arg16[%add3A_496, %dma_start3A_497] : memref<40x64xf32, #tpu.memory_space<vmem>> -> memref<1x64xf32, #tpu.memory_space<vmem>>
        %dma_start3A_499 = tpu.memref_squeeze %dma_start3A_498 : memref<1x64xf32, #tpu.memory_space<vmem>> -> memref<64xf32, #tpu.memory_space<vmem>>
        %dma_start3A_500 = arith.constant 0 : i32
        %dma_start3A_501 = tpu.memref_slice %arg11[%add3A_494, %dma_start3A_500] : memref<40x64xi32, #tpu.memory_space<vmem>> -> memref<1x64xi32, #tpu.memory_space<vmem>>
        %dma_start3A_502 = tpu.memref_squeeze %dma_start3A_501 : memref<1x64xi32, #tpu.memory_space<vmem>> -> memref<64xi32, #tpu.memory_space<vmem>>
        %dma_start3A_503 = arith.constant 0 : i32
        %dma_start3A_504 = tpu.memref_slice %arg5[%dma_start3A_503] : memref<10240xf32, #tpu.memory_space<hbm>> -> memref<10240xf32, #tpu.memory_space<hbm>>
        tpu.enqueue_indirect_dma source(%dma_start3A_504 : memref<10240xf32, #tpu.memory_space<hbm>>) target(%dma_start3A_499 : memref<64xf32, #tpu.memory_space<vmem>>) offsets(%dma_start3A_502 : memref<64xi32, #tpu.memory_space<vmem>>) semaphore(%arg27 : memref<!tpu.dma_semaphore, #tpu.memory_space<semaphore_mem>>)
      } else {
      }
      %dma_wait3A_428 = arith.constant 0 : i32
      %dma_wait3A_429 = tpu.memref_slice %arg10[%add3A_404, %dma_wait3A_428] : memref<40x64xi32, #tpu.memory_space<vmem>> -> memref<1x64xi32, #tpu.memory_space<vmem>>
      %dma_wait3A_430 = tpu.memref_squeeze %dma_wait3A_429 : memref<1x64xi32, #tpu.memory_space<vmem>> -> memref<64xi32, #tpu.memory_space<vmem>>
      %dma_wait3A_431 = arith.constant 0 : i32
      %dma_wait3A_432 = arith.constant 0 : i32
      %dma_wait3A_433 = tpu.memref_slice %arg4[%dma_wait3A_431, %dma_wait3A_432] : memref<10240x128xf32, #tpu.memory_space<hbm>> -> memref<10240x128xf32, #tpu.memory_space<hbm>>
      tpu.wait_indirect_dma semaphore(%arg21 : memref<!tpu.dma_semaphore, #tpu.memory_space<semaphore_mem>>) src(%dma_wait3A_433 : memref<10240x128xf32, #tpu.memory_space<hbm>>) dst(%arg14 : memref<64x128xf32, #tpu.memory_space<vmem>>)
      %dma_start3A_434 = arith.constant 0 : i32
      %dma_start3A_435 = tpu.memref_slice %arg11[%add3A_404, %dma_start3A_434] : memref<40x64xi32, #tpu.memory_space<vmem>> -> memref<1x64xi32, #tpu.memory_space<vmem>>
      %dma_start3A_436 = tpu.memref_squeeze %dma_start3A_435 : memref<1x64xi32, #tpu.memory_space<vmem>> -> memref<64xi32, #tpu.memory_space<vmem>>
      %dma_start3A_437 = arith.constant 0 : i32
      %dma_start3A_438 = arith.constant 0 : i32
      %dma_start3A_439 = tpu.memref_slice %arg17[%dma_start3A_437, %dma_start3A_438] : memref<10112x128xf32, #tpu.memory_space<vmem_shared>> -> memref<10112x128xf32, #tpu.memory_space<vmem_shared>>
      tpu.enqueue_indirect_dma source(%arg14 : memref<64x128xf32, #tpu.memory_space<vmem>>) target(%dma_start3A_439 : memref<10112x128xf32, #tpu.memory_space<vmem_shared>>) offsets(%dma_start3A_436 : memref<64xi32, #tpu.memory_space<vmem>>) semaphore(%arg25 : memref<!tpu.dma_semaphore, #tpu.memory_space<semaphore_mem>>) {add = true}
      %add3A_440 = arith.constant 2 : i32
      %add3A_441 = arith.addi %add3A_404, %add3A_440 : i32
      %lt3A_442 = arith.constant 40 : i32
      %lt3A_443 = arith.cmpi slt, %add3A_441, %lt3A_442 : i32
      %convert_element_type3A_444 = arith.extui %lt3A_443 : i1 to i32
      %cond3A_445 = arith.constant 0 : i32
      %cond3A_446 = arith.cmpi ne, %convert_element_type3A_444, %cond3A_445 : i32
      scf.if %cond3A_446 {
        %ge3A = arith.constant 2 : i32
        %ge3A_493 = arith.cmpi sge, %add3A_404, %ge3A : i32
        %convert_element_type3A_494 = arith.extui %ge3A_493 : i1 to i32
        %cond3A_495 = arith.constant 0 : i32
        %cond3A_496 = arith.cmpi ne, %convert_element_type3A_494, %cond3A_495 : i32
        scf.if %cond3A_496 {
          %dma_wait3A_505 = arith.constant 0 : i32
          %dma_wait3A_506 = tpu.memref_slice %arg11[%add3A_404, %dma_wait3A_505] : memref<40x64xi32, #tpu.memory_space<vmem>> -> memref<1x64xi32, #tpu.memory_space<vmem>>
          %dma_wait3A_507 = tpu.memref_squeeze %dma_wait3A_506 : memref<1x64xi32, #tpu.memory_space<vmem>> -> memref<64xi32, #tpu.memory_space<vmem>>
          %dma_wait3A_508 = arith.constant 0 : i32
          %dma_wait3A_509 = arith.constant 0 : i32
          %dma_wait3A_510 = tpu.memref_slice %arg17[%dma_wait3A_508, %dma_wait3A_509] : memref<10112x128xf32, #tpu.memory_space<vmem_shared>> -> memref<10112x128xf32, #tpu.memory_space<vmem_shared>>
          tpu.wait_indirect_dma semaphore(%arg23 : memref<!tpu.dma_semaphore, #tpu.memory_space<semaphore_mem>>) src(%arg12 : memref<64x128xf32, #tpu.memory_space<vmem>>) dst(%dma_wait3A_510 : memref<10112x128xf32, #tpu.memory_space<vmem_shared>>)
        } else {
        }
        %add3A_497 = arith.constant 2 : i32
        %add3A_498 = arith.addi %add3A_404, %add3A_497 : i32
        %dma_start3A_499 = arith.constant 0 : i32
        %dma_start3A_500 = tpu.memref_slice %arg10[%add3A_498, %dma_start3A_499] : memref<40x64xi32, #tpu.memory_space<vmem>> -> memref<1x64xi32, #tpu.memory_space<vmem>>
        %dma_start3A_501 = tpu.memref_squeeze %dma_start3A_500 : memref<1x64xi32, #tpu.memory_space<vmem>> -> memref<64xi32, #tpu.memory_space<vmem>>
        %dma_start3A_502 = arith.constant 0 : i32
        %dma_start3A_503 = arith.constant 0 : i32
        %dma_start3A_504 = tpu.memref_slice %arg4[%dma_start3A_502, %dma_start3A_503] : memref<10240x128xf32, #tpu.memory_space<hbm>> -> memref<10240x128xf32, #tpu.memory_space<hbm>>
        tpu.enqueue_indirect_dma source(%dma_start3A_504 : memref<10240x128xf32, #tpu.memory_space<hbm>>) target(%arg12 : memref<64x128xf32, #tpu.memory_space<vmem>>) offsets(%dma_start3A_501 : memref<64xi32, #tpu.memory_space<vmem>>) semaphore(%arg19 : memref<!tpu.dma_semaphore, #tpu.memory_space<semaphore_mem>>)
      } else {
      }
      %mul3A_447 = arith.constant 4 : i32
      %mul3A_448 = arith.muli %mul3A_447, %scan3A_311 : i32
      %add3A_449 = arith.constant 3 : i32
      %add3A_450 = arith.addi %mul3A_448, %add3A_449 : i32
      %dma_wait3A_451 = arith.constant 0 : i32
      %dma_wait3A_452 = tpu.memref_slice %arg16[%add3A_450, %dma_wait3A_451] : memref<40x64xf32, #tpu.memory_space<vmem>> -> memref<1x64xf32, #tpu.memory_space<vmem>>
      %dma_wait3A_453 = tpu.memref_squeeze %dma_wait3A_452 : memref<1x64xf32, #tpu.memory_space<vmem>> -> memref<64xf32, #tpu.memory_space<vmem>>
      %dma_wait3A_454 = arith.constant 0 : i32
      %dma_wait3A_455 = tpu.memref_slice %arg11[%add3A_450, %dma_wait3A_454] : memref<40x64xi32, #tpu.memory_space<vmem>> -> memref<1x64xi32, #tpu.memory_space<vmem>>
      %dma_wait3A_456 = tpu.memref_squeeze %dma_wait3A_455 : memref<1x64xi32, #tpu.memory_space<vmem>> -> memref<64xi32, #tpu.memory_space<vmem>>
      %dma_wait3A_457 = arith.constant 0 : i32
      %dma_wait3A_458 = tpu.memref_slice %arg5[%dma_wait3A_457] : memref<10240xf32, #tpu.memory_space<hbm>> -> memref<10240xf32, #tpu.memory_space<hbm>>
      tpu.wait_indirect_dma semaphore(%arg28 : memref<!tpu.dma_semaphore, #tpu.memory_space<semaphore_mem>>) src(%dma_wait3A_458 : memref<10240xf32, #tpu.memory_space<hbm>>) dst(%dma_wait3A_453 : memref<64xf32, #tpu.memory_space<vmem>>)
      %dma_start3A_459 = arith.constant 0 : i32
      %dma_start3A_460 = tpu.memref_slice %arg16[%add3A_450, %dma_start3A_459] : memref<40x64xf32, #tpu.memory_space<vmem>> -> memref<1x64xf32, #tpu.memory_space<vmem>>
      %dma_start3A_461 = tpu.memref_squeeze %dma_start3A_460 : memref<1x64xf32, #tpu.memory_space<vmem>> -> memref<64xf32, #tpu.memory_space<vmem>>
      %dma_start3A_462 = arith.constant 0 : i32
      %dma_start3A_463 = tpu.memref_slice %arg10[%add3A_450, %dma_start3A_462] : memref<40x64xi32, #tpu.memory_space<vmem>> -> memref<1x64xi32, #tpu.memory_space<vmem>>
      %dma_start3A_464 = tpu.memref_squeeze %dma_start3A_463 : memref<1x64xi32, #tpu.memory_space<vmem>> -> memref<64xi32, #tpu.memory_space<vmem>>
      %dma_start3A_465 = arith.constant 0 : i32
      %dma_start3A_466 = tpu.memref_slice %arg18[%dma_start3A_465] : memref<10240xf32, #tpu.memory_space<vmem_shared>> -> memref<10240xf32, #tpu.memory_space<vmem_shared>>
      tpu.enqueue_indirect_dma source(%dma_start3A_461 : memref<64xf32, #tpu.memory_space<vmem>>) target(%dma_start3A_466 : memref<10240xf32, #tpu.memory_space<vmem_shared>>) offsets(%dma_start3A_464 : memref<64xi32, #tpu.memory_space<vmem>>) semaphore(%arg29 : memref<!tpu.dma_semaphore, #tpu.memory_space<semaphore_mem>>) {add = true}
      %add3A_467 = arith.constant 2 : i32
      %add3A_468 = arith.addi %add3A_450, %add3A_467 : i32
      %lt3A_469 = arith.constant 40 : i32
      %lt3A_470 = arith.cmpi slt, %add3A_468, %lt3A_469 : i32
      %convert_element_type3A_471 = arith.extui %lt3A_470 : i1 to i32
      %cond3A_472 = arith.constant 0 : i32
      %cond3A_473 = arith.cmpi ne, %convert_element_type3A_471, %cond3A_472 : i32
      scf.if %cond3A_473 {
        %add3A_493 = arith.constant 2 : i32
        %add3A_494 = arith.addi %add3A_450, %add3A_493 : i32
        %add3A_495 = arith.constant 2 : i32
        %add3A_496 = arith.addi %add3A_450, %add3A_495 : i32
        %dma_start3A_497 = arith.constant 0 : i32
        %dma_start3A_498 = tpu.memref_slice %arg16[%add3A_496, %dma_start3A_497] : memref<40x64xf32, #tpu.memory_space<vmem>> -> memref<1x64xf32, #tpu.memory_space<vmem>>
        %dma_start3A_499 = tpu.memref_squeeze %dma_start3A_498 : memref<1x64xf32, #tpu.memory_space<vmem>> -> memref<64xf32, #tpu.memory_space<vmem>>
        %dma_start3A_500 = arith.constant 0 : i32
        %dma_start3A_501 = tpu.memref_slice %arg11[%add3A_494, %dma_start3A_500] : memref<40x64xi32, #tpu.memory_space<vmem>> -> memref<1x64xi32, #tpu.memory_space<vmem>>
        %dma_start3A_502 = tpu.memref_squeeze %dma_start3A_501 : memref<1x64xi32, #tpu.memory_space<vmem>> -> memref<64xi32, #tpu.memory_space<vmem>>
        %dma_start3A_503 = arith.constant 0 : i32
        %dma_start3A_504 = tpu.memref_slice %arg5[%dma_start3A_503] : memref<10240xf32, #tpu.memory_space<hbm>> -> memref<10240xf32, #tpu.memory_space<hbm>>
        tpu.enqueue_indirect_dma source(%dma_start3A_504 : memref<10240xf32, #tpu.memory_space<hbm>>) target(%dma_start3A_499 : memref<64xf32, #tpu.memory_space<vmem>>) offsets(%dma_start3A_502 : memref<64xi32, #tpu.memory_space<vmem>>) semaphore(%arg28 : memref<!tpu.dma_semaphore, #tpu.memory_space<semaphore_mem>>)
      } else {
      }
      %dma_wait3A_474 = arith.constant 0 : i32
      %dma_wait3A_475 = tpu.memref_slice %arg10[%add3A_450, %dma_wait3A_474] : memref<40x64xi32, #tpu.memory_space<vmem>> -> memref<1x64xi32, #tpu.memory_space<vmem>>
      %dma_wait3A_476 = tpu.memref_squeeze %dma_wait3A_475 : memref<1x64xi32, #tpu.memory_space<vmem>> -> memref<64xi32, #tpu.memory_space<vmem>>
      %dma_wait3A_477 = arith.constant 0 : i32
      %dma_wait3A_478 = arith.constant 0 : i32
      %dma_wait3A_479 = tpu.memref_slice %arg4[%dma_wait3A_477, %dma_wait3A_478] : memref<10240x128xf32, #tpu.memory_space<hbm>> -> memref<10240x128xf32, #tpu.memory_space<hbm>>
      tpu.wait_indirect_dma semaphore(%arg22 : memref<!tpu.dma_semaphore, #tpu.memory_space<semaphore_mem>>) src(%dma_wait3A_479 : memref<10240x128xf32, #tpu.memory_space<hbm>>) dst(%arg15 : memref<64x128xf32, #tpu.memory_space<vmem>>)
      %dma_start3A_480 = arith.constant 0 : i32
      %dma_start3A_481 = tpu.memref_slice %arg11[%add3A_450, %dma_start3A_480] : memref<40x64xi32, #tpu.memory_space<vmem>> -> memref<1x64xi32, #tpu.memory_space<vmem>>
      %dma_start3A_482 = tpu.memref_squeeze %dma_start3A_481 : memref<1x64xi32, #tpu.memory_space<vmem>> -> memref<64xi32, #tpu.memory_space<vmem>>
      %dma_start3A_483 = arith.constant 0 : i32
      %dma_start3A_484 = arith.constant 0 : i32
      %dma_start3A_485 = tpu.memref_slice %arg17[%dma_start3A_483, %dma_start3A_484] : memref<10112x128xf32, #tpu.memory_space<vmem_shared>> -> memref<10112x128xf32, #tpu.memory_space<vmem_shared>>
      tpu.enqueue_indirect_dma source(%arg15 : memref<64x128xf32, #tpu.memory_space<vmem>>) target(%dma_start3A_485 : memref<10112x128xf32, #tpu.memory_space<vmem_shared>>) offsets(%dma_start3A_482 : memref<64xi32, #tpu.memory_space<vmem>>) semaphore(%arg26 : memref<!tpu.dma_semaphore, #tpu.memory_space<semaphore_mem>>) {add = true}
      %add3A_486 = arith.constant 2 : i32
      %add3A_487 = arith.addi %add3A_450, %add3A_486 : i32
      %lt3A_488 = arith.constant 40 : i32
      %lt3A_489 = arith.cmpi slt, %add3A_487, %lt3A_488 : i32
      %convert_element_type3A_490 = arith.extui %lt3A_489 : i1 to i32
      %cond3A_491 = arith.constant 0 : i32
      %cond3A_492 = arith.cmpi ne, %convert_element_type3A_490, %cond3A_491 : i32
      scf.if %cond3A_492 {
        %ge3A = arith.constant 2 : i32
        %ge3A_493 = arith.cmpi sge, %add3A_450, %ge3A : i32
        %convert_element_type3A_494 = arith.extui %ge3A_493 : i1 to i32
        %cond3A_495 = arith.constant 0 : i32
        %cond3A_496 = arith.cmpi ne, %convert_element_type3A_494, %cond3A_495 : i32
        scf.if %cond3A_496 {
          %dma_wait3A_505 = arith.constant 0 : i32
          %dma_wait3A_506 = tpu.memref_slice %arg11[%add3A_450, %dma_wait3A_505] : memref<40x64xi32, #tpu.memory_space<vmem>> -> memref<1x64xi32, #tpu.memory_space<vmem>>
          %dma_wait3A_507 = tpu.memref_squeeze %dma_wait3A_506 : memref<1x64xi32, #tpu.memory_space<vmem>> -> memref<64xi32, #tpu.memory_space<vmem>>
          %dma_wait3A_508 = arith.constant 0 : i32
          %dma_wait3A_509 = arith.constant 0 : i32
          %dma_wait3A_510 = tpu.memref_slice %arg17[%dma_wait3A_508, %dma_wait3A_509] : memref<10112x128xf32, #tpu.memory_space<vmem_shared>> -> memref<10112x128xf32, #tpu.memory_space<vmem_shared>>
          tpu.wait_indirect_dma semaphore(%arg24 : memref<!tpu.dma_semaphore, #tpu.memory_space<semaphore_mem>>) src(%arg13 : memref<64x128xf32, #tpu.memory_space<vmem>>) dst(%dma_wait3A_510 : memref<10112x128xf32, #tpu.memory_space<vmem_shared>>)
        } else {
        }
        %add3A_497 = arith.constant 2 : i32
        %add3A_498 = arith.addi %add3A_450, %add3A_497 : i32
        %dma_start3A_499 = arith.constant 0 : i32
        %dma_start3A_500 = tpu.memref_slice %arg10[%add3A_498, %dma_start3A_499] : memref<40x64xi32, #tpu.memory_space<vmem>> -> memref<1x64xi32, #tpu.memory_space<vmem>>
        %dma_start3A_501 = tpu.memref_squeeze %dma_start3A_500 : memref<1x64xi32, #tpu.memory_space<vmem>> -> memref<64xi32, #tpu.memory_space<vmem>>
        %dma_start3A_502 = arith.constant 0 : i32
        %dma_start3A_503 = arith.constant 0 : i32
        %dma_start3A_504 = tpu.memref_slice %arg4[%dma_start3A_502, %dma_start3A_503] : memref<10240x128xf32, #tpu.memory_space<hbm>> -> memref<10240x128xf32, #tpu.memory_space<hbm>>
        tpu.enqueue_indirect_dma source(%dma_start3A_504 : memref<10240x128xf32, #tpu.memory_space<hbm>>) target(%arg13 : memref<64x128xf32, #tpu.memory_space<vmem>>) offsets(%dma_start3A_501 : memref<64xi32, #tpu.memory_space<vmem>>) semaphore(%arg20 : memref<!tpu.dma_semaphore, #tpu.memory_space<semaphore_mem>>)
      } else {
      }
    }
    %scan3A_193 = arith.constant 10 : i32
    %dma_wait3A_194 = arith.constant 0 : i32
    %dma_wait3A_195 = arith.constant 0 : i32
    %dma_wait3A_196 = tpu.memref_slice %arg11[%dma_wait3A_194, %dma_wait3A_195] : memref<40x64xi32, #tpu.memory_space<vmem>> -> memref<1x64xi32, #tpu.memory_space<vmem>>
    %dma_wait3A_197 = tpu.memref_squeeze %dma_wait3A_196 : memref<1x64xi32, #tpu.memory_space<vmem>> -> memref<64xi32, #tpu.memory_space<vmem>>
    %dma_wait3A_198 = arith.constant 0 : i32
    %dma_wait3A_199 = arith.constant 0 : i32
    %dma_wait3A_200 = tpu.memref_slice %arg17[%dma_wait3A_198, %dma_wait3A_199] : memref<10112x128xf32, #tpu.memory_space<vmem_shared>> -> memref<10112x128xf32, #tpu.memory_space<vmem_shared>>
    tpu.wait_indirect_dma semaphore(%arg23 : memref<!tpu.dma_semaphore, #tpu.memory_space<semaphore_mem>>) src(%arg12 : memref<64x128xf32, #tpu.memory_space<vmem>>) dst(%dma_wait3A_200 : memref<10112x128xf32, #tpu.memory_space<vmem_shared>>)
    %dma_wait3A_201 = arith.constant 0 : i32
    %dma_wait3A_202 = arith.constant 0 : i32
    %dma_wait3A_203 = tpu.memref_slice %arg11[%dma_wait3A_201, %dma_wait3A_202] : memref<40x64xi32, #tpu.memory_space<vmem>> -> memref<1x64xi32, #tpu.memory_space<vmem>>
    %dma_wait3A_204 = tpu.memref_squeeze %dma_wait3A_203 : memref<1x64xi32, #tpu.memory_space<vmem>> -> memref<64xi32, #tpu.memory_space<vmem>>
    %dma_wait3A_205 = arith.constant 0 : i32
    %dma_wait3A_206 = arith.constant 0 : i32
    %dma_wait3A_207 = tpu.memref_slice %arg17[%dma_wait3A_205, %dma_wait3A_206] : memref<10112x128xf32, #tpu.memory_space<vmem_shared>> -> memref<10112x128xf32, #tpu.memory_space<vmem_shared>>
    tpu.wait_indirect_dma semaphore(%arg24 : memref<!tpu.dma_semaphore, #tpu.memory_space<semaphore_mem>>) src(%arg13 : memref<64x128xf32, #tpu.memory_space<vmem>>) dst(%dma_wait3A_207 : memref<10112x128xf32, #tpu.memory_space<vmem_shared>>)
    %dma_wait3A_208 = arith.constant 0 : i32
    %dma_wait3A_209 = arith.constant 0 : i32
    %dma_wait3A_210 = tpu.memref_slice %arg11[%dma_wait3A_208, %dma_wait3A_209] : memref<40x64xi32, #tpu.memory_space<vmem>> -> memref<1x64xi32, #tpu.memory_space<vmem>>
    %dma_wait3A_211 = tpu.memref_squeeze %dma_wait3A_210 : memref<1x64xi32, #tpu.memory_space<vmem>> -> memref<64xi32, #tpu.memory_space<vmem>>
    %dma_wait3A_212 = arith.constant 0 : i32
    %dma_wait3A_213 = arith.constant 0 : i32
    %dma_wait3A_214 = tpu.memref_slice %arg17[%dma_wait3A_212, %dma_wait3A_213] : memref<10112x128xf32, #tpu.memory_space<vmem_shared>> -> memref<10112x128xf32, #tpu.memory_space<vmem_shared>>
    tpu.wait_indirect_dma semaphore(%arg25 : memref<!tpu.dma_semaphore, #tpu.memory_space<semaphore_mem>>) src(%arg14 : memref<64x128xf32, #tpu.memory_space<vmem>>) dst(%dma_wait3A_214 : memref<10112x128xf32, #tpu.memory_space<vmem_shared>>)
    %dma_wait3A_215 = arith.constant 0 : i32
    %dma_wait3A_216 = arith.constant 0 : i32
    %dma_wait3A_217 = tpu.memref_slice %arg11[%dma_wait3A_215, %dma_wait3A_216] : memref<40x64xi32, #tpu.memory_space<vmem>> -> memref<1x64xi32, #tpu.memory_space<vmem>>
    %dma_wait3A_218 = tpu.memref_squeeze %dma_wait3A_217 : memref<1x64xi32, #tpu.memory_space<vmem>> -> memref<64xi32, #tpu.memory_space<vmem>>
    %dma_wait3A_219 = arith.constant 0 : i32
    %dma_wait3A_220 = arith.constant 0 : i32
    %dma_wait3A_221 = tpu.memref_slice %arg17[%dma_wait3A_219, %dma_wait3A_220] : memref<10112x128xf32, #tpu.memory_space<vmem_shared>> -> memref<10112x128xf32, #tpu.memory_space<vmem_shared>>
    tpu.wait_indirect_dma semaphore(%arg26 : memref<!tpu.dma_semaphore, #tpu.memory_space<semaphore_mem>>) src(%arg15 : memref<64x128xf32, #tpu.memory_space<vmem>>) dst(%dma_wait3A_221 : memref<10112x128xf32, #tpu.memory_space<vmem_shared>>)
    %scan3A_222 = arith.constant 0 : i32
    %scan3A_223 = arith.constant 0 : i32
    %scan3A_224 = arith.constant 40 : i32
    %scan3A_225 = arith.addi %scan3A_223, %scan3A_224 : i32
    %scan3A_226 = arith.constant 1 : i32
    scf.for %scan3A_311 = %scan3A_223 to %scan3A_225 step %scan3A_226  : i32 {
      %dma_wait3A_312 = arith.constant 0 : i32
      %dma_wait3A_313 = arith.constant 0 : i32
      %dma_wait3A_314 = tpu.memref_slice %arg16[%dma_wait3A_312, %dma_wait3A_313] : memref<40x64xf32, #tpu.memory_space<vmem>> -> memref<1x64xf32, #tpu.memory_space<vmem>>
      %dma_wait3A_315 = tpu.memref_squeeze %dma_wait3A_314 : memref<1x64xf32, #tpu.memory_space<vmem>> -> memref<64xf32, #tpu.memory_space<vmem>>
      %dma_wait3A_316 = arith.constant 0 : i32
      %dma_wait3A_317 = tpu.memref_slice %arg7[%dma_wait3A_316] : memref<10240xf32, #tpu.memory_space<hbm>> -> memref<64xf32, #tpu.memory_space<hbm>>
      %dma_wait3A_318 = arith.constant 0 : i32
      %dma_wait3A_319 = tpu.memref_slice %arg16[%dma_wait3A_312, %dma_wait3A_318] : memref<40x64xf32, #tpu.memory_space<vmem>> -> memref<1x64xf32, #tpu.memory_space<vmem>>
      %dma_wait3A_320 = tpu.memref_squeeze %dma_wait3A_319 : memref<1x64xf32, #tpu.memory_space<vmem>> -> memref<64xf32, #tpu.memory_space<vmem>>
      %dma_wait3A_321 = arith.constant 0 : i32
      %dma_wait3A_322 = tpu.memref_slice %arg7[%dma_wait3A_321] : memref<10240xf32, #tpu.memory_space<hbm>> -> memref<64xf32, #tpu.memory_space<hbm>>
      tpu.wait_dma2 semaphore(%arg29 : memref<!tpu.dma_semaphore, #tpu.memory_space<semaphore_mem>>) src(%dma_wait3A_322 : memref<64xf32, #tpu.memory_space<hbm>>) dst(%dma_wait3A_320 : memref<64xf32, #tpu.memory_space<vmem>>)
    }
    %scan3A_227 = arith.constant 40 : i32
    "tpu.region"() ({
      %run_scoped3A = tpu.sem_alloc : memref<!tpu.dma_semaphore, #tpu.memory_space<semaphore_mem>>
      %dma_start3A_311 = arith.constant 120 : i32
      %dma_start3A_312 = arith.constant 0 : i32
      %dma_start3A_313 = tpu.memref_slice %arg2[%add3A, %dma_start3A_311, %dma_start3A_312] : memref<32x160x64xi32, #tpu.memory_space<hbm>> -> memref<1x40x64xi32, #tpu.memory_space<hbm>>
      %dma_start3A_314 = tpu.memref_squeeze %dma_start3A_313 : memref<1x40x64xi32, #tpu.memory_space<hbm>> -> memref<40x64xi32, #tpu.memory_space<hbm>>
      %dma_start3A_315 = arith.constant 120 : i32
      %dma_start3A_316 = arith.constant 0 : i32
      %dma_start3A_317 = tpu.memref_slice %arg2[%add3A, %dma_start3A_315, %dma_start3A_316] : memref<32x160x64xi32, #tpu.memory_space<hbm>> -> memref<1x40x64xi32, #tpu.memory_space<hbm>>
      %dma_start3A_318 = tpu.memref_squeeze %dma_start3A_317 : memref<1x40x64xi32, #tpu.memory_space<hbm>> -> memref<40x64xi32, #tpu.memory_space<hbm>>
      tpu.enqueue_dma source(%dma_start3A_318 : memref<40x64xi32, #tpu.memory_space<hbm>>) target(%arg10 : memref<40x64xi32, #tpu.memory_space<vmem>>) target_semaphore(%run_scoped3A : memref<!tpu.dma_semaphore, #tpu.memory_space<semaphore_mem>>)
      %dma_wait3A_319 = arith.constant 120 : i32
      %dma_wait3A_320 = arith.constant 0 : i32
      %dma_wait3A_321 = tpu.memref_slice %arg2[%add3A, %dma_wait3A_319, %dma_wait3A_320] : memref<32x160x64xi32, #tpu.memory_space<hbm>> -> memref<1x40x64xi32, #tpu.memory_space<hbm>>
      %dma_wait3A_322 = tpu.memref_squeeze %dma_wait3A_321 : memref<1x40x64xi32, #tpu.memory_space<hbm>> -> memref<40x64xi32, #tpu.memory_space<hbm>>
      %dma_wait3A_323 = arith.constant 120 : i32
      %dma_wait3A_324 = arith.constant 0 : i32
      %dma_wait3A_325 = tpu.memref_slice %arg2[%add3A, %dma_wait3A_323, %dma_wait3A_324] : memref<32x160x64xi32, #tpu.memory_space<hbm>> -> memref<1x40x64xi32, #tpu.memory_space<hbm>>
      %dma_wait3A_326 = tpu.memref_squeeze %dma_wait3A_325 : memref<1x40x64xi32, #tpu.memory_space<hbm>> -> memref<40x64xi32, #tpu.memory_space<hbm>>
      tpu.wait_dma2 semaphore(%run_scoped3A : memref<!tpu.dma_semaphore, #tpu.memory_space<semaphore_mem>>) src(%dma_wait3A_326 : memref<40x64xi32, #tpu.memory_space<hbm>>) dst(%arg10 : memref<40x64xi32, #tpu.memory_space<vmem>>)
      tpu.yield
    }) : () -> ()
    "tpu.region"() ({
      %run_scoped3A = tpu.sem_alloc : memref<!tpu.dma_semaphore, #tpu.memory_space<semaphore_mem>>
      %dma_start3A_311 = arith.constant 120 : i32
      %dma_start3A_312 = arith.constant 0 : i32
      %dma_start3A_313 = tpu.memref_slice %arg3[%add3A, %dma_start3A_311, %dma_start3A_312] : memref<32x160x64xi32, #tpu.memory_space<hbm>> -> memref<1x40x64xi32, #tpu.memory_space<hbm>>
      %dma_start3A_314 = tpu.memref_squeeze %dma_start3A_313 : memref<1x40x64xi32, #tpu.memory_space<hbm>> -> memref<40x64xi32, #tpu.memory_space<hbm>>
      %dma_start3A_315 = arith.constant 120 : i32
      %dma_start3A_316 = arith.constant 0 : i32
      %dma_start3A_317 = tpu.memref_slice %arg3[%add3A, %dma_start3A_315, %dma_start3A_316] : memref<32x160x64xi32, #tpu.memory_space<hbm>> -> memref<1x40x64xi32, #tpu.memory_space<hbm>>
      %dma_start3A_318 = tpu.memref_squeeze %dma_start3A_317 : memref<1x40x64xi32, #tpu.memory_space<hbm>> -> memref<40x64xi32, #tpu.memory_space<hbm>>
      tpu.enqueue_dma source(%dma_start3A_318 : memref<40x64xi32, #tpu.memory_space<hbm>>) target(%arg11 : memref<40x64xi32, #tpu.memory_space<vmem>>) target_semaphore(%run_scoped3A : memref<!tpu.dma_semaphore, #tpu.memory_space<semaphore_mem>>)
      %dma_wait3A_319 = arith.constant 120 : i32
      %dma_wait3A_320 = arith.constant 0 : i32
      %dma_wait3A_321 = tpu.memref_slice %arg3[%add3A, %dma_wait3A_319, %dma_wait3A_320] : memref<32x160x64xi32, #tpu.memory_space<hbm>> -> memref<1x40x64xi32, #tpu.memory_space<hbm>>
      %dma_wait3A_322 = tpu.memref_squeeze %dma_wait3A_321 : memref<1x40x64xi32, #tpu.memory_space<hbm>> -> memref<40x64xi32, #tpu.memory_space<hbm>>
      %dma_wait3A_323 = arith.constant 120 : i32
      %dma_wait3A_324 = arith.constant 0 : i32
      %dma_wait3A_325 = tpu.memref_slice %arg3[%add3A, %dma_wait3A_323, %dma_wait3A_324] : memref<32x160x64xi32, #tpu.memory_space<hbm>> -> memref<1x40x64xi32, #tpu.memory_space<hbm>>
      %dma_wait3A_326 = tpu.memref_squeeze %dma_wait3A_325 : memref<1x40x64xi32, #tpu.memory_space<hbm>> -> memref<40x64xi32, #tpu.memory_space<hbm>>
      tpu.wait_dma2 semaphore(%run_scoped3A : memref<!tpu.dma_semaphore, #tpu.memory_space<semaphore_mem>>) src(%dma_wait3A_326 : memref<40x64xi32, #tpu.memory_space<hbm>>) dst(%arg11 : memref<40x64xi32, #tpu.memory_space<vmem>>)
      tpu.yield
    }) : () -> ()
    %dma_start3A_228 = arith.constant 0 : i32
    %dma_start3A_229 = arith.constant 0 : i32
    %dma_start3A_230 = arith.constant 0 : i32
    %dma_start3A_231 = tpu.memref_slice %arg16[%dma_start3A_229, %dma_start3A_230] : memref<40x64xf32, #tpu.memory_space<vmem>> -> memref<1x64xf32, #tpu.memory_space<vmem>>
    %dma_start3A_232 = tpu.memref_squeeze %dma_start3A_231 : memref<1x64xf32, #tpu.memory_space<vmem>> -> memref<64xf32, #tpu.memory_space<vmem>>
    %dma_start3A_233 = arith.constant 0 : i32
    %dma_start3A_234 = tpu.memref_slice %arg11[%dma_start3A_228, %dma_start3A_233] : memref<40x64xi32, #tpu.memory_space<vmem>> -> memref<1x64xi32, #tpu.memory_space<vmem>>
    %dma_start3A_235 = tpu.memref_squeeze %dma_start3A_234 : memref<1x64xi32, #tpu.memory_space<vmem>> -> memref<64xi32, #tpu.memory_space<vmem>>
    %dma_start3A_236 = arith.constant 0 : i32
    %dma_start3A_237 = tpu.memref_slice %arg5[%dma_start3A_236] : memref<10240xf32, #tpu.memory_space<hbm>> -> memref<10240xf32, #tpu.memory_space<hbm>>
    tpu.enqueue_indirect_dma source(%dma_start3A_237 : memref<10240xf32, #tpu.memory_space<hbm>>) target(%dma_start3A_232 : memref<64xf32, #tpu.memory_space<vmem>>) offsets(%dma_start3A_235 : memref<64xi32, #tpu.memory_space<vmem>>) semaphore(%arg27 : memref<!tpu.dma_semaphore, #tpu.memory_space<semaphore_mem>>)
    %dma_start3A_238 = arith.constant 0 : i32
    %dma_start3A_239 = arith.constant 0 : i32
    %dma_start3A_240 = tpu.memref_slice %arg10[%dma_start3A_238, %dma_start3A_239] : memref<40x64xi32, #tpu.memory_space<vmem>> -> memref<1x64xi32, #tpu.memory_space<vmem>>
    %dma_start3A_241 = tpu.memref_squeeze %dma_start3A_240 : memref<1x64xi32, #tpu.memory_space<vmem>> -> memref<64xi32, #tpu.memory_space<vmem>>
    %dma_start3A_242 = arith.constant 0 : i32
    %dma_start3A_243 = arith.constant 0 : i32
    %dma_start3A_244 = tpu.memref_slice %arg4[%dma_start3A_242, %dma_start3A_243] : memref<10240x128xf32, #tpu.memory_space<hbm>> -> memref<10240x128xf32, #tpu.memory_space<hbm>>
    tpu.enqueue_indirect_dma source(%dma_start3A_244 : memref<10240x128xf32, #tpu.memory_space<hbm>>) target(%arg12 : memref<64x128xf32, #tpu.memory_space<vmem>>) offsets(%dma_start3A_241 : memref<64xi32, #tpu.memory_space<vmem>>) semaphore(%arg19 : memref<!tpu.dma_semaphore, #tpu.memory_space<semaphore_mem>>)
    %dma_start3A_245 = arith.constant 1 : i32
    %dma_start3A_246 = arith.constant 1 : i32
    %dma_start3A_247 = arith.constant 0 : i32
    %dma_start3A_248 = tpu.memref_slice %arg16[%dma_start3A_246, %dma_start3A_247] : memref<40x64xf32, #tpu.memory_space<vmem>> -> memref<1x64xf32, #tpu.memory_space<vmem>>
    %dma_start3A_249 = tpu.memref_squeeze %dma_start3A_248 : memref<1x64xf32, #tpu.memory_space<vmem>> -> memref<64xf32, #tpu.memory_space<vmem>>
    %dma_start3A_250 = arith.constant 0 : i32
    %dma_start3A_251 = tpu.memref_slice %arg11[%dma_start3A_245, %dma_start3A_250] : memref<40x64xi32, #tpu.memory_space<vmem>> -> memref<1x64xi32, #tpu.memory_space<vmem>>
    %dma_start3A_252 = tpu.memref_squeeze %dma_start3A_251 : memref<1x64xi32, #tpu.memory_space<vmem>> -> memref<64xi32, #tpu.memory_space<vmem>>
    %dma_start3A_253 = arith.constant 0 : i32
    %dma_start3A_254 = tpu.memref_slice %arg5[%dma_start3A_253] : memref<10240xf32, #tpu.memory_space<hbm>> -> memref<10240xf32, #tpu.memory_space<hbm>>
    tpu.enqueue_indirect_dma source(%dma_start3A_254 : memref<10240xf32, #tpu.memory_space<hbm>>) target(%dma_start3A_249 : memref<64xf32, #tpu.memory_space<vmem>>) offsets(%dma_start3A_252 : memref<64xi32, #tpu.memory_space<vmem>>) semaphore(%arg28 : memref<!tpu.dma_semaphore, #tpu.memory_space<semaphore_mem>>)
    %dma_start3A_255 = arith.constant 1 : i32
    %dma_start3A_256 = arith.constant 0 : i32
    %dma_start3A_257 = tpu.memref_slice %arg10[%dma_start3A_255, %dma_start3A_256] : memref<40x64xi32, #tpu.memory_space<vmem>> -> memref<1x64xi32, #tpu.memory_space<vmem>>
    %dma_start3A_258 = tpu.memref_squeeze %dma_start3A_257 : memref<1x64xi32, #tpu.memory_space<vmem>> -> memref<64xi32, #tpu.memory_space<vmem>>
    %dma_start3A_259 = arith.constant 0 : i32
    %dma_start3A_260 = arith.constant 0 : i32
    %dma_start3A_261 = tpu.memref_slice %arg4[%dma_start3A_259, %dma_start3A_260] : memref<10240x128xf32, #tpu.memory_space<hbm>> -> memref<10240x128xf32, #tpu.memory_space<hbm>>
    tpu.enqueue_indirect_dma source(%dma_start3A_261 : memref<10240x128xf32, #tpu.memory_space<hbm>>) target(%arg13 : memref<64x128xf32, #tpu.memory_space<vmem>>) offsets(%dma_start3A_258 : memref<64xi32, #tpu.memory_space<vmem>>) semaphore(%arg20 : memref<!tpu.dma_semaphore, #tpu.memory_space<semaphore_mem>>)
    %scan3A_262 = arith.constant 0 : i32
    %scan3A_263 = arith.constant 0 : i32
    %scan3A_264 = arith.constant 10 : i32
    %scan3A_265 = arith.addi %scan3A_263, %scan3A_264 : i32
    %scan3A_266 = arith.constant 1 : i32
    scf.for %scan3A_311 = %scan3A_263 to %scan3A_265 step %scan3A_266  : i32 {
      %mul3A_312 = arith.constant 4 : i32
      %mul3A_313 = arith.muli %mul3A_312, %scan3A_311 : i32
      %add3A_314 = arith.constant 0 : i32
      %add3A_315 = arith.addi %mul3A_313, %add3A_314 : i32
      %dma_wait3A_316 = arith.constant 0 : i32
      %dma_wait3A_317 = tpu.memref_slice %arg16[%add3A_315, %dma_wait3A_316] : memref<40x64xf32, #tpu.memory_space<vmem>> -> memref<1x64xf32, #tpu.memory_space<vmem>>
      %dma_wait3A_318 = tpu.memref_squeeze %dma_wait3A_317 : memref<1x64xf32, #tpu.memory_space<vmem>> -> memref<64xf32, #tpu.memory_space<vmem>>
      %dma_wait3A_319 = arith.constant 0 : i32
      %dma_wait3A_320 = tpu.memref_slice %arg11[%add3A_315, %dma_wait3A_319] : memref<40x64xi32, #tpu.memory_space<vmem>> -> memref<1x64xi32, #tpu.memory_space<vmem>>
      %dma_wait3A_321 = tpu.memref_squeeze %dma_wait3A_320 : memref<1x64xi32, #tpu.memory_space<vmem>> -> memref<64xi32, #tpu.memory_space<vmem>>
      %dma_wait3A_322 = arith.constant 0 : i32
      %dma_wait3A_323 = tpu.memref_slice %arg5[%dma_wait3A_322] : memref<10240xf32, #tpu.memory_space<hbm>> -> memref<10240xf32, #tpu.memory_space<hbm>>
      tpu.wait_indirect_dma semaphore(%arg27 : memref<!tpu.dma_semaphore, #tpu.memory_space<semaphore_mem>>) src(%dma_wait3A_323 : memref<10240xf32, #tpu.memory_space<hbm>>) dst(%dma_wait3A_318 : memref<64xf32, #tpu.memory_space<vmem>>)
      %dma_start3A_324 = arith.constant 0 : i32
      %dma_start3A_325 = tpu.memref_slice %arg16[%add3A_315, %dma_start3A_324] : memref<40x64xf32, #tpu.memory_space<vmem>> -> memref<1x64xf32, #tpu.memory_space<vmem>>
      %dma_start3A_326 = tpu.memref_squeeze %dma_start3A_325 : memref<1x64xf32, #tpu.memory_space<vmem>> -> memref<64xf32, #tpu.memory_space<vmem>>
      %dma_start3A_327 = arith.constant 0 : i32
      %dma_start3A_328 = tpu.memref_slice %arg10[%add3A_315, %dma_start3A_327] : memref<40x64xi32, #tpu.memory_space<vmem>> -> memref<1x64xi32, #tpu.memory_space<vmem>>
      %dma_start3A_329 = tpu.memref_squeeze %dma_start3A_328 : memref<1x64xi32, #tpu.memory_space<vmem>> -> memref<64xi32, #tpu.memory_space<vmem>>
      %dma_start3A_330 = arith.constant 0 : i32
      %dma_start3A_331 = tpu.memref_slice %arg18[%dma_start3A_330] : memref<10240xf32, #tpu.memory_space<vmem_shared>> -> memref<10240xf32, #tpu.memory_space<vmem_shared>>
      tpu.enqueue_indirect_dma source(%dma_start3A_326 : memref<64xf32, #tpu.memory_space<vmem>>) target(%dma_start3A_331 : memref<10240xf32, #tpu.memory_space<vmem_shared>>) offsets(%dma_start3A_329 : memref<64xi32, #tpu.memory_space<vmem>>) semaphore(%arg29 : memref<!tpu.dma_semaphore, #tpu.memory_space<semaphore_mem>>) {add = true}
      %add3A_332 = arith.constant 2 : i32
      %add3A_333 = arith.addi %add3A_315, %add3A_332 : i32
      %lt3A = arith.constant 40 : i32
      %lt3A_334 = arith.cmpi slt, %add3A_333, %lt3A : i32
      %convert_element_type3A = arith.extui %lt3A_334 : i1 to i32
      %cond3A = arith.constant 0 : i32
      %cond3A_335 = arith.cmpi ne, %convert_element_type3A, %cond3A : i32
      scf.if %cond3A_335 {
        %add3A_493 = arith.constant 2 : i32
        %add3A_494 = arith.addi %add3A_315, %add3A_493 : i32
        %add3A_495 = arith.constant 2 : i32
        %add3A_496 = arith.addi %add3A_315, %add3A_495 : i32
        %dma_start3A_497 = arith.constant 0 : i32
        %dma_start3A_498 = tpu.memref_slice %arg16[%add3A_496, %dma_start3A_497] : memref<40x64xf32, #tpu.memory_space<vmem>> -> memref<1x64xf32, #tpu.memory_space<vmem>>
        %dma_start3A_499 = tpu.memref_squeeze %dma_start3A_498 : memref<1x64xf32, #tpu.memory_space<vmem>> -> memref<64xf32, #tpu.memory_space<vmem>>
        %dma_start3A_500 = arith.constant 0 : i32
        %dma_start3A_501 = tpu.memref_slice %arg11[%add3A_494, %dma_start3A_500] : memref<40x64xi32, #tpu.memory_space<vmem>> -> memref<1x64xi32, #tpu.memory_space<vmem>>
        %dma_start3A_502 = tpu.memref_squeeze %dma_start3A_501 : memref<1x64xi32, #tpu.memory_space<vmem>> -> memref<64xi32, #tpu.memory_space<vmem>>
        %dma_start3A_503 = arith.constant 0 : i32
        %dma_start3A_504 = tpu.memref_slice %arg5[%dma_start3A_503] : memref<10240xf32, #tpu.memory_space<hbm>> -> memref<10240xf32, #tpu.memory_space<hbm>>
        tpu.enqueue_indirect_dma source(%dma_start3A_504 : memref<10240xf32, #tpu.memory_space<hbm>>) target(%dma_start3A_499 : memref<64xf32, #tpu.memory_space<vmem>>) offsets(%dma_start3A_502 : memref<64xi32, #tpu.memory_space<vmem>>) semaphore(%arg27 : memref<!tpu.dma_semaphore, #tpu.memory_space<semaphore_mem>>)
      } else {
      }
      %dma_wait3A_336 = arith.constant 0 : i32
      %dma_wait3A_337 = tpu.memref_slice %arg10[%add3A_315, %dma_wait3A_336] : memref<40x64xi32, #tpu.memory_space<vmem>> -> memref<1x64xi32, #tpu.memory_space<vmem>>
      %dma_wait3A_338 = tpu.memref_squeeze %dma_wait3A_337 : memref<1x64xi32, #tpu.memory_space<vmem>> -> memref<64xi32, #tpu.memory_space<vmem>>
      %dma_wait3A_339 = arith.constant 0 : i32
      %dma_wait3A_340 = arith.constant 0 : i32
      %dma_wait3A_341 = tpu.memref_slice %arg4[%dma_wait3A_339, %dma_wait3A_340] : memref<10240x128xf32, #tpu.memory_space<hbm>> -> memref<10240x128xf32, #tpu.memory_space<hbm>>
      tpu.wait_indirect_dma semaphore(%arg19 : memref<!tpu.dma_semaphore, #tpu.memory_space<semaphore_mem>>) src(%dma_wait3A_341 : memref<10240x128xf32, #tpu.memory_space<hbm>>) dst(%arg12 : memref<64x128xf32, #tpu.memory_space<vmem>>)
      %dma_start3A_342 = arith.constant 0 : i32
      %dma_start3A_343 = tpu.memref_slice %arg11[%add3A_315, %dma_start3A_342] : memref<40x64xi32, #tpu.memory_space<vmem>> -> memref<1x64xi32, #tpu.memory_space<vmem>>
      %dma_start3A_344 = tpu.memref_squeeze %dma_start3A_343 : memref<1x64xi32, #tpu.memory_space<vmem>> -> memref<64xi32, #tpu.memory_space<vmem>>
      %dma_start3A_345 = arith.constant 0 : i32
      %dma_start3A_346 = arith.constant 0 : i32
      %dma_start3A_347 = tpu.memref_slice %arg17[%dma_start3A_345, %dma_start3A_346] : memref<10112x128xf32, #tpu.memory_space<vmem_shared>> -> memref<10112x128xf32, #tpu.memory_space<vmem_shared>>
      tpu.enqueue_indirect_dma source(%arg12 : memref<64x128xf32, #tpu.memory_space<vmem>>) target(%dma_start3A_347 : memref<10112x128xf32, #tpu.memory_space<vmem_shared>>) offsets(%dma_start3A_344 : memref<64xi32, #tpu.memory_space<vmem>>) semaphore(%arg23 : memref<!tpu.dma_semaphore, #tpu.memory_space<semaphore_mem>>) {add = true}
      %add3A_348 = arith.constant 2 : i32
      %add3A_349 = arith.addi %add3A_315, %add3A_348 : i32
      %lt3A_350 = arith.constant 40 : i32
      %lt3A_351 = arith.cmpi slt, %add3A_349, %lt3A_350 : i32
      %convert_element_type3A_352 = arith.extui %lt3A_351 : i1 to i32
      %cond3A_353 = arith.constant 0 : i32
      %cond3A_354 = arith.cmpi ne, %convert_element_type3A_352, %cond3A_353 : i32
      scf.if %cond3A_354 {
        %ge3A = arith.constant 2 : i32
        %ge3A_493 = arith.cmpi sge, %add3A_315, %ge3A : i32
        %convert_element_type3A_494 = arith.extui %ge3A_493 : i1 to i32
        %cond3A_495 = arith.constant 0 : i32
        %cond3A_496 = arith.cmpi ne, %convert_element_type3A_494, %cond3A_495 : i32
        scf.if %cond3A_496 {
          %dma_wait3A_505 = arith.constant 0 : i32
          %dma_wait3A_506 = tpu.memref_slice %arg11[%add3A_315, %dma_wait3A_505] : memref<40x64xi32, #tpu.memory_space<vmem>> -> memref<1x64xi32, #tpu.memory_space<vmem>>
          %dma_wait3A_507 = tpu.memref_squeeze %dma_wait3A_506 : memref<1x64xi32, #tpu.memory_space<vmem>> -> memref<64xi32, #tpu.memory_space<vmem>>
          %dma_wait3A_508 = arith.constant 0 : i32
          %dma_wait3A_509 = arith.constant 0 : i32
          %dma_wait3A_510 = tpu.memref_slice %arg17[%dma_wait3A_508, %dma_wait3A_509] : memref<10112x128xf32, #tpu.memory_space<vmem_shared>> -> memref<10112x128xf32, #tpu.memory_space<vmem_shared>>
          tpu.wait_indirect_dma semaphore(%arg25 : memref<!tpu.dma_semaphore, #tpu.memory_space<semaphore_mem>>) src(%arg14 : memref<64x128xf32, #tpu.memory_space<vmem>>) dst(%dma_wait3A_510 : memref<10112x128xf32, #tpu.memory_space<vmem_shared>>)
        } else {
        }
        %add3A_497 = arith.constant 2 : i32
        %add3A_498 = arith.addi %add3A_315, %add3A_497 : i32
        %dma_start3A_499 = arith.constant 0 : i32
        %dma_start3A_500 = tpu.memref_slice %arg10[%add3A_498, %dma_start3A_499] : memref<40x64xi32, #tpu.memory_space<vmem>> -> memref<1x64xi32, #tpu.memory_space<vmem>>
        %dma_start3A_501 = tpu.memref_squeeze %dma_start3A_500 : memref<1x64xi32, #tpu.memory_space<vmem>> -> memref<64xi32, #tpu.memory_space<vmem>>
        %dma_start3A_502 = arith.constant 0 : i32
        %dma_start3A_503 = arith.constant 0 : i32
        %dma_start3A_504 = tpu.memref_slice %arg4[%dma_start3A_502, %dma_start3A_503] : memref<10240x128xf32, #tpu.memory_space<hbm>> -> memref<10240x128xf32, #tpu.memory_space<hbm>>
        tpu.enqueue_indirect_dma source(%dma_start3A_504 : memref<10240x128xf32, #tpu.memory_space<hbm>>) target(%arg14 : memref<64x128xf32, #tpu.memory_space<vmem>>) offsets(%dma_start3A_501 : memref<64xi32, #tpu.memory_space<vmem>>) semaphore(%arg21 : memref<!tpu.dma_semaphore, #tpu.memory_space<semaphore_mem>>)
      } else {
      }
      %mul3A_355 = arith.constant 4 : i32
      %mul3A_356 = arith.muli %mul3A_355, %scan3A_311 : i32
      %add3A_357 = arith.constant 1 : i32
      %add3A_358 = arith.addi %mul3A_356, %add3A_357 : i32
      %dma_wait3A_359 = arith.constant 0 : i32
      %dma_wait3A_360 = tpu.memref_slice %arg16[%add3A_358, %dma_wait3A_359] : memref<40x64xf32, #tpu.memory_space<vmem>> -> memref<1x64xf32, #tpu.memory_space<vmem>>
      %dma_wait3A_361 = tpu.memref_squeeze %dma_wait3A_360 : memref<1x64xf32, #tpu.memory_space<vmem>> -> memref<64xf32, #tpu.memory_space<vmem>>
      %dma_wait3A_362 = arith.constant 0 : i32
      %dma_wait3A_363 = tpu.memref_slice %arg11[%add3A_358, %dma_wait3A_362] : memref<40x64xi32, #tpu.memory_space<vmem>> -> memref<1x64xi32, #tpu.memory_space<vmem>>
      %dma_wait3A_364 = tpu.memref_squeeze %dma_wait3A_363 : memref<1x64xi32, #tpu.memory_space<vmem>> -> memref<64xi32, #tpu.memory_space<vmem>>
      %dma_wait3A_365 = arith.constant 0 : i32
      %dma_wait3A_366 = tpu.memref_slice %arg5[%dma_wait3A_365] : memref<10240xf32, #tpu.memory_space<hbm>> -> memref<10240xf32, #tpu.memory_space<hbm>>
      tpu.wait_indirect_dma semaphore(%arg28 : memref<!tpu.dma_semaphore, #tpu.memory_space<semaphore_mem>>) src(%dma_wait3A_366 : memref<10240xf32, #tpu.memory_space<hbm>>) dst(%dma_wait3A_361 : memref<64xf32, #tpu.memory_space<vmem>>)
      %dma_start3A_367 = arith.constant 0 : i32
      %dma_start3A_368 = tpu.memref_slice %arg16[%add3A_358, %dma_start3A_367] : memref<40x64xf32, #tpu.memory_space<vmem>> -> memref<1x64xf32, #tpu.memory_space<vmem>>
      %dma_start3A_369 = tpu.memref_squeeze %dma_start3A_368 : memref<1x64xf32, #tpu.memory_space<vmem>> -> memref<64xf32, #tpu.memory_space<vmem>>
      %dma_start3A_370 = arith.constant 0 : i32
      %dma_start3A_371 = tpu.memref_slice %arg10[%add3A_358, %dma_start3A_370] : memref<40x64xi32, #tpu.memory_space<vmem>> -> memref<1x64xi32, #tpu.memory_space<vmem>>
      %dma_start3A_372 = tpu.memref_squeeze %dma_start3A_371 : memref<1x64xi32, #tpu.memory_space<vmem>> -> memref<64xi32, #tpu.memory_space<vmem>>
      %dma_start3A_373 = arith.constant 0 : i32
      %dma_start3A_374 = tpu.memref_slice %arg18[%dma_start3A_373] : memref<10240xf32, #tpu.memory_space<vmem_shared>> -> memref<10240xf32, #tpu.memory_space<vmem_shared>>
      tpu.enqueue_indirect_dma source(%dma_start3A_369 : memref<64xf32, #tpu.memory_space<vmem>>) target(%dma_start3A_374 : memref<10240xf32, #tpu.memory_space<vmem_shared>>) offsets(%dma_start3A_372 : memref<64xi32, #tpu.memory_space<vmem>>) semaphore(%arg29 : memref<!tpu.dma_semaphore, #tpu.memory_space<semaphore_mem>>) {add = true}
      %add3A_375 = arith.constant 2 : i32
      %add3A_376 = arith.addi %add3A_358, %add3A_375 : i32
      %lt3A_377 = arith.constant 40 : i32
      %lt3A_378 = arith.cmpi slt, %add3A_376, %lt3A_377 : i32
      %convert_element_type3A_379 = arith.extui %lt3A_378 : i1 to i32
      %cond3A_380 = arith.constant 0 : i32
      %cond3A_381 = arith.cmpi ne, %convert_element_type3A_379, %cond3A_380 : i32
      scf.if %cond3A_381 {
        %add3A_493 = arith.constant 2 : i32
        %add3A_494 = arith.addi %add3A_358, %add3A_493 : i32
        %add3A_495 = arith.constant 2 : i32
        %add3A_496 = arith.addi %add3A_358, %add3A_495 : i32
        %dma_start3A_497 = arith.constant 0 : i32
        %dma_start3A_498 = tpu.memref_slice %arg16[%add3A_496, %dma_start3A_497] : memref<40x64xf32, #tpu.memory_space<vmem>> -> memref<1x64xf32, #tpu.memory_space<vmem>>
        %dma_start3A_499 = tpu.memref_squeeze %dma_start3A_498 : memref<1x64xf32, #tpu.memory_space<vmem>> -> memref<64xf32, #tpu.memory_space<vmem>>
        %dma_start3A_500 = arith.constant 0 : i32
        %dma_start3A_501 = tpu.memref_slice %arg11[%add3A_494, %dma_start3A_500] : memref<40x64xi32, #tpu.memory_space<vmem>> -> memref<1x64xi32, #tpu.memory_space<vmem>>
        %dma_start3A_502 = tpu.memref_squeeze %dma_start3A_501 : memref<1x64xi32, #tpu.memory_space<vmem>> -> memref<64xi32, #tpu.memory_space<vmem>>
        %dma_start3A_503 = arith.constant 0 : i32
        %dma_start3A_504 = tpu.memref_slice %arg5[%dma_start3A_503] : memref<10240xf32, #tpu.memory_space<hbm>> -> memref<10240xf32, #tpu.memory_space<hbm>>
        tpu.enqueue_indirect_dma source(%dma_start3A_504 : memref<10240xf32, #tpu.memory_space<hbm>>) target(%dma_start3A_499 : memref<64xf32, #tpu.memory_space<vmem>>) offsets(%dma_start3A_502 : memref<64xi32, #tpu.memory_space<vmem>>) semaphore(%arg28 : memref<!tpu.dma_semaphore, #tpu.memory_space<semaphore_mem>>)
      } else {
      }
      %dma_wait3A_382 = arith.constant 0 : i32
      %dma_wait3A_383 = tpu.memref_slice %arg10[%add3A_358, %dma_wait3A_382] : memref<40x64xi32, #tpu.memory_space<vmem>> -> memref<1x64xi32, #tpu.memory_space<vmem>>
      %dma_wait3A_384 = tpu.memref_squeeze %dma_wait3A_383 : memref<1x64xi32, #tpu.memory_space<vmem>> -> memref<64xi32, #tpu.memory_space<vmem>>
      %dma_wait3A_385 = arith.constant 0 : i32
      %dma_wait3A_386 = arith.constant 0 : i32
      %dma_wait3A_387 = tpu.memref_slice %arg4[%dma_wait3A_385, %dma_wait3A_386] : memref<10240x128xf32, #tpu.memory_space<hbm>> -> memref<10240x128xf32, #tpu.memory_space<hbm>>
      tpu.wait_indirect_dma semaphore(%arg20 : memref<!tpu.dma_semaphore, #tpu.memory_space<semaphore_mem>>) src(%dma_wait3A_387 : memref<10240x128xf32, #tpu.memory_space<hbm>>) dst(%arg13 : memref<64x128xf32, #tpu.memory_space<vmem>>)
      %dma_start3A_388 = arith.constant 0 : i32
      %dma_start3A_389 = tpu.memref_slice %arg11[%add3A_358, %dma_start3A_388] : memref<40x64xi32, #tpu.memory_space<vmem>> -> memref<1x64xi32, #tpu.memory_space<vmem>>
      %dma_start3A_390 = tpu.memref_squeeze %dma_start3A_389 : memref<1x64xi32, #tpu.memory_space<vmem>> -> memref<64xi32, #tpu.memory_space<vmem>>
      %dma_start3A_391 = arith.constant 0 : i32
      %dma_start3A_392 = arith.constant 0 : i32
      %dma_start3A_393 = tpu.memref_slice %arg17[%dma_start3A_391, %dma_start3A_392] : memref<10112x128xf32, #tpu.memory_space<vmem_shared>> -> memref<10112x128xf32, #tpu.memory_space<vmem_shared>>
      tpu.enqueue_indirect_dma source(%arg13 : memref<64x128xf32, #tpu.memory_space<vmem>>) target(%dma_start3A_393 : memref<10112x128xf32, #tpu.memory_space<vmem_shared>>) offsets(%dma_start3A_390 : memref<64xi32, #tpu.memory_space<vmem>>) semaphore(%arg24 : memref<!tpu.dma_semaphore, #tpu.memory_space<semaphore_mem>>) {add = true}
      %add3A_394 = arith.constant 2 : i32
      %add3A_395 = arith.addi %add3A_358, %add3A_394 : i32
      %lt3A_396 = arith.constant 40 : i32
      %lt3A_397 = arith.cmpi slt, %add3A_395, %lt3A_396 : i32
      %convert_element_type3A_398 = arith.extui %lt3A_397 : i1 to i32
      %cond3A_399 = arith.constant 0 : i32
      %cond3A_400 = arith.cmpi ne, %convert_element_type3A_398, %cond3A_399 : i32
      scf.if %cond3A_400 {
        %ge3A = arith.constant 2 : i32
        %ge3A_493 = arith.cmpi sge, %add3A_358, %ge3A : i32
        %convert_element_type3A_494 = arith.extui %ge3A_493 : i1 to i32
        %cond3A_495 = arith.constant 0 : i32
        %cond3A_496 = arith.cmpi ne, %convert_element_type3A_494, %cond3A_495 : i32
        scf.if %cond3A_496 {
          %dma_wait3A_505 = arith.constant 0 : i32
          %dma_wait3A_506 = tpu.memref_slice %arg11[%add3A_358, %dma_wait3A_505] : memref<40x64xi32, #tpu.memory_space<vmem>> -> memref<1x64xi32, #tpu.memory_space<vmem>>
          %dma_wait3A_507 = tpu.memref_squeeze %dma_wait3A_506 : memref<1x64xi32, #tpu.memory_space<vmem>> -> memref<64xi32, #tpu.memory_space<vmem>>
          %dma_wait3A_508 = arith.constant 0 : i32
          %dma_wait3A_509 = arith.constant 0 : i32
          %dma_wait3A_510 = tpu.memref_slice %arg17[%dma_wait3A_508, %dma_wait3A_509] : memref<10112x128xf32, #tpu.memory_space<vmem_shared>> -> memref<10112x128xf32, #tpu.memory_space<vmem_shared>>
          tpu.wait_indirect_dma semaphore(%arg26 : memref<!tpu.dma_semaphore, #tpu.memory_space<semaphore_mem>>) src(%arg15 : memref<64x128xf32, #tpu.memory_space<vmem>>) dst(%dma_wait3A_510 : memref<10112x128xf32, #tpu.memory_space<vmem_shared>>)
        } else {
        }
        %add3A_497 = arith.constant 2 : i32
        %add3A_498 = arith.addi %add3A_358, %add3A_497 : i32
        %dma_start3A_499 = arith.constant 0 : i32
        %dma_start3A_500 = tpu.memref_slice %arg10[%add3A_498, %dma_start3A_499] : memref<40x64xi32, #tpu.memory_space<vmem>> -> memref<1x64xi32, #tpu.memory_space<vmem>>
        %dma_start3A_501 = tpu.memref_squeeze %dma_start3A_500 : memref<1x64xi32, #tpu.memory_space<vmem>> -> memref<64xi32, #tpu.memory_space<vmem>>
        %dma_start3A_502 = arith.constant 0 : i32
        %dma_start3A_503 = arith.constant 0 : i32
        %dma_start3A_504 = tpu.memref_slice %arg4[%dma_start3A_502, %dma_start3A_503] : memref<10240x128xf32, #tpu.memory_space<hbm>> -> memref<10240x128xf32, #tpu.memory_space<hbm>>
        tpu.enqueue_indirect_dma source(%dma_start3A_504 : memref<10240x128xf32, #tpu.memory_space<hbm>>) target(%arg15 : memref<64x128xf32, #tpu.memory_space<vmem>>) offsets(%dma_start3A_501 : memref<64xi32, #tpu.memory_space<vmem>>) semaphore(%arg22 : memref<!tpu.dma_semaphore, #tpu.memory_space<semaphore_mem>>)
      } else {
      }
      %mul3A_401 = arith.constant 4 : i32
      %mul3A_402 = arith.muli %mul3A_401, %scan3A_311 : i32
      %add3A_403 = arith.constant 2 : i32
      %add3A_404 = arith.addi %mul3A_402, %add3A_403 : i32
      %dma_wait3A_405 = arith.constant 0 : i32
      %dma_wait3A_406 = tpu.memref_slice %arg16[%add3A_404, %dma_wait3A_405] : memref<40x64xf32, #tpu.memory_space<vmem>> -> memref<1x64xf32, #tpu.memory_space<vmem>>
      %dma_wait3A_407 = tpu.memref_squeeze %dma_wait3A_406 : memref<1x64xf32, #tpu.memory_space<vmem>> -> memref<64xf32, #tpu.memory_space<vmem>>
      %dma_wait3A_408 = arith.constant 0 : i32
      %dma_wait3A_409 = tpu.memref_slice %arg11[%add3A_404, %dma_wait3A_408] : memref<40x64xi32, #tpu.memory_space<vmem>> -> memref<1x64xi32, #tpu.memory_space<vmem>>
      %dma_wait3A_410 = tpu.memref_squeeze %dma_wait3A_409 : memref<1x64xi32, #tpu.memory_space<vmem>> -> memref<64xi32, #tpu.memory_space<vmem>>
      %dma_wait3A_411 = arith.constant 0 : i32
      %dma_wait3A_412 = tpu.memref_slice %arg5[%dma_wait3A_411] : memref<10240xf32, #tpu.memory_space<hbm>> -> memref<10240xf32, #tpu.memory_space<hbm>>
      tpu.wait_indirect_dma semaphore(%arg27 : memref<!tpu.dma_semaphore, #tpu.memory_space<semaphore_mem>>) src(%dma_wait3A_412 : memref<10240xf32, #tpu.memory_space<hbm>>) dst(%dma_wait3A_407 : memref<64xf32, #tpu.memory_space<vmem>>)
      %dma_start3A_413 = arith.constant 0 : i32
      %dma_start3A_414 = tpu.memref_slice %arg16[%add3A_404, %dma_start3A_413] : memref<40x64xf32, #tpu.memory_space<vmem>> -> memref<1x64xf32, #tpu.memory_space<vmem>>
      %dma_start3A_415 = tpu.memref_squeeze %dma_start3A_414 : memref<1x64xf32, #tpu.memory_space<vmem>> -> memref<64xf32, #tpu.memory_space<vmem>>
      %dma_start3A_416 = arith.constant 0 : i32
      %dma_start3A_417 = tpu.memref_slice %arg10[%add3A_404, %dma_start3A_416] : memref<40x64xi32, #tpu.memory_space<vmem>> -> memref<1x64xi32, #tpu.memory_space<vmem>>
      %dma_start3A_418 = tpu.memref_squeeze %dma_start3A_417 : memref<1x64xi32, #tpu.memory_space<vmem>> -> memref<64xi32, #tpu.memory_space<vmem>>
      %dma_start3A_419 = arith.constant 0 : i32
      %dma_start3A_420 = tpu.memref_slice %arg18[%dma_start3A_419] : memref<10240xf32, #tpu.memory_space<vmem_shared>> -> memref<10240xf32, #tpu.memory_space<vmem_shared>>
      tpu.enqueue_indirect_dma source(%dma_start3A_415 : memref<64xf32, #tpu.memory_space<vmem>>) target(%dma_start3A_420 : memref<10240xf32, #tpu.memory_space<vmem_shared>>) offsets(%dma_start3A_418 : memref<64xi32, #tpu.memory_space<vmem>>) semaphore(%arg29 : memref<!tpu.dma_semaphore, #tpu.memory_space<semaphore_mem>>) {add = true}
      %add3A_421 = arith.constant 2 : i32
      %add3A_422 = arith.addi %add3A_404, %add3A_421 : i32
      %lt3A_423 = arith.constant 40 : i32
      %lt3A_424 = arith.cmpi slt, %add3A_422, %lt3A_423 : i32
      %convert_element_type3A_425 = arith.extui %lt3A_424 : i1 to i32
      %cond3A_426 = arith.constant 0 : i32
      %cond3A_427 = arith.cmpi ne, %convert_element_type3A_425, %cond3A_426 : i32
      scf.if %cond3A_427 {
        %add3A_493 = arith.constant 2 : i32
        %add3A_494 = arith.addi %add3A_404, %add3A_493 : i32
        %add3A_495 = arith.constant 2 : i32
        %add3A_496 = arith.addi %add3A_404, %add3A_495 : i32
        %dma_start3A_497 = arith.constant 0 : i32
        %dma_start3A_498 = tpu.memref_slice %arg16[%add3A_496, %dma_start3A_497] : memref<40x64xf32, #tpu.memory_space<vmem>> -> memref<1x64xf32, #tpu.memory_space<vmem>>
        %dma_start3A_499 = tpu.memref_squeeze %dma_start3A_498 : memref<1x64xf32, #tpu.memory_space<vmem>> -> memref<64xf32, #tpu.memory_space<vmem>>
        %dma_start3A_500 = arith.constant 0 : i32
        %dma_start3A_501 = tpu.memref_slice %arg11[%add3A_494, %dma_start3A_500] : memref<40x64xi32, #tpu.memory_space<vmem>> -> memref<1x64xi32, #tpu.memory_space<vmem>>
        %dma_start3A_502 = tpu.memref_squeeze %dma_start3A_501 : memref<1x64xi32, #tpu.memory_space<vmem>> -> memref<64xi32, #tpu.memory_space<vmem>>
        %dma_start3A_503 = arith.constant 0 : i32
        %dma_start3A_504 = tpu.memref_slice %arg5[%dma_start3A_503] : memref<10240xf32, #tpu.memory_space<hbm>> -> memref<10240xf32, #tpu.memory_space<hbm>>
        tpu.enqueue_indirect_dma source(%dma_start3A_504 : memref<10240xf32, #tpu.memory_space<hbm>>) target(%dma_start3A_499 : memref<64xf32, #tpu.memory_space<vmem>>) offsets(%dma_start3A_502 : memref<64xi32, #tpu.memory_space<vmem>>) semaphore(%arg27 : memref<!tpu.dma_semaphore, #tpu.memory_space<semaphore_mem>>)
      } else {
      }
      %dma_wait3A_428 = arith.constant 0 : i32
      %dma_wait3A_429 = tpu.memref_slice %arg10[%add3A_404, %dma_wait3A_428] : memref<40x64xi32, #tpu.memory_space<vmem>> -> memref<1x64xi32, #tpu.memory_space<vmem>>
      %dma_wait3A_430 = tpu.memref_squeeze %dma_wait3A_429 : memref<1x64xi32, #tpu.memory_space<vmem>> -> memref<64xi32, #tpu.memory_space<vmem>>
      %dma_wait3A_431 = arith.constant 0 : i32
      %dma_wait3A_432 = arith.constant 0 : i32
      %dma_wait3A_433 = tpu.memref_slice %arg4[%dma_wait3A_431, %dma_wait3A_432] : memref<10240x128xf32, #tpu.memory_space<hbm>> -> memref<10240x128xf32, #tpu.memory_space<hbm>>
      tpu.wait_indirect_dma semaphore(%arg21 : memref<!tpu.dma_semaphore, #tpu.memory_space<semaphore_mem>>) src(%dma_wait3A_433 : memref<10240x128xf32, #tpu.memory_space<hbm>>) dst(%arg14 : memref<64x128xf32, #tpu.memory_space<vmem>>)
      %dma_start3A_434 = arith.constant 0 : i32
      %dma_start3A_435 = tpu.memref_slice %arg11[%add3A_404, %dma_start3A_434] : memref<40x64xi32, #tpu.memory_space<vmem>> -> memref<1x64xi32, #tpu.memory_space<vmem>>
      %dma_start3A_436 = tpu.memref_squeeze %dma_start3A_435 : memref<1x64xi32, #tpu.memory_space<vmem>> -> memref<64xi32, #tpu.memory_space<vmem>>
      %dma_start3A_437 = arith.constant 0 : i32
      %dma_start3A_438 = arith.constant 0 : i32
      %dma_start3A_439 = tpu.memref_slice %arg17[%dma_start3A_437, %dma_start3A_438] : memref<10112x128xf32, #tpu.memory_space<vmem_shared>> -> memref<10112x128xf32, #tpu.memory_space<vmem_shared>>
      tpu.enqueue_indirect_dma source(%arg14 : memref<64x128xf32, #tpu.memory_space<vmem>>) target(%dma_start3A_439 : memref<10112x128xf32, #tpu.memory_space<vmem_shared>>) offsets(%dma_start3A_436 : memref<64xi32, #tpu.memory_space<vmem>>) semaphore(%arg25 : memref<!tpu.dma_semaphore, #tpu.memory_space<semaphore_mem>>) {add = true}
      %add3A_440 = arith.constant 2 : i32
      %add3A_441 = arith.addi %add3A_404, %add3A_440 : i32
      %lt3A_442 = arith.constant 40 : i32
      %lt3A_443 = arith.cmpi slt, %add3A_441, %lt3A_442 : i32
      %convert_element_type3A_444 = arith.extui %lt3A_443 : i1 to i32
      %cond3A_445 = arith.constant 0 : i32
      %cond3A_446 = arith.cmpi ne, %convert_element_type3A_444, %cond3A_445 : i32
      scf.if %cond3A_446 {
        %ge3A = arith.constant 2 : i32
        %ge3A_493 = arith.cmpi sge, %add3A_404, %ge3A : i32
        %convert_element_type3A_494 = arith.extui %ge3A_493 : i1 to i32
        %cond3A_495 = arith.constant 0 : i32
        %cond3A_496 = arith.cmpi ne, %convert_element_type3A_494, %cond3A_495 : i32
        scf.if %cond3A_496 {
          %dma_wait3A_505 = arith.constant 0 : i32
          %dma_wait3A_506 = tpu.memref_slice %arg11[%add3A_404, %dma_wait3A_505] : memref<40x64xi32, #tpu.memory_space<vmem>> -> memref<1x64xi32, #tpu.memory_space<vmem>>
          %dma_wait3A_507 = tpu.memref_squeeze %dma_wait3A_506 : memref<1x64xi32, #tpu.memory_space<vmem>> -> memref<64xi32, #tpu.memory_space<vmem>>
          %dma_wait3A_508 = arith.constant 0 : i32
          %dma_wait3A_509 = arith.constant 0 : i32
          %dma_wait3A_510 = tpu.memref_slice %arg17[%dma_wait3A_508, %dma_wait3A_509] : memref<10112x128xf32, #tpu.memory_space<vmem_shared>> -> memref<10112x128xf32, #tpu.memory_space<vmem_shared>>
          tpu.wait_indirect_dma semaphore(%arg23 : memref<!tpu.dma_semaphore, #tpu.memory_space<semaphore_mem>>) src(%arg12 : memref<64x128xf32, #tpu.memory_space<vmem>>) dst(%dma_wait3A_510 : memref<10112x128xf32, #tpu.memory_space<vmem_shared>>)
        } else {
        }
        %add3A_497 = arith.constant 2 : i32
        %add3A_498 = arith.addi %add3A_404, %add3A_497 : i32
        %dma_start3A_499 = arith.constant 0 : i32
        %dma_start3A_500 = tpu.memref_slice %arg10[%add3A_498, %dma_start3A_499] : memref<40x64xi32, #tpu.memory_space<vmem>> -> memref<1x64xi32, #tpu.memory_space<vmem>>
        %dma_start3A_501 = tpu.memref_squeeze %dma_start3A_500 : memref<1x64xi32, #tpu.memory_space<vmem>> -> memref<64xi32, #tpu.memory_space<vmem>>
        %dma_start3A_502 = arith.constant 0 : i32
        %dma_start3A_503 = arith.constant 0 : i32
        %dma_start3A_504 = tpu.memref_slice %arg4[%dma_start3A_502, %dma_start3A_503] : memref<10240x128xf32, #tpu.memory_space<hbm>> -> memref<10240x128xf32, #tpu.memory_space<hbm>>
        tpu.enqueue_indirect_dma source(%dma_start3A_504 : memref<10240x128xf32, #tpu.memory_space<hbm>>) target(%arg12 : memref<64x128xf32, #tpu.memory_space<vmem>>) offsets(%dma_start3A_501 : memref<64xi32, #tpu.memory_space<vmem>>) semaphore(%arg19 : memref<!tpu.dma_semaphore, #tpu.memory_space<semaphore_mem>>)
      } else {
      }
      %mul3A_447 = arith.constant 4 : i32
      %mul3A_448 = arith.muli %mul3A_447, %scan3A_311 : i32
      %add3A_449 = arith.constant 3 : i32
      %add3A_450 = arith.addi %mul3A_448, %add3A_449 : i32
      %dma_wait3A_451 = arith.constant 0 : i32
      %dma_wait3A_452 = tpu.memref_slice %arg16[%add3A_450, %dma_wait3A_451] : memref<40x64xf32, #tpu.memory_space<vmem>> -> memref<1x64xf32, #tpu.memory_space<vmem>>
      %dma_wait3A_453 = tpu.memref_squeeze %dma_wait3A_452 : memref<1x64xf32, #tpu.memory_space<vmem>> -> memref<64xf32, #tpu.memory_space<vmem>>
      %dma_wait3A_454 = arith.constant 0 : i32
      %dma_wait3A_455 = tpu.memref_slice %arg11[%add3A_450, %dma_wait3A_454] : memref<40x64xi32, #tpu.memory_space<vmem>> -> memref<1x64xi32, #tpu.memory_space<vmem>>
      %dma_wait3A_456 = tpu.memref_squeeze %dma_wait3A_455 : memref<1x64xi32, #tpu.memory_space<vmem>> -> memref<64xi32, #tpu.memory_space<vmem>>
      %dma_wait3A_457 = arith.constant 0 : i32
      %dma_wait3A_458 = tpu.memref_slice %arg5[%dma_wait3A_457] : memref<10240xf32, #tpu.memory_space<hbm>> -> memref<10240xf32, #tpu.memory_space<hbm>>
      tpu.wait_indirect_dma semaphore(%arg28 : memref<!tpu.dma_semaphore, #tpu.memory_space<semaphore_mem>>) src(%dma_wait3A_458 : memref<10240xf32, #tpu.memory_space<hbm>>) dst(%dma_wait3A_453 : memref<64xf32, #tpu.memory_space<vmem>>)
      %dma_start3A_459 = arith.constant 0 : i32
      %dma_start3A_460 = tpu.memref_slice %arg16[%add3A_450, %dma_start3A_459] : memref<40x64xf32, #tpu.memory_space<vmem>> -> memref<1x64xf32, #tpu.memory_space<vmem>>
      %dma_start3A_461 = tpu.memref_squeeze %dma_start3A_460 : memref<1x64xf32, #tpu.memory_space<vmem>> -> memref<64xf32, #tpu.memory_space<vmem>>
      %dma_start3A_462 = arith.constant 0 : i32
      %dma_start3A_463 = tpu.memref_slice %arg10[%add3A_450, %dma_start3A_462] : memref<40x64xi32, #tpu.memory_space<vmem>> -> memref<1x64xi32, #tpu.memory_space<vmem>>
      %dma_start3A_464 = tpu.memref_squeeze %dma_start3A_463 : memref<1x64xi32, #tpu.memory_space<vmem>> -> memref<64xi32, #tpu.memory_space<vmem>>
      %dma_start3A_465 = arith.constant 0 : i32
      %dma_start3A_466 = tpu.memref_slice %arg18[%dma_start3A_465] : memref<10240xf32, #tpu.memory_space<vmem_shared>> -> memref<10240xf32, #tpu.memory_space<vmem_shared>>
      tpu.enqueue_indirect_dma source(%dma_start3A_461 : memref<64xf32, #tpu.memory_space<vmem>>) target(%dma_start3A_466 : memref<10240xf32, #tpu.memory_space<vmem_shared>>) offsets(%dma_start3A_464 : memref<64xi32, #tpu.memory_space<vmem>>) semaphore(%arg29 : memref<!tpu.dma_semaphore, #tpu.memory_space<semaphore_mem>>) {add = true}
      %add3A_467 = arith.constant 2 : i32
      %add3A_468 = arith.addi %add3A_450, %add3A_467 : i32
      %lt3A_469 = arith.constant 40 : i32
      %lt3A_470 = arith.cmpi slt, %add3A_468, %lt3A_469 : i32
      %convert_element_type3A_471 = arith.extui %lt3A_470 : i1 to i32
      %cond3A_472 = arith.constant 0 : i32
      %cond3A_473 = arith.cmpi ne, %convert_element_type3A_471, %cond3A_472 : i32
      scf.if %cond3A_473 {
        %add3A_493 = arith.constant 2 : i32
        %add3A_494 = arith.addi %add3A_450, %add3A_493 : i32
        %add3A_495 = arith.constant 2 : i32
        %add3A_496 = arith.addi %add3A_450, %add3A_495 : i32
        %dma_start3A_497 = arith.constant 0 : i32
        %dma_start3A_498 = tpu.memref_slice %arg16[%add3A_496, %dma_start3A_497] : memref<40x64xf32, #tpu.memory_space<vmem>> -> memref<1x64xf32, #tpu.memory_space<vmem>>
        %dma_start3A_499 = tpu.memref_squeeze %dma_start3A_498 : memref<1x64xf32, #tpu.memory_space<vmem>> -> memref<64xf32, #tpu.memory_space<vmem>>
        %dma_start3A_500 = arith.constant 0 : i32
        %dma_start3A_501 = tpu.memref_slice %arg11[%add3A_494, %dma_start3A_500] : memref<40x64xi32, #tpu.memory_space<vmem>> -> memref<1x64xi32, #tpu.memory_space<vmem>>
        %dma_start3A_502 = tpu.memref_squeeze %dma_start3A_501 : memref<1x64xi32, #tpu.memory_space<vmem>> -> memref<64xi32, #tpu.memory_space<vmem>>
        %dma_start3A_503 = arith.constant 0 : i32
        %dma_start3A_504 = tpu.memref_slice %arg5[%dma_start3A_503] : memref<10240xf32, #tpu.memory_space<hbm>> -> memref<10240xf32, #tpu.memory_space<hbm>>
        tpu.enqueue_indirect_dma source(%dma_start3A_504 : memref<10240xf32, #tpu.memory_space<hbm>>) target(%dma_start3A_499 : memref<64xf32, #tpu.memory_space<vmem>>) offsets(%dma_start3A_502 : memref<64xi32, #tpu.memory_space<vmem>>) semaphore(%arg28 : memref<!tpu.dma_semaphore, #tpu.memory_space<semaphore_mem>>)
      } else {
      }
      %dma_wait3A_474 = arith.constant 0 : i32
      %dma_wait3A_475 = tpu.memref_slice %arg10[%add3A_450, %dma_wait3A_474] : memref<40x64xi32, #tpu.memory_space<vmem>> -> memref<1x64xi32, #tpu.memory_space<vmem>>
      %dma_wait3A_476 = tpu.memref_squeeze %dma_wait3A_475 : memref<1x64xi32, #tpu.memory_space<vmem>> -> memref<64xi32, #tpu.memory_space<vmem>>
      %dma_wait3A_477 = arith.constant 0 : i32
      %dma_wait3A_478 = arith.constant 0 : i32
      %dma_wait3A_479 = tpu.memref_slice %arg4[%dma_wait3A_477, %dma_wait3A_478] : memref<10240x128xf32, #tpu.memory_space<hbm>> -> memref<10240x128xf32, #tpu.memory_space<hbm>>
      tpu.wait_indirect_dma semaphore(%arg22 : memref<!tpu.dma_semaphore, #tpu.memory_space<semaphore_mem>>) src(%dma_wait3A_479 : memref<10240x128xf32, #tpu.memory_space<hbm>>) dst(%arg15 : memref<64x128xf32, #tpu.memory_space<vmem>>)
      %dma_start3A_480 = arith.constant 0 : i32
      %dma_start3A_481 = tpu.memref_slice %arg11[%add3A_450, %dma_start3A_480] : memref<40x64xi32, #tpu.memory_space<vmem>> -> memref<1x64xi32, #tpu.memory_space<vmem>>
      %dma_start3A_482 = tpu.memref_squeeze %dma_start3A_481 : memref<1x64xi32, #tpu.memory_space<vmem>> -> memref<64xi32, #tpu.memory_space<vmem>>
      %dma_start3A_483 = arith.constant 0 : i32
      %dma_start3A_484 = arith.constant 0 : i32
      %dma_start3A_485 = tpu.memref_slice %arg17[%dma_start3A_483, %dma_start3A_484] : memref<10112x128xf32, #tpu.memory_space<vmem_shared>> -> memref<10112x128xf32, #tpu.memory_space<vmem_shared>>
      tpu.enqueue_indirect_dma source(%arg15 : memref<64x128xf32, #tpu.memory_space<vmem>>) target(%dma_start3A_485 : memref<10112x128xf32, #tpu.memory_space<vmem_shared>>) offsets(%dma_start3A_482 : memref<64xi32, #tpu.memory_space<vmem>>) semaphore(%arg26 : memref<!tpu.dma_semaphore, #tpu.memory_space<semaphore_mem>>) {add = true}
      %add3A_486 = arith.constant 2 : i32
      %add3A_487 = arith.addi %add3A_450, %add3A_486 : i32
      %lt3A_488 = arith.constant 40 : i32
      %lt3A_489 = arith.cmpi slt, %add3A_487, %lt3A_488 : i32
      %convert_element_type3A_490 = arith.extui %lt3A_489 : i1 to i32
      %cond3A_491 = arith.constant 0 : i32
      %cond3A_492 = arith.cmpi ne, %convert_element_type3A_490, %cond3A_491 : i32
      scf.if %cond3A_492 {
        %ge3A = arith.constant 2 : i32
        %ge3A_493 = arith.cmpi sge, %add3A_450, %ge3A : i32
        %convert_element_type3A_494 = arith.extui %ge3A_493 : i1 to i32
        %cond3A_495 = arith.constant 0 : i32
        %cond3A_496 = arith.cmpi ne, %convert_element_type3A_494, %cond3A_495 : i32
        scf.if %cond3A_496 {
          %dma_wait3A_505 = arith.constant 0 : i32
          %dma_wait3A_506 = tpu.memref_slice %arg11[%add3A_450, %dma_wait3A_505] : memref<40x64xi32, #tpu.memory_space<vmem>> -> memref<1x64xi32, #tpu.memory_space<vmem>>
          %dma_wait3A_507 = tpu.memref_squeeze %dma_wait3A_506 : memref<1x64xi32, #tpu.memory_space<vmem>> -> memref<64xi32, #tpu.memory_space<vmem>>
          %dma_wait3A_508 = arith.constant 0 : i32
          %dma_wait3A_509 = arith.constant 0 : i32
          %dma_wait3A_510 = tpu.memref_slice %arg17[%dma_wait3A_508, %dma_wait3A_509] : memref<10112x128xf32, #tpu.memory_space<vmem_shared>> -> memref<10112x128xf32, #tpu.memory_space<vmem_shared>>
          tpu.wait_indirect_dma semaphore(%arg24 : memref<!tpu.dma_semaphore, #tpu.memory_space<semaphore_mem>>) src(%arg13 : memref<64x128xf32, #tpu.memory_space<vmem>>) dst(%dma_wait3A_510 : memref<10112x128xf32, #tpu.memory_space<vmem_shared>>)
        } else {
        }
        %add3A_497 = arith.constant 2 : i32
        %add3A_498 = arith.addi %add3A_450, %add3A_497 : i32
        %dma_start3A_499 = arith.constant 0 : i32
        %dma_start3A_500 = tpu.memref_slice %arg10[%add3A_498, %dma_start3A_499] : memref<40x64xi32, #tpu.memory_space<vmem>> -> memref<1x64xi32, #tpu.memory_space<vmem>>
        %dma_start3A_501 = tpu.memref_squeeze %dma_start3A_500 : memref<1x64xi32, #tpu.memory_space<vmem>> -> memref<64xi32, #tpu.memory_space<vmem>>
        %dma_start3A_502 = arith.constant 0 : i32
        %dma_start3A_503 = arith.constant 0 : i32
        %dma_start3A_504 = tpu.memref_slice %arg4[%dma_start3A_502, %dma_start3A_503] : memref<10240x128xf32, #tpu.memory_space<hbm>> -> memref<10240x128xf32, #tpu.memory_space<hbm>>
        tpu.enqueue_indirect_dma source(%dma_start3A_504 : memref<10240x128xf32, #tpu.memory_space<hbm>>) target(%arg13 : memref<64x128xf32, #tpu.memory_space<vmem>>) offsets(%dma_start3A_501 : memref<64xi32, #tpu.memory_space<vmem>>) semaphore(%arg20 : memref<!tpu.dma_semaphore, #tpu.memory_space<semaphore_mem>>)
      } else {
      }
    }
    %scan3A_267 = arith.constant 10 : i32
    %dma_wait3A_268 = arith.constant 0 : i32
    %dma_wait3A_269 = arith.constant 0 : i32
    %dma_wait3A_270 = tpu.memref_slice %arg11[%dma_wait3A_268, %dma_wait3A_269] : memref<40x64xi32, #tpu.memory_space<vmem>> -> memref<1x64xi32, #tpu.memory_space<vmem>>
    %dma_wait3A_271 = tpu.memref_squeeze %dma_wait3A_270 : memref<1x64xi32, #tpu.memory_space<vmem>> -> memref<64xi32, #tpu.memory_space<vmem>>
    %dma_wait3A_272 = arith.constant 0 : i32
    %dma_wait3A_273 = arith.constant 0 : i32
    %dma_wait3A_274 = tpu.memref_slice %arg17[%dma_wait3A_272, %dma_wait3A_273] : memref<10112x128xf32, #tpu.memory_space<vmem_shared>> -> memref<10112x128xf32, #tpu.memory_space<vmem_shared>>
    tpu.wait_indirect_dma semaphore(%arg23 : memref<!tpu.dma_semaphore, #tpu.memory_space<semaphore_mem>>) src(%arg12 : memref<64x128xf32, #tpu.memory_space<vmem>>) dst(%dma_wait3A_274 : memref<10112x128xf32, #tpu.memory_space<vmem_shared>>)
    %dma_wait3A_275 = arith.constant 0 : i32
    %dma_wait3A_276 = arith.constant 0 : i32
    %dma_wait3A_277 = tpu.memref_slice %arg11[%dma_wait3A_275, %dma_wait3A_276] : memref<40x64xi32, #tpu.memory_space<vmem>> -> memref<1x64xi32, #tpu.memory_space<vmem>>
    %dma_wait3A_278 = tpu.memref_squeeze %dma_wait3A_277 : memref<1x64xi32, #tpu.memory_space<vmem>> -> memref<64xi32, #tpu.memory_space<vmem>>
    %dma_wait3A_279 = arith.constant 0 : i32
    %dma_wait3A_280 = arith.constant 0 : i32
    %dma_wait3A_281 = tpu.memref_slice %arg17[%dma_wait3A_279, %dma_wait3A_280] : memref<10112x128xf32, #tpu.memory_space<vmem_shared>> -> memref<10112x128xf32, #tpu.memory_space<vmem_shared>>
    tpu.wait_indirect_dma semaphore(%arg24 : memref<!tpu.dma_semaphore, #tpu.memory_space<semaphore_mem>>) src(%arg13 : memref<64x128xf32, #tpu.memory_space<vmem>>) dst(%dma_wait3A_281 : memref<10112x128xf32, #tpu.memory_space<vmem_shared>>)
    %dma_wait3A_282 = arith.constant 0 : i32
    %dma_wait3A_283 = arith.constant 0 : i32
    %dma_wait3A_284 = tpu.memref_slice %arg11[%dma_wait3A_282, %dma_wait3A_283] : memref<40x64xi32, #tpu.memory_space<vmem>> -> memref<1x64xi32, #tpu.memory_space<vmem>>
    %dma_wait3A_285 = tpu.memref_squeeze %dma_wait3A_284 : memref<1x64xi32, #tpu.memory_space<vmem>> -> memref<64xi32, #tpu.memory_space<vmem>>
    %dma_wait3A_286 = arith.constant 0 : i32
    %dma_wait3A_287 = arith.constant 0 : i32
    %dma_wait3A_288 = tpu.memref_slice %arg17[%dma_wait3A_286, %dma_wait3A_287] : memref<10112x128xf32, #tpu.memory_space<vmem_shared>> -> memref<10112x128xf32, #tpu.memory_space<vmem_shared>>
    tpu.wait_indirect_dma semaphore(%arg25 : memref<!tpu.dma_semaphore, #tpu.memory_space<semaphore_mem>>) src(%arg14 : memref<64x128xf32, #tpu.memory_space<vmem>>) dst(%dma_wait3A_288 : memref<10112x128xf32, #tpu.memory_space<vmem_shared>>)
    %dma_wait3A_289 = arith.constant 0 : i32
    %dma_wait3A_290 = arith.constant 0 : i32
    %dma_wait3A_291 = tpu.memref_slice %arg11[%dma_wait3A_289, %dma_wait3A_290] : memref<40x64xi32, #tpu.memory_space<vmem>> -> memref<1x64xi32, #tpu.memory_space<vmem>>
    %dma_wait3A_292 = tpu.memref_squeeze %dma_wait3A_291 : memref<1x64xi32, #tpu.memory_space<vmem>> -> memref<64xi32, #tpu.memory_space<vmem>>
    %dma_wait3A_293 = arith.constant 0 : i32
    %dma_wait3A_294 = arith.constant 0 : i32
    %dma_wait3A_295 = tpu.memref_slice %arg17[%dma_wait3A_293, %dma_wait3A_294] : memref<10112x128xf32, #tpu.memory_space<vmem_shared>> -> memref<10112x128xf32, #tpu.memory_space<vmem_shared>>
    tpu.wait_indirect_dma semaphore(%arg26 : memref<!tpu.dma_semaphore, #tpu.memory_space<semaphore_mem>>) src(%arg15 : memref<64x128xf32, #tpu.memory_space<vmem>>) dst(%dma_wait3A_295 : memref<10112x128xf32, #tpu.memory_space<vmem_shared>>)
    %scan3A_296 = arith.constant 0 : i32
    %scan3A_297 = arith.constant 0 : i32
    %scan3A_298 = arith.constant 40 : i32
    %scan3A_299 = arith.addi %scan3A_297, %scan3A_298 : i32
    %scan3A_300 = arith.constant 1 : i32
    scf.for %scan3A_311 = %scan3A_297 to %scan3A_299 step %scan3A_300  : i32 {
      %dma_wait3A_312 = arith.constant 0 : i32
      %dma_wait3A_313 = arith.constant 0 : i32
      %dma_wait3A_314 = tpu.memref_slice %arg16[%dma_wait3A_312, %dma_wait3A_313] : memref<40x64xf32, #tpu.memory_space<vmem>> -> memref<1x64xf32, #tpu.memory_space<vmem>>
      %dma_wait3A_315 = tpu.memref_squeeze %dma_wait3A_314 : memref<1x64xf32, #tpu.memory_space<vmem>> -> memref<64xf32, #tpu.memory_space<vmem>>
      %dma_wait3A_316 = arith.constant 0 : i32
      %dma_wait3A_317 = tpu.memref_slice %arg7[%dma_wait3A_316] : memref<10240xf32, #tpu.memory_space<hbm>> -> memref<64xf32, #tpu.memory_space<hbm>>
      %dma_wait3A_318 = arith.constant 0 : i32
      %dma_wait3A_319 = tpu.memref_slice %arg16[%dma_wait3A_312, %dma_wait3A_318] : memref<40x64xf32, #tpu.memory_space<vmem>> -> memref<1x64xf32, #tpu.memory_space<vmem>>
      %dma_wait3A_320 = tpu.memref_squeeze %dma_wait3A_319 : memref<1x64xf32, #tpu.memory_space<vmem>> -> memref<64xf32, #tpu.memory_space<vmem>>
      %dma_wait3A_321 = arith.constant 0 : i32
      %dma_wait3A_322 = tpu.memref_slice %arg7[%dma_wait3A_321] : memref<10240xf32, #tpu.memory_space<hbm>> -> memref<64xf32, #tpu.memory_space<hbm>>
      tpu.wait_dma2 semaphore(%arg29 : memref<!tpu.dma_semaphore, #tpu.memory_space<semaphore_mem>>) src(%dma_wait3A_322 : memref<64xf32, #tpu.memory_space<hbm>>) dst(%dma_wait3A_320 : memref<64xf32, #tpu.memory_space<vmem>>)
    }
    %scan3A_301 = arith.constant 40 : i32
    %barrier3A_302 = arith.constant 0 : index
    tpu.barrier barrier_id(%barrier3A_302)
    %mul3A_303 = arith.constant 632 : i32
    %mul3A_304 = arith.muli %arg1, %mul3A_303 : i32
    %mul3A_305 = arith.constant 632 : i32
    %mul3A_306 = arith.muli %arg1, %mul3A_305 : i32
    "tpu.region"() ({
      %run_scoped3A = tpu.sem_alloc : memref<!tpu.dma_semaphore, #tpu.memory_space<semaphore_mem>>
      %dma_start3A_311 = arith.constant 0 : i32
      %dma_start3A_312 = tpu.memref_slice %arg8[%arg0, %mul3A_306, %dma_start3A_311] : memref<2x10112x128xf32, #tpu.memory_space<hbm>> -> memref<1x632x128xf32, #tpu.memory_space<hbm>>
      %dma_start3A_313 = tpu.memref_squeeze %dma_start3A_312 : memref<1x632x128xf32, #tpu.memory_space<hbm>> -> memref<632x128xf32, #tpu.memory_space<hbm>>
      %dma_start3A_314 = arith.constant 0 : i32
      %dma_start3A_315 = tpu.memref_slice %arg17[%mul3A_304, %dma_start3A_314] : memref<10112x128xf32, #tpu.memory_space<vmem_shared>> -> memref<632x128xf32, #tpu.memory_space<vmem_shared>>
      tpu.enqueue_dma source(%dma_start3A_315 : memref<632x128xf32, #tpu.memory_space<vmem_shared>>) target(%dma_start3A_313 : memref<632x128xf32, #tpu.memory_space<hbm>>) target_semaphore(%run_scoped3A : memref<!tpu.dma_semaphore, #tpu.memory_space<semaphore_mem>>)
      %dma_wait3A_316 = arith.constant 0 : i32
      %dma_wait3A_317 = tpu.memref_slice %arg8[%arg0, %mul3A_306, %dma_wait3A_316] : memref<2x10112x128xf32, #tpu.memory_space<hbm>> -> memref<1x632x128xf32, #tpu.memory_space<hbm>>
      %dma_wait3A_318 = tpu.memref_squeeze %dma_wait3A_317 : memref<1x632x128xf32, #tpu.memory_space<hbm>> -> memref<632x128xf32, #tpu.memory_space<hbm>>
      %dma_wait3A_319 = arith.constant 0 : i32
      %dma_wait3A_320 = tpu.memref_slice %arg17[%mul3A_304, %dma_wait3A_319] : memref<10112x128xf32, #tpu.memory_space<vmem_shared>> -> memref<632x128xf32, #tpu.memory_space<vmem_shared>>
      tpu.wait_dma2 semaphore(%run_scoped3A : memref<!tpu.dma_semaphore, #tpu.memory_space<semaphore_mem>>) src(%dma_wait3A_320 : memref<632x128xf32, #tpu.memory_space<vmem_shared>>) dst(%dma_wait3A_318 : memref<632x128xf32, #tpu.memory_space<hbm>>)
      tpu.yield
    }) : () -> ()
    %mul3A_307 = arith.constant 640 : i32
    %mul3A_308 = arith.muli %arg1, %mul3A_307 : i32
    %mul3A_309 = arith.constant 640 : i32
    %mul3A_310 = arith.muli %arg1, %mul3A_309 : i32
    "tpu.region"() ({
      %run_scoped3A = tpu.sem_alloc : memref<!tpu.dma_semaphore, #tpu.memory_space<semaphore_mem>>
      %dma_start3A_311 = tpu.memref_slice %arg9[%arg0, %mul3A_310] : memref<2x10240xf32, #tpu.memory_space<hbm>> -> memref<1x640xf32, #tpu.memory_space<hbm>>
      %dma_start3A_312 = tpu.memref_squeeze %dma_start3A_311 : memref<1x640xf32, #tpu.memory_space<hbm>> -> memref<640xf32, #tpu.memory_space<hbm>>
      %dma_start3A_313 = tpu.memref_slice %arg18[%mul3A_308] : memref<10240xf32, #tpu.memory_space<vmem_shared>> -> memref<640xf32, #tpu.memory_space<vmem_shared>>
      tpu.enqueue_dma source(%dma_start3A_313 : memref<640xf32, #tpu.memory_space<vmem_shared>>) target(%dma_start3A_312 : memref<640xf32, #tpu.memory_space<hbm>>) target_semaphore(%run_scoped3A : memref<!tpu.dma_semaphore, #tpu.memory_space<semaphore_mem>>)
      %dma_wait3A_314 = tpu.memref_slice %arg9[%arg0, %mul3A_310] : memref<2x10240xf32, #tpu.memory_space<hbm>> -> memref<1x640xf32, #tpu.memory_space<hbm>>
      %dma_wait3A_315 = tpu.memref_squeeze %dma_wait3A_314 : memref<1x640xf32, #tpu.memory_space<hbm>> -> memref<640xf32, #tpu.memory_space<hbm>>
      %dma_wait3A_316 = tpu.memref_slice %arg18[%mul3A_308] : memref<10240xf32, #tpu.memory_space<vmem_shared>> -> memref<640xf32, #tpu.memory_space<vmem_shared>>
      tpu.wait_dma2 semaphore(%run_scoped3A : memref<!tpu.dma_semaphore, #tpu.memory_space<semaphore_mem>>) src(%dma_wait3A_316 : memref<640xf32, #tpu.memory_space<vmem_shared>>) dst(%dma_wait3A_315 : memref<640xf32, #tpu.memory_space<hbm>>)
      tpu.yield
    }) : () -> ()
    return
  }
}

module attributes {stable_mosaic.version = 14 : i64} {
  func.func @_mm_scale_body(%arg0: i32, %arg1: memref<1280x128xf32, #tpu.memory_space<vmem>>, %arg2: memref<128x128xf32, #tpu.memory_space<vmem>>, %arg3: memref<2x1280x1xf32, #tpu.memory_space<vmem>>, %arg4: memref<1280x128xf32, #tpu.memory_space<vmem>>, %arg5: memref<1280x1xf32, #tpu.memory_space<vmem>>) attributes {dimension_semantics = [#tpu.dimension_semantics<arbitrary>], iteration_bounds = array<i64: 8>, scalar_prefetch = 0 : i64, scratch_operands = 0 : i64, tpu.core_type = #tpu.core_type<tc>, window_params = [{transform_indices = @transform_0, window_bounds = array<i64: 1280, 128>}, {pipeline_mode = #tpu.pipeline_mode<synchronous>, transform_indices = @transform_1, window_bounds = array<i64: 128, 128>}, {transform_indices = @transform_2, window_bounds = array<i64: 2, 1280, 1>}, {transform_indices = @transform_3, window_bounds = array<i64: 1280, 128>}, {transform_indices = @transform_4, window_bounds = array<i64: 1280, 1>}]} {
    %get3A = arith.constant 0 : index
    %get3A_0 = arith.constant 0 : index
    %get3A_1 = arith.constant 0 : index
    %get3A_2 = vector.load %arg3[%get3A, %get3A_0, %get3A_1] : memref<2x1280x1xf32, #tpu.memory_space<vmem>>, vector<1x1280x1xf32>
    %get3A_3 = vector.shape_cast %get3A_2 : vector<1x1280x1xf32> to vector<1280x1xf32>
    %get3A_4 = arith.constant 1 : index
    %get3A_5 = arith.constant 0 : index
    %get3A_6 = arith.constant 0 : index
    %get3A_7 = vector.load %arg3[%get3A_4, %get3A_5, %get3A_6] : memref<2x1280x1xf32, #tpu.memory_space<vmem>>, vector<1x1280x1xf32>
    %get3A_8 = vector.shape_cast %get3A_7 : vector<1x1280x1xf32> to vector<1280x1xf32>
    %add3A = arith.addf %get3A_3, %get3A_8 : vector<1280x1xf32>
    %add3A_9 = arith.constant 1.000000e+00 : f32
    %add3A_10 = vector.broadcast %add3A_9 : f32 to vector<1280x1xf32>
    %add3A_11 = arith.addf %add3A, %add3A_10 : vector<1280x1xf32>
    %rsqrt3A = math.rsqrt %add3A_11 : vector<1280x1xf32>
    %get3A_12 = arith.constant 0 : index
    %get3A_13 = arith.constant 0 : index
    %get3A_14 = vector.load %arg1[%get3A_12, %get3A_13] : memref<1280x128xf32, #tpu.memory_space<vmem>>, vector<1280x128xf32>
    %get3A_15 = arith.constant 0 : index
    %get3A_16 = arith.constant 0 : index
    %get3A_17 = vector.load %arg2[%get3A_15, %get3A_16] : memref<128x128xf32, #tpu.memory_space<vmem>>, vector<128x128xf32>
    %dot_general3A = arith.constant dense<0.000000e+00> : vector<1280x128xf32>
    %dot_general3A_18 = tpu.matmul %get3A_14, %get3A_17, %dot_general3A {dimension_numbers = #tpu.dot_dimension_numbers<[1], [0], [0], [1], [0, 0, 1, 1], [], []>, precision = #tpu.contract_precision<fp32>, transpose_lhs_hint = false} : vector<1280x128xf32>, vector<128x128xf32>, vector<1280x128xf32> -> vector<1280x128xf32>
    %mul3A = vector.broadcast %rsqrt3A : vector<1280x1xf32> to vector<1280x128xf32>
    %mul3A_19 = arith.mulf %dot_general3A_18, %mul3A : vector<1280x128xf32>
    %swap3A = arith.constant 0 : index
    %swap3A_20 = arith.constant 0 : index
    %swap3A_21 = vector.load %arg4[%swap3A, %swap3A_20] : memref<1280x128xf32, #tpu.memory_space<vmem>>, vector<1280x128xf32>
    tpu.vector_store %arg4[%swap3A, %swap3A_20], %mul3A_19 {strides = array<i32>} : memref<1280x128xf32, #tpu.memory_space<vmem>>, vector<1280x128xf32>,
    %swap3A_22 = arith.constant 0 : index
    %swap3A_23 = arith.constant 0 : index
    %swap3A_24 = vector.load %arg5[%swap3A_22, %swap3A_23] : memref<1280x1xf32, #tpu.memory_space<vmem>>, vector<1280x1xf32>
    tpu.vector_store %arg5[%swap3A_22, %swap3A_23], %rsqrt3A {strides = array<i32>} : memref<1280x1xf32, #tpu.memory_space<vmem>>, vector<1280x1xf32>,
    return
  }
  func.func @transform_0(%arg0: i32) -> (i32, i32) {
    %c0_i32 = arith.constant 0 : i32
    %c0_i32_0 = arith.constant 0 : i32
    return %arg0, %c0_i32 : i32, i32
  }
  func.func @transform_1(%arg0: i32) -> (i32, i32) {
    %c0_i32 = arith.constant 0 : i32
    %c0_i32_0 = arith.constant 0 : i32
    %c0_i32_1 = arith.constant 0 : i32
    return %c0_i32, %c0_i32_0 : i32, i32
  }
  func.func @transform_2(%arg0: i32) -> (i32, i32, i32) {
    %c0_i32 = arith.constant 0 : i32
    %c0_i32_0 = arith.constant 0 : i32
    %c0_i32_1 = arith.constant 0 : i32
    return %c0_i32, %arg0, %c0_i32_0 : i32, i32, i32
  }
  func.func @transform_3(%arg0: i32) -> (i32, i32) {
    %c0_i32 = arith.constant 0 : i32
    %c0_i32_0 = arith.constant 0 : i32
    return %arg0, %c0_i32 : i32, i32
  }
  func.func @transform_4(%arg0: i32) -> (i32, i32) {
    %c0_i32 = arith.constant 0 : i32
    %c0_i32_0 = arith.constant 0 : i32
    return %arg0, %c0_i32 : i32, i32
  }
}

module attributes {stable_mosaic.version = 14 : i64} {
  func.func @_combine_body(%arg0: i32, %arg1: memref<2x1264x128xf32, #tpu.memory_space<vmem>>, %arg2: memref<1264x128xf32, #tpu.memory_space<vmem>>, %arg3: memref<1264x1xf32, #tpu.memory_space<vmem>>, %arg4: memref<2x1264x1xf32, #tpu.memory_space<vmem>>, %arg5: memref<1x128xf32, #tpu.memory_space<vmem>>, %arg6: memref<128x128xf32, #tpu.memory_space<vmem>>, %arg7: memref<1x128xf32, #tpu.memory_space<vmem>>, %arg8: memref<1x128xf32, #tpu.memory_space<vmem>>, %arg9: memref<1x128xf32, #tpu.memory_space<vmem>>) attributes {dimension_semantics = [#tpu.dimension_semantics<arbitrary>], iteration_bounds = array<i64: 8>, scalar_prefetch = 0 : i64, scratch_operands = 0 : i64, tpu.core_type = #tpu.core_type<tc>, window_params = [{transform_indices = @transform_0, window_bounds = array<i64: 2, 1264, 128>}, {transform_indices = @transform_1, window_bounds = array<i64: 1264, 128>}, {transform_indices = @transform_2, window_bounds = array<i64: 1264, 1>}, {transform_indices = @transform_3, window_bounds = array<i64: 2, 1264, 1>}, {pipeline_mode = #tpu.pipeline_mode<synchronous>, transform_indices = @transform_4, window_bounds = array<i64: 1, 128>}, {pipeline_mode = #tpu.pipeline_mode<synchronous>, transform_indices = @transform_5, window_bounds = array<i64: 128, 128>}, {pipeline_mode = #tpu.pipeline_mode<synchronous>, transform_indices = @transform_6, window_bounds = array<i64: 1, 128>}, {pipeline_mode = #tpu.pipeline_mode<synchronous>, transform_indices = @transform_7, window_bounds = array<i64: 1, 128>}, {pipeline_mode = #tpu.pipeline_mode<synchronous>, transform_indices = @transform_8, window_bounds = array<i64: 1, 128>}]} {
    %get3A = arith.constant 0 : index
    %get3A_0 = arith.constant 0 : index
    %get3A_1 = vector.load %arg3[%get3A, %get3A_0] : memref<1264x1xf32, #tpu.memory_space<vmem>>, vector<1264x1xf32>
    %get3A_2 = arith.constant 0 : index
    %get3A_3 = arith.constant 0 : index
    %get3A_4 = arith.constant 0 : index
    %get3A_5 = vector.load %arg1[%get3A_2, %get3A_3, %get3A_4] : memref<2x1264x128xf32, #tpu.memory_space<vmem>>, vector<1x1264x128xf32>
    %get3A_6 = vector.shape_cast %get3A_5 : vector<1x1264x128xf32> to vector<1264x128xf32>
    %get3A_7 = arith.constant 1 : index
    %get3A_8 = arith.constant 0 : index
    %get3A_9 = arith.constant 0 : index
    %get3A_10 = vector.load %arg1[%get3A_7, %get3A_8, %get3A_9] : memref<2x1264x128xf32, #tpu.memory_space<vmem>>, vector<1x1264x128xf32>
    %get3A_11 = vector.shape_cast %get3A_10 : vector<1x1264x128xf32> to vector<1264x128xf32>
    %add3A = arith.addf %get3A_6, %get3A_11 : vector<1264x128xf32>
    %get3A_12 = arith.constant 0 : index
    %get3A_13 = arith.constant 0 : index
    %get3A_14 = vector.load %arg2[%get3A_12, %get3A_13] : memref<1264x128xf32, #tpu.memory_space<vmem>>, vector<1264x128xf32>
    %add3A_15 = arith.addf %add3A, %get3A_14 : vector<1264x128xf32>
    %mul3A = vector.broadcast %get3A_1 : vector<1264x1xf32> to vector<1264x128xf32>
    %mul3A_16 = arith.mulf %mul3A, %add3A_15 : vector<1264x128xf32>
    %get3A_17 = arith.constant 0 : index
    %get3A_18 = arith.constant 0 : index
    %get3A_19 = vector.load %arg5[%get3A_17, %get3A_18] : memref<1x128xf32, #tpu.memory_space<vmem>>, vector<1x128xf32>
    %add3A_20 = vector.broadcast %get3A_19 : vector<1x128xf32> to vector<1264x128xf32>
    %add3A_21 = arith.addf %mul3A_16, %add3A_20 : vector<1264x128xf32>
    %max3A = arith.constant 0.000000e+00 : f32
    %max3A_22 = vector.broadcast %max3A : f32 to vector<1264x128xf32>
    %max3A_23 = arith.maximumf %add3A_21, %max3A_22 : vector<1264x128xf32>
    %get3A_24 = arith.constant 0 : index
    %get3A_25 = arith.constant 0 : index
    %get3A_26 = arith.constant 0 : index
    %get3A_27 = vector.load %arg4[%get3A_24, %get3A_25, %get3A_26] : memref<2x1264x1xf32, #tpu.memory_space<vmem>>, vector<1x1264x1xf32>
    %get3A_28 = vector.shape_cast %get3A_27 : vector<1x1264x1xf32> to vector<1264x1xf32>
    %get3A_29 = arith.constant 1 : index
    %get3A_30 = arith.constant 0 : index
    %get3A_31 = arith.constant 0 : index
    %get3A_32 = vector.load %arg4[%get3A_29, %get3A_30, %get3A_31] : memref<2x1264x1xf32, #tpu.memory_space<vmem>>, vector<1x1264x1xf32>
    %get3A_33 = vector.shape_cast %get3A_32 : vector<1x1264x1xf32> to vector<1264x1xf32>
    %add3A_34 = arith.addf %get3A_28, %get3A_33 : vector<1264x1xf32>
    %mul3A_35 = arith.mulf %get3A_1, %add3A_34 : vector<1264x1xf32>
    %mul3A_36 = arith.mulf %get3A_1, %get3A_1 : vector<1264x1xf32>
    %add3A_37 = arith.addf %mul3A_35, %mul3A_36 : vector<1264x1xf32>
    %mul3A_38 = arith.constant 1264 : i32
    %mul3A_39 = arith.muli %arg0, %mul3A_38 : i32
    %iota3A = tpu.iota {dimensions = array<i32: 0>} : vector<1264x1xi32>
    %add3A_40 = vector.broadcast %mul3A_39 : i32 to vector<1264x1xi32>
    %add3A_41 = arith.addi %add3A_40, %iota3A : vector<1264x1xi32>
    %lt3A = arith.constant 10000 : i32
    %lt3A_42 = vector.broadcast %lt3A : i32 to vector<1264x1xi32>
    %lt3A_43 = arith.cmpi slt, %add3A_41, %lt3A_42 : vector<1264x1xi32>
    %jit3A = arith.constant 0.000000e+00 : f32
    %broadcast_in_dim3A = vector.broadcast %jit3A : f32 to vector<1264x1xf32>
    %select_n3A = arith.select %lt3A_43, %add3A_37, %broadcast_in_dim3A : vector<1264x1xi1>, vector<1264x1xf32>
    %mul3A_44 = vector.broadcast %select_n3A : vector<1264x1xf32> to vector<1264x128xf32>
    %mul3A_45 = arith.mulf %mul3A_44, %max3A_23 : vector<1264x128xf32>
    %reduce_sum3A = arith.constant dense<0.000000e+00> : vector<128xf32>
    %reduce_sum3A_46 = vector.multi_reduction <add>, %mul3A_45, %reduce_sum3A [0] : vector<1264x128xf32> to vector<128xf32>
    %broadcast_in_dim3A_47 = vector.shape_cast %reduce_sum3A_46 : vector<128xf32> to vector<1x128xf32>
    %eq3A = arith.constant 0 : i32
    %eq3A_48 = arith.cmpi eq, %arg0, %eq3A : i32
    %convert_element_type3A = arith.extui %eq3A_48 : i1 to i32
    %cond3A = arith.constant 0 : i32
    %cond3A_49 = arith.cmpi ne, %convert_element_type3A, %cond3A : i32
    scf.if %cond3A_49 {
      %broadcast_in_dim3A_61 = arith.constant 0.000000e+00 : f32
      %broadcast_in_dim3A_62 = vector.broadcast %broadcast_in_dim3A_61 : f32 to vector<1x128xf32>
      %swap3A_63 = arith.constant 0 : index
      %swap3A_64 = arith.constant 0 : index
      %swap3A_65 = vector.load %arg8[%swap3A_63, %swap3A_64] : memref<1x128xf32, #tpu.memory_space<vmem>>, vector<1x128xf32>
      tpu.vector_store %arg8[%swap3A_63, %swap3A_64], %broadcast_in_dim3A_62 {strides = array<i32>} : memref<1x128xf32, #tpu.memory_space<vmem>>, vector<1x128xf32>,
    } else {
    }
    %get3A_50 = arith.constant 0 : index
    %get3A_51 = arith.constant 0 : index
    %get3A_52 = vector.load %arg8[%get3A_50, %get3A_51] : memref<1x128xf32, #tpu.memory_space<vmem>>, vector<1x128xf32>
    %add3A_53 = arith.addf %get3A_52, %broadcast_in_dim3A_47 : vector<1x128xf32>
    %swap3A = arith.constant 0 : index
    %swap3A_54 = arith.constant 0 : index
    %swap3A_55 = vector.load %arg8[%swap3A, %swap3A_54] : memref<1x128xf32, #tpu.memory_space<vmem>>, vector<1x128xf32>
    tpu.vector_store %arg8[%swap3A, %swap3A_54], %add3A_53 {strides = array<i32>} : memref<1x128xf32, #tpu.memory_space<vmem>>, vector<1x128xf32>,
    %eq3A_56 = arith.constant 7 : i32
    %eq3A_57 = arith.cmpi eq, %arg0, %eq3A_56 : i32
    %convert_element_type3A_58 = arith.extui %eq3A_57 : i1 to i32
    %cond3A_59 = arith.constant 0 : i32
    %cond3A_60 = arith.cmpi ne, %convert_element_type3A_58, %cond3A_59 : i32
    scf.if %cond3A_60 {
      %get3A_61 = arith.constant 0 : index
      %get3A_62 = arith.constant 0 : index
      %get3A_63 = vector.load %arg8[%get3A_61, %get3A_62] : memref<1x128xf32, #tpu.memory_space<vmem>>, vector<1x128xf32>
      %mul3A_64 = arith.constant 9.99999974E-5 : f32
      %mul3A_65 = vector.broadcast %mul3A_64 : f32 to vector<1x128xf32>
      %mul3A_66 = arith.mulf %get3A_63, %mul3A_65 : vector<1x128xf32>
      %get3A_67 = arith.constant 0 : index
      %get3A_68 = arith.constant 0 : index
      %get3A_69 = vector.load %arg6[%get3A_67, %get3A_68] : memref<128x128xf32, #tpu.memory_space<vmem>>, vector<128x128xf32>
      %dot_general3A = arith.constant dense<0.000000e+00> : vector<1x128xf32>
      %dot_general3A_70 = tpu.matmul %mul3A_66, %get3A_69, %dot_general3A {dimension_numbers = #tpu.dot_dimension_numbers<[1], [0], [0], [1], [0, 0, 1, 1], [], []>, precision = #tpu.contract_precision<fp32>, transpose_lhs_hint = false} : vector<1x128xf32>, vector<128x128xf32>, vector<1x128xf32> -> vector<1x128xf32>
      %get3A_71 = arith.constant 0 : index
      %get3A_72 = arith.constant 0 : index
      %get3A_73 = vector.load %arg7[%get3A_71, %get3A_72] : memref<1x128xf32, #tpu.memory_space<vmem>>, vector<1x128xf32>
      %add3A_74 = arith.addf %dot_general3A_70, %get3A_73 : vector<1x128xf32>
      %swap3A_75 = arith.constant 0 : index
      %swap3A_76 = arith.constant 0 : index
      %swap3A_77 = vector.load %arg9[%swap3A_75, %swap3A_76] : memref<1x128xf32, #tpu.memory_space<vmem>>, vector<1x128xf32>
      tpu.vector_store %arg9[%swap3A_75, %swap3A_76], %add3A_74 {strides = array<i32>} : memref<1x128xf32, #tpu.memory_space<vmem>>, vector<1x128xf32>,
    } else {
    }
    return
  }
  func.func @transform_0(%arg0: i32) -> (i32, i32, i32) {
    %c0_i32 = arith.constant 0 : i32
    %c0_i32_0 = arith.constant 0 : i32
    %c0_i32_1 = arith.constant 0 : i32
    return %c0_i32, %arg0, %c0_i32_0 : i32, i32, i32
  }
  func.func @transform_1(%arg0: i32) -> (i32, i32) {
    %c0_i32 = arith.constant 0 : i32
    %c0_i32_0 = arith.constant 0 : i32
    return %arg0, %c0_i32 : i32, i32
  }
  func.func @transform_2(%arg0: i32) -> (i32, i32) {
    %c0_i32 = arith.constant 0 : i32
    %c0_i32_0 = arith.constant 0 : i32
    return %arg0, %c0_i32 : i32, i32
  }
  func.func @transform_3(%arg0: i32) -> (i32, i32, i32) {
    %c0_i32 = arith.constant 0 : i32
    %c0_i32_0 = arith.constant 0 : i32
    %c0_i32_1 = arith.constant 0 : i32
    return %c0_i32, %arg0, %c0_i32_0 : i32, i32, i32
  }
  func.func @transform_4(%arg0: i32) -> (i32, i32) {
    %c0_i32 = arith.constant 0 : i32
    %c0_i32_0 = arith.constant 0 : i32
    %c0_i32_1 = arith.constant 0 : i32
    return %c0_i32, %c0_i32_0 : i32, i32
  }
  func.func @transform_5(%arg0: i32) -> (i32, i32) {
    %c0_i32 = arith.constant 0 : i32
    %c0_i32_0 = arith.constant 0 : i32
    %c0_i32_1 = arith.constant 0 : i32
    return %c0_i32, %c0_i32_0 : i32, i32
  }
  func.func @transform_6(%arg0: i32) -> (i32, i32) {
    %c0_i32 = arith.constant 0 : i32
    %c0_i32_0 = arith.constant 0 : i32
    %c0_i32_1 = arith.constant 0 : i32
    return %c0_i32, %c0_i32_0 : i32, i32
  }
  func.func @transform_7(%arg0: i32) -> (i32, i32) {
    %c0_i32 = arith.constant 0 : i32
    %c0_i32_0 = arith.constant 0 : i32
    %c0_i32_1 = arith.constant 0 : i32
    return %c0_i32, %c0_i32_0 : i32, i32
  }
  func.func @transform_8(%arg0: i32) -> (i32, i32) {
    %c0_i32 = arith.constant 0 : i32
    %c0_i32_0 = arith.constant 0 : i32
    %c0_i32_1 = arith.constant 0 : i32
    return %c0_i32, %c0_i32_0 : i32, i32
  }
}

</mosaic_0001>

<sc_bundles>
// kernel: kernel.6.cloned.1.call-start
scs
__scs_entry_jumppad:
0x0: {  	(pc) =	sbr.rel $0x88, $3  }
0x1: {  	(tag) =	ssettag $0x0;
	lr =	simm.s32 $0x1  }
0x2: {  	[smem:$0x3F9B] =	sst lr;
	_ =	strace $0xD0000000  }
0x3: {  	_ = 	snop  }
0x4: {  	_ = 	snop  }
0x5: {  	_ = 	snop  }
0x6: {  	_ = 	snop  }
0x7: {  	_ = 	snop  }
__scs_overlays_trampoline_lowered:
0x8: {  	[smem:$0x3FAA] =	sst s0  }
0x9: {  	[smem:$0x3FAB] =	sst s1  }
0xa: {  	[smem:$0x3FAC] =	sst s2  }
0xb: {  	[smem:$0x3FAD] =	sst s3  }
0xc: {  	[smem:$0x3FAE] =	sst s4  }
0xd: {  	[smem:$0x3FAF] =	sst s5  }
0xe: {  	[smem:$0x3FB0] =	sst s6  }
0xf: {  	[smem:$0x3FB1] =	sst s7  }
0x10: {  	[smem:$0x3FB2] =	sst s8  }
0x11: {  	[smem:$0x3FB3] =	sst s9;
	s0 =	simm.s32 @!p0 $0x0  }
0x12: {  	s1 =	sld [smem:$0x3F99];
	s0 =	simm.s32 @p0 $0x1  }
0x13: {  	[smem:$0x3FB4] =	sst s0;
	s0 =	simm.s32 @!p1 $0x0  }
0x14: {  	s2 =	sld [smem:$0x3F98];
	s0 =	simm.s32 @p1 $0x1  }
0x15: {  	[smem:$0x3FB5] =	sst s0;
	s0 =	simm.s32 @!p2 $0x0  }
0x16: {  	s3 =	sld [smem:$0x3FDB];
	s0 =	simm.s32 @p2 $0x1  }
0x17: {  	s4 =	simm.s32 $0x1BF5;
	[smem:$0x3FB7] =	sst s0  }
0x18: {  	s0 =	sld [smem:$0x3F9A];
	_ =	swait.ge [sflag:s4], $0x0  }
0x19: {  	s7 =	sld [smem:$0x3F9B]  }
0x1a: {  	s8 =	sadd.s32 $0xFFFFE003, lr  }
0x1b: {  	s9 =	sadd.s32 $0xFFFFFEF7, lr;
	s5 =	simm.s32 $0xFFFFFFFF;
	p2 =	slt.u32 s8, $0xFFFFF086  }
0x1c: {  	p1 =	slt.u32 s9, $0xF7A;
	s5 =	simm.s32 @!p2 $0x0  }
0x1d: {  	s5 =	simm.s32 @p1 $0x1;
	p0 =	seq.s32 s7, s2  }
0x1e: {  	s7 =	smul.u32 @!p0 $0xF7A, s2;
	p2 =	seq.s32 @!p0 s5, $0x0  }
0x1f: {  	s9 =	smul.u32 $0xF7A, s1;
	s8 =	simm.s32 @!p0 $0x1BF5;
	p2 =	por !p2, p0  }
0x20: {  	[sflag:s8] =	ssyncset.s32 @!p0 $0xFFFFF086;
	s6 =	sadd.s32 @!p0 s3, s7;
	s7 =	simm.s32 @!p0 $0x108  }
0x21: {  	s3 =	sadd.s32 s3, s9;
	s6 =	sadd.s32 @!p0 $0x88, s6;
	s7 =	simm.s32 @p2 $0x1082  }
0x22: {  	[simem:s7], [sflag:s8] =	dma.local @!p0 [hbm:s6], $0xF7A  }
0x23: {  	s9 =	sor.u32 $0xD0000000, s2;
	s6 =	simm.s32 $0x108;
	_ =	swait.ge @!p0 [sflag:s8], $0x0  }
0x24: {  	s3 =	sadd.s32 $0x88, s3;
	s6 =	simm.s32 @!p1 $0x1082;
	[sflag:s4] =	ssyncset.s32 $0xFFFFF086  }
0x25: {  	[simem:s6], [sflag:s4] =	dma.local [hbm:s3], $0xF7A  }
0x26: {  	[smem:$0x3F9B] =	sst s1;
	(tag) =	ssettag s2;
	_ =	strace s9  }
0x27: {  	s1 =	sld [smem:$0x3FAB]  }
0x28: {  	s2 =	sld [smem:$0x3FAC]  }
0x29: {  	s4 =	sld [smem:$0x3FAE]  }
0x2a: {  	p0 =	seq.s32 s5, $0x0;
	s5 =	sld [smem:$0x3FAF]  }
0x2b: {  	s6 =	sld [smem:$0x3FB0]  }
0x2c: {  	s7 =	sld [smem:$0x3FB1]  }
0x2d: {  	s3 =	simm.s32 $0x108;
	s8 =	sld [smem:$0x3FB2]  }
0x2e: {  	s3 =	simm.s32 @!p0 $0x1082;
	s9 =	sld [smem:$0x3FB3]  }
0x2f: {  	lr =	sadd.s32 s0, s3;
	s0 =	sld [smem:$0x3FAA]  }
0x30: {  	s3 =	sld [smem:$0x3FAD]  }
0x31: {  	[smem:$0x3FB6] =	sst s10  }
0x32: {  	s10 =	sld [smem:$0x3FB4];
	_ =	sdelay $0x3  }
0x33: {  	p0 =	seq.s32 s10, $0x1;
	s10 =	sld [smem:$0x3FB6];
	_ =	sdelay $0x3  }
0x34: {  	[smem:$0x3FB6] =	sst s10  }
0x35: {  	s10 =	sld [smem:$0x3FB5];
	_ =	sdelay $0x3  }
0x36: {  	p1 =	seq.s32 s10, $0x1;
	s10 =	sld [smem:$0x3FB6];
	_ =	sdelay $0x3  }
0x37: {  	[smem:$0x3FB6] =	sst s10  }
0x38: {  	s10 =	sld [smem:$0x3FB7]  }
0x39: {  	_ = 	snop;
	(pc) =	sbr.ind lr, $3  }
0x3a: {  	_ = 	snop  }
0x3b: {  	_ = 	snop  }
0x3c: {  	p2 =	seq.s32 s10, $0x1;
	s10 =	sld [smem:$0x3FB6]  }
0x3d: {  	_ =	shalt  }
0x3e: {  	_ =	shalt  }
0x3f: {  	_ =	shalt  }
0x40: {  	_ =	shalt  }
0x41: {  	_ =	shalt  }
0x42: {  	_ =	shalt  }
0x43: {  	_ =	shalt  }
0x44: {  	_ =	shalt  }
0x45: {  	_ =	shalt  }
0x46: {  	_ =	shalt  }
0x47: {  	_ =	shalt  }
0x48: {  	_ =	shalt  }
0x49: {  	_ =	shalt  }
0x4a: {  	_ =	shalt  }
0x4b: {  	_ =	shalt  }
0x4c: {  	_ =	shalt  }
0x4d: {  	_ =	shalt  }
0x4e: {  	_ =	shalt  }
0x4f: {  	_ =	shalt  }
0x50: {  	_ =	shalt  }
0x51: {  	_ =	shalt  }
0x52: {  	_ =	shalt  }
0x53: {  	_ =	shalt  }
0x54: {  	_ =	shalt  }
0x55: {  	_ =	shalt  }
0x56: {  	_ =	shalt  }
0x57: {  	_ =	shalt  }
0x58: {  	_ =	shalt  }
0x59: {  	_ =	shalt  }
0x5a: {  	_ =	shalt  }
0x5b: {  	_ =	shalt  }
0x5c: {  	_ =	shalt  }
0x5d: {  	_ =	shalt  }
0x5e: {  	_ =	shalt  }
0x5f: {  	_ =	shalt  }
0x60: {  	_ =	shalt  }
0x61: {  	_ =	shalt  }
0x62: {  	_ =	shalt  }
0x63: {  	_ =	shalt  }
0x64: {  	_ =	shalt  }
0x65: {  	_ =	shalt  }
0x66: {  	_ =	shalt  }
0x67: {  	_ =	shalt  }
0x68: {  	_ =	shalt  }
0x69: {  	_ =	shalt  }
0x6a: {  	_ =	shalt  }
0x6b: {  	_ =	shalt  }
0x6c: {  	_ =	shalt  }
0x6d: {  	_ =	shalt  }
0x6e: {  	_ =	shalt  }
0x6f: {  	_ =	shalt  }
0x70: {  	_ =	shalt  }
0x71: {  	_ =	shalt  }
0x72: {  	_ =	shalt  }
0x73: {  	_ =	shalt  }
0x74: {  	_ =	shalt  }
0x75: {  	_ =	shalt  }
0x76: {  	_ =	shalt  }
0x77: {  	_ =	shalt  }
0x78: {  	_ =	shalt  }
0x79: {  	_ =	shalt  }
0x7a: {  	_ =	shalt  }
0x7b: {  	_ =	shalt  }
0x7c: {  	_ =	shalt  }
0x7d: {  	_ =	shalt  }
0x7e: {  	_ =	shalt  }
0x7f: {  	_ =	shalt  }
0x80: {  	_ =	shalt  }
0x81: {  	_ =	shalt  }
0x82: {  	_ =	shalt  }
0x83: {  	_ =	shalt  }
0x84: {  	_ =	shalt  }
0x85: {  	_ =	shalt  }
0x86: {  	_ =	shalt  }
0x87: {  	_ =	shalt  }
.Lfunc_end0:
.L_simem_size_0:
called_computation_lowered:
.L_overlay_start_0:
0x88: {  	s2 =	sld [smem:$0x3FD9]  }
0x89: {  	s3 =	sld [smem:$0x3FFE];
	_ =	sdelay $0x1  }
0x8a: {  	s1 =	srdreg.scid  }
0x8b: {  	s0 =	sand.u32 $0x1, s1  }
0x8c: {  	s16 =	sshll.u32 s0, $0xA;
	s2 =	sadd.s32 s3, s2  }
0x8d: {  	s2 =	sadd.s32 s2, s16  }
0x8e: {  	[smem:$0x3FC2] =	sst s2  }
0x8f: {  	_ = 	snop  }
0x90: {  	(tm) =	ssettm $0x1  }
0x91: {  	s17 =	sld [smem:$0x3FFB];
	_ =	sdelay $0x3  }
0x92: {  	_ =	strace s17  }
0x93: {  	s2 =	sld [smem:$0x3FFC];
	_ =	sdelay $0x3  }
0x94: {  	_ =	strace s2  }
0x95: {  	s2 =	sld [smem:$0x3FFD];
	_ =	sdelay $0x3  }
0x96: {  	_ =	strace s2  }
0x97: {  	_ =	strace $0x8FFFFFFF  }
0x98: {  	s18 =	sld [smem:$0x3FDB];
	_ =	sdelay $0x1  }
0x99: {  	s19 =	simm.s32 $_scs_section_size  }
0x9a: {  	s4 =	simm.s32 $_size__tile_overlayer_lowered;
	s5 =	simm.s32 $_tile_overlayer_lowered  }
0x9b: {  	s22 =	simm.s32 $0x1BFF;
	s21 =	sshll.u32 s5, $0x1;
	s2 =	sadd.s32 s19, s18  }
0x9c: {  	s6 =	simm.s32 $0x0;
	s20 =	sshll.u32 s4, $0x1;
	s4 =	sadd.s32 s21, s2  }
0x9d: {  	[timem:s6], [sflag:s22] =	dma.local [hbm:s4], s20  }
0x9e: {  	_ =	swait.ge [sflag:s22], s20  }
0x9f: {  	s3 =	ssub.s32 $0x0, s20;
	[sflag:s22] =	ssyncset.done $0x0  }
0xa0: {  	[sflag:s22] =	ssyncadd.s32 s3;
	_ =	sdelay $0x1  }
0xa1: {  	s23 =	simm.s32 $0x1B8B  }
0xa2: {  	_ =	swait.ge [sflag:s23], $0x1  }
0xa3: {  	[sflag:s23] =	ssyncset.done $0x0  }
0xa4: {  	s25 =	simm.s32 $0x1B8E;
	s24 =	sld [smem:$0x3FFE];
	[sflag:s23] =	ssyncadd.s32 $0xFFFFFFFF  }
0xa5: {  	s26 =	simm.s32 $execute0_lowered;
	[smem:$0x3FD2] =	sst s25  }
0xa6: {  	s4 =	sshll.u32 s26, $0x1;
	_ =	strace $0x80000046;
	[dreg:$0x1] =	wrdreg $0xFFFFFFFF  }
0xa7: {  	s28 =	simm.s32 $_size_execute0_lowered;
	s2 =	sadd.s32 s2, s4;
	[dreg:$0x0] =	wrdreg $0x0  }
0xa8: {  	s4 =	sshll.u32 s28, $0x1;
	[dreg:$0x2] =	wrdreg s2  }
0xa9: {  	[dreg:$0x3] =	wrdreg s4  }
0xaa: {  	[dreg:$0x4] =	wrdreg $0xC0  }
0xab: {  	_ =	task [dreg:s6], $0x5FFFF  }
0xac: {  	[dreg:$0x1] =	wrdreg $0xFFFFFFFF  }
0xad: {  	[dreg:$0x0] =	wrdreg $0x60  }
0xae: {  	[dreg:$0x2] =	wrdreg s24  }
0xaf: {  	[dreg:$0x3] =	wrdreg $0x28800  }
0xb0: {  	[dreg:$0x4] =	wrdreg $0x9  }
0xb1: {  	_ =	task.clear_ibuf [dreg:s6], $0x5FFFF;
	_ =	strace $0x90000046  }
0xb2: {  	s29 =	simm.s32 $0x9;
	_ =	strace $0x80000048  }
0xb3: {  	_ =	swait.ge [sflag:s29], $0x1  }
0xb4: {  	[sflag:s29] =	ssyncadd.s32 $0xFFFFFFFF  }
0xb5: {  	_ =	strace $0x90000048  }
0xb6: {  	_ =	sfence  }
0xb7: {  	s30 =	sld [smem:$0x0];
	_ =	sdelay $0x2  }
0xb8: {  	s31 =	sshll.u32 s1, $0xD;
	s1 =	sshrl.u32 s1, $0x2  }
0xb9: {  	s3 =	sand.u32 $0x4000, s31;
	s1 =	sadd.s32 s1, s30  }
0xba: {  	s0 =	sor.u32 s3, s0;
	s1 =	sshll.u32 s1, $0x11  }
0xbb: {  	s0 =	sor.u32 s1, s0  }
0xbc: {  	s0 =	sadd.s32 $0x8F2B, s0  }
0xbd: {  	[sflag:s0] =	ssyncadd.remote.s32 $0x1  }
0xbe: {  	_ =	sfence.sel $0xFFFF  }
0xbf: {  	[dreg:$0x0] =	wrdreg $0xFFFFFFFF;
	(pc) =	sbr.abs _section_cstart, $3  }
0xc0: {  	[dreg:$0x1] =	wrdreg $0xFFFFFFFF  }
0xc1: {  	_ =	task.clear_ibuf [dreg:s6], $0x2FFFF;
	_ =	strace $0x9FFFFFFF  }
0xc2: {  	(tm) =	ssettm $0x7FFFFFFF  }
0xc3: {  	_ =	shalt  }
tec
execute0_lowered:
.L_overlay_start_1:
0x0: {  	(tag) =	ssettag $0x1  }
0x1: {  	s1 =	srdreg.scid;
	s5 =	rddreg [dreg:$0x0]  }
0x2: {  	s0 =	stileid.u32;
	s2 =	rddreg [dreg:$0x1];
	s3 =	simm.s32 $0x0  }
0x3: {  	s12 =	simm.s32 $0x2800;
	s13 =	simm.s32 $0x20;
	s14 =	simm.s32 $0x10  }
0x4: {  	s15 =	simm.s32 $0x0;
	s4 =	sand.u32 $0x1, s1;
	s7 =	smul.u32 $0x500, s0  }
0x5: {  	s28 =	sshll.u32 s0, $0x1;
	[smem:$0x7FF] =	sst s3;
	s8 =	smul.u32 $0x280, s0  }
0x6: {  	s31 =	sshll.u32 s0, $0x6;
	s1 =	sor.u32 s4, s28;
	s9 =	sshll.u32 s4, $0x7  }
0x7: {  	s4 =	ssub.s32 $0x2, s4;
	s6 =	smul.u32 $0x500, s1;
	s1 =	rddreg [dreg:$0x2]  }
0x8: {  	_ =	strace $0x80000047;
	s7 =	sor.u32 s9, s7;
	s29 =	sshrl.u32 s8, $0x3  }
0x9: {  	s30 =	sshrl.u32 s4, $0x1;
	s11 =	sadd.s32 s8, s2;
	s7 =	sshrl.u32 s7, $0x3  }
0xa: {  	s9 =	sadd.s32 s29, s5;
	s10 =	ssub.s32 s4, s30;
	s6 =	sadd.s32 s6, s5  }
0xb: {  	s7 =	sadd.s32 s7, s5;
	s4 =	sadd.s32 $0xC200, s9;
	s5 =	sor.u32 $0x1C01, s31  }
0xc: {  	s8 =	smax.u32 s10, $0x1;
	s9 =	sshrl.u32 s11, $0x3;
	s10 =	simm.s32 $0x1  }
0xd: {  	v0 =	vimm.f32 $1.000000000e+00;
	s11 =	simm.s32 $0x80;
	s6 =	sadd.s32 $0x2200, s6;
	s7 =	sadd.s32 $0xC800, s7  }
.LBB2_1:
0xe: {  	[tilespmem:$0x2800] =	vst v0  }
0xf: {  	[tilespmem:$0x2810] =	vst v0  }
0x10: {  	[tilespmem:$0x2820] =	vst v0  }
0x11: {  	[tilespmem:$0x2830] =	vst v0  }
0x12: {  	[tilespmem:$0x2840] =	vst v0  }
0x13: {  	[tilespmem:$0x2850] =	vst v0  }
0x14: {  	[tilespmem:$0x2860] =	vst v0  }
0x15: {  	[tilespmem:$0x2870] =	vst v0  }
0x16: {  	[spmem:s9], [sflag:s5] =	dma.local [hbm:s4], $0x50  }
0x17: {  	_ =	swait.ge [sflag:s10], $0x50  }
0x18: {  	[sflag:s10] =	ssyncset.done $0x0  }
0x19: {  	[sflag:s10] =	ssyncadd.s32 $0xFFFFFFB0  }
0x1a: {  	[tilespmem:s3], [sflag:$0x1] =	stream.linear.gather [hbm4b:s6+s3], $0x2800, $0x38;
	[tilespmem:$0x2B00] =	vst v63  }
0x1b: {  	_ =	swait.ge [sflag:s10], $0x2800  }
0x1c: {  	[sflag:s10] =	ssyncset.done $0x0  }
0x1d: {  	[sflag:s10] =	ssyncadd.s32 $0xFFFFD800  }
0x1e: {  	s16 =	simm.s32 $0x0;
	[bflag:$0x0] =	sbarrier.arrive $0xFFFF  }
0x1f: {  	[spmem:s2] =	stream.indirect.scatter.add.f32 [tilespmem:s12], [sflag:$0x1], $0x1, s16, s11, $0xb8;
	[tilespmem:$0x2B00] =	vst v63  }
0x20: {  	_ =	swait.ge [sflag:s10], $0x80  }
0x21: {  	s16 =	simm.s32 $0x200;
	[sflag:s10] =	ssyncset.done $0x0  }
.LBB2_2:
0x22: {  	s17 =	sshra.s32 s16, $0x2;
	[sflag:s10] =	ssyncadd.s32 $0xFFFFFF80;
	p0 =	sne.s32 s16, $0x9E00  }
0x23: {  	[spmem:s2] =	stream.indirect.scatter.add.f32 [tilespmem:s12], [sflag:$0x1], $0x1, s17, s11, $0xb8;
	[tilespmem:$0x2B00] =	vst v63  }
.Ltmp0:
0x24: {  	_ = 	snop;
	(pc) =	sbr.rel @p0 .LBB2_2-.Ltmp0, $4  }
0x25: {  	_ = 	snop  }
0x26: {  	s16 =	sadd.s32 $0x200, s16  }
0x27: {  	_ =	swait.ge [sflag:s10], $0x80  }
0x28: {  	[sflag:s10] =	ssyncset.done $0x0  }
0x29: {  	s15 =	sadd.s32 $0x1, s15  }
0x2a: {  	[sflag:s10] =	ssyncadd.s32 $0xFFFFFF80;
	p0 =	sne.s32 s15, s8  }
.Ltmp1:
0x2b: {  	[bflag:$0x0] =	sbarrier.arrive $0xFFFF;
	(pc) =	sbr.rel @p0 .LBB2_1-.Ltmp1, $4  }
0x2c: {  	[hbm:s7@s13], [sflag:s5] =	dma.strided [spmem:s9@s14], $0x50, s10, $0x10   }
0x2d: {  	_ =	swait.ge [sflag:s10], $0x50  }
0x2e: {  	[sflag:s10] =	ssyncset.done $0x0  }
0x2f: {  	[sflag:s10] =	ssyncadd.s32 $0xFFFFFFB0  }
0x30: {  	_ =	sfence.sel $0x180000  }
0x31: {  	[bflag:$0x0] =	sbarrier.arrive $0xFFFF  }
0x32: {  	p0 =	sne.s32 s0, $0x0;
	_ =	strace $0x90000047  }
0x33: {  	s0 =	sadd.s32 @!p0 $0x100000, s1;
	[bflag:$0x2] =	sbarrier.arrive $0xFFFF  }
0x34: {  	[sflag:s0] =	ssyncadd.tile.s32 @!p0 $0x1;
	_ =	shalt  }
.Lfunc_end2:
_tile_overlayer_lowered:
.L_overlay_start_2:
0x35: {  	(tag) =	ssettag $0x2  }
0x36: {  	s0 =	rddreg [dreg:$0x0];
	s2 =	stileid.u32  }
0x37: {  	s1 =	rddreg [dreg:$0x1];
	p0 =	sne.s32 s2, $0x0  }
0x38: {  	s3 =	rddreg [dreg:$0x2];
	[bflag:$0x3] =	sbarrier.arrive $0xFFFF;
	s2 =	simm.s32 @!p0 $0x1C01  }
0x39: {  	[timem:s3], [sflag:s2] =	dma.local @!p0 [hbm:s0], s1  }
0x3a: {  	s0 =	simm.s32 @!p0 $0x1  }
0x3b: {  	_ =	swait.ge @!p0 [sflag:s0], s1  }
0x3c: {  	s1 =	ssub.s32 @!p0 $0x0, s1;
	[sflag:s0] =	ssyncset.done @!p0 $0x0  }
0x3d: {  	[sflag:s0] =	ssyncadd.s32 @!p0 s1  }
0x3e: {  	[bflag:$0x3] =	sbarrier.arrive $0xFFFF  }
0x3f: {  	_ =	shalt  }

// kernel: kernel.9.cloned.1.call-start
scs
__scs_entry_jumppad:
0x0: {  	(pc) =	sbr.rel $0x88, $3  }
0x1: {  	(tag) =	ssettag $0x0;
	lr =	simm.s32 $0x1  }
0x2: {  	[smem:$0x3F9B] =	sst lr;
	_ =	strace $0xD0000000  }
0x3: {  	_ = 	snop  }
0x4: {  	_ = 	snop  }
0x5: {  	_ = 	snop  }
0x6: {  	_ = 	snop  }
0x7: {  	_ = 	snop  }
__scs_overlays_trampoline_lowered:
0x8: {  	[smem:$0x3FAA] =	sst s0  }
0x9: {  	[smem:$0x3FAB] =	sst s1  }
0xa: {  	[smem:$0x3FAC] =	sst s2  }
0xb: {  	[smem:$0x3FAD] =	sst s3  }
0xc: {  	[smem:$0x3FAE] =	sst s4  }
0xd: {  	[smem:$0x3FAF] =	sst s5  }
0xe: {  	[smem:$0x3FB0] =	sst s6  }
0xf: {  	[smem:$0x3FB1] =	sst s7  }
0x10: {  	[smem:$0x3FB2] =	sst s8  }
0x11: {  	[smem:$0x3FB3] =	sst s9;
	s0 =	simm.s32 @!p0 $0x0  }
0x12: {  	s1 =	sld [smem:$0x3F99];
	s0 =	simm.s32 @p0 $0x1  }
0x13: {  	[smem:$0x3FB4] =	sst s0;
	s0 =	simm.s32 @!p1 $0x0  }
0x14: {  	s2 =	sld [smem:$0x3F98];
	s0 =	simm.s32 @p1 $0x1  }
0x15: {  	[smem:$0x3FB5] =	sst s0;
	s0 =	simm.s32 @!p2 $0x0  }
0x16: {  	s3 =	sld [smem:$0x3FDB];
	s0 =	simm.s32 @p2 $0x1  }
0x17: {  	s4 =	simm.s32 $0x1BF5;
	[smem:$0x3FB7] =	sst s0  }
0x18: {  	s0 =	sld [smem:$0x3F9A];
	_ =	swait.ge [sflag:s4], $0x0  }
0x19: {  	s7 =	sld [smem:$0x3F9B]  }
0x1a: {  	s8 =	sadd.s32 $0xFFFFE003, lr  }
0x1b: {  	s9 =	sadd.s32 $0xFFFFFEF7, lr;
	s5 =	simm.s32 $0xFFFFFFFF;
	p2 =	slt.u32 s8, $0xFFFFF086  }
0x1c: {  	p1 =	slt.u32 s9, $0xF7A;
	s5 =	simm.s32 @!p2 $0x0  }
0x1d: {  	s5 =	simm.s32 @p1 $0x1;
	p0 =	seq.s32 s7, s2  }
0x1e: {  	s7 =	smul.u32 @!p0 $0xF7A, s2;
	p2 =	seq.s32 @!p0 s5, $0x0  }
0x1f: {  	s9 =	smul.u32 $0xF7A, s1;
	s8 =	simm.s32 @!p0 $0x1BF5;
	p2 =	por !p2, p0  }
0x20: {  	[sflag:s8] =	ssyncset.s32 @!p0 $0xFFFFF086;
	s6 =	sadd.s32 @!p0 s3, s7;
	s7 =	simm.s32 @!p0 $0x108  }
0x21: {  	s3 =	sadd.s32 s3, s9;
	s6 =	sadd.s32 @!p0 $0x88, s6;
	s7 =	simm.s32 @p2 $0x1082  }
0x22: {  	[simem:s7], [sflag:s8] =	dma.local @!p0 [hbm:s6], $0xF7A  }
0x23: {  	s9 =	sor.u32 $0xD0000000, s2;
	s6 =	simm.s32 $0x108;
	_ =	swait.ge @!p0 [sflag:s8], $0x0  }
0x24: {  	s3 =	sadd.s32 $0x88, s3;
	s6 =	simm.s32 @!p1 $0x1082;
	[sflag:s4] =	ssyncset.s32 $0xFFFFF086  }
0x25: {  	[simem:s6], [sflag:s4] =	dma.local [hbm:s3], $0xF7A  }
0x26: {  	[smem:$0x3F9B] =	sst s1;
	(tag) =	ssettag s2;
	_ =	strace s9  }
0x27: {  	s1 =	sld [smem:$0x3FAB]  }
0x28: {  	s2 =	sld [smem:$0x3FAC]  }
0x29: {  	s4 =	sld [smem:$0x3FAE]  }
0x2a: {  	p0 =	seq.s32 s5, $0x0;
	s5 =	sld [smem:$0x3FAF]  }
0x2b: {  	s6 =	sld [smem:$0x3FB0]  }
0x2c: {  	s7 =	sld [smem:$0x3FB1]  }
0x2d: {  	s3 =	simm.s32 $0x108;
	s8 =	sld [smem:$0x3FB2]  }
0x2e: {  	s3 =	simm.s32 @!p0 $0x1082;
	s9 =	sld [smem:$0x3FB3]  }
0x2f: {  	lr =	sadd.s32 s0, s3;
	s0 =	sld [smem:$0x3FAA]  }
0x30: {  	s3 =	sld [smem:$0x3FAD]  }
0x31: {  	[smem:$0x3FB6] =	sst s10  }
0x32: {  	s10 =	sld [smem:$0x3FB4];
	_ =	sdelay $0x3  }
0x33: {  	p0 =	seq.s32 s10, $0x1;
	s10 =	sld [smem:$0x3FB6];
	_ =	sdelay $0x3  }
0x34: {  	[smem:$0x3FB6] =	sst s10  }
0x35: {  	s10 =	sld [smem:$0x3FB5];
	_ =	sdelay $0x3  }
0x36: {  	p1 =	seq.s32 s10, $0x1;
	s10 =	sld [smem:$0x3FB6];
	_ =	sdelay $0x3  }
0x37: {  	[smem:$0x3FB6] =	sst s10  }
0x38: {  	s10 =	sld [smem:$0x3FB7]  }
0x39: {  	_ = 	snop;
	(pc) =	sbr.ind lr, $3  }
0x3a: {  	_ = 	snop  }
0x3b: {  	_ = 	snop  }
0x3c: {  	p2 =	seq.s32 s10, $0x1;
	s10 =	sld [smem:$0x3FB6]  }
0x3d: {  	_ =	shalt  }
0x3e: {  	_ =	shalt  }
0x3f: {  	_ =	shalt  }
0x40: {  	_ =	shalt  }
0x41: {  	_ =	shalt  }
0x42: {  	_ =	shalt  }
0x43: {  	_ =	shalt  }
0x44: {  	_ =	shalt  }
0x45: {  	_ =	shalt  }
0x46: {  	_ =	shalt  }
0x47: {  	_ =	shalt  }
0x48: {  	_ =	shalt  }
0x49: {  	_ =	shalt  }
0x4a: {  	_ =	shalt  }
0x4b: {  	_ =	shalt  }
0x4c: {  	_ =	shalt  }
0x4d: {  	_ =	shalt  }
0x4e: {  	_ =	shalt  }
0x4f: {  	_ =	shalt  }
0x50: {  	_ =	shalt  }
0x51: {  	_ =	shalt  }
0x52: {  	_ =	shalt  }
0x53: {  	_ =	shalt  }
0x54: {  	_ =	shalt  }
0x55: {  	_ =	shalt  }
0x56: {  	_ =	shalt  }
0x57: {  	_ =	shalt  }
0x58: {  	_ =	shalt  }
0x59: {  	_ =	shalt  }
0x5a: {  	_ =	shalt  }
0x5b: {  	_ =	shalt  }
0x5c: {  	_ =	shalt  }
0x5d: {  	_ =	shalt  }
0x5e: {  	_ =	shalt  }
0x5f: {  	_ =	shalt  }
0x60: {  	_ =	shalt  }
0x61: {  	_ =	shalt  }
0x62: {  	_ =	shalt  }
0x63: {  	_ =	shalt  }
0x64: {  	_ =	shalt  }
0x65: {  	_ =	shalt  }
0x66: {  	_ =	shalt  }
0x67: {  	_ =	shalt  }
0x68: {  	_ =	shalt  }
0x69: {  	_ =	shalt  }
0x6a: {  	_ =	shalt  }
0x6b: {  	_ =	shalt  }
0x6c: {  	_ =	shalt  }
0x6d: {  	_ =	shalt  }
0x6e: {  	_ =	shalt  }
0x6f: {  	_ =	shalt  }
0x70: {  	_ =	shalt  }
0x71: {  	_ =	shalt  }
0x72: {  	_ =	shalt  }
0x73: {  	_ =	shalt  }
0x74: {  	_ =	shalt  }
0x75: {  	_ =	shalt  }
0x76: {  	_ =	shalt  }
0x77: {  	_ =	shalt  }
0x78: {  	_ =	shalt  }
0x79: {  	_ =	shalt  }
0x7a: {  	_ =	shalt  }
0x7b: {  	_ =	shalt  }
0x7c: {  	_ =	shalt  }
0x7d: {  	_ =	shalt  }
0x7e: {  	_ =	shalt  }
0x7f: {  	_ =	shalt  }
0x80: {  	_ =	shalt  }
0x81: {  	_ =	shalt  }
0x82: {  	_ =	shalt  }
0x83: {  	_ =	shalt  }
0x84: {  	_ =	shalt  }
0x85: {  	_ =	shalt  }
0x86: {  	_ =	shalt  }
0x87: {  	_ =	shalt  }
.Lfunc_end0:
.L_simem_size_0:
called_computation.1_lowered:
.L_overlay_start_0:
0x88: {  	s2 =	sld [smem:$0x3FD9]  }
0x89: {  	s3 =	sld [smem:$0x3FFE];
	_ =	sdelay $0x1  }
0x8a: {  	s1 =	srdreg.scid  }
0x8b: {  	s0 =	sand.u32 $0x1, s1  }
0x8c: {  	s16 =	sshll.u32 s0, $0xA;
	s2 =	sadd.s32 s3, s2  }
0x8d: {  	s2 =	sadd.s32 s2, s16  }
0x8e: {  	[smem:$0x3FC2] =	sst s2  }
0x8f: {  	_ = 	snop  }
0x90: {  	(tm) =	ssettm $0x1  }
0x91: {  	s17 =	sld [smem:$0x3FFB];
	_ =	sdelay $0x3  }
0x92: {  	_ =	strace s17  }
0x93: {  	s2 =	sld [smem:$0x3FFC];
	_ =	sdelay $0x3  }
0x94: {  	_ =	strace s2  }
0x95: {  	s2 =	sld [smem:$0x3FFD];
	_ =	sdelay $0x3  }
0x96: {  	_ =	strace s2  }
0x97: {  	_ =	strace $0x8FFFFFFF  }
0x98: {  	s18 =	sld [smem:$0x3FDB];
	_ =	sdelay $0x1  }
0x99: {  	s19 =	simm.s32 $_scs_section_size  }
0x9a: {  	s4 =	simm.s32 $_size__tile_overlayer_lowered;
	s5 =	simm.s32 $_tile_overlayer_lowered  }
0x9b: {  	s22 =	simm.s32 $0x1BFF;
	s21 =	sshll.u32 s5, $0x1;
	s2 =	sadd.s32 s19, s18  }
0x9c: {  	s6 =	simm.s32 $0x0;
	s20 =	sshll.u32 s4, $0x1;
	s4 =	sadd.s32 s21, s2  }
0x9d: {  	[timem:s6], [sflag:s22] =	dma.local [hbm:s4], s20  }
0x9e: {  	_ =	swait.ge [sflag:s22], s20  }
0x9f: {  	s3 =	ssub.s32 $0x0, s20;
	[sflag:s22] =	ssyncset.done $0x0  }
0xa0: {  	[sflag:s22] =	ssyncadd.s32 s3;
	_ =	sdelay $0x1  }
0xa1: {  	s23 =	simm.s32 $0x1B8B  }
0xa2: {  	_ =	swait.ge [sflag:s23], $0x1  }
0xa3: {  	[sflag:s23] =	ssyncset.done $0x0  }
0xa4: {  	s25 =	simm.s32 $0x1B8E;
	s24 =	sld [smem:$0x3FFE];
	[sflag:s23] =	ssyncadd.s32 $0xFFFFFFFF  }
0xa5: {  	s26 =	simm.s32 $execute0_lowered;
	[smem:$0x3FD2] =	sst s25  }
0xa6: {  	s4 =	sshll.u32 s26, $0x1;
	_ =	strace $0x80000049;
	[dreg:$0x1] =	wrdreg $0xFFFFFFFF  }
0xa7: {  	s28 =	simm.s32 $_size_execute0_lowered;
	s2 =	sadd.s32 s2, s4;
	[dreg:$0x0] =	wrdreg $0x0  }
0xa8: {  	s4 =	sshll.u32 s28, $0x1;
	[dreg:$0x2] =	wrdreg s2  }
0xa9: {  	[dreg:$0x3] =	wrdreg s4  }
0xaa: {  	[dreg:$0x4] =	wrdreg $0xC0  }
0xab: {  	_ =	task [dreg:s6], $0x5FFFF  }
0xac: {  	[dreg:$0x1] =	wrdreg $0xFFFFFFFF  }
0xad: {  	[dreg:$0x0] =	wrdreg $0x60  }
0xae: {  	[dreg:$0x2] =	wrdreg s24  }
0xaf: {  	[dreg:$0x3] =	wrdreg $0xBC000  }
0xb0: {  	[dreg:$0x4] =	wrdreg $0x1F8000  }
0xb1: {  	[dreg:$0x5] =	wrdreg $0x9  }
0xb2: {  	_ =	task.clear_ibuf [dreg:s6], $0x6FFFF;
	_ =	strace $0x90000049  }
0xb3: {  	s29 =	simm.s32 $0x9;
	_ =	strace $0x8000004B  }
0xb4: {  	_ =	swait.ge [sflag:s29], $0x1  }
0xb5: {  	[sflag:s29] =	ssyncadd.s32 $0xFFFFFFFF  }
0xb6: {  	_ =	strace $0x9000004B  }
0xb7: {  	_ =	sfence  }
0xb8: {  	s30 =	sld [smem:$0x0];
	_ =	sdelay $0x2  }
0xb9: {  	s31 =	sshll.u32 s1, $0xD;
	s1 =	sshrl.u32 s1, $0x2  }
0xba: {  	s3 =	sand.u32 $0x4000, s31;
	s1 =	sadd.s32 s1, s30  }
0xbb: {  	s0 =	sor.u32 s3, s0;
	s1 =	sshll.u32 s1, $0x11  }
0xbc: {  	s0 =	sor.u32 s1, s0  }
0xbd: {  	s0 =	sadd.s32 $0x8F2B, s0  }
0xbe: {  	[sflag:s0] =	ssyncadd.remote.s32 $0x1  }
0xbf: {  	_ =	sfence.sel $0xFFFF  }
0xc0: {  	[dreg:$0x0] =	wrdreg $0xFFFFFFFF;
	(pc) =	sbr.abs _section_cstart, $3  }
0xc1: {  	[dreg:$0x1] =	wrdreg $0xFFFFFFFF  }
0xc2: {  	_ =	task.clear_ibuf [dreg:s6], $0x2FFFF;
	_ =	strace $0x9FFFFFFF  }
0xc3: {  	(tm) =	ssettm $0x7FFFFFFF  }
tec
execute0_lowered:
.L_overlay_start_1:
0x0: {  	(tag) =	ssettag $0x1  }
0x1: {  	s0 =	rddreg [dreg:$0x0]  }
0x2: {  	s1 =	rddreg [dreg:$0x1]  }
0x3: {  	s3 =	rddreg [dreg:$0x2]  }
0x4: {  	s2 =	simm.s32 $0x0;
	s16 =	stileid.u32;
	s4 =	srdreg.scid  }
0x5: {  	s28 =	simm.s32 $0x2800;
	[smem:$0x7FF] =	sst s2;
	s26 =	smul.u32 $0x13C00, s16  }
0x6: {  	s7 =	sadd.s32 $0x21200, s0;
	s8 =	smul.u32 $0x280, s16;
	s4 =	sand.u32 $0x1, s4  }
0x7: {  	s10 =	sadd.s32 $0xD200, s0;
	s5 =	sadd.s32 $0x35200, s0;
	s12 =	smul.u32 $0x500, s16  }
0x8: {  	s6 =	sadd.s32 $0xC800, s0;
	s14 =	sshll.u32 s16, $0x1;
	s15 =	smul.u32 $0x4F000, s16  }
0x9: {  	s20 =	sshll.u32 s16, $0x6;
	s16 =	simm.s32 $0x7;
	_ =	strace $0x8000004A  }
0xa: {  	s9 =	smul.u32 $0x13C000, s4;
	s29 =	sshll.u32 s4, $0x7;
	s31 =	ssub.s32 $0x2, s4  }
0xb: {  	s4 =	sor.u32 s4, s14;
	s14 =	simm.s32 $0x5;
	s11 =	sshrl.u32 s26, $0x3  }
0xc: {  	s13 =	sshrl.u32 s8, $0x3;
	s17 =	sshrl.u32 s31, $0x1;
	s18 =	sshrl.u32 s15, $0x2  }
0xd: {  	s4 =	smul.u32 $0x5000, s4;
	s8 =	sadd.s32 s8, s3;
	s15 =	simm.s32 $0x6  }
0xe: {  	s11 =	sadd.s32 s11, s0;
	s2 =	sadd.s32 s26, s9;
	s9 =	sor.u32 s29, s12  }
0xf: {  	s30 =	sadd.s32 s13, s0;
	s13 =	ssub.s32 s31, s17;
	[dreg:$0x7] =	wrdreg s8  }
0x10: {  	s2 =	sshrl.u32 s2, $0x3;
	s9 =	sshrl.u32 s9, $0x3;
	s19 =	sadd.s32 $0x5D200, s11  }
0x11: {  	s4 =	sshrl.u32 s4, $0x3;
	s21 =	sadd.s32 $0xC200, s30;
	[dreg:$0x5] =	wrdreg s19  }
0x12: {  	s31 =	smax.u32 s13, $0x1;
	s2 =	sadd.s32 s2, s0;
	[dreg:$0x8] =	wrdreg s21  }
0x13: {  	s0 =	sadd.s32 s9, s0;
	s9 =	sadd.s32 s18, s1;
	[dreg:$0x13] =	wrdreg s31  }
0x14: {  	s12 =	simm.s32 $0x8800;
	s22 =	sadd.s32 s7, s4;
	[dreg:$0x4] =	wrdreg s9  }
0x15: {  	s23 =	sadd.s32 $0x280, s4;
	s24 =	sadd.s32 s10, s4;
	[dreg:$0x9] =	wrdreg s22  }
0x16: {  	s17 =	simm.s32 $0x8;
	[dreg:$0xa] =	wrdreg s24;
	s25 =	sadd.s32 s7, s23  }
0x17: {  	s26 =	sadd.s32 $0x500, s4;
	s8 =	sadd.s32 s10, s23;
	[dreg:$0xb] =	wrdreg s25  }
0x18: {  	s11 =	simm.s32 $0x2;
	s29 =	sadd.s32 s7, s26;
	[dreg:$0xc] =	wrdreg s8  }
0x19: {  	s4 =	sadd.s32 $0x780, s4;
	s30 =	sadd.s32 s10, s26;
	[dreg:$0xd] =	wrdreg s29  }
0x1a: {  	s13 =	simm.s32 $0x4;
	s7 =	sadd.s32 s7, s4;
	[dreg:$0xe] =	wrdreg s30  }
0x1b: {  	s18 =	simm.s32 $0xB;
	s4 =	sadd.s32 s10, s4;
	[dreg:$0xf] =	wrdreg s7  }
0x1c: {  	s19 =	simm.s32 $0x0;
	s2 =	sadd.s32 $0x84A00, s2;
	[dreg:$0x10] =	wrdreg s4  }
0x1d: {  	s9 =	sor.u32 $0x1C0C, s20;
	s0 =	sadd.s32 $0x2200, s0;
	[dreg:$0x11] =	wrdreg s2  }
0x1e: {  	s23 =	simm.s32 $0xC;
	s10 =	simm.s32 $0xA;
	[dreg:$0x12] =	wrdreg s0  }
0x1f: {  	s25 =	simm.s32 $0x40;
	s0 =	simm.s32 $0x4800;
	s2 =	simm.s32 $0x9  }
0x20: {  	s7 =	simm.s32 $0x1;
	s8 =	simm.s32 $0x6800;
	[dreg:$0x6] =	wrdreg s9  }
.LBB2_1:
0x21: {  	s4 =	rddreg [dreg:$0x4]  }
0x22: {  	s24 =	rddreg [dreg:$0x5];
	s20 =	sshrl.u32 s4, $0x3  }
0x23: {  	[dreg:$0x14] =	wrdreg s20  }
0x24: {  	[spmem:s20], [sflag:s9] =	dma.local [hbm:s24], $0x2780  }
0x25: {  	_ =	swait.ge [sflag:s23], $0x2780  }
0x26: {  	s26 =	rddreg [dreg:$0x7]  }
0x27: {  	[sflag:s23] =	ssyncset.done $0x0;
	s30 =	rddreg [dreg:$0x8];
	s29 =	sshrl.u32 s26, $0x3  }
0x28: {  	[sflag:s23] =	ssyncadd.s32 $0xFFFFD880;
	[dreg:$0x15] =	wrdreg s29  }
0x29: {  	[spmem:s29], [sflag:s9] =	dma.local [hbm:s30], $0x50  }
0x2a: {  	_ =	swait.ge [sflag:s23], $0x50  }
0x2b: {  	[sflag:s23] =	ssyncset.done $0x0  }
0x2c: {  	[sflag:s23] =	ssyncadd.s32 $0xFFFFFFB0  }
0x2d: {  	[bflag:$0x0] =	sbarrier.arrive $0xFFFF  }
0x2e: {  	s31 =	simm.s32 $0x0;
	s21 =	rddreg [dreg:$0x9]  }
0x2f: {  	[tilespmem:s31], [sflag:$0xC] =	stream.linear.gather [hbm4b:s21+s31], $0x1400, $0x38;
	[tilespmem:$0x1FA80] =	vst v63  }
0x30: {  	_ =	swait.ge [sflag:s23], $0x1400  }
0x31: {  	[sflag:s23] =	ssyncset.done $0x0  }
0x32: {  	s24 =	simm.s32 $0x1400;
	s22 =	rddreg [dreg:$0xa];
	[sflag:s23] =	ssyncadd.s32 $0xFFFFEC00  }
0x33: {  	[tilespmem:s24], [sflag:$0xC] =	stream.linear.gather [hbm4b:s22+s31], $0x1400, $0x38;
	[tilespmem:$0x1FA80] =	vst v63  }
0x34: {  	_ =	swait.ge [sflag:s23], $0x1400  }
0x35: {  	[sflag:s23] =	ssyncset.done $0x0  }
0x36: {  	s26 =	simm.s32 $0xA800;
	[sflag:s23] =	ssyncadd.s32 $0xFFFFEC00  }
0x37: {  	[tilespmem:s26], [sflag:$0x9] =	stream.indirect.gather [hbm4b:s6+s25], $0x1, s24, s25, $0xb8;
	[tilespmem:$0x1FA80] =	vst v63  }
0x38: {  	_ = 	snop  }
0x39: {  	[tilespmem:s28], [sflag:$0x1] =	stream.indirect.gather [hbm4b:s5+s25], $0x80, s31, s25, $0xb8;
	[tilespmem:$0x1FA80] =	vst v63  }
0x3a: {  	s29 =	simm.s32 $0x1480;
	s30 =	simm.s32 $0xA880  }
0x3b: {  	[tilespmem:s30], [sflag:$0xA] =	stream.indirect.gather [hbm4b:s6+s25], $0x1, s29, s25, $0xb8;
	[tilespmem:$0x1FA80] =	vst v63  }
0x3c: {  	s22 =	simm.s32 $0x0;
	s31 =	simm.s32 $0x80  }
0x3d: {  	[tilespmem:s0], [sflag:$0x2] =	stream.indirect.gather [hbm4b:s5+s25], $0x80, s31, s25, $0xb8;
	[tilespmem:$0x1FA80] =	vst v63  }
.LBB2_2:
0x3e: {  	_ =	swait.ge [sflag:s2], $0x40  }
0x3f: {  	s4 =	sshra.s32 s22, $0x2;
	[sflag:s2] =	ssyncset.done $0x0  }
0x40: {  	s26 =	sadd.s32 $0xA800, s4;
	[sflag:s2] =	ssyncadd.s32 $0xFFFFFFC0  }
0x41: {  	[spmem:s3] =	stream.indirect.scatter.add.f32 [tilespmem:s26], [sflag:$0xB], $0x1, s4, s25, $0xb8;
	[tilespmem:$0x1FA80] =	vst v63  }
0x42: {  	s29 =	sadd.s32 $0xA900, s4;
	s30 =	sadd.s32 $0x1500, s4  }
0x43: {  	[tilespmem:s29], [sflag:$0x9] =	stream.indirect.gather [hbm4b:s6+s25], $0x1, s30, s25, $0xb8;
	[tilespmem:$0x1FA80] =	vst v63  }
0x44: {  	_ =	swait.ge [sflag:s7], $0x2000  }
0x45: {  	p0 =	seq.s32 s22, $0x0;
	[sflag:s7] =	ssyncset.done $0x0  }
0x46: {  	s21 =	sadd.s32 $0x1400, s4;
	s26 =	simm.s32 @!p0 $0x7;
	[sflag:s7] =	ssyncadd.s32 $0xFFFFE000  }
0x47: {  	[spmem:s1] =	stream.indirect.scatter.add.f32 [tilespmem:s28], [sflag:$0x5], $0x80, s21, s25, $0xb8;
	[tilespmem:$0x1FA80] =	vst v63  }
0x48: {  	_ =	swait.ge @!p0 [sflag:s26], $0x2000  }
0x49: {  	[sflag:s26] =	ssyncset.done @!p0 $0x0  }
0x4a: {  	s31 =	sadd.s32 $0x100, s4;
	[sflag:s26] =	ssyncadd.s32 @!p0 $0xFFFFE000  }
0x4b: {  	[tilespmem:s8], [sflag:$0x3] =	stream.indirect.gather [hbm4b:s5+s25], $0x80, s31, s25, $0xb8;
	[tilespmem:$0x1FA80] =	vst v63  }
0x4c: {  	_ =	swait.ge [sflag:s10], $0x40  }
0x4d: {  	[sflag:s10] =	ssyncset.done $0x0  }
0x4e: {  	s24 =	sadd.s32 $0xA880, s4;
	s20 =	sadd.s32 $0x80, s4;
	[sflag:s10] =	ssyncadd.s32 $0xFFFFFFC0  }
0x4f: {  	[spmem:s3] =	stream.indirect.scatter.add.f32 [tilespmem:s24], [sflag:$0xB], $0x1, s20, s25, $0xb8;
	[tilespmem:$0x1FA80] =	vst v63  }
0x50: {  	s26 =	sadd.s32 $0x1580, s4;
	s20 =	sadd.s32 $0xA980, s4  }
0x51: {  	[tilespmem:s20], [sflag:$0xA] =	stream.indirect.gather [hbm4b:s6+s25], $0x1, s26, s25, $0xb8;
	[tilespmem:$0x1FA80] =	vst v63  }
0x52: {  	_ =	swait.ge [sflag:s11], $0x2000  }
0x53: {  	[sflag:s11] =	ssyncset.done $0x0  }
0x54: {  	s21 =	sadd.s32 $0x1480, s4;
	[sflag:s11] =	ssyncadd.s32 $0xFFFFE000  }
0x55: {  	[spmem:s1] =	stream.indirect.scatter.add.f32 [tilespmem:s0], [sflag:$0x6], $0x80, s21, s25, $0xb8;
	[tilespmem:$0x1FA80] =	vst v63  }
0x56: {  	s21 =	simm.s32 @!p0 $0x8  }
0x57: {  	_ =	swait.ge @!p0 [sflag:s21], $0x2000  }
0x58: {  	[sflag:s21] =	ssyncset.done @!p0 $0x0  }
0x59: {  	[sflag:s21] =	ssyncadd.s32 @!p0 $0xFFFFE000;
	s21 =	sadd.s32 $0x180, s4  }
0x5a: {  	[tilespmem:s12], [sflag:$0x4] =	stream.indirect.gather [hbm4b:s5+s25], $0x80, s21, s25, $0xb8;
	[tilespmem:$0x1FA80] =	vst v63  }
0x5b: {  	_ =	swait.ge [sflag:s2], $0x40  }
0x5c: {  	[sflag:s2] =	ssyncset.done $0x0  }
0x5d: {  	p0 =	seq.s32 s22, $0x4800;
	[sflag:s2] =	ssyncadd.s32 $0xFFFFFFC0  }
0x5e: {  	[spmem:s3] =	stream.indirect.scatter.add.f32 [tilespmem:s29], [sflag:$0xB], $0x1, s31, s25, $0xb8;
	[tilespmem:$0x1FA80] =	vst v63  }
0x5f: {  	s29 =	simm.s32 @p0 $0x3  }
0x60: {  	_ =	swait.ge @p0 [sflag:s29], $0x2000  }
0x61: {  	[sflag:s29] =	ssyncset.done @p0 $0x0  }
0x62: {  	s31 =	simm.s32 @p0 $0x6800;
	[sflag:s29] =	ssyncadd.s32 @p0 $0xFFFFE000;
	s29 =	simm.s32 @p0 $0x40  }
0x63: {  	[spmem:s1] =	stream.indirect.scatter.add.f32 @p0 [tilespmem:s31], [sflag:$0x7], $0x80, s30, s29, $0xb8;
	[tilespmem:$0x1FA80] =	vst v63  }
0x64: {  	s29 =	sshra.s32 @!p0 s22, $0x2  }
0x65: {  	s24 =	simm.s32 @!p0 $0x40;
	s31 =	sadd.s32 @!p0 $0xAA00, s29;
	s9 =	sadd.s32 @!p0 $0x1600, s29  }
0x66: {  	[tilespmem:s31], [sflag:$0x9] =	stream.indirect.gather @!p0 [hbm4b:s6+s24], $0x1, s9, s24, $0xb8;
	[tilespmem:$0x1FA80] =	vst v63  }
0x67: {  	s9 =	simm.s32 @!p0 $0x3  }
0x68: {  	_ =	swait.ge @!p0 [sflag:s9], $0x2000  }
0x69: {  	[sflag:s9] =	ssyncset.done @!p0 $0x0  }
0x6a: {  	[sflag:s9] =	ssyncadd.s32 @!p0 $0xFFFFE000;
	s9 =	simm.s32 @!p0 $0x6800  }
0x6b: {  	[spmem:s1] =	stream.indirect.scatter.add.f32 @!p0 [tilespmem:s9], [sflag:$0x7], $0x80, s30, s24, $0xb8;
	[tilespmem:$0x1FA80] =	vst v63  }
0x6c: {  	s9 =	simm.s32 @!p0 $0x5  }
0x6d: {  	_ =	swait.ge @!p0 [sflag:s9], $0x2000  }
0x6e: {  	[sflag:s9] =	ssyncset.done @!p0 $0x0  }
0x6f: {  	[sflag:s9] =	ssyncadd.s32 @!p0 $0xFFFFE000;
	s9 =	sadd.s32 @!p0 $0x200, s29;
	s29 =	simm.s32 @!p0 $0x2800  }
0x70: {  	[tilespmem:s29], [sflag:$0x1] =	stream.indirect.gather @!p0 [hbm4b:s5+s24], $0x80, s9, s24, $0xb8;
	[tilespmem:$0x1FA80] =	vst v63  }
.Ltmp0:
0x71: {  	_ = 	snop;
	(pc) =	sbr.rel @p0 .LBB2_4-.Ltmp0, $4  }
0x72: {  	_ =	swait.ge [sflag:s10], $0x40  }
0x73: {  	[sflag:s10] =	ssyncset.done $0x0  }
0x74: {  	[sflag:s10] =	ssyncadd.s32 $0xFFFFFFC0  }
0x75: {  	[spmem:s3] =	stream.indirect.scatter.add.f32 [tilespmem:s20], [sflag:$0xB], $0x1, s21, s25, $0xb8;
	[tilespmem:$0x1FA80] =	vst v63  }
0x76: {  	s9 =	sadd.s32 $0xAA80, s4;
	s20 =	sadd.s32 $0x1680, s4  }
0x77: {  	[tilespmem:s9], [sflag:$0xA] =	stream.indirect.gather [hbm4b:s6+s25], $0x1, s20, s25, $0xb8;
	[tilespmem:$0x1FA80] =	vst v63  }
0x78: {  	_ =	swait.ge [sflag:s13], $0x2000  }
0x79: {  	[sflag:s13] =	ssyncset.done $0x0  }
0x7a: {  	[sflag:s13] =	ssyncadd.s32 $0xFFFFE000  }
0x7b: {  	[spmem:s1] =	stream.indirect.scatter.add.f32 [tilespmem:s12], [sflag:$0x8], $0x80, s26, s25, $0xb8;
	[tilespmem:$0x1FA80] =	vst v63  }
.Ltmp1:
0x7c: {  	_ = 	snop;
	(pc) =	sbr.rel .LBB2_2-.Ltmp1, $4  }
0x7d: {  	_ =	swait.ge [sflag:s15], $0x2000  }
0x7e: {  	[sflag:s15] =	ssyncset.done $0x0  }
0x7f: {  	s31 =	sadd.s32 $0x280, s4;
	s22 =	sadd.s32 $0x800, s22;
	[sflag:s15] =	ssyncadd.s32 $0xFFFFE000  }
0x80: {  	[tilespmem:s0], [sflag:$0x2] =	stream.indirect.gather [hbm4b:s5+s25], $0x80, s31, s25, $0xb8;
	[tilespmem:$0x1FA80] =	vst v63  }
.LBB2_4:
0x81: {  	_ =	swait.ge [sflag:s13], $0x2000  }
0x82: {  	[sflag:s13] =	ssyncset.done $0x0  }
0x83: {  	[sflag:s13] =	ssyncadd.s32 $0xFFFFE000  }
0x84: {  	[spmem:s1] =	stream.indirect.scatter.add.f32 [tilespmem:s12], [sflag:$0x8], $0x80, s26, s25, $0xb8;
	[tilespmem:$0x1FA80] =	vst v63  }
0x85: {  	_ =	swait.ge [sflag:s14], $0x2000  }
0x86: {  	[sflag:s14] =	ssyncset.done $0x0  }
0x87: {  	[sflag:s14] =	ssyncadd.s32 $0xFFFFE000  }
0x88: {  	_ =	swait.ge [sflag:s15], $0x2000  }
0x89: {  	[sflag:s15] =	ssyncset.done $0x0  }
0x8a: {  	[sflag:s15] =	ssyncadd.s32 $0xFFFFE000  }
0x8b: {  	_ =	swait.ge [sflag:s16], $0x2000  }
0x8c: {  	[sflag:s16] =	ssyncset.done $0x0  }
0x8d: {  	[sflag:s16] =	ssyncadd.s32 $0xFFFFE000  }
0x8e: {  	_ =	swait.ge [sflag:s17], $0x2000  }
0x8f: {  	[sflag:s17] =	ssyncset.done $0x0  }
0x90: {  	[sflag:s17] =	ssyncadd.s32 $0xFFFFE000  }
0x91: {  	_ =	swait.ge [sflag:s18], $0x40  }
0x92: {  	s4 =	simm.s32 $0x27;
	[sflag:s18] =	ssyncset.done $0x0  }
.LBB2_5:
0x93: {  	p0 =	sne.s32 s4, $0x1;
	s4 =	sadd.s32 $0xFFFFFFFF, s4;
	[sflag:s18] =	ssyncadd.s32 $0xFFFFFFC0  }
.Ltmp2:
0x94: {  	(pc) =	sbr.rel @p0 .LBB2_5-.Ltmp2, $3  }
0x95: {  	_ =	sdelay $0x1  }
0x96: {  	_ =	swait.ge [sflag:s18], $0x40  }
0x97: {  	[sflag:s18] =	ssyncset.done $0x0  }
0x98: {  	[sflag:s18] =	ssyncadd.s32 $0xFFFFFFC0;
	s22 =	simm.s32 $0x0;
	s4 =	rddreg [dreg:$0xb]  }
0x99: {  	[tilespmem:s22], [sflag:$0xC] =	stream.linear.gather [hbm4b:s4+s22], $0x1400, $0x38;
	[tilespmem:$0x1FA80] =	vst v63  }
0x9a: {  	_ =	swait.ge [sflag:s23], $0x1400  }
0x9b: {  	[sflag:s23] =	ssyncset.done $0x0  }
0x9c: {  	s9 =	simm.s32 $0x1400;
	s24 =	rddreg [dreg:$0xc];
	[sflag:s23] =	ssyncadd.s32 $0xFFFFEC00  }
0x9d: {  	[tilespmem:s9], [sflag:$0xC] =	stream.linear.gather [hbm4b:s24+s22], $0x1400, $0x38;
	[tilespmem:$0x1FA80] =	vst v63  }
0x9e: {  	_ =	swait.ge [sflag:s23], $0x1400  }
0x9f: {  	[sflag:s23] =	ssyncset.done $0x0  }
0xa0: {  	s26 =	simm.s32 $0xA800;
	[sflag:s23] =	ssyncadd.s32 $0xFFFFEC00  }
0xa1: {  	[tilespmem:s26], [sflag:$0x9] =	stream.indirect.gather [hbm4b:s6+s25], $0x1, s9, s25, $0xb8;
	[tilespmem:$0x1FA80] =	vst v63  }
0xa2: {  	_ = 	snop  }
0xa3: {  	[tilespmem:s28], [sflag:$0x1] =	stream.indirect.gather [hbm4b:s5+s25], $0x80, s22, s25, $0xb8;
	[tilespmem:$0x1FA80] =	vst v63  }
0xa4: {  	s29 =	simm.s32 $0x1480;
	s30 =	simm.s32 $0xA880  }
0xa5: {  	[tilespmem:s30], [sflag:$0xA] =	stream.indirect.gather [hbm4b:s6+s25], $0x1, s29, s25, $0xb8;
	[tilespmem:$0x1FA80] =	vst v63  }
0xa6: {  	s31 =	simm.s32 $0x80  }
0xa7: {  	[tilespmem:s0], [sflag:$0x2] =	stream.indirect.gather [hbm4b:s5+s25], $0x80, s31, s25, $0xb8;
	[tilespmem:$0x1FA80] =	vst v63  }
.LBB2_7:
0xa8: {  	_ =	swait.ge [sflag:s2], $0x40  }
0xa9: {  	s4 =	sshra.s32 s22, $0x2;
	[sflag:s2] =	ssyncset.done $0x0  }
0xaa: {  	s9 =	sadd.s32 $0xA800, s4;
	[sflag:s2] =	ssyncadd.s32 $0xFFFFFFC0  }
0xab: {  	[spmem:s3] =	stream.indirect.scatter.add.f32 [tilespmem:s9], [sflag:$0xB], $0x1, s4, s25, $0xb8;
	[tilespmem:$0x1FA80] =	vst v63  }
0xac: {  	s30 =	sadd.s32 $0xA900, s4;
	s20 =	sadd.s32 $0x1500, s4  }
0xad: {  	[tilespmem:s30], [sflag:$0x9] =	stream.indirect.gather [hbm4b:s6+s25], $0x1, s20, s25, $0xb8;
	[tilespmem:$0x1FA80] =	vst v63  }
0xae: {  	_ =	swait.ge [sflag:s7], $0x2000  }
0xaf: {  	[sflag:s7] =	ssyncset.done $0x0  }
0xb0: {  	p0 =	seq.s32 s22, $0x0;
	s21 =	sadd.s32 $0x1400, s4;
	[sflag:s7] =	ssyncadd.s32 $0xFFFFE000  }
0xb1: {  	[spmem:s1] =	stream.indirect.scatter.add.f32 [tilespmem:s28], [sflag:$0x5], $0x80, s21, s25, $0xb8;
	[tilespmem:$0x1FA80] =	vst v63  }
0xb2: {  	s21 =	simm.s32 @!p0 $0x7  }
0xb3: {  	_ =	swait.ge @!p0 [sflag:s21], $0x2000  }
0xb4: {  	[sflag:s21] =	ssyncset.done @!p0 $0x0  }
0xb5: {  	s31 =	sadd.s32 $0x100, s4;
	[sflag:s21] =	ssyncadd.s32 @!p0 $0xFFFFE000  }
0xb6: {  	[tilespmem:s8], [sflag:$0x3] =	stream.indirect.gather [hbm4b:s5+s25], $0x80, s31, s25, $0xb8;
	[tilespmem:$0x1FA80] =	vst v63  }
0xb7: {  	_ =	swait.ge [sflag:s10], $0x40  }
0xb8: {  	[sflag:s10] =	ssyncset.done $0x0  }
0xb9: {  	s24 =	sadd.s32 $0xA880, s4;
	s26 =	sadd.s32 $0x80, s4;
	[sflag:s10] =	ssyncadd.s32 $0xFFFFFFC0  }
0xba: {  	[spmem:s3] =	stream.indirect.scatter.add.f32 [tilespmem:s24], [sflag:$0xB], $0x1, s26, s25, $0xb8;
	[tilespmem:$0x1FA80] =	vst v63  }
0xbb: {  	s24 =	sadd.s32 $0xA980, s4;
	s26 =	sadd.s32 $0x1580, s4  }
0xbc: {  	[tilespmem:s24], [sflag:$0xA] =	stream.indirect.gather [hbm4b:s6+s25], $0x1, s26, s25, $0xb8;
	[tilespmem:$0x1FA80] =	vst v63  }
0xbd: {  	_ =	swait.ge [sflag:s11], $0x2000  }
0xbe: {  	[sflag:s11] =	ssyncset.done $0x0  }
0xbf: {  	s29 =	sadd.s32 $0x1480, s4;
	[sflag:s11] =	ssyncadd.s32 $0xFFFFE000  }
0xc0: {  	[spmem:s1] =	stream.indirect.scatter.add.f32 [tilespmem:s0], [sflag:$0x6], $0x80, s29, s25, $0xb8;
	[tilespmem:$0x1FA80] =	vst v63  }
0xc1: {  	s29 =	simm.s32 @!p0 $0x8  }
0xc2: {  	_ =	swait.ge @!p0 [sflag:s29], $0x2000  }
0xc3: {  	[sflag:s29] =	ssyncset.done @!p0 $0x0  }
0xc4: {  	[sflag:s29] =	ssyncadd.s32 @!p0 $0xFFFFE000;
	s29 =	sadd.s32 $0x180, s4  }
0xc5: {  	[tilespmem:s12], [sflag:$0x4] =	stream.indirect.gather [hbm4b:s5+s25], $0x80, s29, s25, $0xb8;
	[tilespmem:$0x1FA80] =	vst v63  }
0xc6: {  	_ =	swait.ge [sflag:s2], $0x40  }
0xc7: {  	p0 =	seq.s32 s22, $0x4800;
	[sflag:s2] =	ssyncset.done $0x0  }
0xc8: {  	s9 =	simm.s32 @p0 $0x3;
	[sflag:s2] =	ssyncadd.s32 $0xFFFFFFC0  }
0xc9: {  	[spmem:s3] =	stream.indirect.scatter.add.f32 [tilespmem:s30], [sflag:$0xB], $0x1, s31, s25, $0xb8;
	[tilespmem:$0x1FA80] =	vst v63  }
0xca: {  	_ =	swait.ge @p0 [sflag:s9], $0x2000  }
0xcb: {  	[sflag:s9] =	ssyncset.done @p0 $0x0  }
0xcc: {  	s21 =	simm.s32 @p0 $0x6800;
	[sflag:s9] =	ssyncadd.s32 @p0 $0xFFFFE000;
	s9 =	simm.s32 @p0 $0x40  }
0xcd: {  	[spmem:s1] =	stream.indirect.scatter.add.f32 @p0 [tilespmem:s21], [sflag:$0x7], $0x80, s20, s9, $0xb8;
	[tilespmem:$0x1FA80] =	vst v63  }
0xce: {  	s9 =	sshra.s32 @!p0 s22, $0x2  }
0xcf: {  	s31 =	simm.s32 @!p0 $0x40;
	s21 =	sadd.s32 @!p0 $0xAA00, s9;
	s30 =	sadd.s32 @!p0 $0x1600, s9  }
0xd0: {  	[tilespmem:s21], [sflag:$0x9] =	stream.indirect.gather @!p0 [hbm4b:s6+s31], $0x1, s30, s31, $0xb8;
	[tilespmem:$0x1FA80] =	vst v63  }
0xd1: {  	s21 =	simm.s32 @!p0 $0x3  }
0xd2: {  	_ =	swait.ge @!p0 [sflag:s21], $0x2000  }
0xd3: {  	[sflag:s21] =	ssyncset.done @!p0 $0x0  }
0xd4: {  	[sflag:s21] =	ssyncadd.s32 @!p0 $0xFFFFE000;
	s21 =	simm.s32 @!p0 $0x6800  }
0xd5: {  	[spmem:s1] =	stream.indirect.scatter.add.f32 @!p0 [tilespmem:s21], [sflag:$0x7], $0x80, s20, s31, $0xb8;
	[tilespmem:$0x1FA80] =	vst v63  }
0xd6: {  	s20 =	simm.s32 @!p0 $0x5  }
0xd7: {  	_ =	swait.ge @!p0 [sflag:s20], $0x2000  }
0xd8: {  	[sflag:s20] =	ssyncset.done @!p0 $0x0  }
0xd9: {  	s9 =	sadd.s32 @!p0 $0x200, s9;
	[sflag:s20] =	ssyncadd.s32 @!p0 $0xFFFFE000;
	s20 =	simm.s32 @!p0 $0x2800  }
0xda: {  	[tilespmem:s20], [sflag:$0x1] =	stream.indirect.gather @!p0 [hbm4b:s5+s31], $0x80, s9, s31, $0xb8;
	[tilespmem:$0x1FA80] =	vst v63  }
.Ltmp3:
0xdb: {  	_ = 	snop;
	(pc) =	sbr.rel @p0 .LBB2_9-.Ltmp3, $4  }
0xdc: {  	_ =	swait.ge [sflag:s10], $0x40  }
0xdd: {  	[sflag:s10] =	ssyncset.done $0x0  }
0xde: {  	[sflag:s10] =	ssyncadd.s32 $0xFFFFFFC0  }
0xdf: {  	[spmem:s3] =	stream.indirect.scatter.add.f32 [tilespmem:s24], [sflag:$0xB], $0x1, s29, s25, $0xb8;
	[tilespmem:$0x1FA80] =	vst v63  }
0xe0: {  	s9 =	sadd.s32 $0xAA80, s4;
	s20 =	sadd.s32 $0x1680, s4  }
0xe1: {  	[tilespmem:s9], [sflag:$0xA] =	stream.indirect.gather [hbm4b:s6+s25], $0x1, s20, s25, $0xb8;
	[tilespmem:$0x1FA80] =	vst v63  }
0xe2: {  	_ =	swait.ge [sflag:s13], $0x2000  }
0xe3: {  	[sflag:s13] =	ssyncset.done $0x0  }
0xe4: {  	[sflag:s13] =	ssyncadd.s32 $0xFFFFE000  }
0xe5: {  	[spmem:s1] =	stream.indirect.scatter.add.f32 [tilespmem:s12], [sflag:$0x8], $0x80, s26, s25, $0xb8;
	[tilespmem:$0x1FA80] =	vst v63  }
.Ltmp4:
0xe6: {  	_ = 	snop;
	(pc) =	sbr.rel .LBB2_7-.Ltmp4, $4  }
0xe7: {  	_ =	swait.ge [sflag:s15], $0x2000  }
0xe8: {  	[sflag:s15] =	ssyncset.done $0x0  }
0xe9: {  	s31 =	sadd.s32 $0x280, s4;
	s22 =	sadd.s32 $0x800, s22;
	[sflag:s15] =	ssyncadd.s32 $0xFFFFE000  }
0xea: {  	[tilespmem:s0], [sflag:$0x2] =	stream.indirect.gather [hbm4b:s5+s25], $0x80, s31, s25, $0xb8;
	[tilespmem:$0x1FA80] =	vst v63  }
.LBB2_9:
0xeb: {  	_ =	swait.ge [sflag:s13], $0x2000  }
0xec: {  	[sflag:s13] =	ssyncset.done $0x0  }
0xed: {  	[sflag:s13] =	ssyncadd.s32 $0xFFFFE000  }
0xee: {  	[spmem:s1] =	stream.indirect.scatter.add.f32 [tilespmem:s12], [sflag:$0x8], $0x80, s26, s25, $0xb8;
	[tilespmem:$0x1FA80] =	vst v63  }
0xef: {  	_ =	swait.ge [sflag:s14], $0x2000  }
0xf0: {  	[sflag:s14] =	ssyncset.done $0x0  }
0xf1: {  	[sflag:s14] =	ssyncadd.s32 $0xFFFFE000  }
0xf2: {  	_ =	swait.ge [sflag:s15], $0x2000  }
0xf3: {  	[sflag:s15] =	ssyncset.done $0x0  }
0xf4: {  	[sflag:s15] =	ssyncadd.s32 $0xFFFFE000  }
0xf5: {  	_ =	swait.ge [sflag:s16], $0x2000  }
0xf6: {  	[sflag:s16] =	ssyncset.done $0x0  }
0xf7: {  	[sflag:s16] =	ssyncadd.s32 $0xFFFFE000  }
0xf8: {  	_ =	swait.ge [sflag:s17], $0x2000  }
0xf9: {  	[sflag:s17] =	ssyncset.done $0x0  }
0xfa: {  	[sflag:s17] =	ssyncadd.s32 $0xFFFFE000  }
0xfb: {  	_ =	swait.ge [sflag:s18], $0x40  }
0xfc: {  	s4 =	simm.s32 $0x27;
	[sflag:s18] =	ssyncset.done $0x0  }
.LBB2_10:
0xfd: {  	p0 =	sne.s32 s4, $0x1;
	s4 =	sadd.s32 $0xFFFFFFFF, s4;
	[sflag:s18] =	ssyncadd.s32 $0xFFFFFFC0  }
.Ltmp5:
0xfe: {  	(pc) =	sbr.rel @p0 .LBB2_10-.Ltmp5, $3  }
0xff: {  	_ =	sdelay $0x1  }
0x100: {  	_ =	swait.ge [sflag:s18], $0x40  }
0x101: {  	[sflag:s18] =	ssyncset.done $0x0  }
0x102: {  	[sflag:s18] =	ssyncadd.s32 $0xFFFFFFC0;
	s22 =	simm.s32 $0x0;
	s4 =	rddreg [dreg:$0xd]  }
0x103: {  	[tilespmem:s22], [sflag:$0xC] =	stream.linear.gather [hbm4b:s4+s22], $0x1400, $0x38;
	[tilespmem:$0x1FA80] =	vst v63  }
0x104: {  	_ =	swait.ge [sflag:s23], $0x1400  }
0x105: {  	[sflag:s23] =	ssyncset.done $0x0  }
0x106: {  	s9 =	simm.s32 $0x1400;
	s24 =	rddreg [dreg:$0xe];
	[sflag:s23] =	ssyncadd.s32 $0xFFFFEC00  }
0x107: {  	[tilespmem:s9], [sflag:$0xC] =	stream.linear.gather [hbm4b:s24+s22], $0x1400, $0x38;
	[tilespmem:$0x1FA80] =	vst v63  }
0x108: {  	_ =	swait.ge [sflag:s23], $0x1400  }
0x109: {  	[sflag:s23] =	ssyncset.done $0x0  }
0x10a: {  	s26 =	simm.s32 $0xA800;
	[sflag:s23] =	ssyncadd.s32 $0xFFFFEC00  }
0x10b: {  	[tilespmem:s26], [sflag:$0x9] =	stream.indirect.gather [hbm4b:s6+s25], $0x1, s9, s25, $0xb8;
	[tilespmem:$0x1FA80] =	vst v63  }
0x10c: {  	_ = 	snop  }
0x10d: {  	[tilespmem:s28], [sflag:$0x1] =	stream.indirect.gather [hbm4b:s5+s25], $0x80, s22, s25, $0xb8;
	[tilespmem:$0x1FA80] =	vst v63  }
0x10e: {  	s29 =	simm.s32 $0x1480;
	s30 =	simm.s32 $0xA880  }
0x10f: {  	[tilespmem:s30], [sflag:$0xA] =	stream.indirect.gather [hbm4b:s6+s25], $0x1, s29, s25, $0xb8;
	[tilespmem:$0x1FA80] =	vst v63  }
0x110: {  	s31 =	simm.s32 $0x80  }
0x111: {  	[tilespmem:s0], [sflag:$0x2] =	stream.indirect.gather [hbm4b:s5+s25], $0x80, s31, s25, $0xb8;
	[tilespmem:$0x1FA80] =	vst v63  }
.LBB2_12:
0x112: {  	_ =	swait.ge [sflag:s2], $0x40  }
0x113: {  	s4 =	sshra.s32 s22, $0x2;
	[sflag:s2] =	ssyncset.done $0x0  }
0x114: {  	s9 =	sadd.s32 $0xA800, s4;
	[sflag:s2] =	ssyncadd.s32 $0xFFFFFFC0  }
0x115: {  	[spmem:s3] =	stream.indirect.scatter.add.f32 [tilespmem:s9], [sflag:$0xB], $0x1, s4, s25, $0xb8;
	[tilespmem:$0x1FA80] =	vst v63  }
0x116: {  	s30 =	sadd.s32 $0xA900, s4;
	s20 =	sadd.s32 $0x1500, s4  }
0x117: {  	[tilespmem:s30], [sflag:$0x9] =	stream.indirect.gather [hbm4b:s6+s25], $0x1, s20, s25, $0xb8;
	[tilespmem:$0x1FA80] =	vst v63  }
0x118: {  	_ =	swait.ge [sflag:s7], $0x2000  }
0x119: {  	[sflag:s7] =	ssyncset.done $0x0  }
0x11a: {  	p0 =	seq.s32 s22, $0x0;
	s21 =	sadd.s32 $0x1400, s4;
	[sflag:s7] =	ssyncadd.s32 $0xFFFFE000  }
0x11b: {  	[spmem:s1] =	stream.indirect.scatter.add.f32 [tilespmem:s28], [sflag:$0x5], $0x80, s21, s25, $0xb8;
	[tilespmem:$0x1FA80] =	vst v63  }
0x11c: {  	s21 =	simm.s32 @!p0 $0x7  }
0x11d: {  	_ =	swait.ge @!p0 [sflag:s21], $0x2000  }
0x11e: {  	[sflag:s21] =	ssyncset.done @!p0 $0x0  }
0x11f: {  	s31 =	sadd.s32 $0x100, s4;
	[sflag:s21] =	ssyncadd.s32 @!p0 $0xFFFFE000  }
0x120: {  	[tilespmem:s8], [sflag:$0x3] =	stream.indirect.gather [hbm4b:s5+s25], $0x80, s31, s25, $0xb8;
	[tilespmem:$0x1FA80] =	vst v63  }
0x121: {  	_ =	swait.ge [sflag:s10], $0x40  }
0x122: {  	[sflag:s10] =	ssyncset.done $0x0  }
0x123: {  	s24 =	sadd.s32 $0xA880, s4;
	s26 =	sadd.s32 $0x80, s4;
	[sflag:s10] =	ssyncadd.s32 $0xFFFFFFC0  }
0x124: {  	[spmem:s3] =	stream.indirect.scatter.add.f32 [tilespmem:s24], [sflag:$0xB], $0x1, s26, s25, $0xb8;
	[tilespmem:$0x1FA80] =	vst v63  }
0x125: {  	s24 =	sadd.s32 $0xA980, s4;
	s26 =	sadd.s32 $0x1580, s4  }
0x126: {  	[tilespmem:s24], [sflag:$0xA] =	stream.indirect.gather [hbm4b:s6+s25], $0x1, s26, s25, $0xb8;
	[tilespmem:$0x1FA80] =	vst v63  }
0x127: {  	_ =	swait.ge [sflag:s11], $0x2000  }
0x128: {  	[sflag:s11] =	ssyncset.done $0x0  }
0x129: {  	s29 =	sadd.s32 $0x1480, s4;
	[sflag:s11] =	ssyncadd.s32 $0xFFFFE000  }
0x12a: {  	[spmem:s1] =	stream.indirect.scatter.add.f32 [tilespmem:s0], [sflag:$0x6], $0x80, s29, s25, $0xb8;
	[tilespmem:$0x1FA80] =	vst v63  }
0x12b: {  	s29 =	simm.s32 @!p0 $0x8  }
0x12c: {  	_ =	swait.ge @!p0 [sflag:s29], $0x2000  }
0x12d: {  	[sflag:s29] =	ssyncset.done @!p0 $0x0  }
0x12e: {  	[sflag:s29] =	ssyncadd.s32 @!p0 $0xFFFFE000;
	s29 =	sadd.s32 $0x180, s4  }
0x12f: {  	[tilespmem:s12], [sflag:$0x4] =	stream.indirect.gather [hbm4b:s5+s25], $0x80, s29, s25, $0xb8;
	[tilespmem:$0x1FA80] =	vst v63  }
0x130: {  	_ =	swait.ge [sflag:s2], $0x40  }
0x131: {  	p0 =	seq.s32 s22, $0x4800;
	[sflag:s2] =	ssyncset.done $0x0  }
0x132: {  	s9 =	simm.s32 @p0 $0x3;
	[sflag:s2] =	ssyncadd.s32 $0xFFFFFFC0  }
0x133: {  	[spmem:s3] =	stream.indirect.scatter.add.f32 [tilespmem:s30], [sflag:$0xB], $0x1, s31, s25, $0xb8;
	[tilespmem:$0x1FA80] =	vst v63  }
0x134: {  	_ =	swait.ge @p0 [sflag:s9], $0x2000  }
0x135: {  	[sflag:s9] =	ssyncset.done @p0 $0x0  }
0x136: {  	s21 =	simm.s32 @p0 $0x6800;
	[sflag:s9] =	ssyncadd.s32 @p0 $0xFFFFE000;
	s9 =	simm.s32 @p0 $0x40  }
0x137: {  	[spmem:s1] =	stream.indirect.scatter.add.f32 @p0 [tilespmem:s21], [sflag:$0x7], $0x80, s20, s9, $0xb8;
	[tilespmem:$0x1FA80] =	vst v63  }
0x138: {  	s9 =	sshra.s32 @!p0 s22, $0x2  }
0x139: {  	s31 =	simm.s32 @!p0 $0x40;
	s21 =	sadd.s32 @!p0 $0xAA00, s9;
	s30 =	sadd.s32 @!p0 $0x1600, s9  }
0x13a: {  	[tilespmem:s21], [sflag:$0x9] =	stream.indirect.gather @!p0 [hbm4b:s6+s31], $0x1, s30, s31, $0xb8;
	[tilespmem:$0x1FA80] =	vst v63  }
0x13b: {  	s21 =	simm.s32 @!p0 $0x3  }
0x13c: {  	_ =	swait.ge @!p0 [sflag:s21], $0x2000  }
0x13d: {  	[sflag:s21] =	ssyncset.done @!p0 $0x0  }
0x13e: {  	[sflag:s21] =	ssyncadd.s32 @!p0 $0xFFFFE000;
	s21 =	simm.s32 @!p0 $0x6800  }
0x13f: {  	[spmem:s1] =	stream.indirect.scatter.add.f32 @!p0 [tilespmem:s21], [sflag:$0x7], $0x80, s20, s31, $0xb8;
	[tilespmem:$0x1FA80] =	vst v63  }
0x140: {  	s20 =	simm.s32 @!p0 $0x5  }
0x141: {  	_ =	swait.ge @!p0 [sflag:s20], $0x2000  }
0x142: {  	[sflag:s20] =	ssyncset.done @!p0 $0x0  }
0x143: {  	s9 =	sadd.s32 @!p0 $0x200, s9;
	[sflag:s20] =	ssyncadd.s32 @!p0 $0xFFFFE000;
	s20 =	simm.s32 @!p0 $0x2800  }
0x144: {  	[tilespmem:s20], [sflag:$0x1] =	stream.indirect.gather @!p0 [hbm4b:s5+s31], $0x80, s9, s31, $0xb8;
	[tilespmem:$0x1FA80] =	vst v63  }
.Ltmp6:
0x145: {  	_ = 	snop;
	(pc) =	sbr.rel @p0 .LBB2_14-.Ltmp6, $4  }
0x146: {  	_ =	swait.ge [sflag:s10], $0x40  }
0x147: {  	[sflag:s10] =	ssyncset.done $0x0  }
0x148: {  	[sflag:s10] =	ssyncadd.s32 $0xFFFFFFC0  }
0x149: {  	[spmem:s3] =	stream.indirect.scatter.add.f32 [tilespmem:s24], [sflag:$0xB], $0x1, s29, s25, $0xb8;
	[tilespmem:$0x1FA80] =	vst v63  }
0x14a: {  	s9 =	sadd.s32 $0xAA80, s4;
	s20 =	sadd.s32 $0x1680, s4  }
0x14b: {  	[tilespmem:s9], [sflag:$0xA] =	stream.indirect.gather [hbm4b:s6+s25], $0x1, s20, s25, $0xb8;
	[tilespmem:$0x1FA80] =	vst v63  }
0x14c: {  	_ =	swait.ge [sflag:s13], $0x2000  }
0x14d: {  	[sflag:s13] =	ssyncset.done $0x0  }
0x14e: {  	[sflag:s13] =	ssyncadd.s32 $0xFFFFE000  }
0x14f: {  	[spmem:s1] =	stream.indirect.scatter.add.f32 [tilespmem:s12], [sflag:$0x8], $0x80, s26, s25, $0xb8;
	[tilespmem:$0x1FA80] =	vst v63  }
.Ltmp7:
0x150: {  	_ = 	snop;
	(pc) =	sbr.rel .LBB2_12-.Ltmp7, $4  }
0x151: {  	_ =	swait.ge [sflag:s15], $0x2000  }
0x152: {  	[sflag:s15] =	ssyncset.done $0x0  }
0x153: {  	s31 =	sadd.s32 $0x280, s4;
	s22 =	sadd.s32 $0x800, s22;
	[sflag:s15] =	ssyncadd.s32 $0xFFFFE000  }
0x154: {  	[tilespmem:s0], [sflag:$0x2] =	stream.indirect.gather [hbm4b:s5+s25], $0x80, s31, s25, $0xb8;
	[tilespmem:$0x1FA80] =	vst v63  }
.LBB2_14:
0x155: {  	_ =	swait.ge [sflag:s13], $0x2000  }
0x156: {  	[sflag:s13] =	ssyncset.done $0x0  }
0x157: {  	[sflag:s13] =	ssyncadd.s32 $0xFFFFE000  }
0x158: {  	[spmem:s1] =	stream.indirect.scatter.add.f32 [tilespmem:s12], [sflag:$0x8], $0x80, s26, s25, $0xb8;
	[tilespmem:$0x1FA80] =	vst v63  }
0x159: {  	_ =	swait.ge [sflag:s14], $0x2000  }
0x15a: {  	[sflag:s14] =	ssyncset.done $0x0  }
0x15b: {  	[sflag:s14] =	ssyncadd.s32 $0xFFFFE000  }
0x15c: {  	_ =	swait.ge [sflag:s15], $0x2000  }
0x15d: {  	[sflag:s15] =	ssyncset.done $0x0  }
0x15e: {  	[sflag:s15] =	ssyncadd.s32 $0xFFFFE000  }
0x15f: {  	_ =	swait.ge [sflag:s16], $0x2000  }
0x160: {  	[sflag:s16] =	ssyncset.done $0x0  }
0x161: {  	[sflag:s16] =	ssyncadd.s32 $0xFFFFE000  }
0x162: {  	_ =	swait.ge [sflag:s17], $0x2000  }
0x163: {  	[sflag:s17] =	ssyncset.done $0x0  }
0x164: {  	[sflag:s17] =	ssyncadd.s32 $0xFFFFE000  }
0x165: {  	_ =	swait.ge [sflag:s18], $0x40  }
0x166: {  	s4 =	simm.s32 $0x27;
	[sflag:s18] =	ssyncset.done $0x0  }
.LBB2_15:
0x167: {  	p0 =	sne.s32 s4, $0x1;
	s4 =	sadd.s32 $0xFFFFFFFF, s4;
	[sflag:s18] =	ssyncadd.s32 $0xFFFFFFC0  }
.Ltmp8:
0x168: {  	(pc) =	sbr.rel @p0 .LBB2_15-.Ltmp8, $3  }
0x169: {  	_ =	sdelay $0x1  }
0x16a: {  	_ =	swait.ge [sflag:s18], $0x40  }
0x16b: {  	[sflag:s18] =	ssyncset.done $0x0  }
0x16c: {  	[sflag:s18] =	ssyncadd.s32 $0xFFFFFFC0;
	s22 =	simm.s32 $0x0;
	s4 =	rddreg [dreg:$0xf]  }
0x16d: {  	[tilespmem:s22], [sflag:$0xC] =	stream.linear.gather [hbm4b:s4+s22], $0x1400, $0x38;
	[tilespmem:$0x1FA80] =	vst v63  }
0x16e: {  	_ =	swait.ge [sflag:s23], $0x1400  }
0x16f: {  	[sflag:s23] =	ssyncset.done $0x0  }
0x170: {  	s9 =	simm.s32 $0x1400;
	s24 =	rddreg [dreg:$0x10];
	[sflag:s23] =	ssyncadd.s32 $0xFFFFEC00  }
0x171: {  	[tilespmem:s9], [sflag:$0xC] =	stream.linear.gather [hbm4b:s24+s22], $0x1400, $0x38;
	[tilespmem:$0x1FA80] =	vst v63  }
0x172: {  	_ =	swait.ge [sflag:s23], $0x1400  }
0x173: {  	[sflag:s23] =	ssyncset.done $0x0  }
0x174: {  	s26 =	simm.s32 $0xA800;
	[sflag:s23] =	ssyncadd.s32 $0xFFFFEC00  }
0x175: {  	[tilespmem:s26], [sflag:$0x9] =	stream.indirect.gather [hbm4b:s6+s25], $0x1, s9, s25, $0xb8;
	[tilespmem:$0x1FA80] =	vst v63  }
0x176: {  	_ = 	snop  }
0x177: {  	[tilespmem:s28], [sflag:$0x1] =	stream.indirect.gather [hbm4b:s5+s25], $0x80, s22, s25, $0xb8;
	[tilespmem:$0x1FA80] =	vst v63  }
0x178: {  	s29 =	simm.s32 $0x1480;
	s30 =	simm.s32 $0xA880  }
0x179: {  	[tilespmem:s30], [sflag:$0xA] =	stream.indirect.gather [hbm4b:s6+s25], $0x1, s29, s25, $0xb8;
	[tilespmem:$0x1FA80] =	vst v63  }
0x17a: {  	s31 =	simm.s32 $0x80  }
0x17b: {  	[tilespmem:s0], [sflag:$0x2] =	stream.indirect.gather [hbm4b:s5+s25], $0x80, s31, s25, $0xb8;
	[tilespmem:$0x1FA80] =	vst v63  }
.LBB2_17:
0x17c: {  	_ =	swait.ge [sflag:s2], $0x40  }
0x17d: {  	s4 =	sshra.s32 s22, $0x2;
	[sflag:s2] =	ssyncset.done $0x0  }
0x17e: {  	s9 =	sadd.s32 $0xA800, s4;
	[sflag:s2] =	ssyncadd.s32 $0xFFFFFFC0  }
0x17f: {  	[spmem:s3] =	stream.indirect.scatter.add.f32 [tilespmem:s9], [sflag:$0xB], $0x1, s4, s25, $0xb8;
	[tilespmem:$0x1FA80] =	vst v63  }
0x180: {  	s30 =	sadd.s32 $0xA900, s4;
	s20 =	sadd.s32 $0x1500, s4  }
0x181: {  	[tilespmem:s30], [sflag:$0x9] =	stream.indirect.gather [hbm4b:s6+s25], $0x1, s20, s25, $0xb8;
	[tilespmem:$0x1FA80] =	vst v63  }
0x182: {  	_ =	swait.ge [sflag:s7], $0x2000  }
0x183: {  	[sflag:s7] =	ssyncset.done $0x0  }
0x184: {  	p0 =	seq.s32 s22, $0x0;
	s21 =	sadd.s32 $0x1400, s4;
	[sflag:s7] =	ssyncadd.s32 $0xFFFFE000  }
0x185: {  	[spmem:s1] =	stream.indirect.scatter.add.f32 [tilespmem:s28], [sflag:$0x5], $0x80, s21, s25, $0xb8;
	[tilespmem:$0x1FA80] =	vst v63  }
0x186: {  	s21 =	simm.s32 @!p0 $0x7  }
0x187: {  	_ =	swait.ge @!p0 [sflag:s21], $0x2000  }
0x188: {  	[sflag:s21] =	ssyncset.done @!p0 $0x0  }
0x189: {  	s31 =	sadd.s32 $0x100, s4;
	[sflag:s21] =	ssyncadd.s32 @!p0 $0xFFFFE000  }
0x18a: {  	[tilespmem:s8], [sflag:$0x3] =	stream.indirect.gather [hbm4b:s5+s25], $0x80, s31, s25, $0xb8;
	[tilespmem:$0x1FA80] =	vst v63  }
0x18b: {  	_ =	swait.ge [sflag:s10], $0x40  }
0x18c: {  	[sflag:s10] =	ssyncset.done $0x0  }
0x18d: {  	s24 =	sadd.s32 $0xA880, s4;
	s26 =	sadd.s32 $0x80, s4;
	[sflag:s10] =	ssyncadd.s32 $0xFFFFFFC0  }
0x18e: {  	[spmem:s3] =	stream.indirect.scatter.add.f32 [tilespmem:s24], [sflag:$0xB], $0x1, s26, s25, $0xb8;
	[tilespmem:$0x1FA80] =	vst v63  }
0x18f: {  	s24 =	sadd.s32 $0xA980, s4;
	s26 =	sadd.s32 $0x1580, s4  }
0x190: {  	[tilespmem:s24], [sflag:$0xA] =	stream.indirect.gather [hbm4b:s6+s25], $0x1, s26, s25, $0xb8;
	[tilespmem:$0x1FA80] =	vst v63  }
0x191: {  	_ =	swait.ge [sflag:s11], $0x2000  }
0x192: {  	[sflag:s11] =	ssyncset.done $0x0  }
0x193: {  	s29 =	sadd.s32 $0x1480, s4;
	[sflag:s11] =	ssyncadd.s32 $0xFFFFE000  }
0x194: {  	[spmem:s1] =	stream.indirect.scatter.add.f32 [tilespmem:s0], [sflag:$0x6], $0x80, s29, s25, $0xb8;
	[tilespmem:$0x1FA80] =	vst v63  }
0x195: {  	s29 =	simm.s32 @!p0 $0x8  }
0x196: {  	_ =	swait.ge @!p0 [sflag:s29], $0x2000  }
0x197: {  	[sflag:s29] =	ssyncset.done @!p0 $0x0  }
0x198: {  	[sflag:s29] =	ssyncadd.s32 @!p0 $0xFFFFE000;
	s29 =	sadd.s32 $0x180, s4  }
0x199: {  	[tilespmem:s12], [sflag:$0x4] =	stream.indirect.gather [hbm4b:s5+s25], $0x80, s29, s25, $0xb8;
	[tilespmem:$0x1FA80] =	vst v63  }
0x19a: {  	_ =	swait.ge [sflag:s2], $0x40  }
0x19b: {  	p0 =	seq.s32 s22, $0x4800;
	[sflag:s2] =	ssyncset.done $0x0  }
0x19c: {  	s9 =	simm.s32 @p0 $0x3;
	[sflag:s2] =	ssyncadd.s32 $0xFFFFFFC0  }
0x19d: {  	[spmem:s3] =	stream.indirect.scatter.add.f32 [tilespmem:s30], [sflag:$0xB], $0x1, s31, s25, $0xb8;
	[tilespmem:$0x1FA80] =	vst v63  }
0x19e: {  	_ =	swait.ge @p0 [sflag:s9], $0x2000  }
0x19f: {  	[sflag:s9] =	ssyncset.done @p0 $0x0  }
0x1a0: {  	s21 =	simm.s32 @p0 $0x6800;
	[sflag:s9] =	ssyncadd.s32 @p0 $0xFFFFE000;
	s9 =	simm.s32 @p0 $0x40  }
0x1a1: {  	[spmem:s1] =	stream.indirect.scatter.add.f32 @p0 [tilespmem:s21], [sflag:$0x7], $0x80, s20, s9, $0xb8;
	[tilespmem:$0x1FA80] =	vst v63  }
0x1a2: {  	s9 =	sshra.s32 @!p0 s22, $0x2  }
0x1a3: {  	s31 =	simm.s32 @!p0 $0x40;
	s21 =	sadd.s32 @!p0 $0xAA00, s9;
	s30 =	sadd.s32 @!p0 $0x1600, s9  }
0x1a4: {  	[tilespmem:s21], [sflag:$0x9] =	stream.indirect.gather @!p0 [hbm4b:s6+s31], $0x1, s30, s31, $0xb8;
	[tilespmem:$0x1FA80] =	vst v63  }
0x1a5: {  	s21 =	simm.s32 @!p0 $0x3  }
0x1a6: {  	_ =	swait.ge @!p0 [sflag:s21], $0x2000  }
0x1a7: {  	[sflag:s21] =	ssyncset.done @!p0 $0x0  }
0x1a8: {  	[sflag:s21] =	ssyncadd.s32 @!p0 $0xFFFFE000;
	s21 =	simm.s32 @!p0 $0x6800  }
0x1a9: {  	[spmem:s1] =	stream.indirect.scatter.add.f32 @!p0 [tilespmem:s21], [sflag:$0x7], $0x80, s20, s31, $0xb8;
	[tilespmem:$0x1FA80] =	vst v63  }
0x1aa: {  	s20 =	simm.s32 @!p0 $0x5  }
0x1ab: {  	_ =	swait.ge @!p0 [sflag:s20], $0x2000  }
0x1ac: {  	[sflag:s20] =	ssyncset.done @!p0 $0x0  }
0x1ad: {  	s9 =	sadd.s32 @!p0 $0x200, s9;
	[sflag:s20] =	ssyncadd.s32 @!p0 $0xFFFFE000;
	s20 =	simm.s32 @!p0 $0x2800  }
0x1ae: {  	[tilespmem:s20], [sflag:$0x1] =	stream.indirect.gather @!p0 [hbm4b:s5+s31], $0x80, s9, s31, $0xb8;
	[tilespmem:$0x1FA80] =	vst v63  }
.Ltmp9:
0x1af: {  	_ = 	snop;
	(pc) =	sbr.rel @p0 .LBB2_19-.Ltmp9, $4  }
0x1b0: {  	_ =	swait.ge [sflag:s10], $0x40  }
0x1b1: {  	[sflag:s10] =	ssyncset.done $0x0  }
0x1b2: {  	[sflag:s10] =	ssyncadd.s32 $0xFFFFFFC0  }
0x1b3: {  	[spmem:s3] =	stream.indirect.scatter.add.f32 [tilespmem:s24], [sflag:$0xB], $0x1, s29, s25, $0xb8;
	[tilespmem:$0x1FA80] =	vst v63  }
0x1b4: {  	s9 =	sadd.s32 $0xAA80, s4;
	s20 =	sadd.s32 $0x1680, s4  }
0x1b5: {  	[tilespmem:s9], [sflag:$0xA] =	stream.indirect.gather [hbm4b:s6+s25], $0x1, s20, s25, $0xb8;
	[tilespmem:$0x1FA80] =	vst v63  }
0x1b6: {  	_ =	swait.ge [sflag:s13], $0x2000  }
0x1b7: {  	[sflag:s13] =	ssyncset.done $0x0  }
0x1b8: {  	[sflag:s13] =	ssyncadd.s32 $0xFFFFE000  }
0x1b9: {  	[spmem:s1] =	stream.indirect.scatter.add.f32 [tilespmem:s12], [sflag:$0x8], $0x80, s26, s25, $0xb8;
	[tilespmem:$0x1FA80] =	vst v63  }
.Ltmp10:
0x1ba: {  	_ = 	snop;
	(pc) =	sbr.rel .LBB2_17-.Ltmp10, $4  }
0x1bb: {  	_ =	swait.ge [sflag:s15], $0x2000  }
0x1bc: {  	[sflag:s15] =	ssyncset.done $0x0  }
0x1bd: {  	s31 =	sadd.s32 $0x280, s4;
	s22 =	sadd.s32 $0x800, s22;
	[sflag:s15] =	ssyncadd.s32 $0xFFFFE000  }
0x1be: {  	[tilespmem:s0], [sflag:$0x2] =	stream.indirect.gather [hbm4b:s5+s25], $0x80, s31, s25, $0xb8;
	[tilespmem:$0x1FA80] =	vst v63  }
.LBB2_19:
0x1bf: {  	_ =	swait.ge [sflag:s13], $0x2000  }
0x1c0: {  	[sflag:s13] =	ssyncset.done $0x0  }
0x1c1: {  	[sflag:s13] =	ssyncadd.s32 $0xFFFFE000  }
0x1c2: {  	[spmem:s1] =	stream.indirect.scatter.add.f32 [tilespmem:s12], [sflag:$0x8], $0x80, s26, s25, $0xb8;
	[tilespmem:$0x1FA80] =	vst v63  }
0x1c3: {  	_ =	swait.ge [sflag:s14], $0x2000  }
0x1c4: {  	[sflag:s14] =	ssyncset.done $0x0  }
0x1c5: {  	[sflag:s14] =	ssyncadd.s32 $0xFFFFE000  }
0x1c6: {  	_ =	swait.ge [sflag:s15], $0x2000  }
0x1c7: {  	[sflag:s15] =	ssyncset.done $0x0  }
0x1c8: {  	[sflag:s15] =	ssyncadd.s32 $0xFFFFE000  }
0x1c9: {  	_ =	swait.ge [sflag:s16], $0x2000  }
0x1ca: {  	[sflag:s16] =	ssyncset.done $0x0  }
0x1cb: {  	[sflag:s16] =	ssyncadd.s32 $0xFFFFE000  }
0x1cc: {  	_ =	swait.ge [sflag:s17], $0x2000  }
0x1cd: {  	[sflag:s17] =	ssyncset.done $0x0  }
0x1ce: {  	[sflag:s17] =	ssyncadd.s32 $0xFFFFE000  }
0x1cf: {  	_ =	swait.ge [sflag:s18], $0x40  }
0x1d0: {  	s4 =	simm.s32 $0x27;
	[sflag:s18] =	ssyncset.done $0x0  }
.LBB2_20:
0x1d1: {  	p0 =	sne.s32 s4, $0x1;
	s4 =	sadd.s32 $0xFFFFFFFF, s4;
	[sflag:s18] =	ssyncadd.s32 $0xFFFFFFC0  }
.Ltmp11:
0x1d2: {  	(pc) =	sbr.rel @p0 .LBB2_20-.Ltmp11, $3  }
0x1d3: {  	_ =	sdelay $0x1  }
0x1d4: {  	_ =	swait.ge [sflag:s18], $0x40  }
0x1d5: {  	[sflag:s18] =	ssyncset.done $0x0  }
0x1d6: {  	[sflag:s18] =	ssyncadd.s32 $0xFFFFFFC0  }
0x1d7: {  	[bflag:$0x0] =	sbarrier.arrive $0xFFFF  }
0x1d8: {  	s9 =	rddreg [dreg:$0x6]  }
0x1d9: {  	s4 =	rddreg [dreg:$0x11]  }
0x1da: {  	s20 =	rddreg [dreg:$0x14]  }
0x1db: {  	[hbm:s4], [sflag:s9] =	dma.local [spmem:s20], $0x2780  }
0x1dc: {  	_ =	swait.ge [sflag:s23], $0x2780  }
0x1dd: {  	s30 =	simm.s32 $0x20;
	[sflag:s23] =	ssyncset.done $0x0;
	s29 =	rddreg [dreg:$0x12]  }
0x1de: {  	s21 =	simm.s32 $0x10;
	s22 =	rddreg [dreg:$0x15];
	[sflag:s23] =	ssyncadd.s32 $0xFFFFD880  }
0x1df: {  	[hbm:s29@s30], [sflag:s9] =	dma.strided [spmem:s22@s21], $0x50, s7, $0x10   }
0x1e0: {  	_ =	swait.ge [sflag:s23], $0x50  }
0x1e1: {  	s19 =	sadd.s32 $0x1, s19;
	s31 =	rddreg [dreg:$0x13]  }
0x1e2: {  	p0 =	sne.s32 s19, s31  }
.Ltmp12:
0x1e3: {  	_ = 	snop;
	(pc) =	sbr.rel @p0 .LBB2_1-.Ltmp12, $3  }
0x1e4: {  	_ =	sdelay $0x1  }
0x1e5: {  	[sflag:s23] =	ssyncset.done $0x0  }
0x1e6: {  	[sflag:s23] =	ssyncadd.s32 $0xFFFFFFB0  }
0x1e7: {  	_ =	sfence.sel $0x180000  }
0x1e8: {  	[bflag:$0x0] =	sbarrier.arrive $0xFFFF  }
0x1e9: {  	_ =	strace $0x9000004A  }
0x1ea: {  	s0 =	stileid.u32;
	[bflag:$0x2] =	sbarrier.arrive $0xFFFF  }
0x1eb: {  	p0 =	sne.s32 s0, $0x0;
	s0 =	rddreg [dreg:$0x3]  }
0x1ec: {  	s0 =	sadd.s32 @!p0 $0x100000, s0  }
0x1ed: {  	[sflag:s0] =	ssyncadd.tile.s32 @!p0 $0x1;
	_ =	shalt  }
.Lfunc_end2:
_tile_overlayer_lowered:
.L_overlay_start_2:
0x1ee: {  	(tag) =	ssettag $0x2  }
0x1ef: {  	s0 =	rddreg [dreg:$0x0];
	s2 =	stileid.u32  }
0x1f0: {  	s1 =	rddreg [dreg:$0x1];
	p0 =	sne.s32 s2, $0x0  }
0x1f1: {  	s3 =	rddreg [dreg:$0x2];
	[bflag:$0x3] =	sbarrier.arrive $0xFFFF;
	s2 =	simm.s32 @!p0 $0x1C0C  }
0x1f2: {  	[timem:s3], [sflag:s2] =	dma.local @!p0 [hbm:s0], s1  }
0x1f3: {  	s0 =	simm.s32 @!p0 $0xC  }
0x1f4: {  	_ =	swait.ge @!p0 [sflag:s0], s1  }
0x1f5: {  	s1 =	ssub.s32 @!p0 $0x0, s1;
	[sflag:s0] =	ssyncset.done @!p0 $0x0  }
0x1f6: {  	[sflag:s0] =	ssyncadd.s32 @!p0 s1  }
0x1f7: {  	[bflag:$0x3] =	sbarrier.arrive $0xFFFF  }
0x1f8: {  	_ =	shalt  }

</sc_bundles>
